<compile_context>
chip_gen: v7x
topology: tpu7x:2x2x1
jax: 0.10.2.dev20260603
libtpu: 0.0.44.dev20260713+nightly
codegen_flags: <defaults>
</compile_context>

<pallas_src>
import jax
import jax.numpy as jnp
from jax import lax
from jax.experimental import pallas as pl
from jax.experimental.pallas import tpu as pltpu
from jax.experimental.pallas import tpu_sc as plsc

N = 100000
VOCAB = 100
D = 16
OUT_D = 20

_info = plsc.get_sparse_core_info()
_NC, _NS, _L = _info.num_cores, _info.num_subcores, _info.num_lanes
_NW = _NC * _NS
PADV = 128
FULL = 3200
LAST = N - (_NW - 1) * FULL


def _sc_body(z_hbm, sd_hbm, df_hbm, cond_hbm, mult_hbm, tab_hbm, out_hbm,
             tab_v, idx_v, out_v, sem_in, sem_cols, sem_out):
    wid = lax.axis_index("s") * _NC + lax.axis_index("c")
    base = wid * FULL
    is_last = wid == _NW - 1

    def run(rows):
        in_cps = [
            pltpu.async_copy(tab_hbm, tab_v, sem_in),
            pltpu.async_copy(z_hbm.at[pl.ds(base, rows)],
                             idx_v.at[pl.ds(0, rows)], sem_in),
        ]
        col_cps = [
            pltpu.async_copy(col.at[pl.ds(base, rows)],
                             out_v.at[pl.ds((D + c) * FULL, rows)], sem_cols)
            for c, col in enumerate((sd_hbm, df_hbm, cond_hbm, mult_hbm))
        ]
        for cp in in_cps:
            cp.wait()

        def gather_blocks(lo, hi):
            @plsc.parallel_loop(lo, hi, unroll=2)
            def _body(k):
                idx16 = idx_v[pl.ds(k * _L, _L)]
                vals = [plsc.load_gather(tab_v.at[pl.ds(g * PADV, PADV)],
                                         [idx16])
                        for g in range(D)]
                for g in range(D):
                    out_v[pl.ds(g * FULL + k * _L, _L)] = vals[g]

        nsplit = 2
        part = rows // nsplit
        nblk_p = part // _L
        cps = []
        for p in range(nsplit):
            gather_blocks(p * nblk_p, (p + 1) * nblk_p)
            cps += [pltpu.async_copy(
                out_v.at[pl.ds(g * FULL + p * part, part)],
                out_hbm.at[pl.ds(g * N + base + p * part, part)],
                sem_out)
                for g in range(D)]

        for cp in col_cps:
            cp.wait()
        cps += [pltpu.async_copy(out_v.at[pl.ds(g * FULL, rows)],
                                 out_hbm.at[pl.ds(g * N + base, rows)],
                                 sem_out)
                for g in range(D, OUT_D)]
        for cp in cps:
            cp.wait()

    @pl.when(jnp.logical_not(is_last))
    def _():
        run(FULL)

    @pl.when(is_last)
    def _():
        run(LAST)


_sc_call = pl.kernel(
    _sc_body,
    mesh=plsc.VectorSubcoreMesh(core_axis_name="c", subcore_axis_name="s"),
    compiler_params=pltpu.CompilerParams(needs_layout_passes=False),
    out_type=jax.ShapeDtypeStruct((OUT_D * N,), jnp.float32),
    scratch_types=[
        pltpu.VMEM((D * PADV,), jnp.float32),
        pltpu.VMEM((FULL,), jnp.int32),
        pltpu.VMEM((OUT_D * FULL,), jnp.float32),
        pltpu.SemaphoreType.DMA,
        pltpu.SemaphoreType.DMA,
        pltpu.SemaphoreType.DMA,
    ],
)


def kernel(z, sd_coupling, d_filling_n, e_conductivity_n, d_filling_mult,
           z_embed_weight):
    tab_t = jnp.zeros((D, PADV), jnp.float32)
    tab_t = tab_t.at[:, :VOCAB].set(z_embed_weight.astype(jnp.float32).T)
    out = _sc_call(
        z.astype(jnp.int32),
        sd_coupling.reshape(N),
        d_filling_n.reshape(N),
        e_conductivity_n.reshape(N),
        d_filling_mult.reshape(N),
        tab_t.reshape(D * PADV),
    )
    return out.reshape(OUT_D, N).T

# --- scband reference (transcript-rebuilt; emitter-appended) ---
"""Pipeline reference for scband-feature-builder-67817533604354 (READ-ONLY COPY).

The authoritative reference and input builder live on the scoring server;
editing this copy changes nothing except your own understanding.
"""

import jax, jax.numpy as jnp
import numpy as np

N = 100000
VOCAB = 100
EMBED_DIM = 16

def setup_inputs(seed: int = 0) -> dict:
    key = jax.random.key(seed)
    k_z, k_sd, k_df, k_cond, k_mult, k_tab = jax.random.split(key, 6)
    z = jax.random.randint(k_z, (N,), 0, VOCAB, dtype=jnp.int64 if jax.config.read('jax_enable_x64') else jnp.int32)
    sd_coupling = jax.random.normal(k_sd, (N, 1), dtype=jnp.float32)
    d_filling_n = jax.random.normal(k_df, (N, 1), dtype=jnp.float32)
    e_conductivity_n = jax.random.normal(k_cond, (N, 1), dtype=jnp.float32)
    d_filling_mult = jax.random.normal(k_mult, (N, 1), dtype=jnp.float32)
    # learned parameter: embedding table nn.Embedding(100, embedding_dim)
    z_embed_weight = jax.random.normal(k_tab, (VOCAB, EMBED_DIM), dtype=jnp.float32)
    return {
        'z': z,
        'sd_coupling': sd_coupling,
        'd_filling_n': d_filling_n,
        'e_conductivity_n': e_conductivity_n,
        'd_filling_mult': d_filling_mult,
        'z_embed_weight': z_embed_weight,
    }

def reference(z, sd_coupling, d_filling_n, e_conductivity_n, d_filling_mult, z_embed_weight):
    # z_feat = self.z_embed(z)
    z_feat = jnp.take(z_embed_weight, z, axis=0)
    # physics = torch.cat([sd, df, cond, mult], dim=1)
    sd = sd_coupling.reshape(-1, 1)
    df = d_filling_n.reshape(-1, 1)
    cond = e_conductivity_n.reshape(-1, 1)
    mult = d_filling_mult.reshape(-1, 1)
    physics = jnp.concatenate([sd, df, cond, mult], axis=1)
    # return torch.cat([z_feat, physics], dim=1)
    return jnp.concatenate([z_feat, physics], axis=1)

if __name__ == "__main__":
    import jax
    _d = setup_inputs()
    print(jax.jit(kernel)(*tuple(_d.values())))

</pallas_src>

<mosaic_0001>
#map = affine_map<(d0, d1) -> (0)>
module attributes {stable_mosaic.version = 14 : i64} {
  func.func @_sc_body(%arg0: i32, %arg1: i32, %arg2: memref<100000xi32, #tpu.memory_space<hbm>>, %arg3: memref<100000xf32, #tpu.memory_space<hbm>>, %arg4: memref<100000xf32, #tpu.memory_space<hbm>>, %arg5: memref<100000xf32, #tpu.memory_space<hbm>>, %arg6: memref<100000xf32, #tpu.memory_space<hbm>>, %arg7: memref<2048xf32, #tpu.memory_space<hbm>>, %arg8: memref<2000000xf32, #tpu.memory_space<hbm>>, %arg9: memref<2048xf32, #tpu.memory_space<vmem>>, %arg10: memref<3200xi32, #tpu.memory_space<vmem>>, %arg11: memref<64000xf32, #tpu.memory_space<vmem>>, %arg12: memref<!tpu.dma_semaphore, #tpu.memory_space<semaphore_mem>>, %arg13: memref<!tpu.dma_semaphore, #tpu.memory_space<semaphore_mem>>, %arg14: memref<!tpu.dma_semaphore, #tpu.memory_space<semaphore_mem>>) attributes {dimension_semantics = [#tpu.dimension_semantics<core_parallel>, #tpu.dimension_semantics<subcore_parallel>], iteration_bounds = array<i64: 2, 16>, scalar_prefetch = 0 : i64, scratch_operands = 6 : i64, tpu.core_type = #tpu.core_type<sc_vector_subcore>, window_params = [{transform_indices = #map}, {transform_indices = #map}, {transform_indices = #map}, {transform_indices = #map}, {transform_indices = #map}, {transform_indices = #map}, {transform_indices = #map}]} {
    %mul3A = arith.constant 2 : i32
    %mul3A_0 = arith.muli %arg1, %mul3A : i32
    %add3A = arith.addi %mul3A_0, %arg0 : i32
    %mul3A_1 = arith.constant 3200 : i32
    %mul3A_2 = arith.muli %add3A, %mul3A_1 : i32
    %eq3A = arith.constant 31 : i32
    %eq3A_3 = arith.cmpi eq, %add3A, %eq3A : i32
    %not3A = arith.constant true
    %not3A_4 = arith.xori %eq3A_3, %not3A : i1
    %convert_element_type3A = arith.extui %not3A_4 : i1 to i32
    %cond3A = arith.constant 0 : i32
    %cond3A_5 = arith.cmpi ne, %convert_element_type3A, %cond3A : i32
    scf.if %cond3A_5 {
      tpu.enqueue_dma source(%arg7 : memref<2048xf32, #tpu.memory_space<hbm>>) target(%arg9 : memref<2048xf32, #tpu.memory_space<vmem>>) target_semaphore(%arg12 : memref<!tpu.dma_semaphore, #tpu.memory_space<semaphore_mem>>)
      %dma_start3A = arith.constant 0 : i32
      %dma_start3A_9 = tpu.memref_slice %arg10[%dma_start3A] : memref<3200xi32, #tpu.memory_space<vmem>> -> memref<3200xi32, #tpu.memory_space<vmem>>
      %dma_start3A_10 = tpu.memref_slice %arg2[%mul3A_2] : memref<100000xi32, #tpu.memory_space<hbm>> -> memref<3200xi32, #tpu.memory_space<hbm>>
      %dma_start3A_11 = arith.constant 0 : i32
      %dma_start3A_12 = tpu.memref_slice %arg10[%dma_start3A_11] : memref<3200xi32, #tpu.memory_space<vmem>> -> memref<3200xi32, #tpu.memory_space<vmem>>
      %dma_start3A_13 = tpu.memref_slice %arg2[%mul3A_2] : memref<100000xi32, #tpu.memory_space<hbm>> -> memref<3200xi32, #tpu.memory_space<hbm>>
      tpu.enqueue_dma source(%dma_start3A_13 : memref<3200xi32, #tpu.memory_space<hbm>>) target(%dma_start3A_12 : memref<3200xi32, #tpu.memory_space<vmem>>) target_semaphore(%arg12 : memref<!tpu.dma_semaphore, #tpu.memory_space<semaphore_mem>>)
      %dma_start3A_14 = arith.constant 51200 : i32
      %dma_start3A_15 = tpu.memref_slice %arg11[%dma_start3A_14] : memref<64000xf32, #tpu.memory_space<vmem>> -> memref<3200xf32, #tpu.memory_space<vmem>>
      %dma_start3A_16 = tpu.memref_slice %arg3[%mul3A_2] : memref<100000xf32, #tpu.memory_space<hbm>> -> memref<3200xf32, #tpu.memory_space<hbm>>
      %dma_start3A_17 = arith.constant 51200 : i32
      %dma_start3A_18 = tpu.memref_slice %arg11[%dma_start3A_17] : memref<64000xf32, #tpu.memory_space<vmem>> -> memref<3200xf32, #tpu.memory_space<vmem>>
      %dma_start3A_19 = tpu.memref_slice %arg3[%mul3A_2] : memref<100000xf32, #tpu.memory_space<hbm>> -> memref<3200xf32, #tpu.memory_space<hbm>>
      tpu.enqueue_dma source(%dma_start3A_19 : memref<3200xf32, #tpu.memory_space<hbm>>) target(%dma_start3A_18 : memref<3200xf32, #tpu.memory_space<vmem>>) target_semaphore(%arg13 : memref<!tpu.dma_semaphore, #tpu.memory_space<semaphore_mem>>)
      %dma_start3A_20 = arith.constant 54400 : i32
      %dma_start3A_21 = tpu.memref_slice %arg11[%dma_start3A_20] : memref<64000xf32, #tpu.memory_space<vmem>> -> memref<3200xf32, #tpu.memory_space<vmem>>
      %dma_start3A_22 = tpu.memref_slice %arg4[%mul3A_2] : memref<100000xf32, #tpu.memory_space<hbm>> -> memref<3200xf32, #tpu.memory_space<hbm>>
      %dma_start3A_23 = arith.constant 54400 : i32
      %dma_start3A_24 = tpu.memref_slice %arg11[%dma_start3A_23] : memref<64000xf32, #tpu.memory_space<vmem>> -> memref<3200xf32, #tpu.memory_space<vmem>>
      %dma_start3A_25 = tpu.memref_slice %arg4[%mul3A_2] : memref<100000xf32, #tpu.memory_space<hbm>> -> memref<3200xf32, #tpu.memory_space<hbm>>
      tpu.enqueue_dma source(%dma_start3A_25 : memref<3200xf32, #tpu.memory_space<hbm>>) target(%dma_start3A_24 : memref<3200xf32, #tpu.memory_space<vmem>>) target_semaphore(%arg13 : memref<!tpu.dma_semaphore, #tpu.memory_space<semaphore_mem>>)
      %dma_start3A_26 = arith.constant 57600 : i32
      %dma_start3A_27 = tpu.memref_slice %arg11[%dma_start3A_26] : memref<64000xf32, #tpu.memory_space<vmem>> -> memref<3200xf32, #tpu.memory_space<vmem>>
      %dma_start3A_28 = tpu.memref_slice %arg5[%mul3A_2] : memref<100000xf32, #tpu.memory_space<hbm>> -> memref<3200xf32, #tpu.memory_space<hbm>>
      %dma_start3A_29 = arith.constant 57600 : i32
      %dma_start3A_30 = tpu.memref_slice %arg11[%dma_start3A_29] : memref<64000xf32, #tpu.memory_space<vmem>> -> memref<3200xf32, #tpu.memory_space<vmem>>
      %dma_start3A_31 = tpu.memref_slice %arg5[%mul3A_2] : memref<100000xf32, #tpu.memory_space<hbm>> -> memref<3200xf32, #tpu.memory_space<hbm>>
      tpu.enqueue_dma source(%dma_start3A_31 : memref<3200xf32, #tpu.memory_space<hbm>>) target(%dma_start3A_30 : memref<3200xf32, #tpu.memory_space<vmem>>) target_semaphore(%arg13 : memref<!tpu.dma_semaphore, #tpu.memory_space<semaphore_mem>>)
      %dma_start3A_32 = arith.constant 60800 : i32
      %dma_start3A_33 = tpu.memref_slice %arg11[%dma_start3A_32] : memref<64000xf32, #tpu.memory_space<vmem>> -> memref<3200xf32, #tpu.memory_space<vmem>>
      %dma_start3A_34 = tpu.memref_slice %arg6[%mul3A_2] : memref<100000xf32, #tpu.memory_space<hbm>> -> memref<3200xf32, #tpu.memory_space<hbm>>
      %dma_start3A_35 = arith.constant 60800 : i32
      %dma_start3A_36 = tpu.memref_slice %arg11[%dma_start3A_35] : memref<64000xf32, #tpu.memory_space<vmem>> -> memref<3200xf32, #tpu.memory_space<vmem>>
      %dma_start3A_37 = tpu.memref_slice %arg6[%mul3A_2] : memref<100000xf32, #tpu.memory_space<hbm>> -> memref<3200xf32, #tpu.memory_space<hbm>>
      tpu.enqueue_dma source(%dma_start3A_37 : memref<3200xf32, #tpu.memory_space<hbm>>) target(%dma_start3A_36 : memref<3200xf32, #tpu.memory_space<vmem>>) target_semaphore(%arg13 : memref<!tpu.dma_semaphore, #tpu.memory_space<semaphore_mem>>)
      tpu.wait_dma2 semaphore(%arg12 : memref<!tpu.dma_semaphore, #tpu.memory_space<semaphore_mem>>) src(%arg7 : memref<2048xf32, #tpu.memory_space<hbm>>) dst(%arg9 : memref<2048xf32, #tpu.memory_space<vmem>>)
      %dma_wait3A = arith.constant 0 : i32
      %dma_wait3A_38 = tpu.memref_slice %arg10[%dma_wait3A] : memref<3200xi32, #tpu.memory_space<vmem>> -> memref<3200xi32, #tpu.memory_space<vmem>>
      %dma_wait3A_39 = tpu.memref_slice %arg2[%mul3A_2] : memref<100000xi32, #tpu.memory_space<hbm>> -> memref<3200xi32, #tpu.memory_space<hbm>>
      %dma_wait3A_40 = arith.constant 0 : i32
      %dma_wait3A_41 = tpu.memref_slice %arg10[%dma_wait3A_40] : memref<3200xi32, #tpu.memory_space<vmem>> -> memref<3200xi32, #tpu.memory_space<vmem>>
      %dma_wait3A_42 = tpu.memref_slice %arg2[%mul3A_2] : memref<100000xi32, #tpu.memory_space<hbm>> -> memref<3200xi32, #tpu.memory_space<hbm>>
      tpu.wait_dma2 semaphore(%arg12 : memref<!tpu.dma_semaphore, #tpu.memory_space<semaphore_mem>>) src(%dma_wait3A_42 : memref<3200xi32, #tpu.memory_space<hbm>>) dst(%dma_wait3A_41 : memref<3200xi32, #tpu.memory_space<vmem>>)
      %parallel_loop3A = arith.constant 0 : i32
      %parallel_loop3A_43 = arith.constant 100 : i32
      %parallel_loop3A_44 = arith.constant 1 : i32
      scf.for %parallel_loop3A_640 = %parallel_loop3A to %parallel_loop3A_43 step %parallel_loop3A_44  : i32 {
        %parallel_loop3A_641 = arith.constant 16 : i32
        %parallel_loop3A_642 = arith.muli %parallel_loop3A_640, %parallel_loop3A_641 : i32
        %parallel_loop3A_643 = arith.index_cast %parallel_loop3A_642 : i32 to index
        %parallel_loop3A_644 = tpu.vector_load %arg10[%parallel_loop3A_643] {strides = array<i32>} : memref<3200xi32, #tpu.memory_space<vmem>>, vector<16xi32>,
        %parallel_loop3A_645 = arith.constant 0 : i32
        %parallel_loop3A_646 = tpu.memref_slice %arg9[%parallel_loop3A_645] : memref<2048xf32, #tpu.memory_space<vmem>> -> memref<128xf32, #tpu.memory_space<vmem>>
        %parallel_loop3A_647 = tpu.vector_load_idx %parallel_loop3A_646[%parallel_loop3A_644] : memref<128xf32, #tpu.memory_space<vmem>>[vector<16xi32>], vector<16xf32>,
        %parallel_loop3A_648 = arith.constant 128 : i32
        %parallel_loop3A_649 = tpu.memref_slice %arg9[%parallel_loop3A_648] : memref<2048xf32, #tpu.memory_space<vmem>> -> memref<128xf32, #tpu.memory_space<vmem>>
        %parallel_loop3A_650 = tpu.vector_load_idx %parallel_loop3A_649[%parallel_loop3A_644] : memref<128xf32, #tpu.memory_space<vmem>>[vector<16xi32>], vector<16xf32>,
        %parallel_loop3A_651 = arith.constant 256 : i32
        %parallel_loop3A_652 = tpu.memref_slice %arg9[%parallel_loop3A_651] : memref<2048xf32, #tpu.memory_space<vmem>> -> memref<128xf32, #tpu.memory_space<vmem>>
        %parallel_loop3A_653 = tpu.vector_load_idx %parallel_loop3A_652[%parallel_loop3A_644] : memref<128xf32, #tpu.memory_space<vmem>>[vector<16xi32>], vector<16xf32>,
        %parallel_loop3A_654 = arith.constant 384 : i32
        %parallel_loop3A_655 = tpu.memref_slice %arg9[%parallel_loop3A_654] : memref<2048xf32, #tpu.memory_space<vmem>> -> memref<128xf32, #tpu.memory_space<vmem>>
        %parallel_loop3A_656 = tpu.vector_load_idx %parallel_loop3A_655[%parallel_loop3A_644] : memref<128xf32, #tpu.memory_space<vmem>>[vector<16xi32>], vector<16xf32>,
        %parallel_loop3A_657 = arith.constant 512 : i32
        %parallel_loop3A_658 = tpu.memref_slice %arg9[%parallel_loop3A_657] : memref<2048xf32, #tpu.memory_space<vmem>> -> memref<128xf32, #tpu.memory_space<vmem>>
        %parallel_loop3A_659 = tpu.vector_load_idx %parallel_loop3A_658[%parallel_loop3A_644] : memref<128xf32, #tpu.memory_space<vmem>>[vector<16xi32>], vector<16xf32>,
        %parallel_loop3A_660 = arith.constant 640 : i32
        %parallel_loop3A_661 = tpu.memref_slice %arg9[%parallel_loop3A_660] : memref<2048xf32, #tpu.memory_space<vmem>> -> memref<128xf32, #tpu.memory_space<vmem>>
        %parallel_loop3A_662 = tpu.vector_load_idx %parallel_loop3A_661[%parallel_loop3A_644] : memref<128xf32, #tpu.memory_space<vmem>>[vector<16xi32>], vector<16xf32>,
        %parallel_loop3A_663 = arith.constant 768 : i32
        %parallel_loop3A_664 = tpu.memref_slice %arg9[%parallel_loop3A_663] : memref<2048xf32, #tpu.memory_space<vmem>> -> memref<128xf32, #tpu.memory_space<vmem>>
        %parallel_loop3A_665 = tpu.vector_load_idx %parallel_loop3A_664[%parallel_loop3A_644] : memref<128xf32, #tpu.memory_space<vmem>>[vector<16xi32>], vector<16xf32>,
        %parallel_loop3A_666 = arith.constant 896 : i32
        %parallel_loop3A_667 = tpu.memref_slice %arg9[%parallel_loop3A_666] : memref<2048xf32, #tpu.memory_space<vmem>> -> memref<128xf32, #tpu.memory_space<vmem>>
        %parallel_loop3A_668 = tpu.vector_load_idx %parallel_loop3A_667[%parallel_loop3A_644] : memref<128xf32, #tpu.memory_space<vmem>>[vector<16xi32>], vector<16xf32>,
        %parallel_loop3A_669 = arith.constant 1024 : i32
        %parallel_loop3A_670 = tpu.memref_slice %arg9[%parallel_loop3A_669] : memref<2048xf32, #tpu.memory_space<vmem>> -> memref<128xf32, #tpu.memory_space<vmem>>
        %parallel_loop3A_671 = tpu.vector_load_idx %parallel_loop3A_670[%parallel_loop3A_644] : memref<128xf32, #tpu.memory_space<vmem>>[vector<16xi32>], vector<16xf32>,
        %parallel_loop3A_672 = arith.constant 1152 : i32
        %parallel_loop3A_673 = tpu.memref_slice %arg9[%parallel_loop3A_672] : memref<2048xf32, #tpu.memory_space<vmem>> -> memref<128xf32, #tpu.memory_space<vmem>>
        %parallel_loop3A_674 = tpu.vector_load_idx %parallel_loop3A_673[%parallel_loop3A_644] : memref<128xf32, #tpu.memory_space<vmem>>[vector<16xi32>], vector<16xf32>,
        %parallel_loop3A_675 = arith.constant 1280 : i32
        %parallel_loop3A_676 = tpu.memref_slice %arg9[%parallel_loop3A_675] : memref<2048xf32, #tpu.memory_space<vmem>> -> memref<128xf32, #tpu.memory_space<vmem>>
        %parallel_loop3A_677 = tpu.vector_load_idx %parallel_loop3A_676[%parallel_loop3A_644] : memref<128xf32, #tpu.memory_space<vmem>>[vector<16xi32>], vector<16xf32>,
        %parallel_loop3A_678 = arith.constant 1408 : i32
        %parallel_loop3A_679 = tpu.memref_slice %arg9[%parallel_loop3A_678] : memref<2048xf32, #tpu.memory_space<vmem>> -> memref<128xf32, #tpu.memory_space<vmem>>
        %parallel_loop3A_680 = tpu.vector_load_idx %parallel_loop3A_679[%parallel_loop3A_644] : memref<128xf32, #tpu.memory_space<vmem>>[vector<16xi32>], vector<16xf32>,
        %parallel_loop3A_681 = arith.constant 1536 : i32
        %parallel_loop3A_682 = tpu.memref_slice %arg9[%parallel_loop3A_681] : memref<2048xf32, #tpu.memory_space<vmem>> -> memref<128xf32, #tpu.memory_space<vmem>>
        %parallel_loop3A_683 = tpu.vector_load_idx %parallel_loop3A_682[%parallel_loop3A_644] : memref<128xf32, #tpu.memory_space<vmem>>[vector<16xi32>], vector<16xf32>,
        %parallel_loop3A_684 = arith.constant 1664 : i32
        %parallel_loop3A_685 = tpu.memref_slice %arg9[%parallel_loop3A_684] : memref<2048xf32, #tpu.memory_space<vmem>> -> memref<128xf32, #tpu.memory_space<vmem>>
        %parallel_loop3A_686 = tpu.vector_load_idx %parallel_loop3A_685[%parallel_loop3A_644] : memref<128xf32, #tpu.memory_space<vmem>>[vector<16xi32>], vector<16xf32>,
        %parallel_loop3A_687 = arith.constant 1792 : i32
        %parallel_loop3A_688 = tpu.memref_slice %arg9[%parallel_loop3A_687] : memref<2048xf32, #tpu.memory_space<vmem>> -> memref<128xf32, #tpu.memory_space<vmem>>
        %parallel_loop3A_689 = tpu.vector_load_idx %parallel_loop3A_688[%parallel_loop3A_644] : memref<128xf32, #tpu.memory_space<vmem>>[vector<16xi32>], vector<16xf32>,
        %parallel_loop3A_690 = arith.constant 1920 : i32
        %parallel_loop3A_691 = tpu.memref_slice %arg9[%parallel_loop3A_690] : memref<2048xf32, #tpu.memory_space<vmem>> -> memref<128xf32, #tpu.memory_space<vmem>>
        %parallel_loop3A_692 = tpu.vector_load_idx %parallel_loop3A_691[%parallel_loop3A_644] : memref<128xf32, #tpu.memory_space<vmem>>[vector<16xi32>], vector<16xf32>,
        %parallel_loop3A_693 = arith.constant 16 : i32
        %parallel_loop3A_694 = arith.muli %parallel_loop3A_640, %parallel_loop3A_693 : i32
        %parallel_loop3A_695 = arith.constant 0 : i32
        %parallel_loop3A_696 = arith.addi %parallel_loop3A_695, %parallel_loop3A_694 : i32
        %parallel_loop3A_697 = arith.index_cast %parallel_loop3A_696 : i32 to index
        %parallel_loop3A_698 = tpu.vector_load %arg11[%parallel_loop3A_697] {strides = array<i32>} : memref<64000xf32, #tpu.memory_space<vmem>>, vector<16xf32>,
        tpu.vector_store %arg11[%parallel_loop3A_697], %parallel_loop3A_647 {strides = array<i32>} : memref<64000xf32, #tpu.memory_space<vmem>>, vector<16xf32>,
        %parallel_loop3A_699 = arith.constant 16 : i32
        %parallel_loop3A_700 = arith.muli %parallel_loop3A_640, %parallel_loop3A_699 : i32
        %parallel_loop3A_701 = arith.constant 3200 : i32
        %parallel_loop3A_702 = arith.addi %parallel_loop3A_701, %parallel_loop3A_700 : i32
        %parallel_loop3A_703 = arith.index_cast %parallel_loop3A_702 : i32 to index
        %parallel_loop3A_704 = tpu.vector_load %arg11[%parallel_loop3A_703] {strides = array<i32>} : memref<64000xf32, #tpu.memory_space<vmem>>, vector<16xf32>,
        tpu.vector_store %arg11[%parallel_loop3A_703], %parallel_loop3A_650 {strides = array<i32>} : memref<64000xf32, #tpu.memory_space<vmem>>, vector<16xf32>,
        %parallel_loop3A_705 = arith.constant 16 : i32
        %parallel_loop3A_706 = arith.muli %parallel_loop3A_640, %parallel_loop3A_705 : i32
        %parallel_loop3A_707 = arith.constant 6400 : i32
        %parallel_loop3A_708 = arith.addi %parallel_loop3A_707, %parallel_loop3A_706 : i32
        %parallel_loop3A_709 = arith.index_cast %parallel_loop3A_708 : i32 to index
        %parallel_loop3A_710 = tpu.vector_load %arg11[%parallel_loop3A_709] {strides = array<i32>} : memref<64000xf32, #tpu.memory_space<vmem>>, vector<16xf32>,
        tpu.vector_store %arg11[%parallel_loop3A_709], %parallel_loop3A_653 {strides = array<i32>} : memref<64000xf32, #tpu.memory_space<vmem>>, vector<16xf32>,
        %parallel_loop3A_711 = arith.constant 16 : i32
        %parallel_loop3A_712 = arith.muli %parallel_loop3A_640, %parallel_loop3A_711 : i32
        %parallel_loop3A_713 = arith.constant 9600 : i32
        %parallel_loop3A_714 = arith.addi %parallel_loop3A_713, %parallel_loop3A_712 : i32
        %parallel_loop3A_715 = arith.index_cast %parallel_loop3A_714 : i32 to index
        %parallel_loop3A_716 = tpu.vector_load %arg11[%parallel_loop3A_715] {strides = array<i32>} : memref<64000xf32, #tpu.memory_space<vmem>>, vector<16xf32>,
        tpu.vector_store %arg11[%parallel_loop3A_715], %parallel_loop3A_656 {strides = array<i32>} : memref<64000xf32, #tpu.memory_space<vmem>>, vector<16xf32>,
        %parallel_loop3A_717 = arith.constant 16 : i32
        %parallel_loop3A_718 = arith.muli %parallel_loop3A_640, %parallel_loop3A_717 : i32
        %parallel_loop3A_719 = arith.constant 12800 : i32
        %parallel_loop3A_720 = arith.addi %parallel_loop3A_719, %parallel_loop3A_718 : i32
        %parallel_loop3A_721 = arith.index_cast %parallel_loop3A_720 : i32 to index
        %parallel_loop3A_722 = tpu.vector_load %arg11[%parallel_loop3A_721] {strides = array<i32>} : memref<64000xf32, #tpu.memory_space<vmem>>, vector<16xf32>,
        tpu.vector_store %arg11[%parallel_loop3A_721], %parallel_loop3A_659 {strides = array<i32>} : memref<64000xf32, #tpu.memory_space<vmem>>, vector<16xf32>,
        %parallel_loop3A_723 = arith.constant 16 : i32
        %parallel_loop3A_724 = arith.muli %parallel_loop3A_640, %parallel_loop3A_723 : i32
        %parallel_loop3A_725 = arith.constant 16000 : i32
        %parallel_loop3A_726 = arith.addi %parallel_loop3A_725, %parallel_loop3A_724 : i32
        %parallel_loop3A_727 = arith.index_cast %parallel_loop3A_726 : i32 to index
        %parallel_loop3A_728 = tpu.vector_load %arg11[%parallel_loop3A_727] {strides = array<i32>} : memref<64000xf32, #tpu.memory_space<vmem>>, vector<16xf32>,
        tpu.vector_store %arg11[%parallel_loop3A_727], %parallel_loop3A_662 {strides = array<i32>} : memref<64000xf32, #tpu.memory_space<vmem>>, vector<16xf32>,
        %parallel_loop3A_729 = arith.constant 16 : i32
        %parallel_loop3A_730 = arith.muli %parallel_loop3A_640, %parallel_loop3A_729 : i32
        %parallel_loop3A_731 = arith.constant 19200 : i32
        %parallel_loop3A_732 = arith.addi %parallel_loop3A_731, %parallel_loop3A_730 : i32
        %parallel_loop3A_733 = arith.index_cast %parallel_loop3A_732 : i32 to index
        %parallel_loop3A_734 = tpu.vector_load %arg11[%parallel_loop3A_733] {strides = array<i32>} : memref<64000xf32, #tpu.memory_space<vmem>>, vector<16xf32>,
        tpu.vector_store %arg11[%parallel_loop3A_733], %parallel_loop3A_665 {strides = array<i32>} : memref<64000xf32, #tpu.memory_space<vmem>>, vector<16xf32>,
        %parallel_loop3A_735 = arith.constant 16 : i32
        %parallel_loop3A_736 = arith.muli %parallel_loop3A_640, %parallel_loop3A_735 : i32
        %parallel_loop3A_737 = arith.constant 22400 : i32
        %parallel_loop3A_738 = arith.addi %parallel_loop3A_737, %parallel_loop3A_736 : i32
        %parallel_loop3A_739 = arith.index_cast %parallel_loop3A_738 : i32 to index
        %parallel_loop3A_740 = tpu.vector_load %arg11[%parallel_loop3A_739] {strides = array<i32>} : memref<64000xf32, #tpu.memory_space<vmem>>, vector<16xf32>,
        tpu.vector_store %arg11[%parallel_loop3A_739], %parallel_loop3A_668 {strides = array<i32>} : memref<64000xf32, #tpu.memory_space<vmem>>, vector<16xf32>,
        %parallel_loop3A_741 = arith.constant 16 : i32
        %parallel_loop3A_742 = arith.muli %parallel_loop3A_640, %parallel_loop3A_741 : i32
        %parallel_loop3A_743 = arith.constant 25600 : i32
        %parallel_loop3A_744 = arith.addi %parallel_loop3A_743, %parallel_loop3A_742 : i32
        %parallel_loop3A_745 = arith.index_cast %parallel_loop3A_744 : i32 to index
        %parallel_loop3A_746 = tpu.vector_load %arg11[%parallel_loop3A_745] {strides = array<i32>} : memref<64000xf32, #tpu.memory_space<vmem>>, vector<16xf32>,
        tpu.vector_store %arg11[%parallel_loop3A_745], %parallel_loop3A_671 {strides = array<i32>} : memref<64000xf32, #tpu.memory_space<vmem>>, vector<16xf32>,
        %parallel_loop3A_747 = arith.constant 16 : i32
        %parallel_loop3A_748 = arith.muli %parallel_loop3A_640, %parallel_loop3A_747 : i32
        %parallel_loop3A_749 = arith.constant 28800 : i32
        %parallel_loop3A_750 = arith.addi %parallel_loop3A_749, %parallel_loop3A_748 : i32
        %parallel_loop3A_751 = arith.index_cast %parallel_loop3A_750 : i32 to index
        %parallel_loop3A_752 = tpu.vector_load %arg11[%parallel_loop3A_751] {strides = array<i32>} : memref<64000xf32, #tpu.memory_space<vmem>>, vector<16xf32>,
        tpu.vector_store %arg11[%parallel_loop3A_751], %parallel_loop3A_674 {strides = array<i32>} : memref<64000xf32, #tpu.memory_space<vmem>>, vector<16xf32>,
        %parallel_loop3A_753 = arith.constant 16 : i32
        %parallel_loop3A_754 = arith.muli %parallel_loop3A_640, %parallel_loop3A_753 : i32
        %parallel_loop3A_755 = arith.constant 32000 : i32
        %parallel_loop3A_756 = arith.addi %parallel_loop3A_755, %parallel_loop3A_754 : i32
        %parallel_loop3A_757 = arith.index_cast %parallel_loop3A_756 : i32 to index
        %parallel_loop3A_758 = tpu.vector_load %arg11[%parallel_loop3A_757] {strides = array<i32>} : memref<64000xf32, #tpu.memory_space<vmem>>, vector<16xf32>,
        tpu.vector_store %arg11[%parallel_loop3A_757], %parallel_loop3A_677 {strides = array<i32>} : memref<64000xf32, #tpu.memory_space<vmem>>, vector<16xf32>,
        %parallel_loop3A_759 = arith.constant 16 : i32
        %parallel_loop3A_760 = arith.muli %parallel_loop3A_640, %parallel_loop3A_759 : i32
        %parallel_loop3A_761 = arith.constant 35200 : i32
        %parallel_loop3A_762 = arith.addi %parallel_loop3A_761, %parallel_loop3A_760 : i32
        %parallel_loop3A_763 = arith.index_cast %parallel_loop3A_762 : i32 to index
        %parallel_loop3A_764 = tpu.vector_load %arg11[%parallel_loop3A_763] {strides = array<i32>} : memref<64000xf32, #tpu.memory_space<vmem>>, vector<16xf32>,
        tpu.vector_store %arg11[%parallel_loop3A_763], %parallel_loop3A_680 {strides = array<i32>} : memref<64000xf32, #tpu.memory_space<vmem>>, vector<16xf32>,
        %parallel_loop3A_765 = arith.constant 16 : i32
        %parallel_loop3A_766 = arith.muli %parallel_loop3A_640, %parallel_loop3A_765 : i32
        %parallel_loop3A_767 = arith.constant 38400 : i32
        %parallel_loop3A_768 = arith.addi %parallel_loop3A_767, %parallel_loop3A_766 : i32
        %parallel_loop3A_769 = arith.index_cast %parallel_loop3A_768 : i32 to index
        %parallel_loop3A_770 = tpu.vector_load %arg11[%parallel_loop3A_769] {strides = array<i32>} : memref<64000xf32, #tpu.memory_space<vmem>>, vector<16xf32>,
        tpu.vector_store %arg11[%parallel_loop3A_769], %parallel_loop3A_683 {strides = array<i32>} : memref<64000xf32, #tpu.memory_space<vmem>>, vector<16xf32>,
        %parallel_loop3A_771 = arith.constant 16 : i32
        %parallel_loop3A_772 = arith.muli %parallel_loop3A_640, %parallel_loop3A_771 : i32
        %parallel_loop3A_773 = arith.constant 41600 : i32
        %parallel_loop3A_774 = arith.addi %parallel_loop3A_773, %parallel_loop3A_772 : i32
        %parallel_loop3A_775 = arith.index_cast %parallel_loop3A_774 : i32 to index
        %parallel_loop3A_776 = tpu.vector_load %arg11[%parallel_loop3A_775] {strides = array<i32>} : memref<64000xf32, #tpu.memory_space<vmem>>, vector<16xf32>,
        tpu.vector_store %arg11[%parallel_loop3A_775], %parallel_loop3A_686 {strides = array<i32>} : memref<64000xf32, #tpu.memory_space<vmem>>, vector<16xf32>,
        %parallel_loop3A_777 = arith.constant 16 : i32
        %parallel_loop3A_778 = arith.muli %parallel_loop3A_640, %parallel_loop3A_777 : i32
        %parallel_loop3A_779 = arith.constant 44800 : i32
        %parallel_loop3A_780 = arith.addi %parallel_loop3A_779, %parallel_loop3A_778 : i32
        %parallel_loop3A_781 = arith.index_cast %parallel_loop3A_780 : i32 to index
        %parallel_loop3A_782 = tpu.vector_load %arg11[%parallel_loop3A_781] {strides = array<i32>} : memref<64000xf32, #tpu.memory_space<vmem>>, vector<16xf32>,
        tpu.vector_store %arg11[%parallel_loop3A_781], %parallel_loop3A_689 {strides = array<i32>} : memref<64000xf32, #tpu.memory_space<vmem>>, vector<16xf32>,
        %parallel_loop3A_783 = arith.constant 16 : i32
        %parallel_loop3A_784 = arith.muli %parallel_loop3A_640, %parallel_loop3A_783 : i32
        %parallel_loop3A_785 = arith.constant 48000 : i32
        %parallel_loop3A_786 = arith.addi %parallel_loop3A_785, %parallel_loop3A_784 : i32
        %parallel_loop3A_787 = arith.index_cast %parallel_loop3A_786 : i32 to index
        %parallel_loop3A_788 = tpu.vector_load %arg11[%parallel_loop3A_787] {strides = array<i32>} : memref<64000xf32, #tpu.memory_space<vmem>>, vector<16xf32>,
        tpu.vector_store %arg11[%parallel_loop3A_787], %parallel_loop3A_692 {strides = array<i32>} : memref<64000xf32, #tpu.memory_space<vmem>>, vector<16xf32>,
      } {sc.loop_unroll_factor = 2 : i64, sc.parallel_access}
      %add3A_45 = arith.constant 0 : i32
      %add3A_46 = arith.addi %add3A_45, %mul3A_2 : i32
      %add3A_47 = arith.constant 0 : i32
      %add3A_48 = arith.addi %add3A_46, %add3A_47 : i32
      %dma_start3A_49 = arith.constant 0 : i32
      %dma_start3A_50 = tpu.memref_slice %arg11[%dma_start3A_49] : memref<64000xf32, #tpu.memory_space<vmem>> -> memref<1600xf32, #tpu.memory_space<vmem>>
      %dma_start3A_51 = tpu.memref_slice %arg8[%add3A_48] : memref<2000000xf32, #tpu.memory_space<hbm>> -> memref<1600xf32, #tpu.memory_space<hbm>>
      %dma_start3A_52 = tpu.memref_slice %arg8[%add3A_48] : memref<2000000xf32, #tpu.memory_space<hbm>> -> memref<1600xf32, #tpu.memory_space<hbm>>
      %dma_start3A_53 = arith.constant 0 : i32
      %dma_start3A_54 = tpu.memref_slice %arg11[%dma_start3A_53] : memref<64000xf32, #tpu.memory_space<vmem>> -> memref<1600xf32, #tpu.memory_space<vmem>>
      tpu.enqueue_dma source(%dma_start3A_54 : memref<1600xf32, #tpu.memory_space<vmem>>) target(%dma_start3A_52 : memref<1600xf32, #tpu.memory_space<hbm>>) target_semaphore(%arg14 : memref<!tpu.dma_semaphore, #tpu.memory_space<semaphore_mem>>)
      %add3A_55 = arith.constant 100000 : i32
      %add3A_56 = arith.addi %add3A_55, %mul3A_2 : i32
      %add3A_57 = arith.constant 0 : i32
      %add3A_58 = arith.addi %add3A_56, %add3A_57 : i32
      %dma_start3A_59 = arith.constant 3200 : i32
      %dma_start3A_60 = tpu.memref_slice %arg11[%dma_start3A_59] : memref<64000xf32, #tpu.memory_space<vmem>> -> memref<1600xf32, #tpu.memory_space<vmem>>
      %dma_start3A_61 = tpu.memref_slice %arg8[%add3A_58] : memref<2000000xf32, #tpu.memory_space<hbm>> -> memref<1600xf32, #tpu.memory_space<hbm>>
      %dma_start3A_62 = tpu.memref_slice %arg8[%add3A_58] : memref<2000000xf32, #tpu.memory_space<hbm>> -> memref<1600xf32, #tpu.memory_space<hbm>>
      %dma_start3A_63 = arith.constant 3200 : i32
      %dma_start3A_64 = tpu.memref_slice %arg11[%dma_start3A_63] : memref<64000xf32, #tpu.memory_space<vmem>> -> memref<1600xf32, #tpu.memory_space<vmem>>
      tpu.enqueue_dma source(%dma_start3A_64 : memref<1600xf32, #tpu.memory_space<vmem>>) target(%dma_start3A_62 : memref<1600xf32, #tpu.memory_space<hbm>>) target_semaphore(%arg14 : memref<!tpu.dma_semaphore, #tpu.memory_space<semaphore_mem>>)
      %add3A_65 = arith.constant 200000 : i32
      %add3A_66 = arith.addi %add3A_65, %mul3A_2 : i32
      %add3A_67 = arith.constant 0 : i32
      %add3A_68 = arith.addi %add3A_66, %add3A_67 : i32
      %dma_start3A_69 = arith.constant 6400 : i32
      %dma_start3A_70 = tpu.memref_slice %arg11[%dma_start3A_69] : memref<64000xf32, #tpu.memory_space<vmem>> -> memref<1600xf32, #tpu.memory_space<vmem>>
      %dma_start3A_71 = tpu.memref_slice %arg8[%add3A_68] : memref<2000000xf32, #tpu.memory_space<hbm>> -> memref<1600xf32, #tpu.memory_space<hbm>>
      %dma_start3A_72 = tpu.memref_slice %arg8[%add3A_68] : memref<2000000xf32, #tpu.memory_space<hbm>> -> memref<1600xf32, #tpu.memory_space<hbm>>
      %dma_start3A_73 = arith.constant 6400 : i32
      %dma_start3A_74 = tpu.memref_slice %arg11[%dma_start3A_73] : memref<64000xf32, #tpu.memory_space<vmem>> -> memref<1600xf32, #tpu.memory_space<vmem>>
      tpu.enqueue_dma source(%dma_start3A_74 : memref<1600xf32, #tpu.memory_space<vmem>>) target(%dma_start3A_72 : memref<1600xf32, #tpu.memory_space<hbm>>) target_semaphore(%arg14 : memref<!tpu.dma_semaphore, #tpu.memory_space<semaphore_mem>>)
      %add3A_75 = arith.constant 300000 : i32
      %add3A_76 = arith.addi %add3A_75, %mul3A_2 : i32
      %add3A_77 = arith.constant 0 : i32
      %add3A_78 = arith.addi %add3A_76, %add3A_77 : i32
      %dma_start3A_79 = arith.constant 9600 : i32
      %dma_start3A_80 = tpu.memref_slice %arg11[%dma_start3A_79] : memref<64000xf32, #tpu.memory_space<vmem>> -> memref<1600xf32, #tpu.memory_space<vmem>>
      %dma_start3A_81 = tpu.memref_slice %arg8[%add3A_78] : memref<2000000xf32, #tpu.memory_space<hbm>> -> memref<1600xf32, #tpu.memory_space<hbm>>
      %dma_start3A_82 = tpu.memref_slice %arg8[%add3A_78] : memref<2000000xf32, #tpu.memory_space<hbm>> -> memref<1600xf32, #tpu.memory_space<hbm>>
      %dma_start3A_83 = arith.constant 9600 : i32
      %dma_start3A_84 = tpu.memref_slice %arg11[%dma_start3A_83] : memref<64000xf32, #tpu.memory_space<vmem>> -> memref<1600xf32, #tpu.memory_space<vmem>>
      tpu.enqueue_dma source(%dma_start3A_84 : memref<1600xf32, #tpu.memory_space<vmem>>) target(%dma_start3A_82 : memref<1600xf32, #tpu.memory_space<hbm>>) target_semaphore(%arg14 : memref<!tpu.dma_semaphore, #tpu.memory_space<semaphore_mem>>)
      %add3A_85 = arith.constant 400000 : i32
      %add3A_86 = arith.addi %add3A_85, %mul3A_2 : i32
      %add3A_87 = arith.constant 0 : i32
      %add3A_88 = arith.addi %add3A_86, %add3A_87 : i32
      %dma_start3A_89 = arith.constant 12800 : i32
      %dma_start3A_90 = tpu.memref_slice %arg11[%dma_start3A_89] : memref<64000xf32, #tpu.memory_space<vmem>> -> memref<1600xf32, #tpu.memory_space<vmem>>
      %dma_start3A_91 = tpu.memref_slice %arg8[%add3A_88] : memref<2000000xf32, #tpu.memory_space<hbm>> -> memref<1600xf32, #tpu.memory_space<hbm>>
      %dma_start3A_92 = tpu.memref_slice %arg8[%add3A_88] : memref<2000000xf32, #tpu.memory_space<hbm>> -> memref<1600xf32, #tpu.memory_space<hbm>>
      %dma_start3A_93 = arith.constant 12800 : i32
      %dma_start3A_94 = tpu.memref_slice %arg11[%dma_start3A_93] : memref<64000xf32, #tpu.memory_space<vmem>> -> memref<1600xf32, #tpu.memory_space<vmem>>
      tpu.enqueue_dma source(%dma_start3A_94 : memref<1600xf32, #tpu.memory_space<vmem>>) target(%dma_start3A_92 : memref<1600xf32, #tpu.memory_space<hbm>>) target_semaphore(%arg14 : memref<!tpu.dma_semaphore, #tpu.memory_space<semaphore_mem>>)
      %add3A_95 = arith.constant 500000 : i32
      %add3A_96 = arith.addi %add3A_95, %mul3A_2 : i32
      %add3A_97 = arith.constant 0 : i32
      %add3A_98 = arith.addi %add3A_96, %add3A_97 : i32
      %dma_start3A_99 = arith.constant 16000 : i32
      %dma_start3A_100 = tpu.memref_slice %arg11[%dma_start3A_99] : memref<64000xf32, #tpu.memory_space<vmem>> -> memref<1600xf32, #tpu.memory_space<vmem>>
      %dma_start3A_101 = tpu.memref_slice %arg8[%add3A_98] : memref<2000000xf32, #tpu.memory_space<hbm>> -> memref<1600xf32, #tpu.memory_space<hbm>>
      %dma_start3A_102 = tpu.memref_slice %arg8[%add3A_98] : memref<2000000xf32, #tpu.memory_space<hbm>> -> memref<1600xf32, #tpu.memory_space<hbm>>
      %dma_start3A_103 = arith.constant 16000 : i32
      %dma_start3A_104 = tpu.memref_slice %arg11[%dma_start3A_103] : memref<64000xf32, #tpu.memory_space<vmem>> -> memref<1600xf32, #tpu.memory_space<vmem>>
      tpu.enqueue_dma source(%dma_start3A_104 : memref<1600xf32, #tpu.memory_space<vmem>>) target(%dma_start3A_102 : memref<1600xf32, #tpu.memory_space<hbm>>) target_semaphore(%arg14 : memref<!tpu.dma_semaphore, #tpu.memory_space<semaphore_mem>>)
      %add3A_105 = arith.constant 600000 : i32
      %add3A_106 = arith.addi %add3A_105, %mul3A_2 : i32
      %add3A_107 = arith.constant 0 : i32
      %add3A_108 = arith.addi %add3A_106, %add3A_107 : i32
      %dma_start3A_109 = arith.constant 19200 : i32
      %dma_start3A_110 = tpu.memref_slice %arg11[%dma_start3A_109] : memref<64000xf32, #tpu.memory_space<vmem>> -> memref<1600xf32, #tpu.memory_space<vmem>>
      %dma_start3A_111 = tpu.memref_slice %arg8[%add3A_108] : memref<2000000xf32, #tpu.memory_space<hbm>> -> memref<1600xf32, #tpu.memory_space<hbm>>
      %dma_start3A_112 = tpu.memref_slice %arg8[%add3A_108] : memref<2000000xf32, #tpu.memory_space<hbm>> -> memref<1600xf32, #tpu.memory_space<hbm>>
      %dma_start3A_113 = arith.constant 19200 : i32
      %dma_start3A_114 = tpu.memref_slice %arg11[%dma_start3A_113] : memref<64000xf32, #tpu.memory_space<vmem>> -> memref<1600xf32, #tpu.memory_space<vmem>>
      tpu.enqueue_dma source(%dma_start3A_114 : memref<1600xf32, #tpu.memory_space<vmem>>) target(%dma_start3A_112 : memref<1600xf32, #tpu.memory_space<hbm>>) target_semaphore(%arg14 : memref<!tpu.dma_semaphore, #tpu.memory_space<semaphore_mem>>)
      %add3A_115 = arith.constant 700000 : i32
      %add3A_116 = arith.addi %add3A_115, %mul3A_2 : i32
      %add3A_117 = arith.constant 0 : i32
      %add3A_118 = arith.addi %add3A_116, %add3A_117 : i32
      %dma_start3A_119 = arith.constant 22400 : i32
      %dma_start3A_120 = tpu.memref_slice %arg11[%dma_start3A_119] : memref<64000xf32, #tpu.memory_space<vmem>> -> memref<1600xf32, #tpu.memory_space<vmem>>
      %dma_start3A_121 = tpu.memref_slice %arg8[%add3A_118] : memref<2000000xf32, #tpu.memory_space<hbm>> -> memref<1600xf32, #tpu.memory_space<hbm>>
      %dma_start3A_122 = tpu.memref_slice %arg8[%add3A_118] : memref<2000000xf32, #tpu.memory_space<hbm>> -> memref<1600xf32, #tpu.memory_space<hbm>>
      %dma_start3A_123 = arith.constant 22400 : i32
      %dma_start3A_124 = tpu.memref_slice %arg11[%dma_start3A_123] : memref<64000xf32, #tpu.memory_space<vmem>> -> memref<1600xf32, #tpu.memory_space<vmem>>
      tpu.enqueue_dma source(%dma_start3A_124 : memref<1600xf32, #tpu.memory_space<vmem>>) target(%dma_start3A_122 : memref<1600xf32, #tpu.memory_space<hbm>>) target_semaphore(%arg14 : memref<!tpu.dma_semaphore, #tpu.memory_space<semaphore_mem>>)
      %add3A_125 = arith.constant 800000 : i32
      %add3A_126 = arith.addi %add3A_125, %mul3A_2 : i32
      %add3A_127 = arith.constant 0 : i32
      %add3A_128 = arith.addi %add3A_126, %add3A_127 : i32
      %dma_start3A_129 = arith.constant 25600 : i32
      %dma_start3A_130 = tpu.memref_slice %arg11[%dma_start3A_129] : memref<64000xf32, #tpu.memory_space<vmem>> -> memref<1600xf32, #tpu.memory_space<vmem>>
      %dma_start3A_131 = tpu.memref_slice %arg8[%add3A_128] : memref<2000000xf32, #tpu.memory_space<hbm>> -> memref<1600xf32, #tpu.memory_space<hbm>>
      %dma_start3A_132 = tpu.memref_slice %arg8[%add3A_128] : memref<2000000xf32, #tpu.memory_space<hbm>> -> memref<1600xf32, #tpu.memory_space<hbm>>
      %dma_start3A_133 = arith.constant 25600 : i32
      %dma_start3A_134 = tpu.memref_slice %arg11[%dma_start3A_133] : memref<64000xf32, #tpu.memory_space<vmem>> -> memref<1600xf32, #tpu.memory_space<vmem>>
      tpu.enqueue_dma source(%dma_start3A_134 : memref<1600xf32, #tpu.memory_space<vmem>>) target(%dma_start3A_132 : memref<1600xf32, #tpu.memory_space<hbm>>) target_semaphore(%arg14 : memref<!tpu.dma_semaphore, #tpu.memory_space<semaphore_mem>>)
      %add3A_135 = arith.constant 900000 : i32
      %add3A_136 = arith.addi %add3A_135, %mul3A_2 : i32
      %add3A_137 = arith.constant 0 : i32
      %add3A_138 = arith.addi %add3A_136, %add3A_137 : i32
      %dma_start3A_139 = arith.constant 28800 : i32
      %dma_start3A_140 = tpu.memref_slice %arg11[%dma_start3A_139] : memref<64000xf32, #tpu.memory_space<vmem>> -> memref<1600xf32, #tpu.memory_space<vmem>>
      %dma_start3A_141 = tpu.memref_slice %arg8[%add3A_138] : memref<2000000xf32, #tpu.memory_space<hbm>> -> memref<1600xf32, #tpu.memory_space<hbm>>
      %dma_start3A_142 = tpu.memref_slice %arg8[%add3A_138] : memref<2000000xf32, #tpu.memory_space<hbm>> -> memref<1600xf32, #tpu.memory_space<hbm>>
      %dma_start3A_143 = arith.constant 28800 : i32
      %dma_start3A_144 = tpu.memref_slice %arg11[%dma_start3A_143] : memref<64000xf32, #tpu.memory_space<vmem>> -> memref<1600xf32, #tpu.memory_space<vmem>>
      tpu.enqueue_dma source(%dma_start3A_144 : memref<1600xf32, #tpu.memory_space<vmem>>) target(%dma_start3A_142 : memref<1600xf32, #tpu.memory_space<hbm>>) target_semaphore(%arg14 : memref<!tpu.dma_semaphore, #tpu.memory_space<semaphore_mem>>)
      %add3A_145 = arith.constant 1000000 : i32
      %add3A_146 = arith.addi %add3A_145, %mul3A_2 : i32
      %add3A_147 = arith.constant 0 : i32
      %add3A_148 = arith.addi %add3A_146, %add3A_147 : i32
      %dma_start3A_149 = arith.constant 32000 : i32
      %dma_start3A_150 = tpu.memref_slice %arg11[%dma_start3A_149] : memref<64000xf32, #tpu.memory_space<vmem>> -> memref<1600xf32, #tpu.memory_space<vmem>>
      %dma_start3A_151 = tpu.memref_slice %arg8[%add3A_148] : memref<2000000xf32, #tpu.memory_space<hbm>> -> memref<1600xf32, #tpu.memory_space<hbm>>
      %dma_start3A_152 = tpu.memref_slice %arg8[%add3A_148] : memref<2000000xf32, #tpu.memory_space<hbm>> -> memref<1600xf32, #tpu.memory_space<hbm>>
      %dma_start3A_153 = arith.constant 32000 : i32
      %dma_start3A_154 = tpu.memref_slice %arg11[%dma_start3A_153] : memref<64000xf32, #tpu.memory_space<vmem>> -> memref<1600xf32, #tpu.memory_space<vmem>>
      tpu.enqueue_dma source(%dma_start3A_154 : memref<1600xf32, #tpu.memory_space<vmem>>) target(%dma_start3A_152 : memref<1600xf32, #tpu.memory_space<hbm>>) target_semaphore(%arg14 : memref<!tpu.dma_semaphore, #tpu.memory_space<semaphore_mem>>)
      %add3A_155 = arith.constant 1100000 : i32
      %add3A_156 = arith.addi %add3A_155, %mul3A_2 : i32
      %add3A_157 = arith.constant 0 : i32
      %add3A_158 = arith.addi %add3A_156, %add3A_157 : i32
      %dma_start3A_159 = arith.constant 35200 : i32
      %dma_start3A_160 = tpu.memref_slice %arg11[%dma_start3A_159] : memref<64000xf32, #tpu.memory_space<vmem>> -> memref<1600xf32, #tpu.memory_space<vmem>>
      %dma_start3A_161 = tpu.memref_slice %arg8[%add3A_158] : memref<2000000xf32, #tpu.memory_space<hbm>> -> memref<1600xf32, #tpu.memory_space<hbm>>
      %dma_start3A_162 = tpu.memref_slice %arg8[%add3A_158] : memref<2000000xf32, #tpu.memory_space<hbm>> -> memref<1600xf32, #tpu.memory_space<hbm>>
      %dma_start3A_163 = arith.constant 35200 : i32
      %dma_start3A_164 = tpu.memref_slice %arg11[%dma_start3A_163] : memref<64000xf32, #tpu.memory_space<vmem>> -> memref<1600xf32, #tpu.memory_space<vmem>>
      tpu.enqueue_dma source(%dma_start3A_164 : memref<1600xf32, #tpu.memory_space<vmem>>) target(%dma_start3A_162 : memref<1600xf32, #tpu.memory_space<hbm>>) target_semaphore(%arg14 : memref<!tpu.dma_semaphore, #tpu.memory_space<semaphore_mem>>)
      %add3A_165 = arith.constant 1200000 : i32
      %add3A_166 = arith.addi %add3A_165, %mul3A_2 : i32
      %add3A_167 = arith.constant 0 : i32
      %add3A_168 = arith.addi %add3A_166, %add3A_167 : i32
      %dma_start3A_169 = arith.constant 38400 : i32
      %dma_start3A_170 = tpu.memref_slice %arg11[%dma_start3A_169] : memref<64000xf32, #tpu.memory_space<vmem>> -> memref<1600xf32, #tpu.memory_space<vmem>>
      %dma_start3A_171 = tpu.memref_slice %arg8[%add3A_168] : memref<2000000xf32, #tpu.memory_space<hbm>> -> memref<1600xf32, #tpu.memory_space<hbm>>
      %dma_start3A_172 = tpu.memref_slice %arg8[%add3A_168] : memref<2000000xf32, #tpu.memory_space<hbm>> -> memref<1600xf32, #tpu.memory_space<hbm>>
      %dma_start3A_173 = arith.constant 38400 : i32
      %dma_start3A_174 = tpu.memref_slice %arg11[%dma_start3A_173] : memref<64000xf32, #tpu.memory_space<vmem>> -> memref<1600xf32, #tpu.memory_space<vmem>>
      tpu.enqueue_dma source(%dma_start3A_174 : memref<1600xf32, #tpu.memory_space<vmem>>) target(%dma_start3A_172 : memref<1600xf32, #tpu.memory_space<hbm>>) target_semaphore(%arg14 : memref<!tpu.dma_semaphore, #tpu.memory_space<semaphore_mem>>)
      %add3A_175 = arith.constant 1300000 : i32
      %add3A_176 = arith.addi %add3A_175, %mul3A_2 : i32
      %add3A_177 = arith.constant 0 : i32
      %add3A_178 = arith.addi %add3A_176, %add3A_177 : i32
      %dma_start3A_179 = arith.constant 41600 : i32
      %dma_start3A_180 = tpu.memref_slice %arg11[%dma_start3A_179] : memref<64000xf32, #tpu.memory_space<vmem>> -> memref<1600xf32, #tpu.memory_space<vmem>>
      %dma_start3A_181 = tpu.memref_slice %arg8[%add3A_178] : memref<2000000xf32, #tpu.memory_space<hbm>> -> memref<1600xf32, #tpu.memory_space<hbm>>
      %dma_start3A_182 = tpu.memref_slice %arg8[%add3A_178] : memref<2000000xf32, #tpu.memory_space<hbm>> -> memref<1600xf32, #tpu.memory_space<hbm>>
      %dma_start3A_183 = arith.constant 41600 : i32
      %dma_start3A_184 = tpu.memref_slice %arg11[%dma_start3A_183] : memref<64000xf32, #tpu.memory_space<vmem>> -> memref<1600xf32, #tpu.memory_space<vmem>>
      tpu.enqueue_dma source(%dma_start3A_184 : memref<1600xf32, #tpu.memory_space<vmem>>) target(%dma_start3A_182 : memref<1600xf32, #tpu.memory_space<hbm>>) target_semaphore(%arg14 : memref<!tpu.dma_semaphore, #tpu.memory_space<semaphore_mem>>)
      %add3A_185 = arith.constant 1400000 : i32
      %add3A_186 = arith.addi %add3A_185, %mul3A_2 : i32
      %add3A_187 = arith.constant 0 : i32
      %add3A_188 = arith.addi %add3A_186, %add3A_187 : i32
      %dma_start3A_189 = arith.constant 44800 : i32
      %dma_start3A_190 = tpu.memref_slice %arg11[%dma_start3A_189] : memref<64000xf32, #tpu.memory_space<vmem>> -> memref<1600xf32, #tpu.memory_space<vmem>>
      %dma_start3A_191 = tpu.memref_slice %arg8[%add3A_188] : memref<2000000xf32, #tpu.memory_space<hbm>> -> memref<1600xf32, #tpu.memory_space<hbm>>
      %dma_start3A_192 = tpu.memref_slice %arg8[%add3A_188] : memref<2000000xf32, #tpu.memory_space<hbm>> -> memref<1600xf32, #tpu.memory_space<hbm>>
      %dma_start3A_193 = arith.constant 44800 : i32
      %dma_start3A_194 = tpu.memref_slice %arg11[%dma_start3A_193] : memref<64000xf32, #tpu.memory_space<vmem>> -> memref<1600xf32, #tpu.memory_space<vmem>>
      tpu.enqueue_dma source(%dma_start3A_194 : memref<1600xf32, #tpu.memory_space<vmem>>) target(%dma_start3A_192 : memref<1600xf32, #tpu.memory_space<hbm>>) target_semaphore(%arg14 : memref<!tpu.dma_semaphore, #tpu.memory_space<semaphore_mem>>)
      %add3A_195 = arith.constant 1500000 : i32
      %add3A_196 = arith.addi %add3A_195, %mul3A_2 : i32
      %add3A_197 = arith.constant 0 : i32
      %add3A_198 = arith.addi %add3A_196, %add3A_197 : i32
      %dma_start3A_199 = arith.constant 48000 : i32
      %dma_start3A_200 = tpu.memref_slice %arg11[%dma_start3A_199] : memref<64000xf32, #tpu.memory_space<vmem>> -> memref<1600xf32, #tpu.memory_space<vmem>>
      %dma_start3A_201 = tpu.memref_slice %arg8[%add3A_198] : memref<2000000xf32, #tpu.memory_space<hbm>> -> memref<1600xf32, #tpu.memory_space<hbm>>
      %dma_start3A_202 = tpu.memref_slice %arg8[%add3A_198] : memref<2000000xf32, #tpu.memory_space<hbm>> -> memref<1600xf32, #tpu.memory_space<hbm>>
      %dma_start3A_203 = arith.constant 48000 : i32
      %dma_start3A_204 = tpu.memref_slice %arg11[%dma_start3A_203] : memref<64000xf32, #tpu.memory_space<vmem>> -> memref<1600xf32, #tpu.memory_space<vmem>>
      tpu.enqueue_dma source(%dma_start3A_204 : memref<1600xf32, #tpu.memory_space<vmem>>) target(%dma_start3A_202 : memref<1600xf32, #tpu.memory_space<hbm>>) target_semaphore(%arg14 : memref<!tpu.dma_semaphore, #tpu.memory_space<semaphore_mem>>)
      %parallel_loop3A_205 = arith.constant 100 : i32
      %parallel_loop3A_206 = arith.constant 200 : i32
      %parallel_loop3A_207 = arith.constant 1 : i32
      scf.for %parallel_loop3A_640 = %parallel_loop3A_205 to %parallel_loop3A_206 step %parallel_loop3A_207  : i32 {
        %parallel_loop3A_641 = arith.constant 16 : i32
        %parallel_loop3A_642 = arith.muli %parallel_loop3A_640, %parallel_loop3A_641 : i32
        %parallel_loop3A_643 = arith.index_cast %parallel_loop3A_642 : i32 to index
        %parallel_loop3A_644 = tpu.vector_load %arg10[%parallel_loop3A_643] {strides = array<i32>} : memref<3200xi32, #tpu.memory_space<vmem>>, vector<16xi32>,
        %parallel_loop3A_645 = arith.constant 0 : i32
        %parallel_loop3A_646 = tpu.memref_slice %arg9[%parallel_loop3A_645] : memref<2048xf32, #tpu.memory_space<vmem>> -> memref<128xf32, #tpu.memory_space<vmem>>
        %parallel_loop3A_647 = tpu.vector_load_idx %parallel_loop3A_646[%parallel_loop3A_644] : memref<128xf32, #tpu.memory_space<vmem>>[vector<16xi32>], vector<16xf32>,
        %parallel_loop3A_648 = arith.constant 128 : i32
        %parallel_loop3A_649 = tpu.memref_slice %arg9[%parallel_loop3A_648] : memref<2048xf32, #tpu.memory_space<vmem>> -> memref<128xf32, #tpu.memory_space<vmem>>
        %parallel_loop3A_650 = tpu.vector_load_idx %parallel_loop3A_649[%parallel_loop3A_644] : memref<128xf32, #tpu.memory_space<vmem>>[vector<16xi32>], vector<16xf32>,
        %parallel_loop3A_651 = arith.constant 256 : i32
        %parallel_loop3A_652 = tpu.memref_slice %arg9[%parallel_loop3A_651] : memref<2048xf32, #tpu.memory_space<vmem>> -> memref<128xf32, #tpu.memory_space<vmem>>
        %parallel_loop3A_653 = tpu.vector_load_idx %parallel_loop3A_652[%parallel_loop3A_644] : memref<128xf32, #tpu.memory_space<vmem>>[vector<16xi32>], vector<16xf32>,
        %parallel_loop3A_654 = arith.constant 384 : i32
        %parallel_loop3A_655 = tpu.memref_slice %arg9[%parallel_loop3A_654] : memref<2048xf32, #tpu.memory_space<vmem>> -> memref<128xf32, #tpu.memory_space<vmem>>
        %parallel_loop3A_656 = tpu.vector_load_idx %parallel_loop3A_655[%parallel_loop3A_644] : memref<128xf32, #tpu.memory_space<vmem>>[vector<16xi32>], vector<16xf32>,
        %parallel_loop3A_657 = arith.constant 512 : i32
        %parallel_loop3A_658 = tpu.memref_slice %arg9[%parallel_loop3A_657] : memref<2048xf32, #tpu.memory_space<vmem>> -> memref<128xf32, #tpu.memory_space<vmem>>
        %parallel_loop3A_659 = tpu.vector_load_idx %parallel_loop3A_658[%parallel_loop3A_644] : memref<128xf32, #tpu.memory_space<vmem>>[vector<16xi32>], vector<16xf32>,
        %parallel_loop3A_660 = arith.constant 640 : i32
        %parallel_loop3A_661 = tpu.memref_slice %arg9[%parallel_loop3A_660] : memref<2048xf32, #tpu.memory_space<vmem>> -> memref<128xf32, #tpu.memory_space<vmem>>
        %parallel_loop3A_662 = tpu.vector_load_idx %parallel_loop3A_661[%parallel_loop3A_644] : memref<128xf32, #tpu.memory_space<vmem>>[vector<16xi32>], vector<16xf32>,
        %parallel_loop3A_663 = arith.constant 768 : i32
        %parallel_loop3A_664 = tpu.memref_slice %arg9[%parallel_loop3A_663] : memref<2048xf32, #tpu.memory_space<vmem>> -> memref<128xf32, #tpu.memory_space<vmem>>
        %parallel_loop3A_665 = tpu.vector_load_idx %parallel_loop3A_664[%parallel_loop3A_644] : memref<128xf32, #tpu.memory_space<vmem>>[vector<16xi32>], vector<16xf32>,
        %parallel_loop3A_666 = arith.constant 896 : i32
        %parallel_loop3A_667 = tpu.memref_slice %arg9[%parallel_loop3A_666] : memref<2048xf32, #tpu.memory_space<vmem>> -> memref<128xf32, #tpu.memory_space<vmem>>
        %parallel_loop3A_668 = tpu.vector_load_idx %parallel_loop3A_667[%parallel_loop3A_644] : memref<128xf32, #tpu.memory_space<vmem>>[vector<16xi32>], vector<16xf32>,
        %parallel_loop3A_669 = arith.constant 1024 : i32
        %parallel_loop3A_670 = tpu.memref_slice %arg9[%parallel_loop3A_669] : memref<2048xf32, #tpu.memory_space<vmem>> -> memref<128xf32, #tpu.memory_space<vmem>>
        %parallel_loop3A_671 = tpu.vector_load_idx %parallel_loop3A_670[%parallel_loop3A_644] : memref<128xf32, #tpu.memory_space<vmem>>[vector<16xi32>], vector<16xf32>,
        %parallel_loop3A_672 = arith.constant 1152 : i32
        %parallel_loop3A_673 = tpu.memref_slice %arg9[%parallel_loop3A_672] : memref<2048xf32, #tpu.memory_space<vmem>> -> memref<128xf32, #tpu.memory_space<vmem>>
        %parallel_loop3A_674 = tpu.vector_load_idx %parallel_loop3A_673[%parallel_loop3A_644] : memref<128xf32, #tpu.memory_space<vmem>>[vector<16xi32>], vector<16xf32>,
        %parallel_loop3A_675 = arith.constant 1280 : i32
        %parallel_loop3A_676 = tpu.memref_slice %arg9[%parallel_loop3A_675] : memref<2048xf32, #tpu.memory_space<vmem>> -> memref<128xf32, #tpu.memory_space<vmem>>
        %parallel_loop3A_677 = tpu.vector_load_idx %parallel_loop3A_676[%parallel_loop3A_644] : memref<128xf32, #tpu.memory_space<vmem>>[vector<16xi32>], vector<16xf32>,
        %parallel_loop3A_678 = arith.constant 1408 : i32
        %parallel_loop3A_679 = tpu.memref_slice %arg9[%parallel_loop3A_678] : memref<2048xf32, #tpu.memory_space<vmem>> -> memref<128xf32, #tpu.memory_space<vmem>>
        %parallel_loop3A_680 = tpu.vector_load_idx %parallel_loop3A_679[%parallel_loop3A_644] : memref<128xf32, #tpu.memory_space<vmem>>[vector<16xi32>], vector<16xf32>,
        %parallel_loop3A_681 = arith.constant 1536 : i32
        %parallel_loop3A_682 = tpu.memref_slice %arg9[%parallel_loop3A_681] : memref<2048xf32, #tpu.memory_space<vmem>> -> memref<128xf32, #tpu.memory_space<vmem>>
        %parallel_loop3A_683 = tpu.vector_load_idx %parallel_loop3A_682[%parallel_loop3A_644] : memref<128xf32, #tpu.memory_space<vmem>>[vector<16xi32>], vector<16xf32>,
        %parallel_loop3A_684 = arith.constant 1664 : i32
        %parallel_loop3A_685 = tpu.memref_slice %arg9[%parallel_loop3A_684] : memref<2048xf32, #tpu.memory_space<vmem>> -> memref<128xf32, #tpu.memory_space<vmem>>
        %parallel_loop3A_686 = tpu.vector_load_idx %parallel_loop3A_685[%parallel_loop3A_644] : memref<128xf32, #tpu.memory_space<vmem>>[vector<16xi32>], vector<16xf32>,
        %parallel_loop3A_687 = arith.constant 1792 : i32
        %parallel_loop3A_688 = tpu.memref_slice %arg9[%parallel_loop3A_687] : memref<2048xf32, #tpu.memory_space<vmem>> -> memref<128xf32, #tpu.memory_space<vmem>>
        %parallel_loop3A_689 = tpu.vector_load_idx %parallel_loop3A_688[%parallel_loop3A_644] : memref<128xf32, #tpu.memory_space<vmem>>[vector<16xi32>], vector<16xf32>,
        %parallel_loop3A_690 = arith.constant 1920 : i32
        %parallel_loop3A_691 = tpu.memref_slice %arg9[%parallel_loop3A_690] : memref<2048xf32, #tpu.memory_space<vmem>> -> memref<128xf32, #tpu.memory_space<vmem>>
        %parallel_loop3A_692 = tpu.vector_load_idx %parallel_loop3A_691[%parallel_loop3A_644] : memref<128xf32, #tpu.memory_space<vmem>>[vector<16xi32>], vector<16xf32>,
        %parallel_loop3A_693 = arith.constant 16 : i32
        %parallel_loop3A_694 = arith.muli %parallel_loop3A_640, %parallel_loop3A_693 : i32
        %parallel_loop3A_695 = arith.constant 0 : i32
        %parallel_loop3A_696 = arith.addi %parallel_loop3A_695, %parallel_loop3A_694 : i32
        %parallel_loop3A_697 = arith.index_cast %parallel_loop3A_696 : i32 to index
        %parallel_loop3A_698 = tpu.vector_load %arg11[%parallel_loop3A_697] {strides = array<i32>} : memref<64000xf32, #tpu.memory_space<vmem>>, vector<16xf32>,
        tpu.vector_store %arg11[%parallel_loop3A_697], %parallel_loop3A_647 {strides = array<i32>} : memref<64000xf32, #tpu.memory_space<vmem>>, vector<16xf32>,
        %parallel_loop3A_699 = arith.constant 16 : i32
        %parallel_loop3A_700 = arith.muli %parallel_loop3A_640, %parallel_loop3A_699 : i32
        %parallel_loop3A_701 = arith.constant 3200 : i32
        %parallel_loop3A_702 = arith.addi %parallel_loop3A_701, %parallel_loop3A_700 : i32
        %parallel_loop3A_703 = arith.index_cast %parallel_loop3A_702 : i32 to index
        %parallel_loop3A_704 = tpu.vector_load %arg11[%parallel_loop3A_703] {strides = array<i32>} : memref<64000xf32, #tpu.memory_space<vmem>>, vector<16xf32>,
        tpu.vector_store %arg11[%parallel_loop3A_703], %parallel_loop3A_650 {strides = array<i32>} : memref<64000xf32, #tpu.memory_space<vmem>>, vector<16xf32>,
        %parallel_loop3A_705 = arith.constant 16 : i32
        %parallel_loop3A_706 = arith.muli %parallel_loop3A_640, %parallel_loop3A_705 : i32
        %parallel_loop3A_707 = arith.constant 6400 : i32
        %parallel_loop3A_708 = arith.addi %parallel_loop3A_707, %parallel_loop3A_706 : i32
        %parallel_loop3A_709 = arith.index_cast %parallel_loop3A_708 : i32 to index
        %parallel_loop3A_710 = tpu.vector_load %arg11[%parallel_loop3A_709] {strides = array<i32>} : memref<64000xf32, #tpu.memory_space<vmem>>, vector<16xf32>,
        tpu.vector_store %arg11[%parallel_loop3A_709], %parallel_loop3A_653 {strides = array<i32>} : memref<64000xf32, #tpu.memory_space<vmem>>, vector<16xf32>,
        %parallel_loop3A_711 = arith.constant 16 : i32
        %parallel_loop3A_712 = arith.muli %parallel_loop3A_640, %parallel_loop3A_711 : i32
        %parallel_loop3A_713 = arith.constant 9600 : i32
        %parallel_loop3A_714 = arith.addi %parallel_loop3A_713, %parallel_loop3A_712 : i32
        %parallel_loop3A_715 = arith.index_cast %parallel_loop3A_714 : i32 to index
        %parallel_loop3A_716 = tpu.vector_load %arg11[%parallel_loop3A_715] {strides = array<i32>} : memref<64000xf32, #tpu.memory_space<vmem>>, vector<16xf32>,
        tpu.vector_store %arg11[%parallel_loop3A_715], %parallel_loop3A_656 {strides = array<i32>} : memref<64000xf32, #tpu.memory_space<vmem>>, vector<16xf32>,
        %parallel_loop3A_717 = arith.constant 16 : i32
        %parallel_loop3A_718 = arith.muli %parallel_loop3A_640, %parallel_loop3A_717 : i32
        %parallel_loop3A_719 = arith.constant 12800 : i32
        %parallel_loop3A_720 = arith.addi %parallel_loop3A_719, %parallel_loop3A_718 : i32
        %parallel_loop3A_721 = arith.index_cast %parallel_loop3A_720 : i32 to index
        %parallel_loop3A_722 = tpu.vector_load %arg11[%parallel_loop3A_721] {strides = array<i32>} : memref<64000xf32, #tpu.memory_space<vmem>>, vector<16xf32>,
        tpu.vector_store %arg11[%parallel_loop3A_721], %parallel_loop3A_659 {strides = array<i32>} : memref<64000xf32, #tpu.memory_space<vmem>>, vector<16xf32>,
        %parallel_loop3A_723 = arith.constant 16 : i32
        %parallel_loop3A_724 = arith.muli %parallel_loop3A_640, %parallel_loop3A_723 : i32
        %parallel_loop3A_725 = arith.constant 16000 : i32
        %parallel_loop3A_726 = arith.addi %parallel_loop3A_725, %parallel_loop3A_724 : i32
        %parallel_loop3A_727 = arith.index_cast %parallel_loop3A_726 : i32 to index
        %parallel_loop3A_728 = tpu.vector_load %arg11[%parallel_loop3A_727] {strides = array<i32>} : memref<64000xf32, #tpu.memory_space<vmem>>, vector<16xf32>,
        tpu.vector_store %arg11[%parallel_loop3A_727], %parallel_loop3A_662 {strides = array<i32>} : memref<64000xf32, #tpu.memory_space<vmem>>, vector<16xf32>,
        %parallel_loop3A_729 = arith.constant 16 : i32
        %parallel_loop3A_730 = arith.muli %parallel_loop3A_640, %parallel_loop3A_729 : i32
        %parallel_loop3A_731 = arith.constant 19200 : i32
        %parallel_loop3A_732 = arith.addi %parallel_loop3A_731, %parallel_loop3A_730 : i32
        %parallel_loop3A_733 = arith.index_cast %parallel_loop3A_732 : i32 to index
        %parallel_loop3A_734 = tpu.vector_load %arg11[%parallel_loop3A_733] {strides = array<i32>} : memref<64000xf32, #tpu.memory_space<vmem>>, vector<16xf32>,
        tpu.vector_store %arg11[%parallel_loop3A_733], %parallel_loop3A_665 {strides = array<i32>} : memref<64000xf32, #tpu.memory_space<vmem>>, vector<16xf32>,
        %parallel_loop3A_735 = arith.constant 16 : i32
        %parallel_loop3A_736 = arith.muli %parallel_loop3A_640, %parallel_loop3A_735 : i32
        %parallel_loop3A_737 = arith.constant 22400 : i32
        %parallel_loop3A_738 = arith.addi %parallel_loop3A_737, %parallel_loop3A_736 : i32
        %parallel_loop3A_739 = arith.index_cast %parallel_loop3A_738 : i32 to index
        %parallel_loop3A_740 = tpu.vector_load %arg11[%parallel_loop3A_739] {strides = array<i32>} : memref<64000xf32, #tpu.memory_space<vmem>>, vector<16xf32>,
        tpu.vector_store %arg11[%parallel_loop3A_739], %parallel_loop3A_668 {strides = array<i32>} : memref<64000xf32, #tpu.memory_space<vmem>>, vector<16xf32>,
        %parallel_loop3A_741 = arith.constant 16 : i32
        %parallel_loop3A_742 = arith.muli %parallel_loop3A_640, %parallel_loop3A_741 : i32
        %parallel_loop3A_743 = arith.constant 25600 : i32
        %parallel_loop3A_744 = arith.addi %parallel_loop3A_743, %parallel_loop3A_742 : i32
        %parallel_loop3A_745 = arith.index_cast %parallel_loop3A_744 : i32 to index
        %parallel_loop3A_746 = tpu.vector_load %arg11[%parallel_loop3A_745] {strides = array<i32>} : memref<64000xf32, #tpu.memory_space<vmem>>, vector<16xf32>,
        tpu.vector_store %arg11[%parallel_loop3A_745], %parallel_loop3A_671 {strides = array<i32>} : memref<64000xf32, #tpu.memory_space<vmem>>, vector<16xf32>,
        %parallel_loop3A_747 = arith.constant 16 : i32
        %parallel_loop3A_748 = arith.muli %parallel_loop3A_640, %parallel_loop3A_747 : i32
        %parallel_loop3A_749 = arith.constant 28800 : i32
        %parallel_loop3A_750 = arith.addi %parallel_loop3A_749, %parallel_loop3A_748 : i32
        %parallel_loop3A_751 = arith.index_cast %parallel_loop3A_750 : i32 to index
        %parallel_loop3A_752 = tpu.vector_load %arg11[%parallel_loop3A_751] {strides = array<i32>} : memref<64000xf32, #tpu.memory_space<vmem>>, vector<16xf32>,
        tpu.vector_store %arg11[%parallel_loop3A_751], %parallel_loop3A_674 {strides = array<i32>} : memref<64000xf32, #tpu.memory_space<vmem>>, vector<16xf32>,
        %parallel_loop3A_753 = arith.constant 16 : i32
        %parallel_loop3A_754 = arith.muli %parallel_loop3A_640, %parallel_loop3A_753 : i32
        %parallel_loop3A_755 = arith.constant 32000 : i32
        %parallel_loop3A_756 = arith.addi %parallel_loop3A_755, %parallel_loop3A_754 : i32
        %parallel_loop3A_757 = arith.index_cast %parallel_loop3A_756 : i32 to index
        %parallel_loop3A_758 = tpu.vector_load %arg11[%parallel_loop3A_757] {strides = array<i32>} : memref<64000xf32, #tpu.memory_space<vmem>>, vector<16xf32>,
        tpu.vector_store %arg11[%parallel_loop3A_757], %parallel_loop3A_677 {strides = array<i32>} : memref<64000xf32, #tpu.memory_space<vmem>>, vector<16xf32>,
        %parallel_loop3A_759 = arith.constant 16 : i32
        %parallel_loop3A_760 = arith.muli %parallel_loop3A_640, %parallel_loop3A_759 : i32
        %parallel_loop3A_761 = arith.constant 35200 : i32
        %parallel_loop3A_762 = arith.addi %parallel_loop3A_761, %parallel_loop3A_760 : i32
        %parallel_loop3A_763 = arith.index_cast %parallel_loop3A_762 : i32 to index
        %parallel_loop3A_764 = tpu.vector_load %arg11[%parallel_loop3A_763] {strides = array<i32>} : memref<64000xf32, #tpu.memory_space<vmem>>, vector<16xf32>,
        tpu.vector_store %arg11[%parallel_loop3A_763], %parallel_loop3A_680 {strides = array<i32>} : memref<64000xf32, #tpu.memory_space<vmem>>, vector<16xf32>,
        %parallel_loop3A_765 = arith.constant 16 : i32
        %parallel_loop3A_766 = arith.muli %parallel_loop3A_640, %parallel_loop3A_765 : i32
        %parallel_loop3A_767 = arith.constant 38400 : i32
        %parallel_loop3A_768 = arith.addi %parallel_loop3A_767, %parallel_loop3A_766 : i32
        %parallel_loop3A_769 = arith.index_cast %parallel_loop3A_768 : i32 to index
        %parallel_loop3A_770 = tpu.vector_load %arg11[%parallel_loop3A_769] {strides = array<i32>} : memref<64000xf32, #tpu.memory_space<vmem>>, vector<16xf32>,
        tpu.vector_store %arg11[%parallel_loop3A_769], %parallel_loop3A_683 {strides = array<i32>} : memref<64000xf32, #tpu.memory_space<vmem>>, vector<16xf32>,
        %parallel_loop3A_771 = arith.constant 16 : i32
        %parallel_loop3A_772 = arith.muli %parallel_loop3A_640, %parallel_loop3A_771 : i32
        %parallel_loop3A_773 = arith.constant 41600 : i32
        %parallel_loop3A_774 = arith.addi %parallel_loop3A_773, %parallel_loop3A_772 : i32
        %parallel_loop3A_775 = arith.index_cast %parallel_loop3A_774 : i32 to index
        %parallel_loop3A_776 = tpu.vector_load %arg11[%parallel_loop3A_775] {strides = array<i32>} : memref<64000xf32, #tpu.memory_space<vmem>>, vector<16xf32>,
        tpu.vector_store %arg11[%parallel_loop3A_775], %parallel_loop3A_686 {strides = array<i32>} : memref<64000xf32, #tpu.memory_space<vmem>>, vector<16xf32>,
        %parallel_loop3A_777 = arith.constant 16 : i32
        %parallel_loop3A_778 = arith.muli %parallel_loop3A_640, %parallel_loop3A_777 : i32
        %parallel_loop3A_779 = arith.constant 44800 : i32
        %parallel_loop3A_780 = arith.addi %parallel_loop3A_779, %parallel_loop3A_778 : i32
        %parallel_loop3A_781 = arith.index_cast %parallel_loop3A_780 : i32 to index
        %parallel_loop3A_782 = tpu.vector_load %arg11[%parallel_loop3A_781] {strides = array<i32>} : memref<64000xf32, #tpu.memory_space<vmem>>, vector<16xf32>,
        tpu.vector_store %arg11[%parallel_loop3A_781], %parallel_loop3A_689 {strides = array<i32>} : memref<64000xf32, #tpu.memory_space<vmem>>, vector<16xf32>,
        %parallel_loop3A_783 = arith.constant 16 : i32
        %parallel_loop3A_784 = arith.muli %parallel_loop3A_640, %parallel_loop3A_783 : i32
        %parallel_loop3A_785 = arith.constant 48000 : i32
        %parallel_loop3A_786 = arith.addi %parallel_loop3A_785, %parallel_loop3A_784 : i32
        %parallel_loop3A_787 = arith.index_cast %parallel_loop3A_786 : i32 to index
        %parallel_loop3A_788 = tpu.vector_load %arg11[%parallel_loop3A_787] {strides = array<i32>} : memref<64000xf32, #tpu.memory_space<vmem>>, vector<16xf32>,
        tpu.vector_store %arg11[%parallel_loop3A_787], %parallel_loop3A_692 {strides = array<i32>} : memref<64000xf32, #tpu.memory_space<vmem>>, vector<16xf32>,
      } {sc.loop_unroll_factor = 2 : i64, sc.parallel_access}
      %add3A_208 = arith.constant 0 : i32
      %add3A_209 = arith.addi %add3A_208, %mul3A_2 : i32
      %add3A_210 = arith.constant 1600 : i32
      %add3A_211 = arith.addi %add3A_209, %add3A_210 : i32
      %dma_start3A_212 = arith.constant 1600 : i32
      %dma_start3A_213 = tpu.memref_slice %arg11[%dma_start3A_212] : memref<64000xf32, #tpu.memory_space<vmem>> -> memref<1600xf32, #tpu.memory_space<vmem>>
      %dma_start3A_214 = tpu.memref_slice %arg8[%add3A_211] : memref<2000000xf32, #tpu.memory_space<hbm>> -> memref<1600xf32, #tpu.memory_space<hbm>>
      %dma_start3A_215 = tpu.memref_slice %arg8[%add3A_211] : memref<2000000xf32, #tpu.memory_space<hbm>> -> memref<1600xf32, #tpu.memory_space<hbm>>
      %dma_start3A_216 = arith.constant 1600 : i32
      %dma_start3A_217 = tpu.memref_slice %arg11[%dma_start3A_216] : memref<64000xf32, #tpu.memory_space<vmem>> -> memref<1600xf32, #tpu.memory_space<vmem>>
      tpu.enqueue_dma source(%dma_start3A_217 : memref<1600xf32, #tpu.memory_space<vmem>>) target(%dma_start3A_215 : memref<1600xf32, #tpu.memory_space<hbm>>) target_semaphore(%arg14 : memref<!tpu.dma_semaphore, #tpu.memory_space<semaphore_mem>>)
      %add3A_218 = arith.constant 100000 : i32
      %add3A_219 = arith.addi %add3A_218, %mul3A_2 : i32
      %add3A_220 = arith.constant 1600 : i32
      %add3A_221 = arith.addi %add3A_219, %add3A_220 : i32
      %dma_start3A_222 = arith.constant 4800 : i32
      %dma_start3A_223 = tpu.memref_slice %arg11[%dma_start3A_222] : memref<64000xf32, #tpu.memory_space<vmem>> -> memref<1600xf32, #tpu.memory_space<vmem>>
      %dma_start3A_224 = tpu.memref_slice %arg8[%add3A_221] : memref<2000000xf32, #tpu.memory_space<hbm>> -> memref<1600xf32, #tpu.memory_space<hbm>>
      %dma_start3A_225 = tpu.memref_slice %arg8[%add3A_221] : memref<2000000xf32, #tpu.memory_space<hbm>> -> memref<1600xf32, #tpu.memory_space<hbm>>
      %dma_start3A_226 = arith.constant 4800 : i32
      %dma_start3A_227 = tpu.memref_slice %arg11[%dma_start3A_226] : memref<64000xf32, #tpu.memory_space<vmem>> -> memref<1600xf32, #tpu.memory_space<vmem>>
      tpu.enqueue_dma source(%dma_start3A_227 : memref<1600xf32, #tpu.memory_space<vmem>>) target(%dma_start3A_225 : memref<1600xf32, #tpu.memory_space<hbm>>) target_semaphore(%arg14 : memref<!tpu.dma_semaphore, #tpu.memory_space<semaphore_mem>>)
      %add3A_228 = arith.constant 200000 : i32
      %add3A_229 = arith.addi %add3A_228, %mul3A_2 : i32
      %add3A_230 = arith.constant 1600 : i32
      %add3A_231 = arith.addi %add3A_229, %add3A_230 : i32
      %dma_start3A_232 = arith.constant 8000 : i32
      %dma_start3A_233 = tpu.memref_slice %arg11[%dma_start3A_232] : memref<64000xf32, #tpu.memory_space<vmem>> -> memref<1600xf32, #tpu.memory_space<vmem>>
      %dma_start3A_234 = tpu.memref_slice %arg8[%add3A_231] : memref<2000000xf32, #tpu.memory_space<hbm>> -> memref<1600xf32, #tpu.memory_space<hbm>>
      %dma_start3A_235 = tpu.memref_slice %arg8[%add3A_231] : memref<2000000xf32, #tpu.memory_space<hbm>> -> memref<1600xf32, #tpu.memory_space<hbm>>
      %dma_start3A_236 = arith.constant 8000 : i32
      %dma_start3A_237 = tpu.memref_slice %arg11[%dma_start3A_236] : memref<64000xf32, #tpu.memory_space<vmem>> -> memref<1600xf32, #tpu.memory_space<vmem>>
      tpu.enqueue_dma source(%dma_start3A_237 : memref<1600xf32, #tpu.memory_space<vmem>>) target(%dma_start3A_235 : memref<1600xf32, #tpu.memory_space<hbm>>) target_semaphore(%arg14 : memref<!tpu.dma_semaphore, #tpu.memory_space<semaphore_mem>>)
      %add3A_238 = arith.constant 300000 : i32
      %add3A_239 = arith.addi %add3A_238, %mul3A_2 : i32
      %add3A_240 = arith.constant 1600 : i32
      %add3A_241 = arith.addi %add3A_239, %add3A_240 : i32
      %dma_start3A_242 = arith.constant 11200 : i32
      %dma_start3A_243 = tpu.memref_slice %arg11[%dma_start3A_242] : memref<64000xf32, #tpu.memory_space<vmem>> -> memref<1600xf32, #tpu.memory_space<vmem>>
      %dma_start3A_244 = tpu.memref_slice %arg8[%add3A_241] : memref<2000000xf32, #tpu.memory_space<hbm>> -> memref<1600xf32, #tpu.memory_space<hbm>>
      %dma_start3A_245 = tpu.memref_slice %arg8[%add3A_241] : memref<2000000xf32, #tpu.memory_space<hbm>> -> memref<1600xf32, #tpu.memory_space<hbm>>
      %dma_start3A_246 = arith.constant 11200 : i32
      %dma_start3A_247 = tpu.memref_slice %arg11[%dma_start3A_246] : memref<64000xf32, #tpu.memory_space<vmem>> -> memref<1600xf32, #tpu.memory_space<vmem>>
      tpu.enqueue_dma source(%dma_start3A_247 : memref<1600xf32, #tpu.memory_space<vmem>>) target(%dma_start3A_245 : memref<1600xf32, #tpu.memory_space<hbm>>) target_semaphore(%arg14 : memref<!tpu.dma_semaphore, #tpu.memory_space<semaphore_mem>>)
      %add3A_248 = arith.constant 400000 : i32
      %add3A_249 = arith.addi %add3A_248, %mul3A_2 : i32
      %add3A_250 = arith.constant 1600 : i32
      %add3A_251 = arith.addi %add3A_249, %add3A_250 : i32
      %dma_start3A_252 = arith.constant 14400 : i32
      %dma_start3A_253 = tpu.memref_slice %arg11[%dma_start3A_252] : memref<64000xf32, #tpu.memory_space<vmem>> -> memref<1600xf32, #tpu.memory_space<vmem>>
      %dma_start3A_254 = tpu.memref_slice %arg8[%add3A_251] : memref<2000000xf32, #tpu.memory_space<hbm>> -> memref<1600xf32, #tpu.memory_space<hbm>>
      %dma_start3A_255 = tpu.memref_slice %arg8[%add3A_251] : memref<2000000xf32, #tpu.memory_space<hbm>> -> memref<1600xf32, #tpu.memory_space<hbm>>
      %dma_start3A_256 = arith.constant 14400 : i32
      %dma_start3A_257 = tpu.memref_slice %arg11[%dma_start3A_256] : memref<64000xf32, #tpu.memory_space<vmem>> -> memref<1600xf32, #tpu.memory_space<vmem>>
      tpu.enqueue_dma source(%dma_start3A_257 : memref<1600xf32, #tpu.memory_space<vmem>>) target(%dma_start3A_255 : memref<1600xf32, #tpu.memory_space<hbm>>) target_semaphore(%arg14 : memref<!tpu.dma_semaphore, #tpu.memory_space<semaphore_mem>>)
      %add3A_258 = arith.constant 500000 : i32
      %add3A_259 = arith.addi %add3A_258, %mul3A_2 : i32
      %add3A_260 = arith.constant 1600 : i32
      %add3A_261 = arith.addi %add3A_259, %add3A_260 : i32
      %dma_start3A_262 = arith.constant 17600 : i32
      %dma_start3A_263 = tpu.memref_slice %arg11[%dma_start3A_262] : memref<64000xf32, #tpu.memory_space<vmem>> -> memref<1600xf32, #tpu.memory_space<vmem>>
      %dma_start3A_264 = tpu.memref_slice %arg8[%add3A_261] : memref<2000000xf32, #tpu.memory_space<hbm>> -> memref<1600xf32, #tpu.memory_space<hbm>>
      %dma_start3A_265 = tpu.memref_slice %arg8[%add3A_261] : memref<2000000xf32, #tpu.memory_space<hbm>> -> memref<1600xf32, #tpu.memory_space<hbm>>
      %dma_start3A_266 = arith.constant 17600 : i32
      %dma_start3A_267 = tpu.memref_slice %arg11[%dma_start3A_266] : memref<64000xf32, #tpu.memory_space<vmem>> -> memref<1600xf32, #tpu.memory_space<vmem>>
      tpu.enqueue_dma source(%dma_start3A_267 : memref<1600xf32, #tpu.memory_space<vmem>>) target(%dma_start3A_265 : memref<1600xf32, #tpu.memory_space<hbm>>) target_semaphore(%arg14 : memref<!tpu.dma_semaphore, #tpu.memory_space<semaphore_mem>>)
      %add3A_268 = arith.constant 600000 : i32
      %add3A_269 = arith.addi %add3A_268, %mul3A_2 : i32
      %add3A_270 = arith.constant 1600 : i32
      %add3A_271 = arith.addi %add3A_269, %add3A_270 : i32
      %dma_start3A_272 = arith.constant 20800 : i32
      %dma_start3A_273 = tpu.memref_slice %arg11[%dma_start3A_272] : memref<64000xf32, #tpu.memory_space<vmem>> -> memref<1600xf32, #tpu.memory_space<vmem>>
      %dma_start3A_274 = tpu.memref_slice %arg8[%add3A_271] : memref<2000000xf32, #tpu.memory_space<hbm>> -> memref<1600xf32, #tpu.memory_space<hbm>>
      %dma_start3A_275 = tpu.memref_slice %arg8[%add3A_271] : memref<2000000xf32, #tpu.memory_space<hbm>> -> memref<1600xf32, #tpu.memory_space<hbm>>
      %dma_start3A_276 = arith.constant 20800 : i32
      %dma_start3A_277 = tpu.memref_slice %arg11[%dma_start3A_276] : memref<64000xf32, #tpu.memory_space<vmem>> -> memref<1600xf32, #tpu.memory_space<vmem>>
      tpu.enqueue_dma source(%dma_start3A_277 : memref<1600xf32, #tpu.memory_space<vmem>>) target(%dma_start3A_275 : memref<1600xf32, #tpu.memory_space<hbm>>) target_semaphore(%arg14 : memref<!tpu.dma_semaphore, #tpu.memory_space<semaphore_mem>>)
      %add3A_278 = arith.constant 700000 : i32
      %add3A_279 = arith.addi %add3A_278, %mul3A_2 : i32
      %add3A_280 = arith.constant 1600 : i32
      %add3A_281 = arith.addi %add3A_279, %add3A_280 : i32
      %dma_start3A_282 = arith.constant 24000 : i32
      %dma_start3A_283 = tpu.memref_slice %arg11[%dma_start3A_282] : memref<64000xf32, #tpu.memory_space<vmem>> -> memref<1600xf32, #tpu.memory_space<vmem>>
      %dma_start3A_284 = tpu.memref_slice %arg8[%add3A_281] : memref<2000000xf32, #tpu.memory_space<hbm>> -> memref<1600xf32, #tpu.memory_space<hbm>>
      %dma_start3A_285 = tpu.memref_slice %arg8[%add3A_281] : memref<2000000xf32, #tpu.memory_space<hbm>> -> memref<1600xf32, #tpu.memory_space<hbm>>
      %dma_start3A_286 = arith.constant 24000 : i32
      %dma_start3A_287 = tpu.memref_slice %arg11[%dma_start3A_286] : memref<64000xf32, #tpu.memory_space<vmem>> -> memref<1600xf32, #tpu.memory_space<vmem>>
      tpu.enqueue_dma source(%dma_start3A_287 : memref<1600xf32, #tpu.memory_space<vmem>>) target(%dma_start3A_285 : memref<1600xf32, #tpu.memory_space<hbm>>) target_semaphore(%arg14 : memref<!tpu.dma_semaphore, #tpu.memory_space<semaphore_mem>>)
      %add3A_288 = arith.constant 800000 : i32
      %add3A_289 = arith.addi %add3A_288, %mul3A_2 : i32
      %add3A_290 = arith.constant 1600 : i32
      %add3A_291 = arith.addi %add3A_289, %add3A_290 : i32
      %dma_start3A_292 = arith.constant 27200 : i32
      %dma_start3A_293 = tpu.memref_slice %arg11[%dma_start3A_292] : memref<64000xf32, #tpu.memory_space<vmem>> -> memref<1600xf32, #tpu.memory_space<vmem>>
      %dma_start3A_294 = tpu.memref_slice %arg8[%add3A_291] : memref<2000000xf32, #tpu.memory_space<hbm>> -> memref<1600xf32, #tpu.memory_space<hbm>>
      %dma_start3A_295 = tpu.memref_slice %arg8[%add3A_291] : memref<2000000xf32, #tpu.memory_space<hbm>> -> memref<1600xf32, #tpu.memory_space<hbm>>
      %dma_start3A_296 = arith.constant 27200 : i32
      %dma_start3A_297 = tpu.memref_slice %arg11[%dma_start3A_296] : memref<64000xf32, #tpu.memory_space<vmem>> -> memref<1600xf32, #tpu.memory_space<vmem>>
      tpu.enqueue_dma source(%dma_start3A_297 : memref<1600xf32, #tpu.memory_space<vmem>>) target(%dma_start3A_295 : memref<1600xf32, #tpu.memory_space<hbm>>) target_semaphore(%arg14 : memref<!tpu.dma_semaphore, #tpu.memory_space<semaphore_mem>>)
      %add3A_298 = arith.constant 900000 : i32
      %add3A_299 = arith.addi %add3A_298, %mul3A_2 : i32
      %add3A_300 = arith.constant 1600 : i32
      %add3A_301 = arith.addi %add3A_299, %add3A_300 : i32
      %dma_start3A_302 = arith.constant 30400 : i32
      %dma_start3A_303 = tpu.memref_slice %arg11[%dma_start3A_302] : memref<64000xf32, #tpu.memory_space<vmem>> -> memref<1600xf32, #tpu.memory_space<vmem>>
      %dma_start3A_304 = tpu.memref_slice %arg8[%add3A_301] : memref<2000000xf32, #tpu.memory_space<hbm>> -> memref<1600xf32, #tpu.memory_space<hbm>>
      %dma_start3A_305 = tpu.memref_slice %arg8[%add3A_301] : memref<2000000xf32, #tpu.memory_space<hbm>> -> memref<1600xf32, #tpu.memory_space<hbm>>
      %dma_start3A_306 = arith.constant 30400 : i32
      %dma_start3A_307 = tpu.memref_slice %arg11[%dma_start3A_306] : memref<64000xf32, #tpu.memory_space<vmem>> -> memref<1600xf32, #tpu.memory_space<vmem>>
      tpu.enqueue_dma source(%dma_start3A_307 : memref<1600xf32, #tpu.memory_space<vmem>>) target(%dma_start3A_305 : memref<1600xf32, #tpu.memory_space<hbm>>) target_semaphore(%arg14 : memref<!tpu.dma_semaphore, #tpu.memory_space<semaphore_mem>>)
      %add3A_308 = arith.constant 1000000 : i32
      %add3A_309 = arith.addi %add3A_308, %mul3A_2 : i32
      %add3A_310 = arith.constant 1600 : i32
      %add3A_311 = arith.addi %add3A_309, %add3A_310 : i32
      %dma_start3A_312 = arith.constant 33600 : i32
      %dma_start3A_313 = tpu.memref_slice %arg11[%dma_start3A_312] : memref<64000xf32, #tpu.memory_space<vmem>> -> memref<1600xf32, #tpu.memory_space<vmem>>
      %dma_start3A_314 = tpu.memref_slice %arg8[%add3A_311] : memref<2000000xf32, #tpu.memory_space<hbm>> -> memref<1600xf32, #tpu.memory_space<hbm>>
      %dma_start3A_315 = tpu.memref_slice %arg8[%add3A_311] : memref<2000000xf32, #tpu.memory_space<hbm>> -> memref<1600xf32, #tpu.memory_space<hbm>>
      %dma_start3A_316 = arith.constant 33600 : i32
      %dma_start3A_317 = tpu.memref_slice %arg11[%dma_start3A_316] : memref<64000xf32, #tpu.memory_space<vmem>> -> memref<1600xf32, #tpu.memory_space<vmem>>
      tpu.enqueue_dma source(%dma_start3A_317 : memref<1600xf32, #tpu.memory_space<vmem>>) target(%dma_start3A_315 : memref<1600xf32, #tpu.memory_space<hbm>>) target_semaphore(%arg14 : memref<!tpu.dma_semaphore, #tpu.memory_space<semaphore_mem>>)
      %add3A_318 = arith.constant 1100000 : i32
      %add3A_319 = arith.addi %add3A_318, %mul3A_2 : i32
      %add3A_320 = arith.constant 1600 : i32
      %add3A_321 = arith.addi %add3A_319, %add3A_320 : i32
      %dma_start3A_322 = arith.constant 36800 : i32
      %dma_start3A_323 = tpu.memref_slice %arg11[%dma_start3A_322] : memref<64000xf32, #tpu.memory_space<vmem>> -> memref<1600xf32, #tpu.memory_space<vmem>>
      %dma_start3A_324 = tpu.memref_slice %arg8[%add3A_321] : memref<2000000xf32, #tpu.memory_space<hbm>> -> memref<1600xf32, #tpu.memory_space<hbm>>
      %dma_start3A_325 = tpu.memref_slice %arg8[%add3A_321] : memref<2000000xf32, #tpu.memory_space<hbm>> -> memref<1600xf32, #tpu.memory_space<hbm>>
      %dma_start3A_326 = arith.constant 36800 : i32
      %dma_start3A_327 = tpu.memref_slice %arg11[%dma_start3A_326] : memref<64000xf32, #tpu.memory_space<vmem>> -> memref<1600xf32, #tpu.memory_space<vmem>>
      tpu.enqueue_dma source(%dma_start3A_327 : memref<1600xf32, #tpu.memory_space<vmem>>) target(%dma_start3A_325 : memref<1600xf32, #tpu.memory_space<hbm>>) target_semaphore(%arg14 : memref<!tpu.dma_semaphore, #tpu.memory_space<semaphore_mem>>)
      %add3A_328 = arith.constant 1200000 : i32
      %add3A_329 = arith.addi %add3A_328, %mul3A_2 : i32
      %add3A_330 = arith.constant 1600 : i32
      %add3A_331 = arith.addi %add3A_329, %add3A_330 : i32
      %dma_start3A_332 = arith.constant 40000 : i32
      %dma_start3A_333 = tpu.memref_slice %arg11[%dma_start3A_332] : memref<64000xf32, #tpu.memory_space<vmem>> -> memref<1600xf32, #tpu.memory_space<vmem>>
      %dma_start3A_334 = tpu.memref_slice %arg8[%add3A_331] : memref<2000000xf32, #tpu.memory_space<hbm>> -> memref<1600xf32, #tpu.memory_space<hbm>>
      %dma_start3A_335 = tpu.memref_slice %arg8[%add3A_331] : memref<2000000xf32, #tpu.memory_space<hbm>> -> memref<1600xf32, #tpu.memory_space<hbm>>
      %dma_start3A_336 = arith.constant 40000 : i32
      %dma_start3A_337 = tpu.memref_slice %arg11[%dma_start3A_336] : memref<64000xf32, #tpu.memory_space<vmem>> -> memref<1600xf32, #tpu.memory_space<vmem>>
      tpu.enqueue_dma source(%dma_start3A_337 : memref<1600xf32, #tpu.memory_space<vmem>>) target(%dma_start3A_335 : memref<1600xf32, #tpu.memory_space<hbm>>) target_semaphore(%arg14 : memref<!tpu.dma_semaphore, #tpu.memory_space<semaphore_mem>>)
      %add3A_338 = arith.constant 1300000 : i32
      %add3A_339 = arith.addi %add3A_338, %mul3A_2 : i32
      %add3A_340 = arith.constant 1600 : i32
      %add3A_341 = arith.addi %add3A_339, %add3A_340 : i32
      %dma_start3A_342 = arith.constant 43200 : i32
      %dma_start3A_343 = tpu.memref_slice %arg11[%dma_start3A_342] : memref<64000xf32, #tpu.memory_space<vmem>> -> memref<1600xf32, #tpu.memory_space<vmem>>
      %dma_start3A_344 = tpu.memref_slice %arg8[%add3A_341] : memref<2000000xf32, #tpu.memory_space<hbm>> -> memref<1600xf32, #tpu.memory_space<hbm>>
      %dma_start3A_345 = tpu.memref_slice %arg8[%add3A_341] : memref<2000000xf32, #tpu.memory_space<hbm>> -> memref<1600xf32, #tpu.memory_space<hbm>>
      %dma_start3A_346 = arith.constant 43200 : i32
      %dma_start3A_347 = tpu.memref_slice %arg11[%dma_start3A_346] : memref<64000xf32, #tpu.memory_space<vmem>> -> memref<1600xf32, #tpu.memory_space<vmem>>
      tpu.enqueue_dma source(%dma_start3A_347 : memref<1600xf32, #tpu.memory_space<vmem>>) target(%dma_start3A_345 : memref<1600xf32, #tpu.memory_space<hbm>>) target_semaphore(%arg14 : memref<!tpu.dma_semaphore, #tpu.memory_space<semaphore_mem>>)
      %add3A_348 = arith.constant 1400000 : i32
      %add3A_349 = arith.addi %add3A_348, %mul3A_2 : i32
      %add3A_350 = arith.constant 1600 : i32
      %add3A_351 = arith.addi %add3A_349, %add3A_350 : i32
      %dma_start3A_352 = arith.constant 46400 : i32
      %dma_start3A_353 = tpu.memref_slice %arg11[%dma_start3A_352] : memref<64000xf32, #tpu.memory_space<vmem>> -> memref<1600xf32, #tpu.memory_space<vmem>>
      %dma_start3A_354 = tpu.memref_slice %arg8[%add3A_351] : memref<2000000xf32, #tpu.memory_space<hbm>> -> memref<1600xf32, #tpu.memory_space<hbm>>
      %dma_start3A_355 = tpu.memref_slice %arg8[%add3A_351] : memref<2000000xf32, #tpu.memory_space<hbm>> -> memref<1600xf32, #tpu.memory_space<hbm>>
      %dma_start3A_356 = arith.constant 46400 : i32
      %dma_start3A_357 = tpu.memref_slice %arg11[%dma_start3A_356] : memref<64000xf32, #tpu.memory_space<vmem>> -> memref<1600xf32, #tpu.memory_space<vmem>>
      tpu.enqueue_dma source(%dma_start3A_357 : memref<1600xf32, #tpu.memory_space<vmem>>) target(%dma_start3A_355 : memref<1600xf32, #tpu.memory_space<hbm>>) target_semaphore(%arg14 : memref<!tpu.dma_semaphore, #tpu.memory_space<semaphore_mem>>)
      %add3A_358 = arith.constant 1500000 : i32
      %add3A_359 = arith.addi %add3A_358, %mul3A_2 : i32
      %add3A_360 = arith.constant 1600 : i32
      %add3A_361 = arith.addi %add3A_359, %add3A_360 : i32
      %dma_start3A_362 = arith.constant 49600 : i32
      %dma_start3A_363 = tpu.memref_slice %arg11[%dma_start3A_362] : memref<64000xf32, #tpu.memory_space<vmem>> -> memref<1600xf32, #tpu.memory_space<vmem>>
      %dma_start3A_364 = tpu.memref_slice %arg8[%add3A_361] : memref<2000000xf32, #tpu.memory_space<hbm>> -> memref<1600xf32, #tpu.memory_space<hbm>>
      %dma_start3A_365 = tpu.memref_slice %arg8[%add3A_361] : memref<2000000xf32, #tpu.memory_space<hbm>> -> memref<1600xf32, #tpu.memory_space<hbm>>
      %dma_start3A_366 = arith.constant 49600 : i32
      %dma_start3A_367 = tpu.memref_slice %arg11[%dma_start3A_366] : memref<64000xf32, #tpu.memory_space<vmem>> -> memref<1600xf32, #tpu.memory_space<vmem>>
      tpu.enqueue_dma source(%dma_start3A_367 : memref<1600xf32, #tpu.memory_space<vmem>>) target(%dma_start3A_365 : memref<1600xf32, #tpu.memory_space<hbm>>) target_semaphore(%arg14 : memref<!tpu.dma_semaphore, #tpu.memory_space<semaphore_mem>>)
      %dma_wait3A_368 = arith.constant 51200 : i32
      %dma_wait3A_369 = tpu.memref_slice %arg11[%dma_wait3A_368] : memref<64000xf32, #tpu.memory_space<vmem>> -> memref<3200xf32, #tpu.memory_space<vmem>>
      %dma_wait3A_370 = tpu.memref_slice %arg3[%mul3A_2] : memref<100000xf32, #tpu.memory_space<hbm>> -> memref<3200xf32, #tpu.memory_space<hbm>>
      %dma_wait3A_371 = arith.constant 51200 : i32
      %dma_wait3A_372 = tpu.memref_slice %arg11[%dma_wait3A_371] : memref<64000xf32, #tpu.memory_space<vmem>> -> memref<3200xf32, #tpu.memory_space<vmem>>
      %dma_wait3A_373 = tpu.memref_slice %arg3[%mul3A_2] : memref<100000xf32, #tpu.memory_space<hbm>> -> memref<3200xf32, #tpu.memory_space<hbm>>
      tpu.wait_dma2 semaphore(%arg13 : memref<!tpu.dma_semaphore, #tpu.memory_space<semaphore_mem>>) src(%dma_wait3A_373 : memref<3200xf32, #tpu.memory_space<hbm>>) dst(%dma_wait3A_372 : memref<3200xf32, #tpu.memory_space<vmem>>)
      %dma_wait3A_374 = arith.constant 54400 : i32
      %dma_wait3A_375 = tpu.memref_slice %arg11[%dma_wait3A_374] : memref<64000xf32, #tpu.memory_space<vmem>> -> memref<3200xf32, #tpu.memory_space<vmem>>
      %dma_wait3A_376 = tpu.memref_slice %arg4[%mul3A_2] : memref<100000xf32, #tpu.memory_space<hbm>> -> memref<3200xf32, #tpu.memory_space<hbm>>
      %dma_wait3A_377 = arith.constant 54400 : i32
      %dma_wait3A_378 = tpu.memref_slice %arg11[%dma_wait3A_377] : memref<64000xf32, #tpu.memory_space<vmem>> -> memref<3200xf32, #tpu.memory_space<vmem>>
      %dma_wait3A_379 = tpu.memref_slice %arg4[%mul3A_2] : memref<100000xf32, #tpu.memory_space<hbm>> -> memref<3200xf32, #tpu.memory_space<hbm>>
      tpu.wait_dma2 semaphore(%arg13 : memref<!tpu.dma_semaphore, #tpu.memory_space<semaphore_mem>>) src(%dma_wait3A_379 : memref<3200xf32, #tpu.memory_space<hbm>>) dst(%dma_wait3A_378 : memref<3200xf32, #tpu.memory_space<vmem>>)
      %dma_wait3A_380 = arith.constant 57600 : i32
      %dma_wait3A_381 = tpu.memref_slice %arg11[%dma_wait3A_380] : memref<64000xf32, #tpu.memory_space<vmem>> -> memref<3200xf32, #tpu.memory_space<vmem>>
      %dma_wait3A_382 = tpu.memref_slice %arg5[%mul3A_2] : memref<100000xf32, #tpu.memory_space<hbm>> -> memref<3200xf32, #tpu.memory_space<hbm>>
      %dma_wait3A_383 = arith.constant 57600 : i32
      %dma_wait3A_384 = tpu.memref_slice %arg11[%dma_wait3A_383] : memref<64000xf32, #tpu.memory_space<vmem>> -> memref<3200xf32, #tpu.memory_space<vmem>>
      %dma_wait3A_385 = tpu.memref_slice %arg5[%mul3A_2] : memref<100000xf32, #tpu.memory_space<hbm>> -> memref<3200xf32, #tpu.memory_space<hbm>>
      tpu.wait_dma2 semaphore(%arg13 : memref<!tpu.dma_semaphore, #tpu.memory_space<semaphore_mem>>) src(%dma_wait3A_385 : memref<3200xf32, #tpu.memory_space<hbm>>) dst(%dma_wait3A_384 : memref<3200xf32, #tpu.memory_space<vmem>>)
      %dma_wait3A_386 = arith.constant 60800 : i32
      %dma_wait3A_387 = tpu.memref_slice %arg11[%dma_wait3A_386] : memref<64000xf32, #tpu.memory_space<vmem>> -> memref<3200xf32, #tpu.memory_space<vmem>>
      %dma_wait3A_388 = tpu.memref_slice %arg6[%mul3A_2] : memref<100000xf32, #tpu.memory_space<hbm>> -> memref<3200xf32, #tpu.memory_space<hbm>>
      %dma_wait3A_389 = arith.constant 60800 : i32
      %dma_wait3A_390 = tpu.memref_slice %arg11[%dma_wait3A_389] : memref<64000xf32, #tpu.memory_space<vmem>> -> memref<3200xf32, #tpu.memory_space<vmem>>
      %dma_wait3A_391 = tpu.memref_slice %arg6[%mul3A_2] : memref<100000xf32, #tpu.memory_space<hbm>> -> memref<3200xf32, #tpu.memory_space<hbm>>
      tpu.wait_dma2 semaphore(%arg13 : memref<!tpu.dma_semaphore, #tpu.memory_space<semaphore_mem>>) src(%dma_wait3A_391 : memref<3200xf32, #tpu.memory_space<hbm>>) dst(%dma_wait3A_390 : memref<3200xf32, #tpu.memory_space<vmem>>)
      %add3A_392 = arith.constant 1600000 : i32
      %add3A_393 = arith.addi %add3A_392, %mul3A_2 : i32
      %dma_start3A_394 = arith.constant 51200 : i32
      %dma_start3A_395 = tpu.memref_slice %arg11[%dma_start3A_394] : memref<64000xf32, #tpu.memory_space<vmem>> -> memref<3200xf32, #tpu.memory_space<vmem>>
      %dma_start3A_396 = tpu.memref_slice %arg8[%add3A_393] : memref<2000000xf32, #tpu.memory_space<hbm>> -> memref<3200xf32, #tpu.memory_space<hbm>>
      %dma_start3A_397 = tpu.memref_slice %arg8[%add3A_393] : memref<2000000xf32, #tpu.memory_space<hbm>> -> memref<3200xf32, #tpu.memory_space<hbm>>
      %dma_start3A_398 = arith.constant 51200 : i32
      %dma_start3A_399 = tpu.memref_slice %arg11[%dma_start3A_398] : memref<64000xf32, #tpu.memory_space<vmem>> -> memref<3200xf32, #tpu.memory_space<vmem>>
      tpu.enqueue_dma source(%dma_start3A_399 : memref<3200xf32, #tpu.memory_space<vmem>>) target(%dma_start3A_397 : memref<3200xf32, #tpu.memory_space<hbm>>) target_semaphore(%arg14 : memref<!tpu.dma_semaphore, #tpu.memory_space<semaphore_mem>>)
      %add3A_400 = arith.constant 1700000 : i32
      %add3A_401 = arith.addi %add3A_400, %mul3A_2 : i32
      %dma_start3A_402 = arith.constant 54400 : i32
      %dma_start3A_403 = tpu.memref_slice %arg11[%dma_start3A_402] : memref<64000xf32, #tpu.memory_space<vmem>> -> memref<3200xf32, #tpu.memory_space<vmem>>
      %dma_start3A_404 = tpu.memref_slice %arg8[%add3A_401] : memref<2000000xf32, #tpu.memory_space<hbm>> -> memref<3200xf32, #tpu.memory_space<hbm>>
      %dma_start3A_405 = tpu.memref_slice %arg8[%add3A_401] : memref<2000000xf32, #tpu.memory_space<hbm>> -> memref<3200xf32, #tpu.memory_space<hbm>>
      %dma_start3A_406 = arith.constant 54400 : i32
      %dma_start3A_407 = tpu.memref_slice %arg11[%dma_start3A_406] : memref<64000xf32, #tpu.memory_space<vmem>> -> memref<3200xf32, #tpu.memory_space<vmem>>
      tpu.enqueue_dma source(%dma_start3A_407 : memref<3200xf32, #tpu.memory_space<vmem>>) target(%dma_start3A_405 : memref<3200xf32, #tpu.memory_space<hbm>>) target_semaphore(%arg14 : memref<!tpu.dma_semaphore, #tpu.memory_space<semaphore_mem>>)
      %add3A_408 = arith.constant 1800000 : i32
      %add3A_409 = arith.addi %add3A_408, %mul3A_2 : i32
      %dma_start3A_410 = arith.constant 57600 : i32
      %dma_start3A_411 = tpu.memref_slice %arg11[%dma_start3A_410] : memref<64000xf32, #tpu.memory_space<vmem>> -> memref<3200xf32, #tpu.memory_space<vmem>>
      %dma_start3A_412 = tpu.memref_slice %arg8[%add3A_409] : memref<2000000xf32, #tpu.memory_space<hbm>> -> memref<3200xf32, #tpu.memory_space<hbm>>
      %dma_start3A_413 = tpu.memref_slice %arg8[%add3A_409] : memref<2000000xf32, #tpu.memory_space<hbm>> -> memref<3200xf32, #tpu.memory_space<hbm>>
      %dma_start3A_414 = arith.constant 57600 : i32
      %dma_start3A_415 = tpu.memref_slice %arg11[%dma_start3A_414] : memref<64000xf32, #tpu.memory_space<vmem>> -> memref<3200xf32, #tpu.memory_space<vmem>>
      tpu.enqueue_dma source(%dma_start3A_415 : memref<3200xf32, #tpu.memory_space<vmem>>) target(%dma_start3A_413 : memref<3200xf32, #tpu.memory_space<hbm>>) target_semaphore(%arg14 : memref<!tpu.dma_semaphore, #tpu.memory_space<semaphore_mem>>)
      %add3A_416 = arith.constant 1900000 : i32
      %add3A_417 = arith.addi %add3A_416, %mul3A_2 : i32
      %dma_start3A_418 = arith.constant 60800 : i32
      %dma_start3A_419 = tpu.memref_slice %arg11[%dma_start3A_418] : memref<64000xf32, #tpu.memory_space<vmem>> -> memref<3200xf32, #tpu.memory_space<vmem>>
      %dma_start3A_420 = tpu.memref_slice %arg8[%add3A_417] : memref<2000000xf32, #tpu.memory_space<hbm>> -> memref<3200xf32, #tpu.memory_space<hbm>>
      %dma_start3A_421 = tpu.memref_slice %arg8[%add3A_417] : memref<2000000xf32, #tpu.memory_space<hbm>> -> memref<3200xf32, #tpu.memory_space<hbm>>
      %dma_start3A_422 = arith.constant 60800 : i32
      %dma_start3A_423 = tpu.memref_slice %arg11[%dma_start3A_422] : memref<64000xf32, #tpu.memory_space<vmem>> -> memref<3200xf32, #tpu.memory_space<vmem>>
      tpu.enqueue_dma source(%dma_start3A_423 : memref<3200xf32, #tpu.memory_space<vmem>>) target(%dma_start3A_421 : memref<3200xf32, #tpu.memory_space<hbm>>) target_semaphore(%arg14 : memref<!tpu.dma_semaphore, #tpu.memory_space<semaphore_mem>>)
      %dma_wait3A_424 = arith.constant 0 : i32
      %dma_wait3A_425 = tpu.memref_slice %arg11[%dma_wait3A_424] : memref<64000xf32, #tpu.memory_space<vmem>> -> memref<1600xf32, #tpu.memory_space<vmem>>
      %dma_wait3A_426 = tpu.memref_slice %arg8[%add3A_48] : memref<2000000xf32, #tpu.memory_space<hbm>> -> memref<1600xf32, #tpu.memory_space<hbm>>
      %dma_wait3A_427 = tpu.memref_slice %arg8[%add3A_48] : memref<2000000xf32, #tpu.memory_space<hbm>> -> memref<1600xf32, #tpu.memory_space<hbm>>
      %dma_wait3A_428 = arith.constant 0 : i32
      %dma_wait3A_429 = tpu.memref_slice %arg11[%dma_wait3A_428] : memref<64000xf32, #tpu.memory_space<vmem>> -> memref<1600xf32, #tpu.memory_space<vmem>>
      tpu.wait_dma2 semaphore(%arg14 : memref<!tpu.dma_semaphore, #tpu.memory_space<semaphore_mem>>) src(%dma_wait3A_429 : memref<1600xf32, #tpu.memory_space<vmem>>) dst(%dma_wait3A_427 : memref<1600xf32, #tpu.memory_space<hbm>>)
      %dma_wait3A_430 = arith.constant 3200 : i32
      %dma_wait3A_431 = tpu.memref_slice %arg11[%dma_wait3A_430] : memref<64000xf32, #tpu.memory_space<vmem>> -> memref<1600xf32, #tpu.memory_space<vmem>>
      %dma_wait3A_432 = tpu.memref_slice %arg8[%add3A_58] : memref<2000000xf32, #tpu.memory_space<hbm>> -> memref<1600xf32, #tpu.memory_space<hbm>>
      %dma_wait3A_433 = tpu.memref_slice %arg8[%add3A_58] : memref<2000000xf32, #tpu.memory_space<hbm>> -> memref<1600xf32, #tpu.memory_space<hbm>>
      %dma_wait3A_434 = arith.constant 3200 : i32
      %dma_wait3A_435 = tpu.memref_slice %arg11[%dma_wait3A_434] : memref<64000xf32, #tpu.memory_space<vmem>> -> memref<1600xf32, #tpu.memory_space<vmem>>
      tpu.wait_dma2 semaphore(%arg14 : memref<!tpu.dma_semaphore, #tpu.memory_space<semaphore_mem>>) src(%dma_wait3A_435 : memref<1600xf32, #tpu.memory_space<vmem>>) dst(%dma_wait3A_433 : memref<1600xf32, #tpu.memory_space<hbm>>)
      %dma_wait3A_436 = arith.constant 6400 : i32
      %dma_wait3A_437 = tpu.memref_slice %arg11[%dma_wait3A_436] : memref<64000xf32, #tpu.memory_space<vmem>> -> memref<1600xf32, #tpu.memory_space<vmem>>
      %dma_wait3A_438 = tpu.memref_slice %arg8[%add3A_68] : memref<2000000xf32, #tpu.memory_space<hbm>> -> memref<1600xf32, #tpu.memory_space<hbm>>
      %dma_wait3A_439 = tpu.memref_slice %arg8[%add3A_68] : memref<2000000xf32, #tpu.memory_space<hbm>> -> memref<1600xf32, #tpu.memory_space<hbm>>
      %dma_wait3A_440 = arith.constant 6400 : i32
      %dma_wait3A_441 = tpu.memref_slice %arg11[%dma_wait3A_440] : memref<64000xf32, #tpu.memory_space<vmem>> -> memref<1600xf32, #tpu.memory_space<vmem>>
      tpu.wait_dma2 semaphore(%arg14 : memref<!tpu.dma_semaphore, #tpu.memory_space<semaphore_mem>>) src(%dma_wait3A_441 : memref<1600xf32, #tpu.memory_space<vmem>>) dst(%dma_wait3A_439 : memref<1600xf32, #tpu.memory_space<hbm>>)
      %dma_wait3A_442 = arith.constant 9600 : i32
      %dma_wait3A_443 = tpu.memref_slice %arg11[%dma_wait3A_442] : memref<64000xf32, #tpu.memory_space<vmem>> -> memref<1600xf32, #tpu.memory_space<vmem>>
      %dma_wait3A_444 = tpu.memref_slice %arg8[%add3A_78] : memref<2000000xf32, #tpu.memory_space<hbm>> -> memref<1600xf32, #tpu.memory_space<hbm>>
      %dma_wait3A_445 = tpu.memref_slice %arg8[%add3A_78] : memref<2000000xf32, #tpu.memory_space<hbm>> -> memref<1600xf32, #tpu.memory_space<hbm>>
      %dma_wait3A_446 = arith.constant 9600 : i32
      %dma_wait3A_447 = tpu.memref_slice %arg11[%dma_wait3A_446] : memref<64000xf32, #tpu.memory_space<vmem>> -> memref<1600xf32, #tpu.memory_space<vmem>>
      tpu.wait_dma2 semaphore(%arg14 : memref<!tpu.dma_semaphore, #tpu.memory_space<semaphore_mem>>) src(%dma_wait3A_447 : memref<1600xf32, #tpu.memory_space<vmem>>) dst(%dma_wait3A_445 : memref<1600xf32, #tpu.memory_space<hbm>>)
      %dma_wait3A_448 = arith.constant 12800 : i32
      %dma_wait3A_449 = tpu.memref_slice %arg11[%dma_wait3A_448] : memref<64000xf32, #tpu.memory_space<vmem>> -> memref<1600xf32, #tpu.memory_space<vmem>>
      %dma_wait3A_450 = tpu.memref_slice %arg8[%add3A_88] : memref<2000000xf32, #tpu.memory_space<hbm>> -> memref<1600xf32, #tpu.memory_space<hbm>>
      %dma_wait3A_451 = tpu.memref_slice %arg8[%add3A_88] : memref<2000000xf32, #tpu.memory_space<hbm>> -> memref<1600xf32, #tpu.memory_space<hbm>>
      %dma_wait3A_452 = arith.constant 12800 : i32
      %dma_wait3A_453 = tpu.memref_slice %arg11[%dma_wait3A_452] : memref<64000xf32, #tpu.memory_space<vmem>> -> memref<1600xf32, #tpu.memory_space<vmem>>
      tpu.wait_dma2 semaphore(%arg14 : memref<!tpu.dma_semaphore, #tpu.memory_space<semaphore_mem>>) src(%dma_wait3A_453 : memref<1600xf32, #tpu.memory_space<vmem>>) dst(%dma_wait3A_451 : memref<1600xf32, #tpu.memory_space<hbm>>)
      %dma_wait3A_454 = arith.constant 16000 : i32
      %dma_wait3A_455 = tpu.memref_slice %arg11[%dma_wait3A_454] : memref<64000xf32, #tpu.memory_space<vmem>> -> memref<1600xf32, #tpu.memory_space<vmem>>
      %dma_wait3A_456 = tpu.memref_slice %arg8[%add3A_98] : memref<2000000xf32, #tpu.memory_space<hbm>> -> memref<1600xf32, #tpu.memory_space<hbm>>
      %dma_wait3A_457 = tpu.memref_slice %arg8[%add3A_98] : memref<2000000xf32, #tpu.memory_space<hbm>> -> memref<1600xf32, #tpu.memory_space<hbm>>
      %dma_wait3A_458 = arith.constant 16000 : i32
      %dma_wait3A_459 = tpu.memref_slice %arg11[%dma_wait3A_458] : memref<64000xf32, #tpu.memory_space<vmem>> -> memref<1600xf32, #tpu.memory_space<vmem>>
      tpu.wait_dma2 semaphore(%arg14 : memref<!tpu.dma_semaphore, #tpu.memory_space<semaphore_mem>>) src(%dma_wait3A_459 : memref<1600xf32, #tpu.memory_space<vmem>>) dst(%dma_wait3A_457 : memref<1600xf32, #tpu.memory_space<hbm>>)
      %dma_wait3A_460 = arith.constant 19200 : i32
      %dma_wait3A_461 = tpu.memref_slice %arg11[%dma_wait3A_460] : memref<64000xf32, #tpu.memory_space<vmem>> -> memref<1600xf32, #tpu.memory_space<vmem>>
      %dma_wait3A_462 = tpu.memref_slice %arg8[%add3A_108] : memref<2000000xf32, #tpu.memory_space<hbm>> -> memref<1600xf32, #tpu.memory_space<hbm>>
      %dma_wait3A_463 = tpu.memref_slice %arg8[%add3A_108] : memref<2000000xf32, #tpu.memory_space<hbm>> -> memref<1600xf32, #tpu.memory_space<hbm>>
      %dma_wait3A_464 = arith.constant 19200 : i32
      %dma_wait3A_465 = tpu.memref_slice %arg11[%dma_wait3A_464] : memref<64000xf32, #tpu.memory_space<vmem>> -> memref<1600xf32, #tpu.memory_space<vmem>>
      tpu.wait_dma2 semaphore(%arg14 : memref<!tpu.dma_semaphore, #tpu.memory_space<semaphore_mem>>) src(%dma_wait3A_465 : memref<1600xf32, #tpu.memory_space<vmem>>) dst(%dma_wait3A_463 : memref<1600xf32, #tpu.memory_space<hbm>>)
      %dma_wait3A_466 = arith.constant 22400 : i32
      %dma_wait3A_467 = tpu.memref_slice %arg11[%dma_wait3A_466] : memref<64000xf32, #tpu.memory_space<vmem>> -> memref<1600xf32, #tpu.memory_space<vmem>>
      %dma_wait3A_468 = tpu.memref_slice %arg8[%add3A_118] : memref<2000000xf32, #tpu.memory_space<hbm>> -> memref<1600xf32, #tpu.memory_space<hbm>>
      %dma_wait3A_469 = tpu.memref_slice %arg8[%add3A_118] : memref<2000000xf32, #tpu.memory_space<hbm>> -> memref<1600xf32, #tpu.memory_space<hbm>>
      %dma_wait3A_470 = arith.constant 22400 : i32
      %dma_wait3A_471 = tpu.memref_slice %arg11[%dma_wait3A_470] : memref<64000xf32, #tpu.memory_space<vmem>> -> memref<1600xf32, #tpu.memory_space<vmem>>
      tpu.wait_dma2 semaphore(%arg14 : memref<!tpu.dma_semaphore, #tpu.memory_space<semaphore_mem>>) src(%dma_wait3A_471 : memref<1600xf32, #tpu.memory_space<vmem>>) dst(%dma_wait3A_469 : memref<1600xf32, #tpu.memory_space<hbm>>)
      %dma_wait3A_472 = arith.constant 25600 : i32
      %dma_wait3A_473 = tpu.memref_slice %arg11[%dma_wait3A_472] : memref<64000xf32, #tpu.memory_space<vmem>> -> memref<1600xf32, #tpu.memory_space<vmem>>
      %dma_wait3A_474 = tpu.memref_slice %arg8[%add3A_128] : memref<2000000xf32, #tpu.memory_space<hbm>> -> memref<1600xf32, #tpu.memory_space<hbm>>
      %dma_wait3A_475 = tpu.memref_slice %arg8[%add3A_128] : memref<2000000xf32, #tpu.memory_space<hbm>> -> memref<1600xf32, #tpu.memory_space<hbm>>
      %dma_wait3A_476 = arith.constant 25600 : i32
      %dma_wait3A_477 = tpu.memref_slice %arg11[%dma_wait3A_476] : memref<64000xf32, #tpu.memory_space<vmem>> -> memref<1600xf32, #tpu.memory_space<vmem>>
      tpu.wait_dma2 semaphore(%arg14 : memref<!tpu.dma_semaphore, #tpu.memory_space<semaphore_mem>>) src(%dma_wait3A_477 : memref<1600xf32, #tpu.memory_space<vmem>>) dst(%dma_wait3A_475 : memref<1600xf32, #tpu.memory_space<hbm>>)
      %dma_wait3A_478 = arith.constant 28800 : i32
      %dma_wait3A_479 = tpu.memref_slice %arg11[%dma_wait3A_478] : memref<64000xf32, #tpu.memory_space<vmem>> -> memref<1600xf32, #tpu.memory_space<vmem>>
      %dma_wait3A_480 = tpu.memref_slice %arg8[%add3A_138] : memref<2000000xf32, #tpu.memory_space<hbm>> -> memref<1600xf32, #tpu.memory_space<hbm>>
      %dma_wait3A_481 = tpu.memref_slice %arg8[%add3A_138] : memref<2000000xf32, #tpu.memory_space<hbm>> -> memref<1600xf32, #tpu.memory_space<hbm>>
      %dma_wait3A_482 = arith.constant 28800 : i32
      %dma_wait3A_483 = tpu.memref_slice %arg11[%dma_wait3A_482] : memref<64000xf32, #tpu.memory_space<vmem>> -> memref<1600xf32, #tpu.memory_space<vmem>>
      tpu.wait_dma2 semaphore(%arg14 : memref<!tpu.dma_semaphore, #tpu.memory_space<semaphore_mem>>) src(%dma_wait3A_483 : memref<1600xf32, #tpu.memory_space<vmem>>) dst(%dma_wait3A_481 : memref<1600xf32, #tpu.memory_space<hbm>>)
      %dma_wait3A_484 = arith.constant 32000 : i32
      %dma_wait3A_485 = tpu.memref_slice %arg11[%dma_wait3A_484] : memref<64000xf32, #tpu.memory_space<vmem>> -> memref<1600xf32, #tpu.memory_space<vmem>>
      %dma_wait3A_486 = tpu.memref_slice %arg8[%add3A_148] : memref<2000000xf32, #tpu.memory_space<hbm>> -> memref<1600xf32, #tpu.memory_space<hbm>>
      %dma_wait3A_487 = tpu.memref_slice %arg8[%add3A_148] : memref<2000000xf32, #tpu.memory_space<hbm>> -> memref<1600xf32, #tpu.memory_space<hbm>>
      %dma_wait3A_488 = arith.constant 32000 : i32
      %dma_wait3A_489 = tpu.memref_slice %arg11[%dma_wait3A_488] : memref<64000xf32, #tpu.memory_space<vmem>> -> memref<1600xf32, #tpu.memory_space<vmem>>
      tpu.wait_dma2 semaphore(%arg14 : memref<!tpu.dma_semaphore, #tpu.memory_space<semaphore_mem>>) src(%dma_wait3A_489 : memref<1600xf32, #tpu.memory_space<vmem>>) dst(%dma_wait3A_487 : memref<1600xf32, #tpu.memory_space<hbm>>)
      %dma_wait3A_490 = arith.constant 35200 : i32
      %dma_wait3A_491 = tpu.memref_slice %arg11[%dma_wait3A_490] : memref<64000xf32, #tpu.memory_space<vmem>> -> memref<1600xf32, #tpu.memory_space<vmem>>
      %dma_wait3A_492 = tpu.memref_slice %arg8[%add3A_158] : memref<2000000xf32, #tpu.memory_space<hbm>> -> memref<1600xf32, #tpu.memory_space<hbm>>
      %dma_wait3A_493 = tpu.memref_slice %arg8[%add3A_158] : memref<2000000xf32, #tpu.memory_space<hbm>> -> memref<1600xf32, #tpu.memory_space<hbm>>
      %dma_wait3A_494 = arith.constant 35200 : i32
      %dma_wait3A_495 = tpu.memref_slice %arg11[%dma_wait3A_494] : memref<64000xf32, #tpu.memory_space<vmem>> -> memref<1600xf32, #tpu.memory_space<vmem>>
      tpu.wait_dma2 semaphore(%arg14 : memref<!tpu.dma_semaphore, #tpu.memory_space<semaphore_mem>>) src(%dma_wait3A_495 : memref<1600xf32, #tpu.memory_space<vmem>>) dst(%dma_wait3A_493 : memref<1600xf32, #tpu.memory_space<hbm>>)
      %dma_wait3A_496 = arith.constant 38400 : i32
      %dma_wait3A_497 = tpu.memref_slice %arg11[%dma_wait3A_496] : memref<64000xf32, #tpu.memory_space<vmem>> -> memref<1600xf32, #tpu.memory_space<vmem>>
      %dma_wait3A_498 = tpu.memref_slice %arg8[%add3A_168] : memref<2000000xf32, #tpu.memory_space<hbm>> -> memref<1600xf32, #tpu.memory_space<hbm>>
      %dma_wait3A_499 = tpu.memref_slice %arg8[%add3A_168] : memref<2000000xf32, #tpu.memory_space<hbm>> -> memref<1600xf32, #tpu.memory_space<hbm>>
      %dma_wait3A_500 = arith.constant 38400 : i32
      %dma_wait3A_501 = tpu.memref_slice %arg11[%dma_wait3A_500] : memref<64000xf32, #tpu.memory_space<vmem>> -> memref<1600xf32, #tpu.memory_space<vmem>>
      tpu.wait_dma2 semaphore(%arg14 : memref<!tpu.dma_semaphore, #tpu.memory_space<semaphore_mem>>) src(%dma_wait3A_501 : memref<1600xf32, #tpu.memory_space<vmem>>) dst(%dma_wait3A_499 : memref<1600xf32, #tpu.memory_space<hbm>>)
      %dma_wait3A_502 = arith.constant 41600 : i32
      %dma_wait3A_503 = tpu.memref_slice %arg11[%dma_wait3A_502] : memref<64000xf32, #tpu.memory_space<vmem>> -> memref<1600xf32, #tpu.memory_space<vmem>>
      %dma_wait3A_504 = tpu.memref_slice %arg8[%add3A_178] : memref<2000000xf32, #tpu.memory_space<hbm>> -> memref<1600xf32, #tpu.memory_space<hbm>>
      %dma_wait3A_505 = tpu.memref_slice %arg8[%add3A_178] : memref<2000000xf32, #tpu.memory_space<hbm>> -> memref<1600xf32, #tpu.memory_space<hbm>>
      %dma_wait3A_506 = arith.constant 41600 : i32
      %dma_wait3A_507 = tpu.memref_slice %arg11[%dma_wait3A_506] : memref<64000xf32, #tpu.memory_space<vmem>> -> memref<1600xf32, #tpu.memory_space<vmem>>
      tpu.wait_dma2 semaphore(%arg14 : memref<!tpu.dma_semaphore, #tpu.memory_space<semaphore_mem>>) src(%dma_wait3A_507 : memref<1600xf32, #tpu.memory_space<vmem>>) dst(%dma_wait3A_505 : memref<1600xf32, #tpu.memory_space<hbm>>)
      %dma_wait3A_508 = arith.constant 44800 : i32
      %dma_wait3A_509 = tpu.memref_slice %arg11[%dma_wait3A_508] : memref<64000xf32, #tpu.memory_space<vmem>> -> memref<1600xf32, #tpu.memory_space<vmem>>
      %dma_wait3A_510 = tpu.memref_slice %arg8[%add3A_188] : memref<2000000xf32, #tpu.memory_space<hbm>> -> memref<1600xf32, #tpu.memory_space<hbm>>
      %dma_wait3A_511 = tpu.memref_slice %arg8[%add3A_188] : memref<2000000xf32, #tpu.memory_space<hbm>> -> memref<1600xf32, #tpu.memory_space<hbm>>
      %dma_wait3A_512 = arith.constant 44800 : i32
      %dma_wait3A_513 = tpu.memref_slice %arg11[%dma_wait3A_512] : memref<64000xf32, #tpu.memory_space<vmem>> -> memref<1600xf32, #tpu.memory_space<vmem>>
      tpu.wait_dma2 semaphore(%arg14 : memref<!tpu.dma_semaphore, #tpu.memory_space<semaphore_mem>>) src(%dma_wait3A_513 : memref<1600xf32, #tpu.memory_space<vmem>>) dst(%dma_wait3A_511 : memref<1600xf32, #tpu.memory_space<hbm>>)
      %dma_wait3A_514 = arith.constant 48000 : i32
      %dma_wait3A_515 = tpu.memref_slice %arg11[%dma_wait3A_514] : memref<64000xf32, #tpu.memory_space<vmem>> -> memref<1600xf32, #tpu.memory_space<vmem>>
      %dma_wait3A_516 = tpu.memref_slice %arg8[%add3A_198] : memref<2000000xf32, #tpu.memory_space<hbm>> -> memref<1600xf32, #tpu.memory_space<hbm>>
      %dma_wait3A_517 = tpu.memref_slice %arg8[%add3A_198] : memref<2000000xf32, #tpu.memory_space<hbm>> -> memref<1600xf32, #tpu.memory_space<hbm>>
      %dma_wait3A_518 = arith.constant 48000 : i32
      %dma_wait3A_519 = tpu.memref_slice %arg11[%dma_wait3A_518] : memref<64000xf32, #tpu.memory_space<vmem>> -> memref<1600xf32, #tpu.memory_space<vmem>>
      tpu.wait_dma2 semaphore(%arg14 : memref<!tpu.dma_semaphore, #tpu.memory_space<semaphore_mem>>) src(%dma_wait3A_519 : memref<1600xf32, #tpu.memory_space<vmem>>) dst(%dma_wait3A_517 : memref<1600xf32, #tpu.memory_space<hbm>>)
      %dma_wait3A_520 = arith.constant 1600 : i32
      %dma_wait3A_521 = tpu.memref_slice %arg11[%dma_wait3A_520] : memref<64000xf32, #tpu.memory_space<vmem>> -> memref<1600xf32, #tpu.memory_space<vmem>>
      %dma_wait3A_522 = tpu.memref_slice %arg8[%add3A_211] : memref<2000000xf32, #tpu.memory_space<hbm>> -> memref<1600xf32, #tpu.memory_space<hbm>>
      %dma_wait3A_523 = tpu.memref_slice %arg8[%add3A_211] : memref<2000000xf32, #tpu.memory_space<hbm>> -> memref<1600xf32, #tpu.memory_space<hbm>>
      %dma_wait3A_524 = arith.constant 1600 : i32
      %dma_wait3A_525 = tpu.memref_slice %arg11[%dma_wait3A_524] : memref<64000xf32, #tpu.memory_space<vmem>> -> memref<1600xf32, #tpu.memory_space<vmem>>
      tpu.wait_dma2 semaphore(%arg14 : memref<!tpu.dma_semaphore, #tpu.memory_space<semaphore_mem>>) src(%dma_wait3A_525 : memref<1600xf32, #tpu.memory_space<vmem>>) dst(%dma_wait3A_523 : memref<1600xf32, #tpu.memory_space<hbm>>)
      %dma_wait3A_526 = arith.constant 4800 : i32
      %dma_wait3A_527 = tpu.memref_slice %arg11[%dma_wait3A_526] : memref<64000xf32, #tpu.memory_space<vmem>> -> memref<1600xf32, #tpu.memory_space<vmem>>
      %dma_wait3A_528 = tpu.memref_slice %arg8[%add3A_221] : memref<2000000xf32, #tpu.memory_space<hbm>> -> memref<1600xf32, #tpu.memory_space<hbm>>
      %dma_wait3A_529 = tpu.memref_slice %arg8[%add3A_221] : memref<2000000xf32, #tpu.memory_space<hbm>> -> memref<1600xf32, #tpu.memory_space<hbm>>
      %dma_wait3A_530 = arith.constant 4800 : i32
      %dma_wait3A_531 = tpu.memref_slice %arg11[%dma_wait3A_530] : memref<64000xf32, #tpu.memory_space<vmem>> -> memref<1600xf32, #tpu.memory_space<vmem>>
      tpu.wait_dma2 semaphore(%arg14 : memref<!tpu.dma_semaphore, #tpu.memory_space<semaphore_mem>>) src(%dma_wait3A_531 : memref<1600xf32, #tpu.memory_space<vmem>>) dst(%dma_wait3A_529 : memref<1600xf32, #tpu.memory_space<hbm>>)
      %dma_wait3A_532 = arith.constant 8000 : i32
      %dma_wait3A_533 = tpu.memref_slice %arg11[%dma_wait3A_532] : memref<64000xf32, #tpu.memory_space<vmem>> -> memref<1600xf32, #tpu.memory_space<vmem>>
      %dma_wait3A_534 = tpu.memref_slice %arg8[%add3A_231] : memref<2000000xf32, #tpu.memory_space<hbm>> -> memref<1600xf32, #tpu.memory_space<hbm>>
      %dma_wait3A_535 = tpu.memref_slice %arg8[%add3A_231] : memref<2000000xf32, #tpu.memory_space<hbm>> -> memref<1600xf32, #tpu.memory_space<hbm>>
      %dma_wait3A_536 = arith.constant 8000 : i32
      %dma_wait3A_537 = tpu.memref_slice %arg11[%dma_wait3A_536] : memref<64000xf32, #tpu.memory_space<vmem>> -> memref<1600xf32, #tpu.memory_space<vmem>>
      tpu.wait_dma2 semaphore(%arg14 : memref<!tpu.dma_semaphore, #tpu.memory_space<semaphore_mem>>) src(%dma_wait3A_537 : memref<1600xf32, #tpu.memory_space<vmem>>) dst(%dma_wait3A_535 : memref<1600xf32, #tpu.memory_space<hbm>>)
      %dma_wait3A_538 = arith.constant 11200 : i32
      %dma_wait3A_539 = tpu.memref_slice %arg11[%dma_wait3A_538] : memref<64000xf32, #tpu.memory_space<vmem>> -> memref<1600xf32, #tpu.memory_space<vmem>>
      %dma_wait3A_540 = tpu.memref_slice %arg8[%add3A_241] : memref<2000000xf32, #tpu.memory_space<hbm>> -> memref<1600xf32, #tpu.memory_space<hbm>>
      %dma_wait3A_541 = tpu.memref_slice %arg8[%add3A_241] : memref<2000000xf32, #tpu.memory_space<hbm>> -> memref<1600xf32, #tpu.memory_space<hbm>>
      %dma_wait3A_542 = arith.constant 11200 : i32
      %dma_wait3A_543 = tpu.memref_slice %arg11[%dma_wait3A_542] : memref<64000xf32, #tpu.memory_space<vmem>> -> memref<1600xf32, #tpu.memory_space<vmem>>
      tpu.wait_dma2 semaphore(%arg14 : memref<!tpu.dma_semaphore, #tpu.memory_space<semaphore_mem>>) src(%dma_wait3A_543 : memref<1600xf32, #tpu.memory_space<vmem>>) dst(%dma_wait3A_541 : memref<1600xf32, #tpu.memory_space<hbm>>)
      %dma_wait3A_544 = arith.constant 14400 : i32
      %dma_wait3A_545 = tpu.memref_slice %arg11[%dma_wait3A_544] : memref<64000xf32, #tpu.memory_space<vmem>> -> memref<1600xf32, #tpu.memory_space<vmem>>
      %dma_wait3A_546 = tpu.memref_slice %arg8[%add3A_251] : memref<2000000xf32, #tpu.memory_space<hbm>> -> memref<1600xf32, #tpu.memory_space<hbm>>
      %dma_wait3A_547 = tpu.memref_slice %arg8[%add3A_251] : memref<2000000xf32, #tpu.memory_space<hbm>> -> memref<1600xf32, #tpu.memory_space<hbm>>
      %dma_wait3A_548 = arith.constant 14400 : i32
      %dma_wait3A_549 = tpu.memref_slice %arg11[%dma_wait3A_548] : memref<64000xf32, #tpu.memory_space<vmem>> -> memref<1600xf32, #tpu.memory_space<vmem>>
      tpu.wait_dma2 semaphore(%arg14 : memref<!tpu.dma_semaphore, #tpu.memory_space<semaphore_mem>>) src(%dma_wait3A_549 : memref<1600xf32, #tpu.memory_space<vmem>>) dst(%dma_wait3A_547 : memref<1600xf32, #tpu.memory_space<hbm>>)
      %dma_wait3A_550 = arith.constant 17600 : i32
      %dma_wait3A_551 = tpu.memref_slice %arg11[%dma_wait3A_550] : memref<64000xf32, #tpu.memory_space<vmem>> -> memref<1600xf32, #tpu.memory_space<vmem>>
      %dma_wait3A_552 = tpu.memref_slice %arg8[%add3A_261] : memref<2000000xf32, #tpu.memory_space<hbm>> -> memref<1600xf32, #tpu.memory_space<hbm>>
      %dma_wait3A_553 = tpu.memref_slice %arg8[%add3A_261] : memref<2000000xf32, #tpu.memory_space<hbm>> -> memref<1600xf32, #tpu.memory_space<hbm>>
      %dma_wait3A_554 = arith.constant 17600 : i32
      %dma_wait3A_555 = tpu.memref_slice %arg11[%dma_wait3A_554] : memref<64000xf32, #tpu.memory_space<vmem>> -> memref<1600xf32, #tpu.memory_space<vmem>>
      tpu.wait_dma2 semaphore(%arg14 : memref<!tpu.dma_semaphore, #tpu.memory_space<semaphore_mem>>) src(%dma_wait3A_555 : memref<1600xf32, #tpu.memory_space<vmem>>) dst(%dma_wait3A_553 : memref<1600xf32, #tpu.memory_space<hbm>>)
      %dma_wait3A_556 = arith.constant 20800 : i32
      %dma_wait3A_557 = tpu.memref_slice %arg11[%dma_wait3A_556] : memref<64000xf32, #tpu.memory_space<vmem>> -> memref<1600xf32, #tpu.memory_space<vmem>>
      %dma_wait3A_558 = tpu.memref_slice %arg8[%add3A_271] : memref<2000000xf32, #tpu.memory_space<hbm>> -> memref<1600xf32, #tpu.memory_space<hbm>>
      %dma_wait3A_559 = tpu.memref_slice %arg8[%add3A_271] : memref<2000000xf32, #tpu.memory_space<hbm>> -> memref<1600xf32, #tpu.memory_space<hbm>>
      %dma_wait3A_560 = arith.constant 20800 : i32
      %dma_wait3A_561 = tpu.memref_slice %arg11[%dma_wait3A_560] : memref<64000xf32, #tpu.memory_space<vmem>> -> memref<1600xf32, #tpu.memory_space<vmem>>
      tpu.wait_dma2 semaphore(%arg14 : memref<!tpu.dma_semaphore, #tpu.memory_space<semaphore_mem>>) src(%dma_wait3A_561 : memref<1600xf32, #tpu.memory_space<vmem>>) dst(%dma_wait3A_559 : memref<1600xf32, #tpu.memory_space<hbm>>)
      %dma_wait3A_562 = arith.constant 24000 : i32
      %dma_wait3A_563 = tpu.memref_slice %arg11[%dma_wait3A_562] : memref<64000xf32, #tpu.memory_space<vmem>> -> memref<1600xf32, #tpu.memory_space<vmem>>
      %dma_wait3A_564 = tpu.memref_slice %arg8[%add3A_281] : memref<2000000xf32, #tpu.memory_space<hbm>> -> memref<1600xf32, #tpu.memory_space<hbm>>
      %dma_wait3A_565 = tpu.memref_slice %arg8[%add3A_281] : memref<2000000xf32, #tpu.memory_space<hbm>> -> memref<1600xf32, #tpu.memory_space<hbm>>
      %dma_wait3A_566 = arith.constant 24000 : i32
      %dma_wait3A_567 = tpu.memref_slice %arg11[%dma_wait3A_566] : memref<64000xf32, #tpu.memory_space<vmem>> -> memref<1600xf32, #tpu.memory_space<vmem>>
      tpu.wait_dma2 semaphore(%arg14 : memref<!tpu.dma_semaphore, #tpu.memory_space<semaphore_mem>>) src(%dma_wait3A_567 : memref<1600xf32, #tpu.memory_space<vmem>>) dst(%dma_wait3A_565 : memref<1600xf32, #tpu.memory_space<hbm>>)
      %dma_wait3A_568 = arith.constant 27200 : i32
      %dma_wait3A_569 = tpu.memref_slice %arg11[%dma_wait3A_568] : memref<64000xf32, #tpu.memory_space<vmem>> -> memref<1600xf32, #tpu.memory_space<vmem>>
      %dma_wait3A_570 = tpu.memref_slice %arg8[%add3A_291] : memref<2000000xf32, #tpu.memory_space<hbm>> -> memref<1600xf32, #tpu.memory_space<hbm>>
      %dma_wait3A_571 = tpu.memref_slice %arg8[%add3A_291] : memref<2000000xf32, #tpu.memory_space<hbm>> -> memref<1600xf32, #tpu.memory_space<hbm>>
      %dma_wait3A_572 = arith.constant 27200 : i32
      %dma_wait3A_573 = tpu.memref_slice %arg11[%dma_wait3A_572] : memref<64000xf32, #tpu.memory_space<vmem>> -> memref<1600xf32, #tpu.memory_space<vmem>>
      tpu.wait_dma2 semaphore(%arg14 : memref<!tpu.dma_semaphore, #tpu.memory_space<semaphore_mem>>) src(%dma_wait3A_573 : memref<1600xf32, #tpu.memory_space<vmem>>) dst(%dma_wait3A_571 : memref<1600xf32, #tpu.memory_space<hbm>>)
      %dma_wait3A_574 = arith.constant 30400 : i32
      %dma_wait3A_575 = tpu.memref_slice %arg11[%dma_wait3A_574] : memref<64000xf32, #tpu.memory_space<vmem>> -> memref<1600xf32, #tpu.memory_space<vmem>>
      %dma_wait3A_576 = tpu.memref_slice %arg8[%add3A_301] : memref<2000000xf32, #tpu.memory_space<hbm>> -> memref<1600xf32, #tpu.memory_space<hbm>>
      %dma_wait3A_577 = tpu.memref_slice %arg8[%add3A_301] : memref<2000000xf32, #tpu.memory_space<hbm>> -> memref<1600xf32, #tpu.memory_space<hbm>>
      %dma_wait3A_578 = arith.constant 30400 : i32
      %dma_wait3A_579 = tpu.memref_slice %arg11[%dma_wait3A_578] : memref<64000xf32, #tpu.memory_space<vmem>> -> memref<1600xf32, #tpu.memory_space<vmem>>
      tpu.wait_dma2 semaphore(%arg14 : memref<!tpu.dma_semaphore, #tpu.memory_space<semaphore_mem>>) src(%dma_wait3A_579 : memref<1600xf32, #tpu.memory_space<vmem>>) dst(%dma_wait3A_577 : memref<1600xf32, #tpu.memory_space<hbm>>)
      %dma_wait3A_580 = arith.constant 33600 : i32
      %dma_wait3A_581 = tpu.memref_slice %arg11[%dma_wait3A_580] : memref<64000xf32, #tpu.memory_space<vmem>> -> memref<1600xf32, #tpu.memory_space<vmem>>
      %dma_wait3A_582 = tpu.memref_slice %arg8[%add3A_311] : memref<2000000xf32, #tpu.memory_space<hbm>> -> memref<1600xf32, #tpu.memory_space<hbm>>
      %dma_wait3A_583 = tpu.memref_slice %arg8[%add3A_311] : memref<2000000xf32, #tpu.memory_space<hbm>> -> memref<1600xf32, #tpu.memory_space<hbm>>
      %dma_wait3A_584 = arith.constant 33600 : i32
      %dma_wait3A_585 = tpu.memref_slice %arg11[%dma_wait3A_584] : memref<64000xf32, #tpu.memory_space<vmem>> -> memref<1600xf32, #tpu.memory_space<vmem>>
      tpu.wait_dma2 semaphore(%arg14 : memref<!tpu.dma_semaphore, #tpu.memory_space<semaphore_mem>>) src(%dma_wait3A_585 : memref<1600xf32, #tpu.memory_space<vmem>>) dst(%dma_wait3A_583 : memref<1600xf32, #tpu.memory_space<hbm>>)
      %dma_wait3A_586 = arith.constant 36800 : i32
      %dma_wait3A_587 = tpu.memref_slice %arg11[%dma_wait3A_586] : memref<64000xf32, #tpu.memory_space<vmem>> -> memref<1600xf32, #tpu.memory_space<vmem>>
      %dma_wait3A_588 = tpu.memref_slice %arg8[%add3A_321] : memref<2000000xf32, #tpu.memory_space<hbm>> -> memref<1600xf32, #tpu.memory_space<hbm>>
      %dma_wait3A_589 = tpu.memref_slice %arg8[%add3A_321] : memref<2000000xf32, #tpu.memory_space<hbm>> -> memref<1600xf32, #tpu.memory_space<hbm>>
      %dma_wait3A_590 = arith.constant 36800 : i32
      %dma_wait3A_591 = tpu.memref_slice %arg11[%dma_wait3A_590] : memref<64000xf32, #tpu.memory_space<vmem>> -> memref<1600xf32, #tpu.memory_space<vmem>>
      tpu.wait_dma2 semaphore(%arg14 : memref<!tpu.dma_semaphore, #tpu.memory_space<semaphore_mem>>) src(%dma_wait3A_591 : memref<1600xf32, #tpu.memory_space<vmem>>) dst(%dma_wait3A_589 : memref<1600xf32, #tpu.memory_space<hbm>>)
      %dma_wait3A_592 = arith.constant 40000 : i32
      %dma_wait3A_593 = tpu.memref_slice %arg11[%dma_wait3A_592] : memref<64000xf32, #tpu.memory_space<vmem>> -> memref<1600xf32, #tpu.memory_space<vmem>>
      %dma_wait3A_594 = tpu.memref_slice %arg8[%add3A_331] : memref<2000000xf32, #tpu.memory_space<hbm>> -> memref<1600xf32, #tpu.memory_space<hbm>>
      %dma_wait3A_595 = tpu.memref_slice %arg8[%add3A_331] : memref<2000000xf32, #tpu.memory_space<hbm>> -> memref<1600xf32, #tpu.memory_space<hbm>>
      %dma_wait3A_596 = arith.constant 40000 : i32
      %dma_wait3A_597 = tpu.memref_slice %arg11[%dma_wait3A_596] : memref<64000xf32, #tpu.memory_space<vmem>> -> memref<1600xf32, #tpu.memory_space<vmem>>
      tpu.wait_dma2 semaphore(%arg14 : memref<!tpu.dma_semaphore, #tpu.memory_space<semaphore_mem>>) src(%dma_wait3A_597 : memref<1600xf32, #tpu.memory_space<vmem>>) dst(%dma_wait3A_595 : memref<1600xf32, #tpu.memory_space<hbm>>)
      %dma_wait3A_598 = arith.constant 43200 : i32
      %dma_wait3A_599 = tpu.memref_slice %arg11[%dma_wait3A_598] : memref<64000xf32, #tpu.memory_space<vmem>> -> memref<1600xf32, #tpu.memory_space<vmem>>
      %dma_wait3A_600 = tpu.memref_slice %arg8[%add3A_341] : memref<2000000xf32, #tpu.memory_space<hbm>> -> memref<1600xf32, #tpu.memory_space<hbm>>
      %dma_wait3A_601 = tpu.memref_slice %arg8[%add3A_341] : memref<2000000xf32, #tpu.memory_space<hbm>> -> memref<1600xf32, #tpu.memory_space<hbm>>
      %dma_wait3A_602 = arith.constant 43200 : i32
      %dma_wait3A_603 = tpu.memref_slice %arg11[%dma_wait3A_602] : memref<64000xf32, #tpu.memory_space<vmem>> -> memref<1600xf32, #tpu.memory_space<vmem>>
      tpu.wait_dma2 semaphore(%arg14 : memref<!tpu.dma_semaphore, #tpu.memory_space<semaphore_mem>>) src(%dma_wait3A_603 : memref<1600xf32, #tpu.memory_space<vmem>>) dst(%dma_wait3A_601 : memref<1600xf32, #tpu.memory_space<hbm>>)
      %dma_wait3A_604 = arith.constant 46400 : i32
      %dma_wait3A_605 = tpu.memref_slice %arg11[%dma_wait3A_604] : memref<64000xf32, #tpu.memory_space<vmem>> -> memref<1600xf32, #tpu.memory_space<vmem>>
      %dma_wait3A_606 = tpu.memref_slice %arg8[%add3A_351] : memref<2000000xf32, #tpu.memory_space<hbm>> -> memref<1600xf32, #tpu.memory_space<hbm>>
      %dma_wait3A_607 = tpu.memref_slice %arg8[%add3A_351] : memref<2000000xf32, #tpu.memory_space<hbm>> -> memref<1600xf32, #tpu.memory_space<hbm>>
      %dma_wait3A_608 = arith.constant 46400 : i32
      %dma_wait3A_609 = tpu.memref_slice %arg11[%dma_wait3A_608] : memref<64000xf32, #tpu.memory_space<vmem>> -> memref<1600xf32, #tpu.memory_space<vmem>>
      tpu.wait_dma2 semaphore(%arg14 : memref<!tpu.dma_semaphore, #tpu.memory_space<semaphore_mem>>) src(%dma_wait3A_609 : memref<1600xf32, #tpu.memory_space<vmem>>) dst(%dma_wait3A_607 : memref<1600xf32, #tpu.memory_space<hbm>>)
      %dma_wait3A_610 = arith.constant 49600 : i32
      %dma_wait3A_611 = tpu.memref_slice %arg11[%dma_wait3A_610] : memref<64000xf32, #tpu.memory_space<vmem>> -> memref<1600xf32, #tpu.memory_space<vmem>>
      %dma_wait3A_612 = tpu.memref_slice %arg8[%add3A_361] : memref<2000000xf32, #tpu.memory_space<hbm>> -> memref<1600xf32, #tpu.memory_space<hbm>>
      %dma_wait3A_613 = tpu.memref_slice %arg8[%add3A_361] : memref<2000000xf32, #tpu.memory_space<hbm>> -> memref<1600xf32, #tpu.memory_space<hbm>>
      %dma_wait3A_614 = arith.constant 49600 : i32
      %dma_wait3A_615 = tpu.memref_slice %arg11[%dma_wait3A_614] : memref<64000xf32, #tpu.memory_space<vmem>> -> memref<1600xf32, #tpu.memory_space<vmem>>
      tpu.wait_dma2 semaphore(%arg14 : memref<!tpu.dma_semaphore, #tpu.memory_space<semaphore_mem>>) src(%dma_wait3A_615 : memref<1600xf32, #tpu.memory_space<vmem>>) dst(%dma_wait3A_613 : memref<1600xf32, #tpu.memory_space<hbm>>)
      %dma_wait3A_616 = arith.constant 51200 : i32
      %dma_wait3A_617 = tpu.memref_slice %arg11[%dma_wait3A_616] : memref<64000xf32, #tpu.memory_space<vmem>> -> memref<3200xf32, #tpu.memory_space<vmem>>
      %dma_wait3A_618 = tpu.memref_slice %arg8[%add3A_393] : memref<2000000xf32, #tpu.memory_space<hbm>> -> memref<3200xf32, #tpu.memory_space<hbm>>
      %dma_wait3A_619 = tpu.memref_slice %arg8[%add3A_393] : memref<2000000xf32, #tpu.memory_space<hbm>> -> memref<3200xf32, #tpu.memory_space<hbm>>
      %dma_wait3A_620 = arith.constant 51200 : i32
      %dma_wait3A_621 = tpu.memref_slice %arg11[%dma_wait3A_620] : memref<64000xf32, #tpu.memory_space<vmem>> -> memref<3200xf32, #tpu.memory_space<vmem>>
      tpu.wait_dma2 semaphore(%arg14 : memref<!tpu.dma_semaphore, #tpu.memory_space<semaphore_mem>>) src(%dma_wait3A_621 : memref<3200xf32, #tpu.memory_space<vmem>>) dst(%dma_wait3A_619 : memref<3200xf32, #tpu.memory_space<hbm>>)
      %dma_wait3A_622 = arith.constant 54400 : i32
      %dma_wait3A_623 = tpu.memref_slice %arg11[%dma_wait3A_622] : memref<64000xf32, #tpu.memory_space<vmem>> -> memref<3200xf32, #tpu.memory_space<vmem>>
      %dma_wait3A_624 = tpu.memref_slice %arg8[%add3A_401] : memref<2000000xf32, #tpu.memory_space<hbm>> -> memref<3200xf32, #tpu.memory_space<hbm>>
      %dma_wait3A_625 = tpu.memref_slice %arg8[%add3A_401] : memref<2000000xf32, #tpu.memory_space<hbm>> -> memref<3200xf32, #tpu.memory_space<hbm>>
      %dma_wait3A_626 = arith.constant 54400 : i32
      %dma_wait3A_627 = tpu.memref_slice %arg11[%dma_wait3A_626] : memref<64000xf32, #tpu.memory_space<vmem>> -> memref<3200xf32, #tpu.memory_space<vmem>>
      tpu.wait_dma2 semaphore(%arg14 : memref<!tpu.dma_semaphore, #tpu.memory_space<semaphore_mem>>) src(%dma_wait3A_627 : memref<3200xf32, #tpu.memory_space<vmem>>) dst(%dma_wait3A_625 : memref<3200xf32, #tpu.memory_space<hbm>>)
      %dma_wait3A_628 = arith.constant 57600 : i32
      %dma_wait3A_629 = tpu.memref_slice %arg11[%dma_wait3A_628] : memref<64000xf32, #tpu.memory_space<vmem>> -> memref<3200xf32, #tpu.memory_space<vmem>>
      %dma_wait3A_630 = tpu.memref_slice %arg8[%add3A_409] : memref<2000000xf32, #tpu.memory_space<hbm>> -> memref<3200xf32, #tpu.memory_space<hbm>>
      %dma_wait3A_631 = tpu.memref_slice %arg8[%add3A_409] : memref<2000000xf32, #tpu.memory_space<hbm>> -> memref<3200xf32, #tpu.memory_space<hbm>>
      %dma_wait3A_632 = arith.constant 57600 : i32
      %dma_wait3A_633 = tpu.memref_slice %arg11[%dma_wait3A_632] : memref<64000xf32, #tpu.memory_space<vmem>> -> memref<3200xf32, #tpu.memory_space<vmem>>
      tpu.wait_dma2 semaphore(%arg14 : memref<!tpu.dma_semaphore, #tpu.memory_space<semaphore_mem>>) src(%dma_wait3A_633 : memref<3200xf32, #tpu.memory_space<vmem>>) dst(%dma_wait3A_631 : memref<3200xf32, #tpu.memory_space<hbm>>)
      %dma_wait3A_634 = arith.constant 60800 : i32
      %dma_wait3A_635 = tpu.memref_slice %arg11[%dma_wait3A_634] : memref<64000xf32, #tpu.memory_space<vmem>> -> memref<3200xf32, #tpu.memory_space<vmem>>
      %dma_wait3A_636 = tpu.memref_slice %arg8[%add3A_417] : memref<2000000xf32, #tpu.memory_space<hbm>> -> memref<3200xf32, #tpu.memory_space<hbm>>
      %dma_wait3A_637 = tpu.memref_slice %arg8[%add3A_417] : memref<2000000xf32, #tpu.memory_space<hbm>> -> memref<3200xf32, #tpu.memory_space<hbm>>
      %dma_wait3A_638 = arith.constant 60800 : i32
      %dma_wait3A_639 = tpu.memref_slice %arg11[%dma_wait3A_638] : memref<64000xf32, #tpu.memory_space<vmem>> -> memref<3200xf32, #tpu.memory_space<vmem>>
      tpu.wait_dma2 semaphore(%arg14 : memref<!tpu.dma_semaphore, #tpu.memory_space<semaphore_mem>>) src(%dma_wait3A_639 : memref<3200xf32, #tpu.memory_space<vmem>>) dst(%dma_wait3A_637 : memref<3200xf32, #tpu.memory_space<hbm>>)
    } else {
    }
    %convert_element_type3A_6 = arith.extui %eq3A_3 : i1 to i32
    %cond3A_7 = arith.constant 0 : i32
    %cond3A_8 = arith.cmpi ne, %convert_element_type3A_6, %cond3A_7 : i32
    scf.if %cond3A_8 {
      tpu.enqueue_dma source(%arg7 : memref<2048xf32, #tpu.memory_space<hbm>>) target(%arg9 : memref<2048xf32, #tpu.memory_space<vmem>>) target_semaphore(%arg12 : memref<!tpu.dma_semaphore, #tpu.memory_space<semaphore_mem>>)
      %dma_start3A = arith.constant 0 : i32
      %dma_start3A_9 = tpu.memref_slice %arg10[%dma_start3A] : memref<3200xi32, #tpu.memory_space<vmem>> -> memref<800xi32, #tpu.memory_space<vmem>>
      %dma_start3A_10 = tpu.memref_slice %arg2[%mul3A_2] : memref<100000xi32, #tpu.memory_space<hbm>> -> memref<800xi32, #tpu.memory_space<hbm>>
      %dma_start3A_11 = arith.constant 0 : i32
      %dma_start3A_12 = tpu.memref_slice %arg10[%dma_start3A_11] : memref<3200xi32, #tpu.memory_space<vmem>> -> memref<800xi32, #tpu.memory_space<vmem>>
      %dma_start3A_13 = tpu.memref_slice %arg2[%mul3A_2] : memref<100000xi32, #tpu.memory_space<hbm>> -> memref<800xi32, #tpu.memory_space<hbm>>
      tpu.enqueue_dma source(%dma_start3A_13 : memref<800xi32, #tpu.memory_space<hbm>>) target(%dma_start3A_12 : memref<800xi32, #tpu.memory_space<vmem>>) target_semaphore(%arg12 : memref<!tpu.dma_semaphore, #tpu.memory_space<semaphore_mem>>)
      %dma_start3A_14 = arith.constant 51200 : i32
      %dma_start3A_15 = tpu.memref_slice %arg11[%dma_start3A_14] : memref<64000xf32, #tpu.memory_space<vmem>> -> memref<800xf32, #tpu.memory_space<vmem>>
      %dma_start3A_16 = tpu.memref_slice %arg3[%mul3A_2] : memref<100000xf32, #tpu.memory_space<hbm>> -> memref<800xf32, #tpu.memory_space<hbm>>
      %dma_start3A_17 = arith.constant 51200 : i32
      %dma_start3A_18 = tpu.memref_slice %arg11[%dma_start3A_17] : memref<64000xf32, #tpu.memory_space<vmem>> -> memref<800xf32, #tpu.memory_space<vmem>>
      %dma_start3A_19 = tpu.memref_slice %arg3[%mul3A_2] : memref<100000xf32, #tpu.memory_space<hbm>> -> memref<800xf32, #tpu.memory_space<hbm>>
      tpu.enqueue_dma source(%dma_start3A_19 : memref<800xf32, #tpu.memory_space<hbm>>) target(%dma_start3A_18 : memref<800xf32, #tpu.memory_space<vmem>>) target_semaphore(%arg13 : memref<!tpu.dma_semaphore, #tpu.memory_space<semaphore_mem>>)
      %dma_start3A_20 = arith.constant 54400 : i32
      %dma_start3A_21 = tpu.memref_slice %arg11[%dma_start3A_20] : memref<64000xf32, #tpu.memory_space<vmem>> -> memref<800xf32, #tpu.memory_space<vmem>>
      %dma_start3A_22 = tpu.memref_slice %arg4[%mul3A_2] : memref<100000xf32, #tpu.memory_space<hbm>> -> memref<800xf32, #tpu.memory_space<hbm>>
      %dma_start3A_23 = arith.constant 54400 : i32
      %dma_start3A_24 = tpu.memref_slice %arg11[%dma_start3A_23] : memref<64000xf32, #tpu.memory_space<vmem>> -> memref<800xf32, #tpu.memory_space<vmem>>
      %dma_start3A_25 = tpu.memref_slice %arg4[%mul3A_2] : memref<100000xf32, #tpu.memory_space<hbm>> -> memref<800xf32, #tpu.memory_space<hbm>>
      tpu.enqueue_dma source(%dma_start3A_25 : memref<800xf32, #tpu.memory_space<hbm>>) target(%dma_start3A_24 : memref<800xf32, #tpu.memory_space<vmem>>) target_semaphore(%arg13 : memref<!tpu.dma_semaphore, #tpu.memory_space<semaphore_mem>>)
      %dma_start3A_26 = arith.constant 57600 : i32
      %dma_start3A_27 = tpu.memref_slice %arg11[%dma_start3A_26] : memref<64000xf32, #tpu.memory_space<vmem>> -> memref<800xf32, #tpu.memory_space<vmem>>
      %dma_start3A_28 = tpu.memref_slice %arg5[%mul3A_2] : memref<100000xf32, #tpu.memory_space<hbm>> -> memref<800xf32, #tpu.memory_space<hbm>>
      %dma_start3A_29 = arith.constant 57600 : i32
      %dma_start3A_30 = tpu.memref_slice %arg11[%dma_start3A_29] : memref<64000xf32, #tpu.memory_space<vmem>> -> memref<800xf32, #tpu.memory_space<vmem>>
      %dma_start3A_31 = tpu.memref_slice %arg5[%mul3A_2] : memref<100000xf32, #tpu.memory_space<hbm>> -> memref<800xf32, #tpu.memory_space<hbm>>
      tpu.enqueue_dma source(%dma_start3A_31 : memref<800xf32, #tpu.memory_space<hbm>>) target(%dma_start3A_30 : memref<800xf32, #tpu.memory_space<vmem>>) target_semaphore(%arg13 : memref<!tpu.dma_semaphore, #tpu.memory_space<semaphore_mem>>)
      %dma_start3A_32 = arith.constant 60800 : i32
      %dma_start3A_33 = tpu.memref_slice %arg11[%dma_start3A_32] : memref<64000xf32, #tpu.memory_space<vmem>> -> memref<800xf32, #tpu.memory_space<vmem>>
      %dma_start3A_34 = tpu.memref_slice %arg6[%mul3A_2] : memref<100000xf32, #tpu.memory_space<hbm>> -> memref<800xf32, #tpu.memory_space<hbm>>
      %dma_start3A_35 = arith.constant 60800 : i32
      %dma_start3A_36 = tpu.memref_slice %arg11[%dma_start3A_35] : memref<64000xf32, #tpu.memory_space<vmem>> -> memref<800xf32, #tpu.memory_space<vmem>>
      %dma_start3A_37 = tpu.memref_slice %arg6[%mul3A_2] : memref<100000xf32, #tpu.memory_space<hbm>> -> memref<800xf32, #tpu.memory_space<hbm>>
      tpu.enqueue_dma source(%dma_start3A_37 : memref<800xf32, #tpu.memory_space<hbm>>) target(%dma_start3A_36 : memref<800xf32, #tpu.memory_space<vmem>>) target_semaphore(%arg13 : memref<!tpu.dma_semaphore, #tpu.memory_space<semaphore_mem>>)
      tpu.wait_dma2 semaphore(%arg12 : memref<!tpu.dma_semaphore, #tpu.memory_space<semaphore_mem>>) src(%arg7 : memref<2048xf32, #tpu.memory_space<hbm>>) dst(%arg9 : memref<2048xf32, #tpu.memory_space<vmem>>)
      %dma_wait3A = arith.constant 0 : i32
      %dma_wait3A_38 = tpu.memref_slice %arg10[%dma_wait3A] : memref<3200xi32, #tpu.memory_space<vmem>> -> memref<800xi32, #tpu.memory_space<vmem>>
      %dma_wait3A_39 = tpu.memref_slice %arg2[%mul3A_2] : memref<100000xi32, #tpu.memory_space<hbm>> -> memref<800xi32, #tpu.memory_space<hbm>>
      %dma_wait3A_40 = arith.constant 0 : i32
      %dma_wait3A_41 = tpu.memref_slice %arg10[%dma_wait3A_40] : memref<3200xi32, #tpu.memory_space<vmem>> -> memref<800xi32, #tpu.memory_space<vmem>>
      %dma_wait3A_42 = tpu.memref_slice %arg2[%mul3A_2] : memref<100000xi32, #tpu.memory_space<hbm>> -> memref<800xi32, #tpu.memory_space<hbm>>
      tpu.wait_dma2 semaphore(%arg12 : memref<!tpu.dma_semaphore, #tpu.memory_space<semaphore_mem>>) src(%dma_wait3A_42 : memref<800xi32, #tpu.memory_space<hbm>>) dst(%dma_wait3A_41 : memref<800xi32, #tpu.memory_space<vmem>>)
      %parallel_loop3A = arith.constant 0 : i32
      %parallel_loop3A_43 = arith.constant 25 : i32
      %parallel_loop3A_44 = arith.constant 1 : i32
      scf.for %parallel_loop3A_640 = %parallel_loop3A to %parallel_loop3A_43 step %parallel_loop3A_44  : i32 {
        %parallel_loop3A_641 = arith.constant 16 : i32
        %parallel_loop3A_642 = arith.muli %parallel_loop3A_640, %parallel_loop3A_641 : i32
        %parallel_loop3A_643 = arith.index_cast %parallel_loop3A_642 : i32 to index
        %parallel_loop3A_644 = tpu.vector_load %arg10[%parallel_loop3A_643] {strides = array<i32>} : memref<3200xi32, #tpu.memory_space<vmem>>, vector<16xi32>,
        %parallel_loop3A_645 = arith.constant 0 : i32
        %parallel_loop3A_646 = tpu.memref_slice %arg9[%parallel_loop3A_645] : memref<2048xf32, #tpu.memory_space<vmem>> -> memref<128xf32, #tpu.memory_space<vmem>>
        %parallel_loop3A_647 = tpu.vector_load_idx %parallel_loop3A_646[%parallel_loop3A_644] : memref<128xf32, #tpu.memory_space<vmem>>[vector<16xi32>], vector<16xf32>,
        %parallel_loop3A_648 = arith.constant 128 : i32
        %parallel_loop3A_649 = tpu.memref_slice %arg9[%parallel_loop3A_648] : memref<2048xf32, #tpu.memory_space<vmem>> -> memref<128xf32, #tpu.memory_space<vmem>>
        %parallel_loop3A_650 = tpu.vector_load_idx %parallel_loop3A_649[%parallel_loop3A_644] : memref<128xf32, #tpu.memory_space<vmem>>[vector<16xi32>], vector<16xf32>,
        %parallel_loop3A_651 = arith.constant 256 : i32
        %parallel_loop3A_652 = tpu.memref_slice %arg9[%parallel_loop3A_651] : memref<2048xf32, #tpu.memory_space<vmem>> -> memref<128xf32, #tpu.memory_space<vmem>>
        %parallel_loop3A_653 = tpu.vector_load_idx %parallel_loop3A_652[%parallel_loop3A_644] : memref<128xf32, #tpu.memory_space<vmem>>[vector<16xi32>], vector<16xf32>,
        %parallel_loop3A_654 = arith.constant 384 : i32
        %parallel_loop3A_655 = tpu.memref_slice %arg9[%parallel_loop3A_654] : memref<2048xf32, #tpu.memory_space<vmem>> -> memref<128xf32, #tpu.memory_space<vmem>>
        %parallel_loop3A_656 = tpu.vector_load_idx %parallel_loop3A_655[%parallel_loop3A_644] : memref<128xf32, #tpu.memory_space<vmem>>[vector<16xi32>], vector<16xf32>,
        %parallel_loop3A_657 = arith.constant 512 : i32
        %parallel_loop3A_658 = tpu.memref_slice %arg9[%parallel_loop3A_657] : memref<2048xf32, #tpu.memory_space<vmem>> -> memref<128xf32, #tpu.memory_space<vmem>>
        %parallel_loop3A_659 = tpu.vector_load_idx %parallel_loop3A_658[%parallel_loop3A_644] : memref<128xf32, #tpu.memory_space<vmem>>[vector<16xi32>], vector<16xf32>,
        %parallel_loop3A_660 = arith.constant 640 : i32
        %parallel_loop3A_661 = tpu.memref_slice %arg9[%parallel_loop3A_660] : memref<2048xf32, #tpu.memory_space<vmem>> -> memref<128xf32, #tpu.memory_space<vmem>>
        %parallel_loop3A_662 = tpu.vector_load_idx %parallel_loop3A_661[%parallel_loop3A_644] : memref<128xf32, #tpu.memory_space<vmem>>[vector<16xi32>], vector<16xf32>,
        %parallel_loop3A_663 = arith.constant 768 : i32
        %parallel_loop3A_664 = tpu.memref_slice %arg9[%parallel_loop3A_663] : memref<2048xf32, #tpu.memory_space<vmem>> -> memref<128xf32, #tpu.memory_space<vmem>>
        %parallel_loop3A_665 = tpu.vector_load_idx %parallel_loop3A_664[%parallel_loop3A_644] : memref<128xf32, #tpu.memory_space<vmem>>[vector<16xi32>], vector<16xf32>,
        %parallel_loop3A_666 = arith.constant 896 : i32
        %parallel_loop3A_667 = tpu.memref_slice %arg9[%parallel_loop3A_666] : memref<2048xf32, #tpu.memory_space<vmem>> -> memref<128xf32, #tpu.memory_space<vmem>>
        %parallel_loop3A_668 = tpu.vector_load_idx %parallel_loop3A_667[%parallel_loop3A_644] : memref<128xf32, #tpu.memory_space<vmem>>[vector<16xi32>], vector<16xf32>,
        %parallel_loop3A_669 = arith.constant 1024 : i32
        %parallel_loop3A_670 = tpu.memref_slice %arg9[%parallel_loop3A_669] : memref<2048xf32, #tpu.memory_space<vmem>> -> memref<128xf32, #tpu.memory_space<vmem>>
        %parallel_loop3A_671 = tpu.vector_load_idx %parallel_loop3A_670[%parallel_loop3A_644] : memref<128xf32, #tpu.memory_space<vmem>>[vector<16xi32>], vector<16xf32>,
        %parallel_loop3A_672 = arith.constant 1152 : i32
        %parallel_loop3A_673 = tpu.memref_slice %arg9[%parallel_loop3A_672] : memref<2048xf32, #tpu.memory_space<vmem>> -> memref<128xf32, #tpu.memory_space<vmem>>
        %parallel_loop3A_674 = tpu.vector_load_idx %parallel_loop3A_673[%parallel_loop3A_644] : memref<128xf32, #tpu.memory_space<vmem>>[vector<16xi32>], vector<16xf32>,
        %parallel_loop3A_675 = arith.constant 1280 : i32
        %parallel_loop3A_676 = tpu.memref_slice %arg9[%parallel_loop3A_675] : memref<2048xf32, #tpu.memory_space<vmem>> -> memref<128xf32, #tpu.memory_space<vmem>>
        %parallel_loop3A_677 = tpu.vector_load_idx %parallel_loop3A_676[%parallel_loop3A_644] : memref<128xf32, #tpu.memory_space<vmem>>[vector<16xi32>], vector<16xf32>,
        %parallel_loop3A_678 = arith.constant 1408 : i32
        %parallel_loop3A_679 = tpu.memref_slice %arg9[%parallel_loop3A_678] : memref<2048xf32, #tpu.memory_space<vmem>> -> memref<128xf32, #tpu.memory_space<vmem>>
        %parallel_loop3A_680 = tpu.vector_load_idx %parallel_loop3A_679[%parallel_loop3A_644] : memref<128xf32, #tpu.memory_space<vmem>>[vector<16xi32>], vector<16xf32>,
        %parallel_loop3A_681 = arith.constant 1536 : i32
        %parallel_loop3A_682 = tpu.memref_slice %arg9[%parallel_loop3A_681] : memref<2048xf32, #tpu.memory_space<vmem>> -> memref<128xf32, #tpu.memory_space<vmem>>
        %parallel_loop3A_683 = tpu.vector_load_idx %parallel_loop3A_682[%parallel_loop3A_644] : memref<128xf32, #tpu.memory_space<vmem>>[vector<16xi32>], vector<16xf32>,
        %parallel_loop3A_684 = arith.constant 1664 : i32
        %parallel_loop3A_685 = tpu.memref_slice %arg9[%parallel_loop3A_684] : memref<2048xf32, #tpu.memory_space<vmem>> -> memref<128xf32, #tpu.memory_space<vmem>>
        %parallel_loop3A_686 = tpu.vector_load_idx %parallel_loop3A_685[%parallel_loop3A_644] : memref<128xf32, #tpu.memory_space<vmem>>[vector<16xi32>], vector<16xf32>,
        %parallel_loop3A_687 = arith.constant 1792 : i32
        %parallel_loop3A_688 = tpu.memref_slice %arg9[%parallel_loop3A_687] : memref<2048xf32, #tpu.memory_space<vmem>> -> memref<128xf32, #tpu.memory_space<vmem>>
        %parallel_loop3A_689 = tpu.vector_load_idx %parallel_loop3A_688[%parallel_loop3A_644] : memref<128xf32, #tpu.memory_space<vmem>>[vector<16xi32>], vector<16xf32>,
        %parallel_loop3A_690 = arith.constant 1920 : i32
        %parallel_loop3A_691 = tpu.memref_slice %arg9[%parallel_loop3A_690] : memref<2048xf32, #tpu.memory_space<vmem>> -> memref<128xf32, #tpu.memory_space<vmem>>
        %parallel_loop3A_692 = tpu.vector_load_idx %parallel_loop3A_691[%parallel_loop3A_644] : memref<128xf32, #tpu.memory_space<vmem>>[vector<16xi32>], vector<16xf32>,
        %parallel_loop3A_693 = arith.constant 16 : i32
        %parallel_loop3A_694 = arith.muli %parallel_loop3A_640, %parallel_loop3A_693 : i32
        %parallel_loop3A_695 = arith.constant 0 : i32
        %parallel_loop3A_696 = arith.addi %parallel_loop3A_695, %parallel_loop3A_694 : i32
        %parallel_loop3A_697 = arith.index_cast %parallel_loop3A_696 : i32 to index
        %parallel_loop3A_698 = tpu.vector_load %arg11[%parallel_loop3A_697] {strides = array<i32>} : memref<64000xf32, #tpu.memory_space<vmem>>, vector<16xf32>,
        tpu.vector_store %arg11[%parallel_loop3A_697], %parallel_loop3A_647 {strides = array<i32>} : memref<64000xf32, #tpu.memory_space<vmem>>, vector<16xf32>,
        %parallel_loop3A_699 = arith.constant 16 : i32
        %parallel_loop3A_700 = arith.muli %parallel_loop3A_640, %parallel_loop3A_699 : i32
        %parallel_loop3A_701 = arith.constant 3200 : i32
        %parallel_loop3A_702 = arith.addi %parallel_loop3A_701, %parallel_loop3A_700 : i32
        %parallel_loop3A_703 = arith.index_cast %parallel_loop3A_702 : i32 to index
        %parallel_loop3A_704 = tpu.vector_load %arg11[%parallel_loop3A_703] {strides = array<i32>} : memref<64000xf32, #tpu.memory_space<vmem>>, vector<16xf32>,
        tpu.vector_store %arg11[%parallel_loop3A_703], %parallel_loop3A_650 {strides = array<i32>} : memref<64000xf32, #tpu.memory_space<vmem>>, vector<16xf32>,
        %parallel_loop3A_705 = arith.constant 16 : i32
        %parallel_loop3A_706 = arith.muli %parallel_loop3A_640, %parallel_loop3A_705 : i32
        %parallel_loop3A_707 = arith.constant 6400 : i32
        %parallel_loop3A_708 = arith.addi %parallel_loop3A_707, %parallel_loop3A_706 : i32
        %parallel_loop3A_709 = arith.index_cast %parallel_loop3A_708 : i32 to index
        %parallel_loop3A_710 = tpu.vector_load %arg11[%parallel_loop3A_709] {strides = array<i32>} : memref<64000xf32, #tpu.memory_space<vmem>>, vector<16xf32>,
        tpu.vector_store %arg11[%parallel_loop3A_709], %parallel_loop3A_653 {strides = array<i32>} : memref<64000xf32, #tpu.memory_space<vmem>>, vector<16xf32>,
        %parallel_loop3A_711 = arith.constant 16 : i32
        %parallel_loop3A_712 = arith.muli %parallel_loop3A_640, %parallel_loop3A_711 : i32
        %parallel_loop3A_713 = arith.constant 9600 : i32
        %parallel_loop3A_714 = arith.addi %parallel_loop3A_713, %parallel_loop3A_712 : i32
        %parallel_loop3A_715 = arith.index_cast %parallel_loop3A_714 : i32 to index
        %parallel_loop3A_716 = tpu.vector_load %arg11[%parallel_loop3A_715] {strides = array<i32>} : memref<64000xf32, #tpu.memory_space<vmem>>, vector<16xf32>,
        tpu.vector_store %arg11[%parallel_loop3A_715], %parallel_loop3A_656 {strides = array<i32>} : memref<64000xf32, #tpu.memory_space<vmem>>, vector<16xf32>,
        %parallel_loop3A_717 = arith.constant 16 : i32
        %parallel_loop3A_718 = arith.muli %parallel_loop3A_640, %parallel_loop3A_717 : i32
        %parallel_loop3A_719 = arith.constant 12800 : i32
        %parallel_loop3A_720 = arith.addi %parallel_loop3A_719, %parallel_loop3A_718 : i32
        %parallel_loop3A_721 = arith.index_cast %parallel_loop3A_720 : i32 to index
        %parallel_loop3A_722 = tpu.vector_load %arg11[%parallel_loop3A_721] {strides = array<i32>} : memref<64000xf32, #tpu.memory_space<vmem>>, vector<16xf32>,
        tpu.vector_store %arg11[%parallel_loop3A_721], %parallel_loop3A_659 {strides = array<i32>} : memref<64000xf32, #tpu.memory_space<vmem>>, vector<16xf32>,
        %parallel_loop3A_723 = arith.constant 16 : i32
        %parallel_loop3A_724 = arith.muli %parallel_loop3A_640, %parallel_loop3A_723 : i32
        %parallel_loop3A_725 = arith.constant 16000 : i32
        %parallel_loop3A_726 = arith.addi %parallel_loop3A_725, %parallel_loop3A_724 : i32
        %parallel_loop3A_727 = arith.index_cast %parallel_loop3A_726 : i32 to index
        %parallel_loop3A_728 = tpu.vector_load %arg11[%parallel_loop3A_727] {strides = array<i32>} : memref<64000xf32, #tpu.memory_space<vmem>>, vector<16xf32>,
        tpu.vector_store %arg11[%parallel_loop3A_727], %parallel_loop3A_662 {strides = array<i32>} : memref<64000xf32, #tpu.memory_space<vmem>>, vector<16xf32>,
        %parallel_loop3A_729 = arith.constant 16 : i32
        %parallel_loop3A_730 = arith.muli %parallel_loop3A_640, %parallel_loop3A_729 : i32
        %parallel_loop3A_731 = arith.constant 19200 : i32
        %parallel_loop3A_732 = arith.addi %parallel_loop3A_731, %parallel_loop3A_730 : i32
        %parallel_loop3A_733 = arith.index_cast %parallel_loop3A_732 : i32 to index
        %parallel_loop3A_734 = tpu.vector_load %arg11[%parallel_loop3A_733] {strides = array<i32>} : memref<64000xf32, #tpu.memory_space<vmem>>, vector<16xf32>,
        tpu.vector_store %arg11[%parallel_loop3A_733], %parallel_loop3A_665 {strides = array<i32>} : memref<64000xf32, #tpu.memory_space<vmem>>, vector<16xf32>,
        %parallel_loop3A_735 = arith.constant 16 : i32
        %parallel_loop3A_736 = arith.muli %parallel_loop3A_640, %parallel_loop3A_735 : i32
        %parallel_loop3A_737 = arith.constant 22400 : i32
        %parallel_loop3A_738 = arith.addi %parallel_loop3A_737, %parallel_loop3A_736 : i32
        %parallel_loop3A_739 = arith.index_cast %parallel_loop3A_738 : i32 to index
        %parallel_loop3A_740 = tpu.vector_load %arg11[%parallel_loop3A_739] {strides = array<i32>} : memref<64000xf32, #tpu.memory_space<vmem>>, vector<16xf32>,
        tpu.vector_store %arg11[%parallel_loop3A_739], %parallel_loop3A_668 {strides = array<i32>} : memref<64000xf32, #tpu.memory_space<vmem>>, vector<16xf32>,
        %parallel_loop3A_741 = arith.constant 16 : i32
        %parallel_loop3A_742 = arith.muli %parallel_loop3A_640, %parallel_loop3A_741 : i32
        %parallel_loop3A_743 = arith.constant 25600 : i32
        %parallel_loop3A_744 = arith.addi %parallel_loop3A_743, %parallel_loop3A_742 : i32
        %parallel_loop3A_745 = arith.index_cast %parallel_loop3A_744 : i32 to index
        %parallel_loop3A_746 = tpu.vector_load %arg11[%parallel_loop3A_745] {strides = array<i32>} : memref<64000xf32, #tpu.memory_space<vmem>>, vector<16xf32>,
        tpu.vector_store %arg11[%parallel_loop3A_745], %parallel_loop3A_671 {strides = array<i32>} : memref<64000xf32, #tpu.memory_space<vmem>>, vector<16xf32>,
        %parallel_loop3A_747 = arith.constant 16 : i32
        %parallel_loop3A_748 = arith.muli %parallel_loop3A_640, %parallel_loop3A_747 : i32
        %parallel_loop3A_749 = arith.constant 28800 : i32
        %parallel_loop3A_750 = arith.addi %parallel_loop3A_749, %parallel_loop3A_748 : i32
        %parallel_loop3A_751 = arith.index_cast %parallel_loop3A_750 : i32 to index
        %parallel_loop3A_752 = tpu.vector_load %arg11[%parallel_loop3A_751] {strides = array<i32>} : memref<64000xf32, #tpu.memory_space<vmem>>, vector<16xf32>,
        tpu.vector_store %arg11[%parallel_loop3A_751], %parallel_loop3A_674 {strides = array<i32>} : memref<64000xf32, #tpu.memory_space<vmem>>, vector<16xf32>,
        %parallel_loop3A_753 = arith.constant 16 : i32
        %parallel_loop3A_754 = arith.muli %parallel_loop3A_640, %parallel_loop3A_753 : i32
        %parallel_loop3A_755 = arith.constant 32000 : i32
        %parallel_loop3A_756 = arith.addi %parallel_loop3A_755, %parallel_loop3A_754 : i32
        %parallel_loop3A_757 = arith.index_cast %parallel_loop3A_756 : i32 to index
        %parallel_loop3A_758 = tpu.vector_load %arg11[%parallel_loop3A_757] {strides = array<i32>} : memref<64000xf32, #tpu.memory_space<vmem>>, vector<16xf32>,
        tpu.vector_store %arg11[%parallel_loop3A_757], %parallel_loop3A_677 {strides = array<i32>} : memref<64000xf32, #tpu.memory_space<vmem>>, vector<16xf32>,
        %parallel_loop3A_759 = arith.constant 16 : i32
        %parallel_loop3A_760 = arith.muli %parallel_loop3A_640, %parallel_loop3A_759 : i32
        %parallel_loop3A_761 = arith.constant 35200 : i32
        %parallel_loop3A_762 = arith.addi %parallel_loop3A_761, %parallel_loop3A_760 : i32
        %parallel_loop3A_763 = arith.index_cast %parallel_loop3A_762 : i32 to index
        %parallel_loop3A_764 = tpu.vector_load %arg11[%parallel_loop3A_763] {strides = array<i32>} : memref<64000xf32, #tpu.memory_space<vmem>>, vector<16xf32>,
        tpu.vector_store %arg11[%parallel_loop3A_763], %parallel_loop3A_680 {strides = array<i32>} : memref<64000xf32, #tpu.memory_space<vmem>>, vector<16xf32>,
        %parallel_loop3A_765 = arith.constant 16 : i32
        %parallel_loop3A_766 = arith.muli %parallel_loop3A_640, %parallel_loop3A_765 : i32
        %parallel_loop3A_767 = arith.constant 38400 : i32
        %parallel_loop3A_768 = arith.addi %parallel_loop3A_767, %parallel_loop3A_766 : i32
        %parallel_loop3A_769 = arith.index_cast %parallel_loop3A_768 : i32 to index
        %parallel_loop3A_770 = tpu.vector_load %arg11[%parallel_loop3A_769] {strides = array<i32>} : memref<64000xf32, #tpu.memory_space<vmem>>, vector<16xf32>,
        tpu.vector_store %arg11[%parallel_loop3A_769], %parallel_loop3A_683 {strides = array<i32>} : memref<64000xf32, #tpu.memory_space<vmem>>, vector<16xf32>,
        %parallel_loop3A_771 = arith.constant 16 : i32
        %parallel_loop3A_772 = arith.muli %parallel_loop3A_640, %parallel_loop3A_771 : i32
        %parallel_loop3A_773 = arith.constant 41600 : i32
        %parallel_loop3A_774 = arith.addi %parallel_loop3A_773, %parallel_loop3A_772 : i32
        %parallel_loop3A_775 = arith.index_cast %parallel_loop3A_774 : i32 to index
        %parallel_loop3A_776 = tpu.vector_load %arg11[%parallel_loop3A_775] {strides = array<i32>} : memref<64000xf32, #tpu.memory_space<vmem>>, vector<16xf32>,
        tpu.vector_store %arg11[%parallel_loop3A_775], %parallel_loop3A_686 {strides = array<i32>} : memref<64000xf32, #tpu.memory_space<vmem>>, vector<16xf32>,
        %parallel_loop3A_777 = arith.constant 16 : i32
        %parallel_loop3A_778 = arith.muli %parallel_loop3A_640, %parallel_loop3A_777 : i32
        %parallel_loop3A_779 = arith.constant 44800 : i32
        %parallel_loop3A_780 = arith.addi %parallel_loop3A_779, %parallel_loop3A_778 : i32
        %parallel_loop3A_781 = arith.index_cast %parallel_loop3A_780 : i32 to index
        %parallel_loop3A_782 = tpu.vector_load %arg11[%parallel_loop3A_781] {strides = array<i32>} : memref<64000xf32, #tpu.memory_space<vmem>>, vector<16xf32>,
        tpu.vector_store %arg11[%parallel_loop3A_781], %parallel_loop3A_689 {strides = array<i32>} : memref<64000xf32, #tpu.memory_space<vmem>>, vector<16xf32>,
        %parallel_loop3A_783 = arith.constant 16 : i32
        %parallel_loop3A_784 = arith.muli %parallel_loop3A_640, %parallel_loop3A_783 : i32
        %parallel_loop3A_785 = arith.constant 48000 : i32
        %parallel_loop3A_786 = arith.addi %parallel_loop3A_785, %parallel_loop3A_784 : i32
        %parallel_loop3A_787 = arith.index_cast %parallel_loop3A_786 : i32 to index
        %parallel_loop3A_788 = tpu.vector_load %arg11[%parallel_loop3A_787] {strides = array<i32>} : memref<64000xf32, #tpu.memory_space<vmem>>, vector<16xf32>,
        tpu.vector_store %arg11[%parallel_loop3A_787], %parallel_loop3A_692 {strides = array<i32>} : memref<64000xf32, #tpu.memory_space<vmem>>, vector<16xf32>,
      } {sc.loop_unroll_factor = 2 : i64, sc.parallel_access}
      %add3A_45 = arith.constant 0 : i32
      %add3A_46 = arith.addi %add3A_45, %mul3A_2 : i32
      %add3A_47 = arith.constant 0 : i32
      %add3A_48 = arith.addi %add3A_46, %add3A_47 : i32
      %dma_start3A_49 = arith.constant 0 : i32
      %dma_start3A_50 = tpu.memref_slice %arg11[%dma_start3A_49] : memref<64000xf32, #tpu.memory_space<vmem>> -> memref<400xf32, #tpu.memory_space<vmem>>
      %dma_start3A_51 = tpu.memref_slice %arg8[%add3A_48] : memref<2000000xf32, #tpu.memory_space<hbm>> -> memref<400xf32, #tpu.memory_space<hbm>>
      %dma_start3A_52 = tpu.memref_slice %arg8[%add3A_48] : memref<2000000xf32, #tpu.memory_space<hbm>> -> memref<400xf32, #tpu.memory_space<hbm>>
      %dma_start3A_53 = arith.constant 0 : i32
      %dma_start3A_54 = tpu.memref_slice %arg11[%dma_start3A_53] : memref<64000xf32, #tpu.memory_space<vmem>> -> memref<400xf32, #tpu.memory_space<vmem>>
      tpu.enqueue_dma source(%dma_start3A_54 : memref<400xf32, #tpu.memory_space<vmem>>) target(%dma_start3A_52 : memref<400xf32, #tpu.memory_space<hbm>>) target_semaphore(%arg14 : memref<!tpu.dma_semaphore, #tpu.memory_space<semaphore_mem>>)
      %add3A_55 = arith.constant 100000 : i32
      %add3A_56 = arith.addi %add3A_55, %mul3A_2 : i32
      %add3A_57 = arith.constant 0 : i32
      %add3A_58 = arith.addi %add3A_56, %add3A_57 : i32
      %dma_start3A_59 = arith.constant 3200 : i32
      %dma_start3A_60 = tpu.memref_slice %arg11[%dma_start3A_59] : memref<64000xf32, #tpu.memory_space<vmem>> -> memref<400xf32, #tpu.memory_space<vmem>>
      %dma_start3A_61 = tpu.memref_slice %arg8[%add3A_58] : memref<2000000xf32, #tpu.memory_space<hbm>> -> memref<400xf32, #tpu.memory_space<hbm>>
      %dma_start3A_62 = tpu.memref_slice %arg8[%add3A_58] : memref<2000000xf32, #tpu.memory_space<hbm>> -> memref<400xf32, #tpu.memory_space<hbm>>
      %dma_start3A_63 = arith.constant 3200 : i32
      %dma_start3A_64 = tpu.memref_slice %arg11[%dma_start3A_63] : memref<64000xf32, #tpu.memory_space<vmem>> -> memref<400xf32, #tpu.memory_space<vmem>>
      tpu.enqueue_dma source(%dma_start3A_64 : memref<400xf32, #tpu.memory_space<vmem>>) target(%dma_start3A_62 : memref<400xf32, #tpu.memory_space<hbm>>) target_semaphore(%arg14 : memref<!tpu.dma_semaphore, #tpu.memory_space<semaphore_mem>>)
      %add3A_65 = arith.constant 200000 : i32
      %add3A_66 = arith.addi %add3A_65, %mul3A_2 : i32
      %add3A_67 = arith.constant 0 : i32
      %add3A_68 = arith.addi %add3A_66, %add3A_67 : i32
      %dma_start3A_69 = arith.constant 6400 : i32
      %dma_start3A_70 = tpu.memref_slice %arg11[%dma_start3A_69] : memref<64000xf32, #tpu.memory_space<vmem>> -> memref<400xf32, #tpu.memory_space<vmem>>
      %dma_start3A_71 = tpu.memref_slice %arg8[%add3A_68] : memref<2000000xf32, #tpu.memory_space<hbm>> -> memref<400xf32, #tpu.memory_space<hbm>>
      %dma_start3A_72 = tpu.memref_slice %arg8[%add3A_68] : memref<2000000xf32, #tpu.memory_space<hbm>> -> memref<400xf32, #tpu.memory_space<hbm>>
      %dma_start3A_73 = arith.constant 6400 : i32
      %dma_start3A_74 = tpu.memref_slice %arg11[%dma_start3A_73] : memref<64000xf32, #tpu.memory_space<vmem>> -> memref<400xf32, #tpu.memory_space<vmem>>
      tpu.enqueue_dma source(%dma_start3A_74 : memref<400xf32, #tpu.memory_space<vmem>>) target(%dma_start3A_72 : memref<400xf32, #tpu.memory_space<hbm>>) target_semaphore(%arg14 : memref<!tpu.dma_semaphore, #tpu.memory_space<semaphore_mem>>)
      %add3A_75 = arith.constant 300000 : i32
      %add3A_76 = arith.addi %add3A_75, %mul3A_2 : i32
      %add3A_77 = arith.constant 0 : i32
      %add3A_78 = arith.addi %add3A_76, %add3A_77 : i32
      %dma_start3A_79 = arith.constant 9600 : i32
      %dma_start3A_80 = tpu.memref_slice %arg11[%dma_start3A_79] : memref<64000xf32, #tpu.memory_space<vmem>> -> memref<400xf32, #tpu.memory_space<vmem>>
      %dma_start3A_81 = tpu.memref_slice %arg8[%add3A_78] : memref<2000000xf32, #tpu.memory_space<hbm>> -> memref<400xf32, #tpu.memory_space<hbm>>
      %dma_start3A_82 = tpu.memref_slice %arg8[%add3A_78] : memref<2000000xf32, #tpu.memory_space<hbm>> -> memref<400xf32, #tpu.memory_space<hbm>>
      %dma_start3A_83 = arith.constant 9600 : i32
      %dma_start3A_84 = tpu.memref_slice %arg11[%dma_start3A_83] : memref<64000xf32, #tpu.memory_space<vmem>> -> memref<400xf32, #tpu.memory_space<vmem>>
      tpu.enqueue_dma source(%dma_start3A_84 : memref<400xf32, #tpu.memory_space<vmem>>) target(%dma_start3A_82 : memref<400xf32, #tpu.memory_space<hbm>>) target_semaphore(%arg14 : memref<!tpu.dma_semaphore, #tpu.memory_space<semaphore_mem>>)
      %add3A_85 = arith.constant 400000 : i32
      %add3A_86 = arith.addi %add3A_85, %mul3A_2 : i32
      %add3A_87 = arith.constant 0 : i32
      %add3A_88 = arith.addi %add3A_86, %add3A_87 : i32
      %dma_start3A_89 = arith.constant 12800 : i32
      %dma_start3A_90 = tpu.memref_slice %arg11[%dma_start3A_89] : memref<64000xf32, #tpu.memory_space<vmem>> -> memref<400xf32, #tpu.memory_space<vmem>>
      %dma_start3A_91 = tpu.memref_slice %arg8[%add3A_88] : memref<2000000xf32, #tpu.memory_space<hbm>> -> memref<400xf32, #tpu.memory_space<hbm>>
      %dma_start3A_92 = tpu.memref_slice %arg8[%add3A_88] : memref<2000000xf32, #tpu.memory_space<hbm>> -> memref<400xf32, #tpu.memory_space<hbm>>
      %dma_start3A_93 = arith.constant 12800 : i32
      %dma_start3A_94 = tpu.memref_slice %arg11[%dma_start3A_93] : memref<64000xf32, #tpu.memory_space<vmem>> -> memref<400xf32, #tpu.memory_space<vmem>>
      tpu.enqueue_dma source(%dma_start3A_94 : memref<400xf32, #tpu.memory_space<vmem>>) target(%dma_start3A_92 : memref<400xf32, #tpu.memory_space<hbm>>) target_semaphore(%arg14 : memref<!tpu.dma_semaphore, #tpu.memory_space<semaphore_mem>>)
      %add3A_95 = arith.constant 500000 : i32
      %add3A_96 = arith.addi %add3A_95, %mul3A_2 : i32
      %add3A_97 = arith.constant 0 : i32
      %add3A_98 = arith.addi %add3A_96, %add3A_97 : i32
      %dma_start3A_99 = arith.constant 16000 : i32
      %dma_start3A_100 = tpu.memref_slice %arg11[%dma_start3A_99] : memref<64000xf32, #tpu.memory_space<vmem>> -> memref<400xf32, #tpu.memory_space<vmem>>
      %dma_start3A_101 = tpu.memref_slice %arg8[%add3A_98] : memref<2000000xf32, #tpu.memory_space<hbm>> -> memref<400xf32, #tpu.memory_space<hbm>>
      %dma_start3A_102 = tpu.memref_slice %arg8[%add3A_98] : memref<2000000xf32, #tpu.memory_space<hbm>> -> memref<400xf32, #tpu.memory_space<hbm>>
      %dma_start3A_103 = arith.constant 16000 : i32
      %dma_start3A_104 = tpu.memref_slice %arg11[%dma_start3A_103] : memref<64000xf32, #tpu.memory_space<vmem>> -> memref<400xf32, #tpu.memory_space<vmem>>
      tpu.enqueue_dma source(%dma_start3A_104 : memref<400xf32, #tpu.memory_space<vmem>>) target(%dma_start3A_102 : memref<400xf32, #tpu.memory_space<hbm>>) target_semaphore(%arg14 : memref<!tpu.dma_semaphore, #tpu.memory_space<semaphore_mem>>)
      %add3A_105 = arith.constant 600000 : i32
      %add3A_106 = arith.addi %add3A_105, %mul3A_2 : i32
      %add3A_107 = arith.constant 0 : i32
      %add3A_108 = arith.addi %add3A_106, %add3A_107 : i32
      %dma_start3A_109 = arith.constant 19200 : i32
      %dma_start3A_110 = tpu.memref_slice %arg11[%dma_start3A_109] : memref<64000xf32, #tpu.memory_space<vmem>> -> memref<400xf32, #tpu.memory_space<vmem>>
      %dma_start3A_111 = tpu.memref_slice %arg8[%add3A_108] : memref<2000000xf32, #tpu.memory_space<hbm>> -> memref<400xf32, #tpu.memory_space<hbm>>
      %dma_start3A_112 = tpu.memref_slice %arg8[%add3A_108] : memref<2000000xf32, #tpu.memory_space<hbm>> -> memref<400xf32, #tpu.memory_space<hbm>>
      %dma_start3A_113 = arith.constant 19200 : i32
      %dma_start3A_114 = tpu.memref_slice %arg11[%dma_start3A_113] : memref<64000xf32, #tpu.memory_space<vmem>> -> memref<400xf32, #tpu.memory_space<vmem>>
      tpu.enqueue_dma source(%dma_start3A_114 : memref<400xf32, #tpu.memory_space<vmem>>) target(%dma_start3A_112 : memref<400xf32, #tpu.memory_space<hbm>>) target_semaphore(%arg14 : memref<!tpu.dma_semaphore, #tpu.memory_space<semaphore_mem>>)
      %add3A_115 = arith.constant 700000 : i32
      %add3A_116 = arith.addi %add3A_115, %mul3A_2 : i32
      %add3A_117 = arith.constant 0 : i32
      %add3A_118 = arith.addi %add3A_116, %add3A_117 : i32
      %dma_start3A_119 = arith.constant 22400 : i32
      %dma_start3A_120 = tpu.memref_slice %arg11[%dma_start3A_119] : memref<64000xf32, #tpu.memory_space<vmem>> -> memref<400xf32, #tpu.memory_space<vmem>>
      %dma_start3A_121 = tpu.memref_slice %arg8[%add3A_118] : memref<2000000xf32, #tpu.memory_space<hbm>> -> memref<400xf32, #tpu.memory_space<hbm>>
      %dma_start3A_122 = tpu.memref_slice %arg8[%add3A_118] : memref<2000000xf32, #tpu.memory_space<hbm>> -> memref<400xf32, #tpu.memory_space<hbm>>
      %dma_start3A_123 = arith.constant 22400 : i32
      %dma_start3A_124 = tpu.memref_slice %arg11[%dma_start3A_123] : memref<64000xf32, #tpu.memory_space<vmem>> -> memref<400xf32, #tpu.memory_space<vmem>>
      tpu.enqueue_dma source(%dma_start3A_124 : memref<400xf32, #tpu.memory_space<vmem>>) target(%dma_start3A_122 : memref<400xf32, #tpu.memory_space<hbm>>) target_semaphore(%arg14 : memref<!tpu.dma_semaphore, #tpu.memory_space<semaphore_mem>>)
      %add3A_125 = arith.constant 800000 : i32
      %add3A_126 = arith.addi %add3A_125, %mul3A_2 : i32
      %add3A_127 = arith.constant 0 : i32
      %add3A_128 = arith.addi %add3A_126, %add3A_127 : i32
      %dma_start3A_129 = arith.constant 25600 : i32
      %dma_start3A_130 = tpu.memref_slice %arg11[%dma_start3A_129] : memref<64000xf32, #tpu.memory_space<vmem>> -> memref<400xf32, #tpu.memory_space<vmem>>
      %dma_start3A_131 = tpu.memref_slice %arg8[%add3A_128] : memref<2000000xf32, #tpu.memory_space<hbm>> -> memref<400xf32, #tpu.memory_space<hbm>>
      %dma_start3A_132 = tpu.memref_slice %arg8[%add3A_128] : memref<2000000xf32, #tpu.memory_space<hbm>> -> memref<400xf32, #tpu.memory_space<hbm>>
      %dma_start3A_133 = arith.constant 25600 : i32
      %dma_start3A_134 = tpu.memref_slice %arg11[%dma_start3A_133] : memref<64000xf32, #tpu.memory_space<vmem>> -> memref<400xf32, #tpu.memory_space<vmem>>
      tpu.enqueue_dma source(%dma_start3A_134 : memref<400xf32, #tpu.memory_space<vmem>>) target(%dma_start3A_132 : memref<400xf32, #tpu.memory_space<hbm>>) target_semaphore(%arg14 : memref<!tpu.dma_semaphore, #tpu.memory_space<semaphore_mem>>)
      %add3A_135 = arith.constant 900000 : i32
      %add3A_136 = arith.addi %add3A_135, %mul3A_2 : i32
      %add3A_137 = arith.constant 0 : i32
      %add3A_138 = arith.addi %add3A_136, %add3A_137 : i32
      %dma_start3A_139 = arith.constant 28800 : i32
      %dma_start3A_140 = tpu.memref_slice %arg11[%dma_start3A_139] : memref<64000xf32, #tpu.memory_space<vmem>> -> memref<400xf32, #tpu.memory_space<vmem>>
      %dma_start3A_141 = tpu.memref_slice %arg8[%add3A_138] : memref<2000000xf32, #tpu.memory_space<hbm>> -> memref<400xf32, #tpu.memory_space<hbm>>
      %dma_start3A_142 = tpu.memref_slice %arg8[%add3A_138] : memref<2000000xf32, #tpu.memory_space<hbm>> -> memref<400xf32, #tpu.memory_space<hbm>>
      %dma_start3A_143 = arith.constant 28800 : i32
      %dma_start3A_144 = tpu.memref_slice %arg11[%dma_start3A_143] : memref<64000xf32, #tpu.memory_space<vmem>> -> memref<400xf32, #tpu.memory_space<vmem>>
      tpu.enqueue_dma source(%dma_start3A_144 : memref<400xf32, #tpu.memory_space<vmem>>) target(%dma_start3A_142 : memref<400xf32, #tpu.memory_space<hbm>>) target_semaphore(%arg14 : memref<!tpu.dma_semaphore, #tpu.memory_space<semaphore_mem>>)
      %add3A_145 = arith.constant 1000000 : i32
      %add3A_146 = arith.addi %add3A_145, %mul3A_2 : i32
      %add3A_147 = arith.constant 0 : i32
      %add3A_148 = arith.addi %add3A_146, %add3A_147 : i32
      %dma_start3A_149 = arith.constant 32000 : i32
      %dma_start3A_150 = tpu.memref_slice %arg11[%dma_start3A_149] : memref<64000xf32, #tpu.memory_space<vmem>> -> memref<400xf32, #tpu.memory_space<vmem>>
      %dma_start3A_151 = tpu.memref_slice %arg8[%add3A_148] : memref<2000000xf32, #tpu.memory_space<hbm>> -> memref<400xf32, #tpu.memory_space<hbm>>
      %dma_start3A_152 = tpu.memref_slice %arg8[%add3A_148] : memref<2000000xf32, #tpu.memory_space<hbm>> -> memref<400xf32, #tpu.memory_space<hbm>>
      %dma_start3A_153 = arith.constant 32000 : i32
      %dma_start3A_154 = tpu.memref_slice %arg11[%dma_start3A_153] : memref<64000xf32, #tpu.memory_space<vmem>> -> memref<400xf32, #tpu.memory_space<vmem>>
      tpu.enqueue_dma source(%dma_start3A_154 : memref<400xf32, #tpu.memory_space<vmem>>) target(%dma_start3A_152 : memref<400xf32, #tpu.memory_space<hbm>>) target_semaphore(%arg14 : memref<!tpu.dma_semaphore, #tpu.memory_space<semaphore_mem>>)
      %add3A_155 = arith.constant 1100000 : i32
      %add3A_156 = arith.addi %add3A_155, %mul3A_2 : i32
      %add3A_157 = arith.constant 0 : i32
      %add3A_158 = arith.addi %add3A_156, %add3A_157 : i32
      %dma_start3A_159 = arith.constant 35200 : i32
      %dma_start3A_160 = tpu.memref_slice %arg11[%dma_start3A_159] : memref<64000xf32, #tpu.memory_space<vmem>> -> memref<400xf32, #tpu.memory_space<vmem>>
      %dma_start3A_161 = tpu.memref_slice %arg8[%add3A_158] : memref<2000000xf32, #tpu.memory_space<hbm>> -> memref<400xf32, #tpu.memory_space<hbm>>
      %dma_start3A_162 = tpu.memref_slice %arg8[%add3A_158] : memref<2000000xf32, #tpu.memory_space<hbm>> -> memref<400xf32, #tpu.memory_space<hbm>>
      %dma_start3A_163 = arith.constant 35200 : i32
      %dma_start3A_164 = tpu.memref_slice %arg11[%dma_start3A_163] : memref<64000xf32, #tpu.memory_space<vmem>> -> memref<400xf32, #tpu.memory_space<vmem>>
      tpu.enqueue_dma source(%dma_start3A_164 : memref<400xf32, #tpu.memory_space<vmem>>) target(%dma_start3A_162 : memref<400xf32, #tpu.memory_space<hbm>>) target_semaphore(%arg14 : memref<!tpu.dma_semaphore, #tpu.memory_space<semaphore_mem>>)
      %add3A_165 = arith.constant 1200000 : i32
      %add3A_166 = arith.addi %add3A_165, %mul3A_2 : i32
      %add3A_167 = arith.constant 0 : i32
      %add3A_168 = arith.addi %add3A_166, %add3A_167 : i32
      %dma_start3A_169 = arith.constant 38400 : i32
      %dma_start3A_170 = tpu.memref_slice %arg11[%dma_start3A_169] : memref<64000xf32, #tpu.memory_space<vmem>> -> memref<400xf32, #tpu.memory_space<vmem>>
      %dma_start3A_171 = tpu.memref_slice %arg8[%add3A_168] : memref<2000000xf32, #tpu.memory_space<hbm>> -> memref<400xf32, #tpu.memory_space<hbm>>
      %dma_start3A_172 = tpu.memref_slice %arg8[%add3A_168] : memref<2000000xf32, #tpu.memory_space<hbm>> -> memref<400xf32, #tpu.memory_space<hbm>>
      %dma_start3A_173 = arith.constant 38400 : i32
      %dma_start3A_174 = tpu.memref_slice %arg11[%dma_start3A_173] : memref<64000xf32, #tpu.memory_space<vmem>> -> memref<400xf32, #tpu.memory_space<vmem>>
      tpu.enqueue_dma source(%dma_start3A_174 : memref<400xf32, #tpu.memory_space<vmem>>) target(%dma_start3A_172 : memref<400xf32, #tpu.memory_space<hbm>>) target_semaphore(%arg14 : memref<!tpu.dma_semaphore, #tpu.memory_space<semaphore_mem>>)
      %add3A_175 = arith.constant 1300000 : i32
      %add3A_176 = arith.addi %add3A_175, %mul3A_2 : i32
      %add3A_177 = arith.constant 0 : i32
      %add3A_178 = arith.addi %add3A_176, %add3A_177 : i32
      %dma_start3A_179 = arith.constant 41600 : i32
      %dma_start3A_180 = tpu.memref_slice %arg11[%dma_start3A_179] : memref<64000xf32, #tpu.memory_space<vmem>> -> memref<400xf32, #tpu.memory_space<vmem>>
      %dma_start3A_181 = tpu.memref_slice %arg8[%add3A_178] : memref<2000000xf32, #tpu.memory_space<hbm>> -> memref<400xf32, #tpu.memory_space<hbm>>
      %dma_start3A_182 = tpu.memref_slice %arg8[%add3A_178] : memref<2000000xf32, #tpu.memory_space<hbm>> -> memref<400xf32, #tpu.memory_space<hbm>>
      %dma_start3A_183 = arith.constant 41600 : i32
      %dma_start3A_184 = tpu.memref_slice %arg11[%dma_start3A_183] : memref<64000xf32, #tpu.memory_space<vmem>> -> memref<400xf32, #tpu.memory_space<vmem>>
      tpu.enqueue_dma source(%dma_start3A_184 : memref<400xf32, #tpu.memory_space<vmem>>) target(%dma_start3A_182 : memref<400xf32, #tpu.memory_space<hbm>>) target_semaphore(%arg14 : memref<!tpu.dma_semaphore, #tpu.memory_space<semaphore_mem>>)
      %add3A_185 = arith.constant 1400000 : i32
      %add3A_186 = arith.addi %add3A_185, %mul3A_2 : i32
      %add3A_187 = arith.constant 0 : i32
      %add3A_188 = arith.addi %add3A_186, %add3A_187 : i32
      %dma_start3A_189 = arith.constant 44800 : i32
      %dma_start3A_190 = tpu.memref_slice %arg11[%dma_start3A_189] : memref<64000xf32, #tpu.memory_space<vmem>> -> memref<400xf32, #tpu.memory_space<vmem>>
      %dma_start3A_191 = tpu.memref_slice %arg8[%add3A_188] : memref<2000000xf32, #tpu.memory_space<hbm>> -> memref<400xf32, #tpu.memory_space<hbm>>
      %dma_start3A_192 = tpu.memref_slice %arg8[%add3A_188] : memref<2000000xf32, #tpu.memory_space<hbm>> -> memref<400xf32, #tpu.memory_space<hbm>>
      %dma_start3A_193 = arith.constant 44800 : i32
      %dma_start3A_194 = tpu.memref_slice %arg11[%dma_start3A_193] : memref<64000xf32, #tpu.memory_space<vmem>> -> memref<400xf32, #tpu.memory_space<vmem>>
      tpu.enqueue_dma source(%dma_start3A_194 : memref<400xf32, #tpu.memory_space<vmem>>) target(%dma_start3A_192 : memref<400xf32, #tpu.memory_space<hbm>>) target_semaphore(%arg14 : memref<!tpu.dma_semaphore, #tpu.memory_space<semaphore_mem>>)
      %add3A_195 = arith.constant 1500000 : i32
      %add3A_196 = arith.addi %add3A_195, %mul3A_2 : i32
      %add3A_197 = arith.constant 0 : i32
      %add3A_198 = arith.addi %add3A_196, %add3A_197 : i32
      %dma_start3A_199 = arith.constant 48000 : i32
      %dma_start3A_200 = tpu.memref_slice %arg11[%dma_start3A_199] : memref<64000xf32, #tpu.memory_space<vmem>> -> memref<400xf32, #tpu.memory_space<vmem>>
      %dma_start3A_201 = tpu.memref_slice %arg8[%add3A_198] : memref<2000000xf32, #tpu.memory_space<hbm>> -> memref<400xf32, #tpu.memory_space<hbm>>
      %dma_start3A_202 = tpu.memref_slice %arg8[%add3A_198] : memref<2000000xf32, #tpu.memory_space<hbm>> -> memref<400xf32, #tpu.memory_space<hbm>>
      %dma_start3A_203 = arith.constant 48000 : i32
      %dma_start3A_204 = tpu.memref_slice %arg11[%dma_start3A_203] : memref<64000xf32, #tpu.memory_space<vmem>> -> memref<400xf32, #tpu.memory_space<vmem>>
      tpu.enqueue_dma source(%dma_start3A_204 : memref<400xf32, #tpu.memory_space<vmem>>) target(%dma_start3A_202 : memref<400xf32, #tpu.memory_space<hbm>>) target_semaphore(%arg14 : memref<!tpu.dma_semaphore, #tpu.memory_space<semaphore_mem>>)
      %parallel_loop3A_205 = arith.constant 25 : i32
      %parallel_loop3A_206 = arith.constant 50 : i32
      %parallel_loop3A_207 = arith.constant 1 : i32
      scf.for %parallel_loop3A_640 = %parallel_loop3A_205 to %parallel_loop3A_206 step %parallel_loop3A_207  : i32 {
        %parallel_loop3A_641 = arith.constant 16 : i32
        %parallel_loop3A_642 = arith.muli %parallel_loop3A_640, %parallel_loop3A_641 : i32
        %parallel_loop3A_643 = arith.index_cast %parallel_loop3A_642 : i32 to index
        %parallel_loop3A_644 = tpu.vector_load %arg10[%parallel_loop3A_643] {strides = array<i32>} : memref<3200xi32, #tpu.memory_space<vmem>>, vector<16xi32>,
        %parallel_loop3A_645 = arith.constant 0 : i32
        %parallel_loop3A_646 = tpu.memref_slice %arg9[%parallel_loop3A_645] : memref<2048xf32, #tpu.memory_space<vmem>> -> memref<128xf32, #tpu.memory_space<vmem>>
        %parallel_loop3A_647 = tpu.vector_load_idx %parallel_loop3A_646[%parallel_loop3A_644] : memref<128xf32, #tpu.memory_space<vmem>>[vector<16xi32>], vector<16xf32>,
        %parallel_loop3A_648 = arith.constant 128 : i32
        %parallel_loop3A_649 = tpu.memref_slice %arg9[%parallel_loop3A_648] : memref<2048xf32, #tpu.memory_space<vmem>> -> memref<128xf32, #tpu.memory_space<vmem>>
        %parallel_loop3A_650 = tpu.vector_load_idx %parallel_loop3A_649[%parallel_loop3A_644] : memref<128xf32, #tpu.memory_space<vmem>>[vector<16xi32>], vector<16xf32>,
        %parallel_loop3A_651 = arith.constant 256 : i32
        %parallel_loop3A_652 = tpu.memref_slice %arg9[%parallel_loop3A_651] : memref<2048xf32, #tpu.memory_space<vmem>> -> memref<128xf32, #tpu.memory_space<vmem>>
        %parallel_loop3A_653 = tpu.vector_load_idx %parallel_loop3A_652[%parallel_loop3A_644] : memref<128xf32, #tpu.memory_space<vmem>>[vector<16xi32>], vector<16xf32>,
        %parallel_loop3A_654 = arith.constant 384 : i32
        %parallel_loop3A_655 = tpu.memref_slice %arg9[%parallel_loop3A_654] : memref<2048xf32, #tpu.memory_space<vmem>> -> memref<128xf32, #tpu.memory_space<vmem>>
        %parallel_loop3A_656 = tpu.vector_load_idx %parallel_loop3A_655[%parallel_loop3A_644] : memref<128xf32, #tpu.memory_space<vmem>>[vector<16xi32>], vector<16xf32>,
        %parallel_loop3A_657 = arith.constant 512 : i32
        %parallel_loop3A_658 = tpu.memref_slice %arg9[%parallel_loop3A_657] : memref<2048xf32, #tpu.memory_space<vmem>> -> memref<128xf32, #tpu.memory_space<vmem>>
        %parallel_loop3A_659 = tpu.vector_load_idx %parallel_loop3A_658[%parallel_loop3A_644] : memref<128xf32, #tpu.memory_space<vmem>>[vector<16xi32>], vector<16xf32>,
        %parallel_loop3A_660 = arith.constant 640 : i32
        %parallel_loop3A_661 = tpu.memref_slice %arg9[%parallel_loop3A_660] : memref<2048xf32, #tpu.memory_space<vmem>> -> memref<128xf32, #tpu.memory_space<vmem>>
        %parallel_loop3A_662 = tpu.vector_load_idx %parallel_loop3A_661[%parallel_loop3A_644] : memref<128xf32, #tpu.memory_space<vmem>>[vector<16xi32>], vector<16xf32>,
        %parallel_loop3A_663 = arith.constant 768 : i32
        %parallel_loop3A_664 = tpu.memref_slice %arg9[%parallel_loop3A_663] : memref<2048xf32, #tpu.memory_space<vmem>> -> memref<128xf32, #tpu.memory_space<vmem>>
        %parallel_loop3A_665 = tpu.vector_load_idx %parallel_loop3A_664[%parallel_loop3A_644] : memref<128xf32, #tpu.memory_space<vmem>>[vector<16xi32>], vector<16xf32>,
        %parallel_loop3A_666 = arith.constant 896 : i32
        %parallel_loop3A_667 = tpu.memref_slice %arg9[%parallel_loop3A_666] : memref<2048xf32, #tpu.memory_space<vmem>> -> memref<128xf32, #tpu.memory_space<vmem>>
        %parallel_loop3A_668 = tpu.vector_load_idx %parallel_loop3A_667[%parallel_loop3A_644] : memref<128xf32, #tpu.memory_space<vmem>>[vector<16xi32>], vector<16xf32>,
        %parallel_loop3A_669 = arith.constant 1024 : i32
        %parallel_loop3A_670 = tpu.memref_slice %arg9[%parallel_loop3A_669] : memref<2048xf32, #tpu.memory_space<vmem>> -> memref<128xf32, #tpu.memory_space<vmem>>
        %parallel_loop3A_671 = tpu.vector_load_idx %parallel_loop3A_670[%parallel_loop3A_644] : memref<128xf32, #tpu.memory_space<vmem>>[vector<16xi32>], vector<16xf32>,
        %parallel_loop3A_672 = arith.constant 1152 : i32
        %parallel_loop3A_673 = tpu.memref_slice %arg9[%parallel_loop3A_672] : memref<2048xf32, #tpu.memory_space<vmem>> -> memref<128xf32, #tpu.memory_space<vmem>>
        %parallel_loop3A_674 = tpu.vector_load_idx %parallel_loop3A_673[%parallel_loop3A_644] : memref<128xf32, #tpu.memory_space<vmem>>[vector<16xi32>], vector<16xf32>,
        %parallel_loop3A_675 = arith.constant 1280 : i32
        %parallel_loop3A_676 = tpu.memref_slice %arg9[%parallel_loop3A_675] : memref<2048xf32, #tpu.memory_space<vmem>> -> memref<128xf32, #tpu.memory_space<vmem>>
        %parallel_loop3A_677 = tpu.vector_load_idx %parallel_loop3A_676[%parallel_loop3A_644] : memref<128xf32, #tpu.memory_space<vmem>>[vector<16xi32>], vector<16xf32>,
        %parallel_loop3A_678 = arith.constant 1408 : i32
        %parallel_loop3A_679 = tpu.memref_slice %arg9[%parallel_loop3A_678] : memref<2048xf32, #tpu.memory_space<vmem>> -> memref<128xf32, #tpu.memory_space<vmem>>
        %parallel_loop3A_680 = tpu.vector_load_idx %parallel_loop3A_679[%parallel_loop3A_644] : memref<128xf32, #tpu.memory_space<vmem>>[vector<16xi32>], vector<16xf32>,
        %parallel_loop3A_681 = arith.constant 1536 : i32
        %parallel_loop3A_682 = tpu.memref_slice %arg9[%parallel_loop3A_681] : memref<2048xf32, #tpu.memory_space<vmem>> -> memref<128xf32, #tpu.memory_space<vmem>>
        %parallel_loop3A_683 = tpu.vector_load_idx %parallel_loop3A_682[%parallel_loop3A_644] : memref<128xf32, #tpu.memory_space<vmem>>[vector<16xi32>], vector<16xf32>,
        %parallel_loop3A_684 = arith.constant 1664 : i32
        %parallel_loop3A_685 = tpu.memref_slice %arg9[%parallel_loop3A_684] : memref<2048xf32, #tpu.memory_space<vmem>> -> memref<128xf32, #tpu.memory_space<vmem>>
        %parallel_loop3A_686 = tpu.vector_load_idx %parallel_loop3A_685[%parallel_loop3A_644] : memref<128xf32, #tpu.memory_space<vmem>>[vector<16xi32>], vector<16xf32>,
        %parallel_loop3A_687 = arith.constant 1792 : i32
        %parallel_loop3A_688 = tpu.memref_slice %arg9[%parallel_loop3A_687] : memref<2048xf32, #tpu.memory_space<vmem>> -> memref<128xf32, #tpu.memory_space<vmem>>
        %parallel_loop3A_689 = tpu.vector_load_idx %parallel_loop3A_688[%parallel_loop3A_644] : memref<128xf32, #tpu.memory_space<vmem>>[vector<16xi32>], vector<16xf32>,
        %parallel_loop3A_690 = arith.constant 1920 : i32
        %parallel_loop3A_691 = tpu.memref_slice %arg9[%parallel_loop3A_690] : memref<2048xf32, #tpu.memory_space<vmem>> -> memref<128xf32, #tpu.memory_space<vmem>>
        %parallel_loop3A_692 = tpu.vector_load_idx %parallel_loop3A_691[%parallel_loop3A_644] : memref<128xf32, #tpu.memory_space<vmem>>[vector<16xi32>], vector<16xf32>,
        %parallel_loop3A_693 = arith.constant 16 : i32
        %parallel_loop3A_694 = arith.muli %parallel_loop3A_640, %parallel_loop3A_693 : i32
        %parallel_loop3A_695 = arith.constant 0 : i32
        %parallel_loop3A_696 = arith.addi %parallel_loop3A_695, %parallel_loop3A_694 : i32
        %parallel_loop3A_697 = arith.index_cast %parallel_loop3A_696 : i32 to index
        %parallel_loop3A_698 = tpu.vector_load %arg11[%parallel_loop3A_697] {strides = array<i32>} : memref<64000xf32, #tpu.memory_space<vmem>>, vector<16xf32>,
        tpu.vector_store %arg11[%parallel_loop3A_697], %parallel_loop3A_647 {strides = array<i32>} : memref<64000xf32, #tpu.memory_space<vmem>>, vector<16xf32>,
        %parallel_loop3A_699 = arith.constant 16 : i32
        %parallel_loop3A_700 = arith.muli %parallel_loop3A_640, %parallel_loop3A_699 : i32
        %parallel_loop3A_701 = arith.constant 3200 : i32
        %parallel_loop3A_702 = arith.addi %parallel_loop3A_701, %parallel_loop3A_700 : i32
        %parallel_loop3A_703 = arith.index_cast %parallel_loop3A_702 : i32 to index
        %parallel_loop3A_704 = tpu.vector_load %arg11[%parallel_loop3A_703] {strides = array<i32>} : memref<64000xf32, #tpu.memory_space<vmem>>, vector<16xf32>,
        tpu.vector_store %arg11[%parallel_loop3A_703], %parallel_loop3A_650 {strides = array<i32>} : memref<64000xf32, #tpu.memory_space<vmem>>, vector<16xf32>,
        %parallel_loop3A_705 = arith.constant 16 : i32
        %parallel_loop3A_706 = arith.muli %parallel_loop3A_640, %parallel_loop3A_705 : i32
        %parallel_loop3A_707 = arith.constant 6400 : i32
        %parallel_loop3A_708 = arith.addi %parallel_loop3A_707, %parallel_loop3A_706 : i32
        %parallel_loop3A_709 = arith.index_cast %parallel_loop3A_708 : i32 to index
        %parallel_loop3A_710 = tpu.vector_load %arg11[%parallel_loop3A_709] {strides = array<i32>} : memref<64000xf32, #tpu.memory_space<vmem>>, vector<16xf32>,
        tpu.vector_store %arg11[%parallel_loop3A_709], %parallel_loop3A_653 {strides = array<i32>} : memref<64000xf32, #tpu.memory_space<vmem>>, vector<16xf32>,
        %parallel_loop3A_711 = arith.constant 16 : i32
        %parallel_loop3A_712 = arith.muli %parallel_loop3A_640, %parallel_loop3A_711 : i32
        %parallel_loop3A_713 = arith.constant 9600 : i32
        %parallel_loop3A_714 = arith.addi %parallel_loop3A_713, %parallel_loop3A_712 : i32
        %parallel_loop3A_715 = arith.index_cast %parallel_loop3A_714 : i32 to index
        %parallel_loop3A_716 = tpu.vector_load %arg11[%parallel_loop3A_715] {strides = array<i32>} : memref<64000xf32, #tpu.memory_space<vmem>>, vector<16xf32>,
        tpu.vector_store %arg11[%parallel_loop3A_715], %parallel_loop3A_656 {strides = array<i32>} : memref<64000xf32, #tpu.memory_space<vmem>>, vector<16xf32>,
        %parallel_loop3A_717 = arith.constant 16 : i32
        %parallel_loop3A_718 = arith.muli %parallel_loop3A_640, %parallel_loop3A_717 : i32
        %parallel_loop3A_719 = arith.constant 12800 : i32
        %parallel_loop3A_720 = arith.addi %parallel_loop3A_719, %parallel_loop3A_718 : i32
        %parallel_loop3A_721 = arith.index_cast %parallel_loop3A_720 : i32 to index
        %parallel_loop3A_722 = tpu.vector_load %arg11[%parallel_loop3A_721] {strides = array<i32>} : memref<64000xf32, #tpu.memory_space<vmem>>, vector<16xf32>,
        tpu.vector_store %arg11[%parallel_loop3A_721], %parallel_loop3A_659 {strides = array<i32>} : memref<64000xf32, #tpu.memory_space<vmem>>, vector<16xf32>,
        %parallel_loop3A_723 = arith.constant 16 : i32
        %parallel_loop3A_724 = arith.muli %parallel_loop3A_640, %parallel_loop3A_723 : i32
        %parallel_loop3A_725 = arith.constant 16000 : i32
        %parallel_loop3A_726 = arith.addi %parallel_loop3A_725, %parallel_loop3A_724 : i32
        %parallel_loop3A_727 = arith.index_cast %parallel_loop3A_726 : i32 to index
        %parallel_loop3A_728 = tpu.vector_load %arg11[%parallel_loop3A_727] {strides = array<i32>} : memref<64000xf32, #tpu.memory_space<vmem>>, vector<16xf32>,
        tpu.vector_store %arg11[%parallel_loop3A_727], %parallel_loop3A_662 {strides = array<i32>} : memref<64000xf32, #tpu.memory_space<vmem>>, vector<16xf32>,
        %parallel_loop3A_729 = arith.constant 16 : i32
        %parallel_loop3A_730 = arith.muli %parallel_loop3A_640, %parallel_loop3A_729 : i32
        %parallel_loop3A_731 = arith.constant 19200 : i32
        %parallel_loop3A_732 = arith.addi %parallel_loop3A_731, %parallel_loop3A_730 : i32
        %parallel_loop3A_733 = arith.index_cast %parallel_loop3A_732 : i32 to index
        %parallel_loop3A_734 = tpu.vector_load %arg11[%parallel_loop3A_733] {strides = array<i32>} : memref<64000xf32, #tpu.memory_space<vmem>>, vector<16xf32>,
        tpu.vector_store %arg11[%parallel_loop3A_733], %parallel_loop3A_665 {strides = array<i32>} : memref<64000xf32, #tpu.memory_space<vmem>>, vector<16xf32>,
        %parallel_loop3A_735 = arith.constant 16 : i32
        %parallel_loop3A_736 = arith.muli %parallel_loop3A_640, %parallel_loop3A_735 : i32
        %parallel_loop3A_737 = arith.constant 22400 : i32
        %parallel_loop3A_738 = arith.addi %parallel_loop3A_737, %parallel_loop3A_736 : i32
        %parallel_loop3A_739 = arith.index_cast %parallel_loop3A_738 : i32 to index
        %parallel_loop3A_740 = tpu.vector_load %arg11[%parallel_loop3A_739] {strides = array<i32>} : memref<64000xf32, #tpu.memory_space<vmem>>, vector<16xf32>,
        tpu.vector_store %arg11[%parallel_loop3A_739], %parallel_loop3A_668 {strides = array<i32>} : memref<64000xf32, #tpu.memory_space<vmem>>, vector<16xf32>,
        %parallel_loop3A_741 = arith.constant 16 : i32
        %parallel_loop3A_742 = arith.muli %parallel_loop3A_640, %parallel_loop3A_741 : i32
        %parallel_loop3A_743 = arith.constant 25600 : i32
        %parallel_loop3A_744 = arith.addi %parallel_loop3A_743, %parallel_loop3A_742 : i32
        %parallel_loop3A_745 = arith.index_cast %parallel_loop3A_744 : i32 to index
        %parallel_loop3A_746 = tpu.vector_load %arg11[%parallel_loop3A_745] {strides = array<i32>} : memref<64000xf32, #tpu.memory_space<vmem>>, vector<16xf32>,
        tpu.vector_store %arg11[%parallel_loop3A_745], %parallel_loop3A_671 {strides = array<i32>} : memref<64000xf32, #tpu.memory_space<vmem>>, vector<16xf32>,
        %parallel_loop3A_747 = arith.constant 16 : i32
        %parallel_loop3A_748 = arith.muli %parallel_loop3A_640, %parallel_loop3A_747 : i32
        %parallel_loop3A_749 = arith.constant 28800 : i32
        %parallel_loop3A_750 = arith.addi %parallel_loop3A_749, %parallel_loop3A_748 : i32
        %parallel_loop3A_751 = arith.index_cast %parallel_loop3A_750 : i32 to index
        %parallel_loop3A_752 = tpu.vector_load %arg11[%parallel_loop3A_751] {strides = array<i32>} : memref<64000xf32, #tpu.memory_space<vmem>>, vector<16xf32>,
        tpu.vector_store %arg11[%parallel_loop3A_751], %parallel_loop3A_674 {strides = array<i32>} : memref<64000xf32, #tpu.memory_space<vmem>>, vector<16xf32>,
        %parallel_loop3A_753 = arith.constant 16 : i32
        %parallel_loop3A_754 = arith.muli %parallel_loop3A_640, %parallel_loop3A_753 : i32
        %parallel_loop3A_755 = arith.constant 32000 : i32
        %parallel_loop3A_756 = arith.addi %parallel_loop3A_755, %parallel_loop3A_754 : i32
        %parallel_loop3A_757 = arith.index_cast %parallel_loop3A_756 : i32 to index
        %parallel_loop3A_758 = tpu.vector_load %arg11[%parallel_loop3A_757] {strides = array<i32>} : memref<64000xf32, #tpu.memory_space<vmem>>, vector<16xf32>,
        tpu.vector_store %arg11[%parallel_loop3A_757], %parallel_loop3A_677 {strides = array<i32>} : memref<64000xf32, #tpu.memory_space<vmem>>, vector<16xf32>,
        %parallel_loop3A_759 = arith.constant 16 : i32
        %parallel_loop3A_760 = arith.muli %parallel_loop3A_640, %parallel_loop3A_759 : i32
        %parallel_loop3A_761 = arith.constant 35200 : i32
        %parallel_loop3A_762 = arith.addi %parallel_loop3A_761, %parallel_loop3A_760 : i32
        %parallel_loop3A_763 = arith.index_cast %parallel_loop3A_762 : i32 to index
        %parallel_loop3A_764 = tpu.vector_load %arg11[%parallel_loop3A_763] {strides = array<i32>} : memref<64000xf32, #tpu.memory_space<vmem>>, vector<16xf32>,
        tpu.vector_store %arg11[%parallel_loop3A_763], %parallel_loop3A_680 {strides = array<i32>} : memref<64000xf32, #tpu.memory_space<vmem>>, vector<16xf32>,
        %parallel_loop3A_765 = arith.constant 16 : i32
        %parallel_loop3A_766 = arith.muli %parallel_loop3A_640, %parallel_loop3A_765 : i32
        %parallel_loop3A_767 = arith.constant 38400 : i32
        %parallel_loop3A_768 = arith.addi %parallel_loop3A_767, %parallel_loop3A_766 : i32
        %parallel_loop3A_769 = arith.index_cast %parallel_loop3A_768 : i32 to index
        %parallel_loop3A_770 = tpu.vector_load %arg11[%parallel_loop3A_769] {strides = array<i32>} : memref<64000xf32, #tpu.memory_space<vmem>>, vector<16xf32>,
        tpu.vector_store %arg11[%parallel_loop3A_769], %parallel_loop3A_683 {strides = array<i32>} : memref<64000xf32, #tpu.memory_space<vmem>>, vector<16xf32>,
        %parallel_loop3A_771 = arith.constant 16 : i32
        %parallel_loop3A_772 = arith.muli %parallel_loop3A_640, %parallel_loop3A_771 : i32
        %parallel_loop3A_773 = arith.constant 41600 : i32
        %parallel_loop3A_774 = arith.addi %parallel_loop3A_773, %parallel_loop3A_772 : i32
        %parallel_loop3A_775 = arith.index_cast %parallel_loop3A_774 : i32 to index
        %parallel_loop3A_776 = tpu.vector_load %arg11[%parallel_loop3A_775] {strides = array<i32>} : memref<64000xf32, #tpu.memory_space<vmem>>, vector<16xf32>,
        tpu.vector_store %arg11[%parallel_loop3A_775], %parallel_loop3A_686 {strides = array<i32>} : memref<64000xf32, #tpu.memory_space<vmem>>, vector<16xf32>,
        %parallel_loop3A_777 = arith.constant 16 : i32
        %parallel_loop3A_778 = arith.muli %parallel_loop3A_640, %parallel_loop3A_777 : i32
        %parallel_loop3A_779 = arith.constant 44800 : i32
        %parallel_loop3A_780 = arith.addi %parallel_loop3A_779, %parallel_loop3A_778 : i32
        %parallel_loop3A_781 = arith.index_cast %parallel_loop3A_780 : i32 to index
        %parallel_loop3A_782 = tpu.vector_load %arg11[%parallel_loop3A_781] {strides = array<i32>} : memref<64000xf32, #tpu.memory_space<vmem>>, vector<16xf32>,
        tpu.vector_store %arg11[%parallel_loop3A_781], %parallel_loop3A_689 {strides = array<i32>} : memref<64000xf32, #tpu.memory_space<vmem>>, vector<16xf32>,
        %parallel_loop3A_783 = arith.constant 16 : i32
        %parallel_loop3A_784 = arith.muli %parallel_loop3A_640, %parallel_loop3A_783 : i32
        %parallel_loop3A_785 = arith.constant 48000 : i32
        %parallel_loop3A_786 = arith.addi %parallel_loop3A_785, %parallel_loop3A_784 : i32
        %parallel_loop3A_787 = arith.index_cast %parallel_loop3A_786 : i32 to index
        %parallel_loop3A_788 = tpu.vector_load %arg11[%parallel_loop3A_787] {strides = array<i32>} : memref<64000xf32, #tpu.memory_space<vmem>>, vector<16xf32>,
        tpu.vector_store %arg11[%parallel_loop3A_787], %parallel_loop3A_692 {strides = array<i32>} : memref<64000xf32, #tpu.memory_space<vmem>>, vector<16xf32>,
      } {sc.loop_unroll_factor = 2 : i64, sc.parallel_access}
      %add3A_208 = arith.constant 0 : i32
      %add3A_209 = arith.addi %add3A_208, %mul3A_2 : i32
      %add3A_210 = arith.constant 400 : i32
      %add3A_211 = arith.addi %add3A_209, %add3A_210 : i32
      %dma_start3A_212 = arith.constant 400 : i32
      %dma_start3A_213 = tpu.memref_slice %arg11[%dma_start3A_212] : memref<64000xf32, #tpu.memory_space<vmem>> -> memref<400xf32, #tpu.memory_space<vmem>>
      %dma_start3A_214 = tpu.memref_slice %arg8[%add3A_211] : memref<2000000xf32, #tpu.memory_space<hbm>> -> memref<400xf32, #tpu.memory_space<hbm>>
      %dma_start3A_215 = tpu.memref_slice %arg8[%add3A_211] : memref<2000000xf32, #tpu.memory_space<hbm>> -> memref<400xf32, #tpu.memory_space<hbm>>
      %dma_start3A_216 = arith.constant 400 : i32
      %dma_start3A_217 = tpu.memref_slice %arg11[%dma_start3A_216] : memref<64000xf32, #tpu.memory_space<vmem>> -> memref<400xf32, #tpu.memory_space<vmem>>
      tpu.enqueue_dma source(%dma_start3A_217 : memref<400xf32, #tpu.memory_space<vmem>>) target(%dma_start3A_215 : memref<400xf32, #tpu.memory_space<hbm>>) target_semaphore(%arg14 : memref<!tpu.dma_semaphore, #tpu.memory_space<semaphore_mem>>)
      %add3A_218 = arith.constant 100000 : i32
      %add3A_219 = arith.addi %add3A_218, %mul3A_2 : i32
      %add3A_220 = arith.constant 400 : i32
      %add3A_221 = arith.addi %add3A_219, %add3A_220 : i32
      %dma_start3A_222 = arith.constant 3600 : i32
      %dma_start3A_223 = tpu.memref_slice %arg11[%dma_start3A_222] : memref<64000xf32, #tpu.memory_space<vmem>> -> memref<400xf32, #tpu.memory_space<vmem>>
      %dma_start3A_224 = tpu.memref_slice %arg8[%add3A_221] : memref<2000000xf32, #tpu.memory_space<hbm>> -> memref<400xf32, #tpu.memory_space<hbm>>
      %dma_start3A_225 = tpu.memref_slice %arg8[%add3A_221] : memref<2000000xf32, #tpu.memory_space<hbm>> -> memref<400xf32, #tpu.memory_space<hbm>>
      %dma_start3A_226 = arith.constant 3600 : i32
      %dma_start3A_227 = tpu.memref_slice %arg11[%dma_start3A_226] : memref<64000xf32, #tpu.memory_space<vmem>> -> memref<400xf32, #tpu.memory_space<vmem>>
      tpu.enqueue_dma source(%dma_start3A_227 : memref<400xf32, #tpu.memory_space<vmem>>) target(%dma_start3A_225 : memref<400xf32, #tpu.memory_space<hbm>>) target_semaphore(%arg14 : memref<!tpu.dma_semaphore, #tpu.memory_space<semaphore_mem>>)
      %add3A_228 = arith.constant 200000 : i32
      %add3A_229 = arith.addi %add3A_228, %mul3A_2 : i32
      %add3A_230 = arith.constant 400 : i32
      %add3A_231 = arith.addi %add3A_229, %add3A_230 : i32
      %dma_start3A_232 = arith.constant 6800 : i32
      %dma_start3A_233 = tpu.memref_slice %arg11[%dma_start3A_232] : memref<64000xf32, #tpu.memory_space<vmem>> -> memref<400xf32, #tpu.memory_space<vmem>>
      %dma_start3A_234 = tpu.memref_slice %arg8[%add3A_231] : memref<2000000xf32, #tpu.memory_space<hbm>> -> memref<400xf32, #tpu.memory_space<hbm>>
      %dma_start3A_235 = tpu.memref_slice %arg8[%add3A_231] : memref<2000000xf32, #tpu.memory_space<hbm>> -> memref<400xf32, #tpu.memory_space<hbm>>
      %dma_start3A_236 = arith.constant 6800 : i32
      %dma_start3A_237 = tpu.memref_slice %arg11[%dma_start3A_236] : memref<64000xf32, #tpu.memory_space<vmem>> -> memref<400xf32, #tpu.memory_space<vmem>>
      tpu.enqueue_dma source(%dma_start3A_237 : memref<400xf32, #tpu.memory_space<vmem>>) target(%dma_start3A_235 : memref<400xf32, #tpu.memory_space<hbm>>) target_semaphore(%arg14 : memref<!tpu.dma_semaphore, #tpu.memory_space<semaphore_mem>>)
      %add3A_238 = arith.constant 300000 : i32
      %add3A_239 = arith.addi %add3A_238, %mul3A_2 : i32
      %add3A_240 = arith.constant 400 : i32
      %add3A_241 = arith.addi %add3A_239, %add3A_240 : i32
      %dma_start3A_242 = arith.constant 10000 : i32
      %dma_start3A_243 = tpu.memref_slice %arg11[%dma_start3A_242] : memref<64000xf32, #tpu.memory_space<vmem>> -> memref<400xf32, #tpu.memory_space<vmem>>
      %dma_start3A_244 = tpu.memref_slice %arg8[%add3A_241] : memref<2000000xf32, #tpu.memory_space<hbm>> -> memref<400xf32, #tpu.memory_space<hbm>>
      %dma_start3A_245 = tpu.memref_slice %arg8[%add3A_241] : memref<2000000xf32, #tpu.memory_space<hbm>> -> memref<400xf32, #tpu.memory_space<hbm>>
      %dma_start3A_246 = arith.constant 10000 : i32
      %dma_start3A_247 = tpu.memref_slice %arg11[%dma_start3A_246] : memref<64000xf32, #tpu.memory_space<vmem>> -> memref<400xf32, #tpu.memory_space<vmem>>
      tpu.enqueue_dma source(%dma_start3A_247 : memref<400xf32, #tpu.memory_space<vmem>>) target(%dma_start3A_245 : memref<400xf32, #tpu.memory_space<hbm>>) target_semaphore(%arg14 : memref<!tpu.dma_semaphore, #tpu.memory_space<semaphore_mem>>)
      %add3A_248 = arith.constant 400000 : i32
      %add3A_249 = arith.addi %add3A_248, %mul3A_2 : i32
      %add3A_250 = arith.constant 400 : i32
      %add3A_251 = arith.addi %add3A_249, %add3A_250 : i32
      %dma_start3A_252 = arith.constant 13200 : i32
      %dma_start3A_253 = tpu.memref_slice %arg11[%dma_start3A_252] : memref<64000xf32, #tpu.memory_space<vmem>> -> memref<400xf32, #tpu.memory_space<vmem>>
      %dma_start3A_254 = tpu.memref_slice %arg8[%add3A_251] : memref<2000000xf32, #tpu.memory_space<hbm>> -> memref<400xf32, #tpu.memory_space<hbm>>
      %dma_start3A_255 = tpu.memref_slice %arg8[%add3A_251] : memref<2000000xf32, #tpu.memory_space<hbm>> -> memref<400xf32, #tpu.memory_space<hbm>>
      %dma_start3A_256 = arith.constant 13200 : i32
      %dma_start3A_257 = tpu.memref_slice %arg11[%dma_start3A_256] : memref<64000xf32, #tpu.memory_space<vmem>> -> memref<400xf32, #tpu.memory_space<vmem>>
      tpu.enqueue_dma source(%dma_start3A_257 : memref<400xf32, #tpu.memory_space<vmem>>) target(%dma_start3A_255 : memref<400xf32, #tpu.memory_space<hbm>>) target_semaphore(%arg14 : memref<!tpu.dma_semaphore, #tpu.memory_space<semaphore_mem>>)
      %add3A_258 = arith.constant 500000 : i32
      %add3A_259 = arith.addi %add3A_258, %mul3A_2 : i32
      %add3A_260 = arith.constant 400 : i32
      %add3A_261 = arith.addi %add3A_259, %add3A_260 : i32
      %dma_start3A_262 = arith.constant 16400 : i32
      %dma_start3A_263 = tpu.memref_slice %arg11[%dma_start3A_262] : memref<64000xf32, #tpu.memory_space<vmem>> -> memref<400xf32, #tpu.memory_space<vmem>>
      %dma_start3A_264 = tpu.memref_slice %arg8[%add3A_261] : memref<2000000xf32, #tpu.memory_space<hbm>> -> memref<400xf32, #tpu.memory_space<hbm>>
      %dma_start3A_265 = tpu.memref_slice %arg8[%add3A_261] : memref<2000000xf32, #tpu.memory_space<hbm>> -> memref<400xf32, #tpu.memory_space<hbm>>
      %dma_start3A_266 = arith.constant 16400 : i32
      %dma_start3A_267 = tpu.memref_slice %arg11[%dma_start3A_266] : memref<64000xf32, #tpu.memory_space<vmem>> -> memref<400xf32, #tpu.memory_space<vmem>>
      tpu.enqueue_dma source(%dma_start3A_267 : memref<400xf32, #tpu.memory_space<vmem>>) target(%dma_start3A_265 : memref<400xf32, #tpu.memory_space<hbm>>) target_semaphore(%arg14 : memref<!tpu.dma_semaphore, #tpu.memory_space<semaphore_mem>>)
      %add3A_268 = arith.constant 600000 : i32
      %add3A_269 = arith.addi %add3A_268, %mul3A_2 : i32
      %add3A_270 = arith.constant 400 : i32
      %add3A_271 = arith.addi %add3A_269, %add3A_270 : i32
      %dma_start3A_272 = arith.constant 19600 : i32
      %dma_start3A_273 = tpu.memref_slice %arg11[%dma_start3A_272] : memref<64000xf32, #tpu.memory_space<vmem>> -> memref<400xf32, #tpu.memory_space<vmem>>
      %dma_start3A_274 = tpu.memref_slice %arg8[%add3A_271] : memref<2000000xf32, #tpu.memory_space<hbm>> -> memref<400xf32, #tpu.memory_space<hbm>>
      %dma_start3A_275 = tpu.memref_slice %arg8[%add3A_271] : memref<2000000xf32, #tpu.memory_space<hbm>> -> memref<400xf32, #tpu.memory_space<hbm>>
      %dma_start3A_276 = arith.constant 19600 : i32
      %dma_start3A_277 = tpu.memref_slice %arg11[%dma_start3A_276] : memref<64000xf32, #tpu.memory_space<vmem>> -> memref<400xf32, #tpu.memory_space<vmem>>
      tpu.enqueue_dma source(%dma_start3A_277 : memref<400xf32, #tpu.memory_space<vmem>>) target(%dma_start3A_275 : memref<400xf32, #tpu.memory_space<hbm>>) target_semaphore(%arg14 : memref<!tpu.dma_semaphore, #tpu.memory_space<semaphore_mem>>)
      %add3A_278 = arith.constant 700000 : i32
      %add3A_279 = arith.addi %add3A_278, %mul3A_2 : i32
      %add3A_280 = arith.constant 400 : i32
      %add3A_281 = arith.addi %add3A_279, %add3A_280 : i32
      %dma_start3A_282 = arith.constant 22800 : i32
      %dma_start3A_283 = tpu.memref_slice %arg11[%dma_start3A_282] : memref<64000xf32, #tpu.memory_space<vmem>> -> memref<400xf32, #tpu.memory_space<vmem>>
      %dma_start3A_284 = tpu.memref_slice %arg8[%add3A_281] : memref<2000000xf32, #tpu.memory_space<hbm>> -> memref<400xf32, #tpu.memory_space<hbm>>
      %dma_start3A_285 = tpu.memref_slice %arg8[%add3A_281] : memref<2000000xf32, #tpu.memory_space<hbm>> -> memref<400xf32, #tpu.memory_space<hbm>>
      %dma_start3A_286 = arith.constant 22800 : i32
      %dma_start3A_287 = tpu.memref_slice %arg11[%dma_start3A_286] : memref<64000xf32, #tpu.memory_space<vmem>> -> memref<400xf32, #tpu.memory_space<vmem>>
      tpu.enqueue_dma source(%dma_start3A_287 : memref<400xf32, #tpu.memory_space<vmem>>) target(%dma_start3A_285 : memref<400xf32, #tpu.memory_space<hbm>>) target_semaphore(%arg14 : memref<!tpu.dma_semaphore, #tpu.memory_space<semaphore_mem>>)
      %add3A_288 = arith.constant 800000 : i32
      %add3A_289 = arith.addi %add3A_288, %mul3A_2 : i32
      %add3A_290 = arith.constant 400 : i32
      %add3A_291 = arith.addi %add3A_289, %add3A_290 : i32
      %dma_start3A_292 = arith.constant 26000 : i32
      %dma_start3A_293 = tpu.memref_slice %arg11[%dma_start3A_292] : memref<64000xf32, #tpu.memory_space<vmem>> -> memref<400xf32, #tpu.memory_space<vmem>>
      %dma_start3A_294 = tpu.memref_slice %arg8[%add3A_291] : memref<2000000xf32, #tpu.memory_space<hbm>> -> memref<400xf32, #tpu.memory_space<hbm>>
      %dma_start3A_295 = tpu.memref_slice %arg8[%add3A_291] : memref<2000000xf32, #tpu.memory_space<hbm>> -> memref<400xf32, #tpu.memory_space<hbm>>
      %dma_start3A_296 = arith.constant 26000 : i32
      %dma_start3A_297 = tpu.memref_slice %arg11[%dma_start3A_296] : memref<64000xf32, #tpu.memory_space<vmem>> -> memref<400xf32, #tpu.memory_space<vmem>>
      tpu.enqueue_dma source(%dma_start3A_297 : memref<400xf32, #tpu.memory_space<vmem>>) target(%dma_start3A_295 : memref<400xf32, #tpu.memory_space<hbm>>) target_semaphore(%arg14 : memref<!tpu.dma_semaphore, #tpu.memory_space<semaphore_mem>>)
      %add3A_298 = arith.constant 900000 : i32
      %add3A_299 = arith.addi %add3A_298, %mul3A_2 : i32
      %add3A_300 = arith.constant 400 : i32
      %add3A_301 = arith.addi %add3A_299, %add3A_300 : i32
      %dma_start3A_302 = arith.constant 29200 : i32
      %dma_start3A_303 = tpu.memref_slice %arg11[%dma_start3A_302] : memref<64000xf32, #tpu.memory_space<vmem>> -> memref<400xf32, #tpu.memory_space<vmem>>
      %dma_start3A_304 = tpu.memref_slice %arg8[%add3A_301] : memref<2000000xf32, #tpu.memory_space<hbm>> -> memref<400xf32, #tpu.memory_space<hbm>>
      %dma_start3A_305 = tpu.memref_slice %arg8[%add3A_301] : memref<2000000xf32, #tpu.memory_space<hbm>> -> memref<400xf32, #tpu.memory_space<hbm>>
      %dma_start3A_306 = arith.constant 29200 : i32
      %dma_start3A_307 = tpu.memref_slice %arg11[%dma_start3A_306] : memref<64000xf32, #tpu.memory_space<vmem>> -> memref<400xf32, #tpu.memory_space<vmem>>
      tpu.enqueue_dma source(%dma_start3A_307 : memref<400xf32, #tpu.memory_space<vmem>>) target(%dma_start3A_305 : memref<400xf32, #tpu.memory_space<hbm>>) target_semaphore(%arg14 : memref<!tpu.dma_semaphore, #tpu.memory_space<semaphore_mem>>)
      %add3A_308 = arith.constant 1000000 : i32
      %add3A_309 = arith.addi %add3A_308, %mul3A_2 : i32
      %add3A_310 = arith.constant 400 : i32
      %add3A_311 = arith.addi %add3A_309, %add3A_310 : i32
      %dma_start3A_312 = arith.constant 32400 : i32
      %dma_start3A_313 = tpu.memref_slice %arg11[%dma_start3A_312] : memref<64000xf32, #tpu.memory_space<vmem>> -> memref<400xf32, #tpu.memory_space<vmem>>
      %dma_start3A_314 = tpu.memref_slice %arg8[%add3A_311] : memref<2000000xf32, #tpu.memory_space<hbm>> -> memref<400xf32, #tpu.memory_space<hbm>>
      %dma_start3A_315 = tpu.memref_slice %arg8[%add3A_311] : memref<2000000xf32, #tpu.memory_space<hbm>> -> memref<400xf32, #tpu.memory_space<hbm>>
      %dma_start3A_316 = arith.constant 32400 : i32
      %dma_start3A_317 = tpu.memref_slice %arg11[%dma_start3A_316] : memref<64000xf32, #tpu.memory_space<vmem>> -> memref<400xf32, #tpu.memory_space<vmem>>
      tpu.enqueue_dma source(%dma_start3A_317 : memref<400xf32, #tpu.memory_space<vmem>>) target(%dma_start3A_315 : memref<400xf32, #tpu.memory_space<hbm>>) target_semaphore(%arg14 : memref<!tpu.dma_semaphore, #tpu.memory_space<semaphore_mem>>)
      %add3A_318 = arith.constant 1100000 : i32
      %add3A_319 = arith.addi %add3A_318, %mul3A_2 : i32
      %add3A_320 = arith.constant 400 : i32
      %add3A_321 = arith.addi %add3A_319, %add3A_320 : i32
      %dma_start3A_322 = arith.constant 35600 : i32
      %dma_start3A_323 = tpu.memref_slice %arg11[%dma_start3A_322] : memref<64000xf32, #tpu.memory_space<vmem>> -> memref<400xf32, #tpu.memory_space<vmem>>
      %dma_start3A_324 = tpu.memref_slice %arg8[%add3A_321] : memref<2000000xf32, #tpu.memory_space<hbm>> -> memref<400xf32, #tpu.memory_space<hbm>>
      %dma_start3A_325 = tpu.memref_slice %arg8[%add3A_321] : memref<2000000xf32, #tpu.memory_space<hbm>> -> memref<400xf32, #tpu.memory_space<hbm>>
      %dma_start3A_326 = arith.constant 35600 : i32
      %dma_start3A_327 = tpu.memref_slice %arg11[%dma_start3A_326] : memref<64000xf32, #tpu.memory_space<vmem>> -> memref<400xf32, #tpu.memory_space<vmem>>
      tpu.enqueue_dma source(%dma_start3A_327 : memref<400xf32, #tpu.memory_space<vmem>>) target(%dma_start3A_325 : memref<400xf32, #tpu.memory_space<hbm>>) target_semaphore(%arg14 : memref<!tpu.dma_semaphore, #tpu.memory_space<semaphore_mem>>)
      %add3A_328 = arith.constant 1200000 : i32
      %add3A_329 = arith.addi %add3A_328, %mul3A_2 : i32
      %add3A_330 = arith.constant 400 : i32
      %add3A_331 = arith.addi %add3A_329, %add3A_330 : i32
      %dma_start3A_332 = arith.constant 38800 : i32
      %dma_start3A_333 = tpu.memref_slice %arg11[%dma_start3A_332] : memref<64000xf32, #tpu.memory_space<vmem>> -> memref<400xf32, #tpu.memory_space<vmem>>
      %dma_start3A_334 = tpu.memref_slice %arg8[%add3A_331] : memref<2000000xf32, #tpu.memory_space<hbm>> -> memref<400xf32, #tpu.memory_space<hbm>>
      %dma_start3A_335 = tpu.memref_slice %arg8[%add3A_331] : memref<2000000xf32, #tpu.memory_space<hbm>> -> memref<400xf32, #tpu.memory_space<hbm>>
      %dma_start3A_336 = arith.constant 38800 : i32
      %dma_start3A_337 = tpu.memref_slice %arg11[%dma_start3A_336] : memref<64000xf32, #tpu.memory_space<vmem>> -> memref<400xf32, #tpu.memory_space<vmem>>
      tpu.enqueue_dma source(%dma_start3A_337 : memref<400xf32, #tpu.memory_space<vmem>>) target(%dma_start3A_335 : memref<400xf32, #tpu.memory_space<hbm>>) target_semaphore(%arg14 : memref<!tpu.dma_semaphore, #tpu.memory_space<semaphore_mem>>)
      %add3A_338 = arith.constant 1300000 : i32
      %add3A_339 = arith.addi %add3A_338, %mul3A_2 : i32
      %add3A_340 = arith.constant 400 : i32
      %add3A_341 = arith.addi %add3A_339, %add3A_340 : i32
      %dma_start3A_342 = arith.constant 42000 : i32
      %dma_start3A_343 = tpu.memref_slice %arg11[%dma_start3A_342] : memref<64000xf32, #tpu.memory_space<vmem>> -> memref<400xf32, #tpu.memory_space<vmem>>
      %dma_start3A_344 = tpu.memref_slice %arg8[%add3A_341] : memref<2000000xf32, #tpu.memory_space<hbm>> -> memref<400xf32, #tpu.memory_space<hbm>>
      %dma_start3A_345 = tpu.memref_slice %arg8[%add3A_341] : memref<2000000xf32, #tpu.memory_space<hbm>> -> memref<400xf32, #tpu.memory_space<hbm>>
      %dma_start3A_346 = arith.constant 42000 : i32
      %dma_start3A_347 = tpu.memref_slice %arg11[%dma_start3A_346] : memref<64000xf32, #tpu.memory_space<vmem>> -> memref<400xf32, #tpu.memory_space<vmem>>
      tpu.enqueue_dma source(%dma_start3A_347 : memref<400xf32, #tpu.memory_space<vmem>>) target(%dma_start3A_345 : memref<400xf32, #tpu.memory_space<hbm>>) target_semaphore(%arg14 : memref<!tpu.dma_semaphore, #tpu.memory_space<semaphore_mem>>)
      %add3A_348 = arith.constant 1400000 : i32
      %add3A_349 = arith.addi %add3A_348, %mul3A_2 : i32
      %add3A_350 = arith.constant 400 : i32
      %add3A_351 = arith.addi %add3A_349, %add3A_350 : i32
      %dma_start3A_352 = arith.constant 45200 : i32
      %dma_start3A_353 = tpu.memref_slice %arg11[%dma_start3A_352] : memref<64000xf32, #tpu.memory_space<vmem>> -> memref<400xf32, #tpu.memory_space<vmem>>
      %dma_start3A_354 = tpu.memref_slice %arg8[%add3A_351] : memref<2000000xf32, #tpu.memory_space<hbm>> -> memref<400xf32, #tpu.memory_space<hbm>>
      %dma_start3A_355 = tpu.memref_slice %arg8[%add3A_351] : memref<2000000xf32, #tpu.memory_space<hbm>> -> memref<400xf32, #tpu.memory_space<hbm>>
      %dma_start3A_356 = arith.constant 45200 : i32
      %dma_start3A_357 = tpu.memref_slice %arg11[%dma_start3A_356] : memref<64000xf32, #tpu.memory_space<vmem>> -> memref<400xf32, #tpu.memory_space<vmem>>
      tpu.enqueue_dma source(%dma_start3A_357 : memref<400xf32, #tpu.memory_space<vmem>>) target(%dma_start3A_355 : memref<400xf32, #tpu.memory_space<hbm>>) target_semaphore(%arg14 : memref<!tpu.dma_semaphore, #tpu.memory_space<semaphore_mem>>)
      %add3A_358 = arith.constant 1500000 : i32
      %add3A_359 = arith.addi %add3A_358, %mul3A_2 : i32
      %add3A_360 = arith.constant 400 : i32
      %add3A_361 = arith.addi %add3A_359, %add3A_360 : i32
      %dma_start3A_362 = arith.constant 48400 : i32
      %dma_start3A_363 = tpu.memref_slice %arg11[%dma_start3A_362] : memref<64000xf32, #tpu.memory_space<vmem>> -> memref<400xf32, #tpu.memory_space<vmem>>
      %dma_start3A_364 = tpu.memref_slice %arg8[%add3A_361] : memref<2000000xf32, #tpu.memory_space<hbm>> -> memref<400xf32, #tpu.memory_space<hbm>>
      %dma_start3A_365 = tpu.memref_slice %arg8[%add3A_361] : memref<2000000xf32, #tpu.memory_space<hbm>> -> memref<400xf32, #tpu.memory_space<hbm>>
      %dma_start3A_366 = arith.constant 48400 : i32
      %dma_start3A_367 = tpu.memref_slice %arg11[%dma_start3A_366] : memref<64000xf32, #tpu.memory_space<vmem>> -> memref<400xf32, #tpu.memory_space<vmem>>
      tpu.enqueue_dma source(%dma_start3A_367 : memref<400xf32, #tpu.memory_space<vmem>>) target(%dma_start3A_365 : memref<400xf32, #tpu.memory_space<hbm>>) target_semaphore(%arg14 : memref<!tpu.dma_semaphore, #tpu.memory_space<semaphore_mem>>)
      %dma_wait3A_368 = arith.constant 51200 : i32
      %dma_wait3A_369 = tpu.memref_slice %arg11[%dma_wait3A_368] : memref<64000xf32, #tpu.memory_space<vmem>> -> memref<800xf32, #tpu.memory_space<vmem>>
      %dma_wait3A_370 = tpu.memref_slice %arg3[%mul3A_2] : memref<100000xf32, #tpu.memory_space<hbm>> -> memref<800xf32, #tpu.memory_space<hbm>>
      %dma_wait3A_371 = arith.constant 51200 : i32
      %dma_wait3A_372 = tpu.memref_slice %arg11[%dma_wait3A_371] : memref<64000xf32, #tpu.memory_space<vmem>> -> memref<800xf32, #tpu.memory_space<vmem>>
      %dma_wait3A_373 = tpu.memref_slice %arg3[%mul3A_2] : memref<100000xf32, #tpu.memory_space<hbm>> -> memref<800xf32, #tpu.memory_space<hbm>>
      tpu.wait_dma2 semaphore(%arg13 : memref<!tpu.dma_semaphore, #tpu.memory_space<semaphore_mem>>) src(%dma_wait3A_373 : memref<800xf32, #tpu.memory_space<hbm>>) dst(%dma_wait3A_372 : memref<800xf32, #tpu.memory_space<vmem>>)
      %dma_wait3A_374 = arith.constant 54400 : i32
      %dma_wait3A_375 = tpu.memref_slice %arg11[%dma_wait3A_374] : memref<64000xf32, #tpu.memory_space<vmem>> -> memref<800xf32, #tpu.memory_space<vmem>>
      %dma_wait3A_376 = tpu.memref_slice %arg4[%mul3A_2] : memref<100000xf32, #tpu.memory_space<hbm>> -> memref<800xf32, #tpu.memory_space<hbm>>
      %dma_wait3A_377 = arith.constant 54400 : i32
      %dma_wait3A_378 = tpu.memref_slice %arg11[%dma_wait3A_377] : memref<64000xf32, #tpu.memory_space<vmem>> -> memref<800xf32, #tpu.memory_space<vmem>>
      %dma_wait3A_379 = tpu.memref_slice %arg4[%mul3A_2] : memref<100000xf32, #tpu.memory_space<hbm>> -> memref<800xf32, #tpu.memory_space<hbm>>
      tpu.wait_dma2 semaphore(%arg13 : memref<!tpu.dma_semaphore, #tpu.memory_space<semaphore_mem>>) src(%dma_wait3A_379 : memref<800xf32, #tpu.memory_space<hbm>>) dst(%dma_wait3A_378 : memref<800xf32, #tpu.memory_space<vmem>>)
      %dma_wait3A_380 = arith.constant 57600 : i32
      %dma_wait3A_381 = tpu.memref_slice %arg11[%dma_wait3A_380] : memref<64000xf32, #tpu.memory_space<vmem>> -> memref<800xf32, #tpu.memory_space<vmem>>
      %dma_wait3A_382 = tpu.memref_slice %arg5[%mul3A_2] : memref<100000xf32, #tpu.memory_space<hbm>> -> memref<800xf32, #tpu.memory_space<hbm>>
      %dma_wait3A_383 = arith.constant 57600 : i32
      %dma_wait3A_384 = tpu.memref_slice %arg11[%dma_wait3A_383] : memref<64000xf32, #tpu.memory_space<vmem>> -> memref<800xf32, #tpu.memory_space<vmem>>
      %dma_wait3A_385 = tpu.memref_slice %arg5[%mul3A_2] : memref<100000xf32, #tpu.memory_space<hbm>> -> memref<800xf32, #tpu.memory_space<hbm>>
      tpu.wait_dma2 semaphore(%arg13 : memref<!tpu.dma_semaphore, #tpu.memory_space<semaphore_mem>>) src(%dma_wait3A_385 : memref<800xf32, #tpu.memory_space<hbm>>) dst(%dma_wait3A_384 : memref<800xf32, #tpu.memory_space<vmem>>)
      %dma_wait3A_386 = arith.constant 60800 : i32
      %dma_wait3A_387 = tpu.memref_slice %arg11[%dma_wait3A_386] : memref<64000xf32, #tpu.memory_space<vmem>> -> memref<800xf32, #tpu.memory_space<vmem>>
      %dma_wait3A_388 = tpu.memref_slice %arg6[%mul3A_2] : memref<100000xf32, #tpu.memory_space<hbm>> -> memref<800xf32, #tpu.memory_space<hbm>>
      %dma_wait3A_389 = arith.constant 60800 : i32
      %dma_wait3A_390 = tpu.memref_slice %arg11[%dma_wait3A_389] : memref<64000xf32, #tpu.memory_space<vmem>> -> memref<800xf32, #tpu.memory_space<vmem>>
      %dma_wait3A_391 = tpu.memref_slice %arg6[%mul3A_2] : memref<100000xf32, #tpu.memory_space<hbm>> -> memref<800xf32, #tpu.memory_space<hbm>>
      tpu.wait_dma2 semaphore(%arg13 : memref<!tpu.dma_semaphore, #tpu.memory_space<semaphore_mem>>) src(%dma_wait3A_391 : memref<800xf32, #tpu.memory_space<hbm>>) dst(%dma_wait3A_390 : memref<800xf32, #tpu.memory_space<vmem>>)
      %add3A_392 = arith.constant 1600000 : i32
      %add3A_393 = arith.addi %add3A_392, %mul3A_2 : i32
      %dma_start3A_394 = arith.constant 51200 : i32
      %dma_start3A_395 = tpu.memref_slice %arg11[%dma_start3A_394] : memref<64000xf32, #tpu.memory_space<vmem>> -> memref<800xf32, #tpu.memory_space<vmem>>
      %dma_start3A_396 = tpu.memref_slice %arg8[%add3A_393] : memref<2000000xf32, #tpu.memory_space<hbm>> -> memref<800xf32, #tpu.memory_space<hbm>>
      %dma_start3A_397 = tpu.memref_slice %arg8[%add3A_393] : memref<2000000xf32, #tpu.memory_space<hbm>> -> memref<800xf32, #tpu.memory_space<hbm>>
      %dma_start3A_398 = arith.constant 51200 : i32
      %dma_start3A_399 = tpu.memref_slice %arg11[%dma_start3A_398] : memref<64000xf32, #tpu.memory_space<vmem>> -> memref<800xf32, #tpu.memory_space<vmem>>
      tpu.enqueue_dma source(%dma_start3A_399 : memref<800xf32, #tpu.memory_space<vmem>>) target(%dma_start3A_397 : memref<800xf32, #tpu.memory_space<hbm>>) target_semaphore(%arg14 : memref<!tpu.dma_semaphore, #tpu.memory_space<semaphore_mem>>)
      %add3A_400 = arith.constant 1700000 : i32
      %add3A_401 = arith.addi %add3A_400, %mul3A_2 : i32
      %dma_start3A_402 = arith.constant 54400 : i32
      %dma_start3A_403 = tpu.memref_slice %arg11[%dma_start3A_402] : memref<64000xf32, #tpu.memory_space<vmem>> -> memref<800xf32, #tpu.memory_space<vmem>>
      %dma_start3A_404 = tpu.memref_slice %arg8[%add3A_401] : memref<2000000xf32, #tpu.memory_space<hbm>> -> memref<800xf32, #tpu.memory_space<hbm>>
      %dma_start3A_405 = tpu.memref_slice %arg8[%add3A_401] : memref<2000000xf32, #tpu.memory_space<hbm>> -> memref<800xf32, #tpu.memory_space<hbm>>
      %dma_start3A_406 = arith.constant 54400 : i32
      %dma_start3A_407 = tpu.memref_slice %arg11[%dma_start3A_406] : memref<64000xf32, #tpu.memory_space<vmem>> -> memref<800xf32, #tpu.memory_space<vmem>>
      tpu.enqueue_dma source(%dma_start3A_407 : memref<800xf32, #tpu.memory_space<vmem>>) target(%dma_start3A_405 : memref<800xf32, #tpu.memory_space<hbm>>) target_semaphore(%arg14 : memref<!tpu.dma_semaphore, #tpu.memory_space<semaphore_mem>>)
      %add3A_408 = arith.constant 1800000 : i32
      %add3A_409 = arith.addi %add3A_408, %mul3A_2 : i32
      %dma_start3A_410 = arith.constant 57600 : i32
      %dma_start3A_411 = tpu.memref_slice %arg11[%dma_start3A_410] : memref<64000xf32, #tpu.memory_space<vmem>> -> memref<800xf32, #tpu.memory_space<vmem>>
      %dma_start3A_412 = tpu.memref_slice %arg8[%add3A_409] : memref<2000000xf32, #tpu.memory_space<hbm>> -> memref<800xf32, #tpu.memory_space<hbm>>
      %dma_start3A_413 = tpu.memref_slice %arg8[%add3A_409] : memref<2000000xf32, #tpu.memory_space<hbm>> -> memref<800xf32, #tpu.memory_space<hbm>>
      %dma_start3A_414 = arith.constant 57600 : i32
      %dma_start3A_415 = tpu.memref_slice %arg11[%dma_start3A_414] : memref<64000xf32, #tpu.memory_space<vmem>> -> memref<800xf32, #tpu.memory_space<vmem>>
      tpu.enqueue_dma source(%dma_start3A_415 : memref<800xf32, #tpu.memory_space<vmem>>) target(%dma_start3A_413 : memref<800xf32, #tpu.memory_space<hbm>>) target_semaphore(%arg14 : memref<!tpu.dma_semaphore, #tpu.memory_space<semaphore_mem>>)
      %add3A_416 = arith.constant 1900000 : i32
      %add3A_417 = arith.addi %add3A_416, %mul3A_2 : i32
      %dma_start3A_418 = arith.constant 60800 : i32
      %dma_start3A_419 = tpu.memref_slice %arg11[%dma_start3A_418] : memref<64000xf32, #tpu.memory_space<vmem>> -> memref<800xf32, #tpu.memory_space<vmem>>
      %dma_start3A_420 = tpu.memref_slice %arg8[%add3A_417] : memref<2000000xf32, #tpu.memory_space<hbm>> -> memref<800xf32, #tpu.memory_space<hbm>>
      %dma_start3A_421 = tpu.memref_slice %arg8[%add3A_417] : memref<2000000xf32, #tpu.memory_space<hbm>> -> memref<800xf32, #tpu.memory_space<hbm>>
      %dma_start3A_422 = arith.constant 60800 : i32
      %dma_start3A_423 = tpu.memref_slice %arg11[%dma_start3A_422] : memref<64000xf32, #tpu.memory_space<vmem>> -> memref<800xf32, #tpu.memory_space<vmem>>
      tpu.enqueue_dma source(%dma_start3A_423 : memref<800xf32, #tpu.memory_space<vmem>>) target(%dma_start3A_421 : memref<800xf32, #tpu.memory_space<hbm>>) target_semaphore(%arg14 : memref<!tpu.dma_semaphore, #tpu.memory_space<semaphore_mem>>)
      %dma_wait3A_424 = arith.constant 0 : i32
      %dma_wait3A_425 = tpu.memref_slice %arg11[%dma_wait3A_424] : memref<64000xf32, #tpu.memory_space<vmem>> -> memref<400xf32, #tpu.memory_space<vmem>>
      %dma_wait3A_426 = tpu.memref_slice %arg8[%add3A_48] : memref<2000000xf32, #tpu.memory_space<hbm>> -> memref<400xf32, #tpu.memory_space<hbm>>
      %dma_wait3A_427 = tpu.memref_slice %arg8[%add3A_48] : memref<2000000xf32, #tpu.memory_space<hbm>> -> memref<400xf32, #tpu.memory_space<hbm>>
      %dma_wait3A_428 = arith.constant 0 : i32
      %dma_wait3A_429 = tpu.memref_slice %arg11[%dma_wait3A_428] : memref<64000xf32, #tpu.memory_space<vmem>> -> memref<400xf32, #tpu.memory_space<vmem>>
      tpu.wait_dma2 semaphore(%arg14 : memref<!tpu.dma_semaphore, #tpu.memory_space<semaphore_mem>>) src(%dma_wait3A_429 : memref<400xf32, #tpu.memory_space<vmem>>) dst(%dma_wait3A_427 : memref<400xf32, #tpu.memory_space<hbm>>)
      %dma_wait3A_430 = arith.constant 3200 : i32
      %dma_wait3A_431 = tpu.memref_slice %arg11[%dma_wait3A_430] : memref<64000xf32, #tpu.memory_space<vmem>> -> memref<400xf32, #tpu.memory_space<vmem>>
      %dma_wait3A_432 = tpu.memref_slice %arg8[%add3A_58] : memref<2000000xf32, #tpu.memory_space<hbm>> -> memref<400xf32, #tpu.memory_space<hbm>>
      %dma_wait3A_433 = tpu.memref_slice %arg8[%add3A_58] : memref<2000000xf32, #tpu.memory_space<hbm>> -> memref<400xf32, #tpu.memory_space<hbm>>
      %dma_wait3A_434 = arith.constant 3200 : i32
      %dma_wait3A_435 = tpu.memref_slice %arg11[%dma_wait3A_434] : memref<64000xf32, #tpu.memory_space<vmem>> -> memref<400xf32, #tpu.memory_space<vmem>>
      tpu.wait_dma2 semaphore(%arg14 : memref<!tpu.dma_semaphore, #tpu.memory_space<semaphore_mem>>) src(%dma_wait3A_435 : memref<400xf32, #tpu.memory_space<vmem>>) dst(%dma_wait3A_433 : memref<400xf32, #tpu.memory_space<hbm>>)
      %dma_wait3A_436 = arith.constant 6400 : i32
      %dma_wait3A_437 = tpu.memref_slice %arg11[%dma_wait3A_436] : memref<64000xf32, #tpu.memory_space<vmem>> -> memref<400xf32, #tpu.memory_space<vmem>>
      %dma_wait3A_438 = tpu.memref_slice %arg8[%add3A_68] : memref<2000000xf32, #tpu.memory_space<hbm>> -> memref<400xf32, #tpu.memory_space<hbm>>
      %dma_wait3A_439 = tpu.memref_slice %arg8[%add3A_68] : memref<2000000xf32, #tpu.memory_space<hbm>> -> memref<400xf32, #tpu.memory_space<hbm>>
      %dma_wait3A_440 = arith.constant 6400 : i32
      %dma_wait3A_441 = tpu.memref_slice %arg11[%dma_wait3A_440] : memref<64000xf32, #tpu.memory_space<vmem>> -> memref<400xf32, #tpu.memory_space<vmem>>
      tpu.wait_dma2 semaphore(%arg14 : memref<!tpu.dma_semaphore, #tpu.memory_space<semaphore_mem>>) src(%dma_wait3A_441 : memref<400xf32, #tpu.memory_space<vmem>>) dst(%dma_wait3A_439 : memref<400xf32, #tpu.memory_space<hbm>>)
      %dma_wait3A_442 = arith.constant 9600 : i32
      %dma_wait3A_443 = tpu.memref_slice %arg11[%dma_wait3A_442] : memref<64000xf32, #tpu.memory_space<vmem>> -> memref<400xf32, #tpu.memory_space<vmem>>
      %dma_wait3A_444 = tpu.memref_slice %arg8[%add3A_78] : memref<2000000xf32, #tpu.memory_space<hbm>> -> memref<400xf32, #tpu.memory_space<hbm>>
      %dma_wait3A_445 = tpu.memref_slice %arg8[%add3A_78] : memref<2000000xf32, #tpu.memory_space<hbm>> -> memref<400xf32, #tpu.memory_space<hbm>>
      %dma_wait3A_446 = arith.constant 9600 : i32
      %dma_wait3A_447 = tpu.memref_slice %arg11[%dma_wait3A_446] : memref<64000xf32, #tpu.memory_space<vmem>> -> memref<400xf32, #tpu.memory_space<vmem>>
      tpu.wait_dma2 semaphore(%arg14 : memref<!tpu.dma_semaphore, #tpu.memory_space<semaphore_mem>>) src(%dma_wait3A_447 : memref<400xf32, #tpu.memory_space<vmem>>) dst(%dma_wait3A_445 : memref<400xf32, #tpu.memory_space<hbm>>)
      %dma_wait3A_448 = arith.constant 12800 : i32
      %dma_wait3A_449 = tpu.memref_slice %arg11[%dma_wait3A_448] : memref<64000xf32, #tpu.memory_space<vmem>> -> memref<400xf32, #tpu.memory_space<vmem>>
      %dma_wait3A_450 = tpu.memref_slice %arg8[%add3A_88] : memref<2000000xf32, #tpu.memory_space<hbm>> -> memref<400xf32, #tpu.memory_space<hbm>>
      %dma_wait3A_451 = tpu.memref_slice %arg8[%add3A_88] : memref<2000000xf32, #tpu.memory_space<hbm>> -> memref<400xf32, #tpu.memory_space<hbm>>
      %dma_wait3A_452 = arith.constant 12800 : i32
      %dma_wait3A_453 = tpu.memref_slice %arg11[%dma_wait3A_452] : memref<64000xf32, #tpu.memory_space<vmem>> -> memref<400xf32, #tpu.memory_space<vmem>>
      tpu.wait_dma2 semaphore(%arg14 : memref<!tpu.dma_semaphore, #tpu.memory_space<semaphore_mem>>) src(%dma_wait3A_453 : memref<400xf32, #tpu.memory_space<vmem>>) dst(%dma_wait3A_451 : memref<400xf32, #tpu.memory_space<hbm>>)
      %dma_wait3A_454 = arith.constant 16000 : i32
      %dma_wait3A_455 = tpu.memref_slice %arg11[%dma_wait3A_454] : memref<64000xf32, #tpu.memory_space<vmem>> -> memref<400xf32, #tpu.memory_space<vmem>>
      %dma_wait3A_456 = tpu.memref_slice %arg8[%add3A_98] : memref<2000000xf32, #tpu.memory_space<hbm>> -> memref<400xf32, #tpu.memory_space<hbm>>
      %dma_wait3A_457 = tpu.memref_slice %arg8[%add3A_98] : memref<2000000xf32, #tpu.memory_space<hbm>> -> memref<400xf32, #tpu.memory_space<hbm>>
      %dma_wait3A_458 = arith.constant 16000 : i32
      %dma_wait3A_459 = tpu.memref_slice %arg11[%dma_wait3A_458] : memref<64000xf32, #tpu.memory_space<vmem>> -> memref<400xf32, #tpu.memory_space<vmem>>
      tpu.wait_dma2 semaphore(%arg14 : memref<!tpu.dma_semaphore, #tpu.memory_space<semaphore_mem>>) src(%dma_wait3A_459 : memref<400xf32, #tpu.memory_space<vmem>>) dst(%dma_wait3A_457 : memref<400xf32, #tpu.memory_space<hbm>>)
      %dma_wait3A_460 = arith.constant 19200 : i32
      %dma_wait3A_461 = tpu.memref_slice %arg11[%dma_wait3A_460] : memref<64000xf32, #tpu.memory_space<vmem>> -> memref<400xf32, #tpu.memory_space<vmem>>
      %dma_wait3A_462 = tpu.memref_slice %arg8[%add3A_108] : memref<2000000xf32, #tpu.memory_space<hbm>> -> memref<400xf32, #tpu.memory_space<hbm>>
      %dma_wait3A_463 = tpu.memref_slice %arg8[%add3A_108] : memref<2000000xf32, #tpu.memory_space<hbm>> -> memref<400xf32, #tpu.memory_space<hbm>>
      %dma_wait3A_464 = arith.constant 19200 : i32
      %dma_wait3A_465 = tpu.memref_slice %arg11[%dma_wait3A_464] : memref<64000xf32, #tpu.memory_space<vmem>> -> memref<400xf32, #tpu.memory_space<vmem>>
      tpu.wait_dma2 semaphore(%arg14 : memref<!tpu.dma_semaphore, #tpu.memory_space<semaphore_mem>>) src(%dma_wait3A_465 : memref<400xf32, #tpu.memory_space<vmem>>) dst(%dma_wait3A_463 : memref<400xf32, #tpu.memory_space<hbm>>)
      %dma_wait3A_466 = arith.constant 22400 : i32
      %dma_wait3A_467 = tpu.memref_slice %arg11[%dma_wait3A_466] : memref<64000xf32, #tpu.memory_space<vmem>> -> memref<400xf32, #tpu.memory_space<vmem>>
      %dma_wait3A_468 = tpu.memref_slice %arg8[%add3A_118] : memref<2000000xf32, #tpu.memory_space<hbm>> -> memref<400xf32, #tpu.memory_space<hbm>>
      %dma_wait3A_469 = tpu.memref_slice %arg8[%add3A_118] : memref<2000000xf32, #tpu.memory_space<hbm>> -> memref<400xf32, #tpu.memory_space<hbm>>
      %dma_wait3A_470 = arith.constant 22400 : i32
      %dma_wait3A_471 = tpu.memref_slice %arg11[%dma_wait3A_470] : memref<64000xf32, #tpu.memory_space<vmem>> -> memref<400xf32, #tpu.memory_space<vmem>>
      tpu.wait_dma2 semaphore(%arg14 : memref<!tpu.dma_semaphore, #tpu.memory_space<semaphore_mem>>) src(%dma_wait3A_471 : memref<400xf32, #tpu.memory_space<vmem>>) dst(%dma_wait3A_469 : memref<400xf32, #tpu.memory_space<hbm>>)
      %dma_wait3A_472 = arith.constant 25600 : i32
      %dma_wait3A_473 = tpu.memref_slice %arg11[%dma_wait3A_472] : memref<64000xf32, #tpu.memory_space<vmem>> -> memref<400xf32, #tpu.memory_space<vmem>>
      %dma_wait3A_474 = tpu.memref_slice %arg8[%add3A_128] : memref<2000000xf32, #tpu.memory_space<hbm>> -> memref<400xf32, #tpu.memory_space<hbm>>
      %dma_wait3A_475 = tpu.memref_slice %arg8[%add3A_128] : memref<2000000xf32, #tpu.memory_space<hbm>> -> memref<400xf32, #tpu.memory_space<hbm>>
      %dma_wait3A_476 = arith.constant 25600 : i32
      %dma_wait3A_477 = tpu.memref_slice %arg11[%dma_wait3A_476] : memref<64000xf32, #tpu.memory_space<vmem>> -> memref<400xf32, #tpu.memory_space<vmem>>
      tpu.wait_dma2 semaphore(%arg14 : memref<!tpu.dma_semaphore, #tpu.memory_space<semaphore_mem>>) src(%dma_wait3A_477 : memref<400xf32, #tpu.memory_space<vmem>>) dst(%dma_wait3A_475 : memref<400xf32, #tpu.memory_space<hbm>>)
      %dma_wait3A_478 = arith.constant 28800 : i32
      %dma_wait3A_479 = tpu.memref_slice %arg11[%dma_wait3A_478] : memref<64000xf32, #tpu.memory_space<vmem>> -> memref<400xf32, #tpu.memory_space<vmem>>
      %dma_wait3A_480 = tpu.memref_slice %arg8[%add3A_138] : memref<2000000xf32, #tpu.memory_space<hbm>> -> memref<400xf32, #tpu.memory_space<hbm>>
      %dma_wait3A_481 = tpu.memref_slice %arg8[%add3A_138] : memref<2000000xf32, #tpu.memory_space<hbm>> -> memref<400xf32, #tpu.memory_space<hbm>>
      %dma_wait3A_482 = arith.constant 28800 : i32
      %dma_wait3A_483 = tpu.memref_slice %arg11[%dma_wait3A_482] : memref<64000xf32, #tpu.memory_space<vmem>> -> memref<400xf32, #tpu.memory_space<vmem>>
      tpu.wait_dma2 semaphore(%arg14 : memref<!tpu.dma_semaphore, #tpu.memory_space<semaphore_mem>>) src(%dma_wait3A_483 : memref<400xf32, #tpu.memory_space<vmem>>) dst(%dma_wait3A_481 : memref<400xf32, #tpu.memory_space<hbm>>)
      %dma_wait3A_484 = arith.constant 32000 : i32
      %dma_wait3A_485 = tpu.memref_slice %arg11[%dma_wait3A_484] : memref<64000xf32, #tpu.memory_space<vmem>> -> memref<400xf32, #tpu.memory_space<vmem>>
      %dma_wait3A_486 = tpu.memref_slice %arg8[%add3A_148] : memref<2000000xf32, #tpu.memory_space<hbm>> -> memref<400xf32, #tpu.memory_space<hbm>>
      %dma_wait3A_487 = tpu.memref_slice %arg8[%add3A_148] : memref<2000000xf32, #tpu.memory_space<hbm>> -> memref<400xf32, #tpu.memory_space<hbm>>
      %dma_wait3A_488 = arith.constant 32000 : i32
      %dma_wait3A_489 = tpu.memref_slice %arg11[%dma_wait3A_488] : memref<64000xf32, #tpu.memory_space<vmem>> -> memref<400xf32, #tpu.memory_space<vmem>>
      tpu.wait_dma2 semaphore(%arg14 : memref<!tpu.dma_semaphore, #tpu.memory_space<semaphore_mem>>) src(%dma_wait3A_489 : memref<400xf32, #tpu.memory_space<vmem>>) dst(%dma_wait3A_487 : memref<400xf32, #tpu.memory_space<hbm>>)
      %dma_wait3A_490 = arith.constant 35200 : i32
      %dma_wait3A_491 = tpu.memref_slice %arg11[%dma_wait3A_490] : memref<64000xf32, #tpu.memory_space<vmem>> -> memref<400xf32, #tpu.memory_space<vmem>>
      %dma_wait3A_492 = tpu.memref_slice %arg8[%add3A_158] : memref<2000000xf32, #tpu.memory_space<hbm>> -> memref<400xf32, #tpu.memory_space<hbm>>
      %dma_wait3A_493 = tpu.memref_slice %arg8[%add3A_158] : memref<2000000xf32, #tpu.memory_space<hbm>> -> memref<400xf32, #tpu.memory_space<hbm>>
      %dma_wait3A_494 = arith.constant 35200 : i32
      %dma_wait3A_495 = tpu.memref_slice %arg11[%dma_wait3A_494] : memref<64000xf32, #tpu.memory_space<vmem>> -> memref<400xf32, #tpu.memory_space<vmem>>
      tpu.wait_dma2 semaphore(%arg14 : memref<!tpu.dma_semaphore, #tpu.memory_space<semaphore_mem>>) src(%dma_wait3A_495 : memref<400xf32, #tpu.memory_space<vmem>>) dst(%dma_wait3A_493 : memref<400xf32, #tpu.memory_space<hbm>>)
      %dma_wait3A_496 = arith.constant 38400 : i32
      %dma_wait3A_497 = tpu.memref_slice %arg11[%dma_wait3A_496] : memref<64000xf32, #tpu.memory_space<vmem>> -> memref<400xf32, #tpu.memory_space<vmem>>
      %dma_wait3A_498 = tpu.memref_slice %arg8[%add3A_168] : memref<2000000xf32, #tpu.memory_space<hbm>> -> memref<400xf32, #tpu.memory_space<hbm>>
      %dma_wait3A_499 = tpu.memref_slice %arg8[%add3A_168] : memref<2000000xf32, #tpu.memory_space<hbm>> -> memref<400xf32, #tpu.memory_space<hbm>>
      %dma_wait3A_500 = arith.constant 38400 : i32
      %dma_wait3A_501 = tpu.memref_slice %arg11[%dma_wait3A_500] : memref<64000xf32, #tpu.memory_space<vmem>> -> memref<400xf32, #tpu.memory_space<vmem>>
      tpu.wait_dma2 semaphore(%arg14 : memref<!tpu.dma_semaphore, #tpu.memory_space<semaphore_mem>>) src(%dma_wait3A_501 : memref<400xf32, #tpu.memory_space<vmem>>) dst(%dma_wait3A_499 : memref<400xf32, #tpu.memory_space<hbm>>)
      %dma_wait3A_502 = arith.constant 41600 : i32
      %dma_wait3A_503 = tpu.memref_slice %arg11[%dma_wait3A_502] : memref<64000xf32, #tpu.memory_space<vmem>> -> memref<400xf32, #tpu.memory_space<vmem>>
      %dma_wait3A_504 = tpu.memref_slice %arg8[%add3A_178] : memref<2000000xf32, #tpu.memory_space<hbm>> -> memref<400xf32, #tpu.memory_space<hbm>>
      %dma_wait3A_505 = tpu.memref_slice %arg8[%add3A_178] : memref<2000000xf32, #tpu.memory_space<hbm>> -> memref<400xf32, #tpu.memory_space<hbm>>
      %dma_wait3A_506 = arith.constant 41600 : i32
      %dma_wait3A_507 = tpu.memref_slice %arg11[%dma_wait3A_506] : memref<64000xf32, #tpu.memory_space<vmem>> -> memref<400xf32, #tpu.memory_space<vmem>>
      tpu.wait_dma2 semaphore(%arg14 : memref<!tpu.dma_semaphore, #tpu.memory_space<semaphore_mem>>) src(%dma_wait3A_507 : memref<400xf32, #tpu.memory_space<vmem>>) dst(%dma_wait3A_505 : memref<400xf32, #tpu.memory_space<hbm>>)
      %dma_wait3A_508 = arith.constant 44800 : i32
      %dma_wait3A_509 = tpu.memref_slice %arg11[%dma_wait3A_508] : memref<64000xf32, #tpu.memory_space<vmem>> -> memref<400xf32, #tpu.memory_space<vmem>>
      %dma_wait3A_510 = tpu.memref_slice %arg8[%add3A_188] : memref<2000000xf32, #tpu.memory_space<hbm>> -> memref<400xf32, #tpu.memory_space<hbm>>
      %dma_wait3A_511 = tpu.memref_slice %arg8[%add3A_188] : memref<2000000xf32, #tpu.memory_space<hbm>> -> memref<400xf32, #tpu.memory_space<hbm>>
      %dma_wait3A_512 = arith.constant 44800 : i32
      %dma_wait3A_513 = tpu.memref_slice %arg11[%dma_wait3A_512] : memref<64000xf32, #tpu.memory_space<vmem>> -> memref<400xf32, #tpu.memory_space<vmem>>
      tpu.wait_dma2 semaphore(%arg14 : memref<!tpu.dma_semaphore, #tpu.memory_space<semaphore_mem>>) src(%dma_wait3A_513 : memref<400xf32, #tpu.memory_space<vmem>>) dst(%dma_wait3A_511 : memref<400xf32, #tpu.memory_space<hbm>>)
      %dma_wait3A_514 = arith.constant 48000 : i32
      %dma_wait3A_515 = tpu.memref_slice %arg11[%dma_wait3A_514] : memref<64000xf32, #tpu.memory_space<vmem>> -> memref<400xf32, #tpu.memory_space<vmem>>
      %dma_wait3A_516 = tpu.memref_slice %arg8[%add3A_198] : memref<2000000xf32, #tpu.memory_space<hbm>> -> memref<400xf32, #tpu.memory_space<hbm>>
      %dma_wait3A_517 = tpu.memref_slice %arg8[%add3A_198] : memref<2000000xf32, #tpu.memory_space<hbm>> -> memref<400xf32, #tpu.memory_space<hbm>>
      %dma_wait3A_518 = arith.constant 48000 : i32
      %dma_wait3A_519 = tpu.memref_slice %arg11[%dma_wait3A_518] : memref<64000xf32, #tpu.memory_space<vmem>> -> memref<400xf32, #tpu.memory_space<vmem>>
      tpu.wait_dma2 semaphore(%arg14 : memref<!tpu.dma_semaphore, #tpu.memory_space<semaphore_mem>>) src(%dma_wait3A_519 : memref<400xf32, #tpu.memory_space<vmem>>) dst(%dma_wait3A_517 : memref<400xf32, #tpu.memory_space<hbm>>)
      %dma_wait3A_520 = arith.constant 400 : i32
      %dma_wait3A_521 = tpu.memref_slice %arg11[%dma_wait3A_520] : memref<64000xf32, #tpu.memory_space<vmem>> -> memref<400xf32, #tpu.memory_space<vmem>>
      %dma_wait3A_522 = tpu.memref_slice %arg8[%add3A_211] : memref<2000000xf32, #tpu.memory_space<hbm>> -> memref<400xf32, #tpu.memory_space<hbm>>
      %dma_wait3A_523 = tpu.memref_slice %arg8[%add3A_211] : memref<2000000xf32, #tpu.memory_space<hbm>> -> memref<400xf32, #tpu.memory_space<hbm>>
      %dma_wait3A_524 = arith.constant 400 : i32
      %dma_wait3A_525 = tpu.memref_slice %arg11[%dma_wait3A_524] : memref<64000xf32, #tpu.memory_space<vmem>> -> memref<400xf32, #tpu.memory_space<vmem>>
      tpu.wait_dma2 semaphore(%arg14 : memref<!tpu.dma_semaphore, #tpu.memory_space<semaphore_mem>>) src(%dma_wait3A_525 : memref<400xf32, #tpu.memory_space<vmem>>) dst(%dma_wait3A_523 : memref<400xf32, #tpu.memory_space<hbm>>)
      %dma_wait3A_526 = arith.constant 3600 : i32
      %dma_wait3A_527 = tpu.memref_slice %arg11[%dma_wait3A_526] : memref<64000xf32, #tpu.memory_space<vmem>> -> memref<400xf32, #tpu.memory_space<vmem>>
      %dma_wait3A_528 = tpu.memref_slice %arg8[%add3A_221] : memref<2000000xf32, #tpu.memory_space<hbm>> -> memref<400xf32, #tpu.memory_space<hbm>>
      %dma_wait3A_529 = tpu.memref_slice %arg8[%add3A_221] : memref<2000000xf32, #tpu.memory_space<hbm>> -> memref<400xf32, #tpu.memory_space<hbm>>
      %dma_wait3A_530 = arith.constant 3600 : i32
      %dma_wait3A_531 = tpu.memref_slice %arg11[%dma_wait3A_530] : memref<64000xf32, #tpu.memory_space<vmem>> -> memref<400xf32, #tpu.memory_space<vmem>>
      tpu.wait_dma2 semaphore(%arg14 : memref<!tpu.dma_semaphore, #tpu.memory_space<semaphore_mem>>) src(%dma_wait3A_531 : memref<400xf32, #tpu.memory_space<vmem>>) dst(%dma_wait3A_529 : memref<400xf32, #tpu.memory_space<hbm>>)
      %dma_wait3A_532 = arith.constant 6800 : i32
      %dma_wait3A_533 = tpu.memref_slice %arg11[%dma_wait3A_532] : memref<64000xf32, #tpu.memory_space<vmem>> -> memref<400xf32, #tpu.memory_space<vmem>>
      %dma_wait3A_534 = tpu.memref_slice %arg8[%add3A_231] : memref<2000000xf32, #tpu.memory_space<hbm>> -> memref<400xf32, #tpu.memory_space<hbm>>
      %dma_wait3A_535 = tpu.memref_slice %arg8[%add3A_231] : memref<2000000xf32, #tpu.memory_space<hbm>> -> memref<400xf32, #tpu.memory_space<hbm>>
      %dma_wait3A_536 = arith.constant 6800 : i32
      %dma_wait3A_537 = tpu.memref_slice %arg11[%dma_wait3A_536] : memref<64000xf32, #tpu.memory_space<vmem>> -> memref<400xf32, #tpu.memory_space<vmem>>
      tpu.wait_dma2 semaphore(%arg14 : memref<!tpu.dma_semaphore, #tpu.memory_space<semaphore_mem>>) src(%dma_wait3A_537 : memref<400xf32, #tpu.memory_space<vmem>>) dst(%dma_wait3A_535 : memref<400xf32, #tpu.memory_space<hbm>>)
      %dma_wait3A_538 = arith.constant 10000 : i32
      %dma_wait3A_539 = tpu.memref_slice %arg11[%dma_wait3A_538] : memref<64000xf32, #tpu.memory_space<vmem>> -> memref<400xf32, #tpu.memory_space<vmem>>
      %dma_wait3A_540 = tpu.memref_slice %arg8[%add3A_241] : memref<2000000xf32, #tpu.memory_space<hbm>> -> memref<400xf32, #tpu.memory_space<hbm>>
      %dma_wait3A_541 = tpu.memref_slice %arg8[%add3A_241] : memref<2000000xf32, #tpu.memory_space<hbm>> -> memref<400xf32, #tpu.memory_space<hbm>>
      %dma_wait3A_542 = arith.constant 10000 : i32
      %dma_wait3A_543 = tpu.memref_slice %arg11[%dma_wait3A_542] : memref<64000xf32, #tpu.memory_space<vmem>> -> memref<400xf32, #tpu.memory_space<vmem>>
      tpu.wait_dma2 semaphore(%arg14 : memref<!tpu.dma_semaphore, #tpu.memory_space<semaphore_mem>>) src(%dma_wait3A_543 : memref<400xf32, #tpu.memory_space<vmem>>) dst(%dma_wait3A_541 : memref<400xf32, #tpu.memory_space<hbm>>)
      %dma_wait3A_544 = arith.constant 13200 : i32
      %dma_wait3A_545 = tpu.memref_slice %arg11[%dma_wait3A_544] : memref<64000xf32, #tpu.memory_space<vmem>> -> memref<400xf32, #tpu.memory_space<vmem>>
      %dma_wait3A_546 = tpu.memref_slice %arg8[%add3A_251] : memref<2000000xf32, #tpu.memory_space<hbm>> -> memref<400xf32, #tpu.memory_space<hbm>>
      %dma_wait3A_547 = tpu.memref_slice %arg8[%add3A_251] : memref<2000000xf32, #tpu.memory_space<hbm>> -> memref<400xf32, #tpu.memory_space<hbm>>
      %dma_wait3A_548 = arith.constant 13200 : i32
      %dma_wait3A_549 = tpu.memref_slice %arg11[%dma_wait3A_548] : memref<64000xf32, #tpu.memory_space<vmem>> -> memref<400xf32, #tpu.memory_space<vmem>>
      tpu.wait_dma2 semaphore(%arg14 : memref<!tpu.dma_semaphore, #tpu.memory_space<semaphore_mem>>) src(%dma_wait3A_549 : memref<400xf32, #tpu.memory_space<vmem>>) dst(%dma_wait3A_547 : memref<400xf32, #tpu.memory_space<hbm>>)
      %dma_wait3A_550 = arith.constant 16400 : i32
      %dma_wait3A_551 = tpu.memref_slice %arg11[%dma_wait3A_550] : memref<64000xf32, #tpu.memory_space<vmem>> -> memref<400xf32, #tpu.memory_space<vmem>>
      %dma_wait3A_552 = tpu.memref_slice %arg8[%add3A_261] : memref<2000000xf32, #tpu.memory_space<hbm>> -> memref<400xf32, #tpu.memory_space<hbm>>
      %dma_wait3A_553 = tpu.memref_slice %arg8[%add3A_261] : memref<2000000xf32, #tpu.memory_space<hbm>> -> memref<400xf32, #tpu.memory_space<hbm>>
      %dma_wait3A_554 = arith.constant 16400 : i32
      %dma_wait3A_555 = tpu.memref_slice %arg11[%dma_wait3A_554] : memref<64000xf32, #tpu.memory_space<vmem>> -> memref<400xf32, #tpu.memory_space<vmem>>
      tpu.wait_dma2 semaphore(%arg14 : memref<!tpu.dma_semaphore, #tpu.memory_space<semaphore_mem>>) src(%dma_wait3A_555 : memref<400xf32, #tpu.memory_space<vmem>>) dst(%dma_wait3A_553 : memref<400xf32, #tpu.memory_space<hbm>>)
      %dma_wait3A_556 = arith.constant 19600 : i32
      %dma_wait3A_557 = tpu.memref_slice %arg11[%dma_wait3A_556] : memref<64000xf32, #tpu.memory_space<vmem>> -> memref<400xf32, #tpu.memory_space<vmem>>
      %dma_wait3A_558 = tpu.memref_slice %arg8[%add3A_271] : memref<2000000xf32, #tpu.memory_space<hbm>> -> memref<400xf32, #tpu.memory_space<hbm>>
      %dma_wait3A_559 = tpu.memref_slice %arg8[%add3A_271] : memref<2000000xf32, #tpu.memory_space<hbm>> -> memref<400xf32, #tpu.memory_space<hbm>>
      %dma_wait3A_560 = arith.constant 19600 : i32
      %dma_wait3A_561 = tpu.memref_slice %arg11[%dma_wait3A_560] : memref<64000xf32, #tpu.memory_space<vmem>> -> memref<400xf32, #tpu.memory_space<vmem>>
      tpu.wait_dma2 semaphore(%arg14 : memref<!tpu.dma_semaphore, #tpu.memory_space<semaphore_mem>>) src(%dma_wait3A_561 : memref<400xf32, #tpu.memory_space<vmem>>) dst(%dma_wait3A_559 : memref<400xf32, #tpu.memory_space<hbm>>)
      %dma_wait3A_562 = arith.constant 22800 : i32
      %dma_wait3A_563 = tpu.memref_slice %arg11[%dma_wait3A_562] : memref<64000xf32, #tpu.memory_space<vmem>> -> memref<400xf32, #tpu.memory_space<vmem>>
      %dma_wait3A_564 = tpu.memref_slice %arg8[%add3A_281] : memref<2000000xf32, #tpu.memory_space<hbm>> -> memref<400xf32, #tpu.memory_space<hbm>>
      %dma_wait3A_565 = tpu.memref_slice %arg8[%add3A_281] : memref<2000000xf32, #tpu.memory_space<hbm>> -> memref<400xf32, #tpu.memory_space<hbm>>
      %dma_wait3A_566 = arith.constant 22800 : i32
      %dma_wait3A_567 = tpu.memref_slice %arg11[%dma_wait3A_566] : memref<64000xf32, #tpu.memory_space<vmem>> -> memref<400xf32, #tpu.memory_space<vmem>>
      tpu.wait_dma2 semaphore(%arg14 : memref<!tpu.dma_semaphore, #tpu.memory_space<semaphore_mem>>) src(%dma_wait3A_567 : memref<400xf32, #tpu.memory_space<vmem>>) dst(%dma_wait3A_565 : memref<400xf32, #tpu.memory_space<hbm>>)
      %dma_wait3A_568 = arith.constant 26000 : i32
      %dma_wait3A_569 = tpu.memref_slice %arg11[%dma_wait3A_568] : memref<64000xf32, #tpu.memory_space<vmem>> -> memref<400xf32, #tpu.memory_space<vmem>>
      %dma_wait3A_570 = tpu.memref_slice %arg8[%add3A_291] : memref<2000000xf32, #tpu.memory_space<hbm>> -> memref<400xf32, #tpu.memory_space<hbm>>
      %dma_wait3A_571 = tpu.memref_slice %arg8[%add3A_291] : memref<2000000xf32, #tpu.memory_space<hbm>> -> memref<400xf32, #tpu.memory_space<hbm>>
      %dma_wait3A_572 = arith.constant 26000 : i32
      %dma_wait3A_573 = tpu.memref_slice %arg11[%dma_wait3A_572] : memref<64000xf32, #tpu.memory_space<vmem>> -> memref<400xf32, #tpu.memory_space<vmem>>
      tpu.wait_dma2 semaphore(%arg14 : memref<!tpu.dma_semaphore, #tpu.memory_space<semaphore_mem>>) src(%dma_wait3A_573 : memref<400xf32, #tpu.memory_space<vmem>>) dst(%dma_wait3A_571 : memref<400xf32, #tpu.memory_space<hbm>>)
      %dma_wait3A_574 = arith.constant 29200 : i32
      %dma_wait3A_575 = tpu.memref_slice %arg11[%dma_wait3A_574] : memref<64000xf32, #tpu.memory_space<vmem>> -> memref<400xf32, #tpu.memory_space<vmem>>
      %dma_wait3A_576 = tpu.memref_slice %arg8[%add3A_301] : memref<2000000xf32, #tpu.memory_space<hbm>> -> memref<400xf32, #tpu.memory_space<hbm>>
      %dma_wait3A_577 = tpu.memref_slice %arg8[%add3A_301] : memref<2000000xf32, #tpu.memory_space<hbm>> -> memref<400xf32, #tpu.memory_space<hbm>>
      %dma_wait3A_578 = arith.constant 29200 : i32
      %dma_wait3A_579 = tpu.memref_slice %arg11[%dma_wait3A_578] : memref<64000xf32, #tpu.memory_space<vmem>> -> memref<400xf32, #tpu.memory_space<vmem>>
      tpu.wait_dma2 semaphore(%arg14 : memref<!tpu.dma_semaphore, #tpu.memory_space<semaphore_mem>>) src(%dma_wait3A_579 : memref<400xf32, #tpu.memory_space<vmem>>) dst(%dma_wait3A_577 : memref<400xf32, #tpu.memory_space<hbm>>)
      %dma_wait3A_580 = arith.constant 32400 : i32
      %dma_wait3A_581 = tpu.memref_slice %arg11[%dma_wait3A_580] : memref<64000xf32, #tpu.memory_space<vmem>> -> memref<400xf32, #tpu.memory_space<vmem>>
      %dma_wait3A_582 = tpu.memref_slice %arg8[%add3A_311] : memref<2000000xf32, #tpu.memory_space<hbm>> -> memref<400xf32, #tpu.memory_space<hbm>>
      %dma_wait3A_583 = tpu.memref_slice %arg8[%add3A_311] : memref<2000000xf32, #tpu.memory_space<hbm>> -> memref<400xf32, #tpu.memory_space<hbm>>
      %dma_wait3A_584 = arith.constant 32400 : i32
      %dma_wait3A_585 = tpu.memref_slice %arg11[%dma_wait3A_584] : memref<64000xf32, #tpu.memory_space<vmem>> -> memref<400xf32, #tpu.memory_space<vmem>>
      tpu.wait_dma2 semaphore(%arg14 : memref<!tpu.dma_semaphore, #tpu.memory_space<semaphore_mem>>) src(%dma_wait3A_585 : memref<400xf32, #tpu.memory_space<vmem>>) dst(%dma_wait3A_583 : memref<400xf32, #tpu.memory_space<hbm>>)
      %dma_wait3A_586 = arith.constant 35600 : i32
      %dma_wait3A_587 = tpu.memref_slice %arg11[%dma_wait3A_586] : memref<64000xf32, #tpu.memory_space<vmem>> -> memref<400xf32, #tpu.memory_space<vmem>>
      %dma_wait3A_588 = tpu.memref_slice %arg8[%add3A_321] : memref<2000000xf32, #tpu.memory_space<hbm>> -> memref<400xf32, #tpu.memory_space<hbm>>
      %dma_wait3A_589 = tpu.memref_slice %arg8[%add3A_321] : memref<2000000xf32, #tpu.memory_space<hbm>> -> memref<400xf32, #tpu.memory_space<hbm>>
      %dma_wait3A_590 = arith.constant 35600 : i32
      %dma_wait3A_591 = tpu.memref_slice %arg11[%dma_wait3A_590] : memref<64000xf32, #tpu.memory_space<vmem>> -> memref<400xf32, #tpu.memory_space<vmem>>
      tpu.wait_dma2 semaphore(%arg14 : memref<!tpu.dma_semaphore, #tpu.memory_space<semaphore_mem>>) src(%dma_wait3A_591 : memref<400xf32, #tpu.memory_space<vmem>>) dst(%dma_wait3A_589 : memref<400xf32, #tpu.memory_space<hbm>>)
      %dma_wait3A_592 = arith.constant 38800 : i32
      %dma_wait3A_593 = tpu.memref_slice %arg11[%dma_wait3A_592] : memref<64000xf32, #tpu.memory_space<vmem>> -> memref<400xf32, #tpu.memory_space<vmem>>
      %dma_wait3A_594 = tpu.memref_slice %arg8[%add3A_331] : memref<2000000xf32, #tpu.memory_space<hbm>> -> memref<400xf32, #tpu.memory_space<hbm>>
      %dma_wait3A_595 = tpu.memref_slice %arg8[%add3A_331] : memref<2000000xf32, #tpu.memory_space<hbm>> -> memref<400xf32, #tpu.memory_space<hbm>>
      %dma_wait3A_596 = arith.constant 38800 : i32
      %dma_wait3A_597 = tpu.memref_slice %arg11[%dma_wait3A_596] : memref<64000xf32, #tpu.memory_space<vmem>> -> memref<400xf32, #tpu.memory_space<vmem>>
      tpu.wait_dma2 semaphore(%arg14 : memref<!tpu.dma_semaphore, #tpu.memory_space<semaphore_mem>>) src(%dma_wait3A_597 : memref<400xf32, #tpu.memory_space<vmem>>) dst(%dma_wait3A_595 : memref<400xf32, #tpu.memory_space<hbm>>)
      %dma_wait3A_598 = arith.constant 42000 : i32
      %dma_wait3A_599 = tpu.memref_slice %arg11[%dma_wait3A_598] : memref<64000xf32, #tpu.memory_space<vmem>> -> memref<400xf32, #tpu.memory_space<vmem>>
      %dma_wait3A_600 = tpu.memref_slice %arg8[%add3A_341] : memref<2000000xf32, #tpu.memory_space<hbm>> -> memref<400xf32, #tpu.memory_space<hbm>>
      %dma_wait3A_601 = tpu.memref_slice %arg8[%add3A_341] : memref<2000000xf32, #tpu.memory_space<hbm>> -> memref<400xf32, #tpu.memory_space<hbm>>
      %dma_wait3A_602 = arith.constant 42000 : i32
      %dma_wait3A_603 = tpu.memref_slice %arg11[%dma_wait3A_602] : memref<64000xf32, #tpu.memory_space<vmem>> -> memref<400xf32, #tpu.memory_space<vmem>>
      tpu.wait_dma2 semaphore(%arg14 : memref<!tpu.dma_semaphore, #tpu.memory_space<semaphore_mem>>) src(%dma_wait3A_603 : memref<400xf32, #tpu.memory_space<vmem>>) dst(%dma_wait3A_601 : memref<400xf32, #tpu.memory_space<hbm>>)
      %dma_wait3A_604 = arith.constant 45200 : i32
      %dma_wait3A_605 = tpu.memref_slice %arg11[%dma_wait3A_604] : memref<64000xf32, #tpu.memory_space<vmem>> -> memref<400xf32, #tpu.memory_space<vmem>>
      %dma_wait3A_606 = tpu.memref_slice %arg8[%add3A_351] : memref<2000000xf32, #tpu.memory_space<hbm>> -> memref<400xf32, #tpu.memory_space<hbm>>
      %dma_wait3A_607 = tpu.memref_slice %arg8[%add3A_351] : memref<2000000xf32, #tpu.memory_space<hbm>> -> memref<400xf32, #tpu.memory_space<hbm>>
      %dma_wait3A_608 = arith.constant 45200 : i32
      %dma_wait3A_609 = tpu.memref_slice %arg11[%dma_wait3A_608] : memref<64000xf32, #tpu.memory_space<vmem>> -> memref<400xf32, #tpu.memory_space<vmem>>
      tpu.wait_dma2 semaphore(%arg14 : memref<!tpu.dma_semaphore, #tpu.memory_space<semaphore_mem>>) src(%dma_wait3A_609 : memref<400xf32, #tpu.memory_space<vmem>>) dst(%dma_wait3A_607 : memref<400xf32, #tpu.memory_space<hbm>>)
      %dma_wait3A_610 = arith.constant 48400 : i32
      %dma_wait3A_611 = tpu.memref_slice %arg11[%dma_wait3A_610] : memref<64000xf32, #tpu.memory_space<vmem>> -> memref<400xf32, #tpu.memory_space<vmem>>
      %dma_wait3A_612 = tpu.memref_slice %arg8[%add3A_361] : memref<2000000xf32, #tpu.memory_space<hbm>> -> memref<400xf32, #tpu.memory_space<hbm>>
      %dma_wait3A_613 = tpu.memref_slice %arg8[%add3A_361] : memref<2000000xf32, #tpu.memory_space<hbm>> -> memref<400xf32, #tpu.memory_space<hbm>>
      %dma_wait3A_614 = arith.constant 48400 : i32
      %dma_wait3A_615 = tpu.memref_slice %arg11[%dma_wait3A_614] : memref<64000xf32, #tpu.memory_space<vmem>> -> memref<400xf32, #tpu.memory_space<vmem>>
      tpu.wait_dma2 semaphore(%arg14 : memref<!tpu.dma_semaphore, #tpu.memory_space<semaphore_mem>>) src(%dma_wait3A_615 : memref<400xf32, #tpu.memory_space<vmem>>) dst(%dma_wait3A_613 : memref<400xf32, #tpu.memory_space<hbm>>)
      %dma_wait3A_616 = arith.constant 51200 : i32
      %dma_wait3A_617 = tpu.memref_slice %arg11[%dma_wait3A_616] : memref<64000xf32, #tpu.memory_space<vmem>> -> memref<800xf32, #tpu.memory_space<vmem>>
      %dma_wait3A_618 = tpu.memref_slice %arg8[%add3A_393] : memref<2000000xf32, #tpu.memory_space<hbm>> -> memref<800xf32, #tpu.memory_space<hbm>>
      %dma_wait3A_619 = tpu.memref_slice %arg8[%add3A_393] : memref<2000000xf32, #tpu.memory_space<hbm>> -> memref<800xf32, #tpu.memory_space<hbm>>
      %dma_wait3A_620 = arith.constant 51200 : i32
      %dma_wait3A_621 = tpu.memref_slice %arg11[%dma_wait3A_620] : memref<64000xf32, #tpu.memory_space<vmem>> -> memref<800xf32, #tpu.memory_space<vmem>>
      tpu.wait_dma2 semaphore(%arg14 : memref<!tpu.dma_semaphore, #tpu.memory_space<semaphore_mem>>) src(%dma_wait3A_621 : memref<800xf32, #tpu.memory_space<vmem>>) dst(%dma_wait3A_619 : memref<800xf32, #tpu.memory_space<hbm>>)
      %dma_wait3A_622 = arith.constant 54400 : i32
      %dma_wait3A_623 = tpu.memref_slice %arg11[%dma_wait3A_622] : memref<64000xf32, #tpu.memory_space<vmem>> -> memref<800xf32, #tpu.memory_space<vmem>>
      %dma_wait3A_624 = tpu.memref_slice %arg8[%add3A_401] : memref<2000000xf32, #tpu.memory_space<hbm>> -> memref<800xf32, #tpu.memory_space<hbm>>
      %dma_wait3A_625 = tpu.memref_slice %arg8[%add3A_401] : memref<2000000xf32, #tpu.memory_space<hbm>> -> memref<800xf32, #tpu.memory_space<hbm>>
      %dma_wait3A_626 = arith.constant 54400 : i32
      %dma_wait3A_627 = tpu.memref_slice %arg11[%dma_wait3A_626] : memref<64000xf32, #tpu.memory_space<vmem>> -> memref<800xf32, #tpu.memory_space<vmem>>
      tpu.wait_dma2 semaphore(%arg14 : memref<!tpu.dma_semaphore, #tpu.memory_space<semaphore_mem>>) src(%dma_wait3A_627 : memref<800xf32, #tpu.memory_space<vmem>>) dst(%dma_wait3A_625 : memref<800xf32, #tpu.memory_space<hbm>>)
      %dma_wait3A_628 = arith.constant 57600 : i32
      %dma_wait3A_629 = tpu.memref_slice %arg11[%dma_wait3A_628] : memref<64000xf32, #tpu.memory_space<vmem>> -> memref<800xf32, #tpu.memory_space<vmem>>
      %dma_wait3A_630 = tpu.memref_slice %arg8[%add3A_409] : memref<2000000xf32, #tpu.memory_space<hbm>> -> memref<800xf32, #tpu.memory_space<hbm>>
      %dma_wait3A_631 = tpu.memref_slice %arg8[%add3A_409] : memref<2000000xf32, #tpu.memory_space<hbm>> -> memref<800xf32, #tpu.memory_space<hbm>>
      %dma_wait3A_632 = arith.constant 57600 : i32
      %dma_wait3A_633 = tpu.memref_slice %arg11[%dma_wait3A_632] : memref<64000xf32, #tpu.memory_space<vmem>> -> memref<800xf32, #tpu.memory_space<vmem>>
      tpu.wait_dma2 semaphore(%arg14 : memref<!tpu.dma_semaphore, #tpu.memory_space<semaphore_mem>>) src(%dma_wait3A_633 : memref<800xf32, #tpu.memory_space<vmem>>) dst(%dma_wait3A_631 : memref<800xf32, #tpu.memory_space<hbm>>)
      %dma_wait3A_634 = arith.constant 60800 : i32
      %dma_wait3A_635 = tpu.memref_slice %arg11[%dma_wait3A_634] : memref<64000xf32, #tpu.memory_space<vmem>> -> memref<800xf32, #tpu.memory_space<vmem>>
      %dma_wait3A_636 = tpu.memref_slice %arg8[%add3A_417] : memref<2000000xf32, #tpu.memory_space<hbm>> -> memref<800xf32, #tpu.memory_space<hbm>>
      %dma_wait3A_637 = tpu.memref_slice %arg8[%add3A_417] : memref<2000000xf32, #tpu.memory_space<hbm>> -> memref<800xf32, #tpu.memory_space<hbm>>
      %dma_wait3A_638 = arith.constant 60800 : i32
      %dma_wait3A_639 = tpu.memref_slice %arg11[%dma_wait3A_638] : memref<64000xf32, #tpu.memory_space<vmem>> -> memref<800xf32, #tpu.memory_space<vmem>>
      tpu.wait_dma2 semaphore(%arg14 : memref<!tpu.dma_semaphore, #tpu.memory_space<semaphore_mem>>) src(%dma_wait3A_639 : memref<800xf32, #tpu.memory_space<vmem>>) dst(%dma_wait3A_637 : memref<800xf32, #tpu.memory_space<hbm>>)
    } else {
    }
    return
  }
}

</mosaic_0001>

<sc_bundles>
// kernel: kernel.3.cloned.1.call-start
scs
__scs_entry_jumppad:
0x0: {  	(pc) =	sbr.rel $0x88, $3  }
0x1: {  	(tag) =	ssettag $0x0;
	lr =	simm.s32 $0x1  }
0x2: {  	[smem:$0x3F9B] =	sst lr;
	_ =	strace $0xD0000000  }
0x3: {  	_ = 	snop  }
0x4: {  	_ = 	snop  }
0x5: {  	_ = 	snop  }
0x6: {  	_ = 	snop  }
0x7: {  	_ = 	snop  }
__scs_overlays_trampoline_lowered:
0x8: {  	[smem:$0x3FAA] =	sst s0  }
0x9: {  	[smem:$0x3FAB] =	sst s1  }
0xa: {  	[smem:$0x3FAC] =	sst s2  }
0xb: {  	[smem:$0x3FAD] =	sst s3  }
0xc: {  	[smem:$0x3FAE] =	sst s4  }
0xd: {  	[smem:$0x3FAF] =	sst s5  }
0xe: {  	[smem:$0x3FB0] =	sst s6  }
0xf: {  	[smem:$0x3FB1] =	sst s7  }
0x10: {  	[smem:$0x3FB2] =	sst s8  }
0x11: {  	[smem:$0x3FB3] =	sst s9;
	s0 =	simm.s32 @!p0 $0x0  }
0x12: {  	s1 =	sld [smem:$0x3F99];
	s0 =	simm.s32 @p0 $0x1  }
0x13: {  	[smem:$0x3FB4] =	sst s0;
	s0 =	simm.s32 @!p1 $0x0  }
0x14: {  	s2 =	sld [smem:$0x3F98];
	s0 =	simm.s32 @p1 $0x1  }
0x15: {  	[smem:$0x3FB5] =	sst s0;
	s0 =	simm.s32 @!p2 $0x0  }
0x16: {  	s3 =	sld [smem:$0x3FDB];
	s0 =	simm.s32 @p2 $0x1  }
0x17: {  	s4 =	simm.s32 $0x1BF5;
	[smem:$0x3FB7] =	sst s0  }
0x18: {  	s0 =	sld [smem:$0x3F9A];
	_ =	swait.ge [sflag:s4], $0x0  }
0x19: {  	s7 =	sld [smem:$0x3F9B]  }
0x1a: {  	s8 =	sadd.s32 $0xFFFFE003, lr  }
0x1b: {  	s9 =	sadd.s32 $0xFFFFFEF7, lr;
	s5 =	simm.s32 $0xFFFFFFFF;
	p2 =	slt.u32 s8, $0xFFFFF086  }
0x1c: {  	p1 =	slt.u32 s9, $0xF7A;
	s5 =	simm.s32 @!p2 $0x0  }
0x1d: {  	s5 =	simm.s32 @p1 $0x1;
	p0 =	seq.s32 s7, s2  }
0x1e: {  	s7 =	smul.u32 @!p0 $0xF7A, s2;
	p2 =	seq.s32 @!p0 s5, $0x0  }
0x1f: {  	s9 =	smul.u32 $0xF7A, s1;
	s8 =	simm.s32 @!p0 $0x1BF5;
	p2 =	por !p2, p0  }
0x20: {  	[sflag:s8] =	ssyncset.s32 @!p0 $0xFFFFF086;
	s6 =	sadd.s32 @!p0 s3, s7;
	s7 =	simm.s32 @!p0 $0x108  }
0x21: {  	s3 =	sadd.s32 s3, s9;
	s6 =	sadd.s32 @!p0 $0x88, s6;
	s7 =	simm.s32 @p2 $0x1082  }
0x22: {  	[simem:s7], [sflag:s8] =	dma.local @!p0 [hbm:s6], $0xF7A  }
0x23: {  	s9 =	sor.u32 $0xD0000000, s2;
	s6 =	simm.s32 $0x108;
	_ =	swait.ge @!p0 [sflag:s8], $0x0  }
0x24: {  	s3 =	sadd.s32 $0x88, s3;
	s6 =	simm.s32 @!p1 $0x1082;
	[sflag:s4] =	ssyncset.s32 $0xFFFFF086  }
0x25: {  	[simem:s6], [sflag:s4] =	dma.local [hbm:s3], $0xF7A  }
0x26: {  	[smem:$0x3F9B] =	sst s1;
	(tag) =	ssettag s2;
	_ =	strace s9  }
0x27: {  	s1 =	sld [smem:$0x3FAB]  }
0x28: {  	s2 =	sld [smem:$0x3FAC]  }
0x29: {  	s4 =	sld [smem:$0x3FAE]  }
0x2a: {  	p0 =	seq.s32 s5, $0x0;
	s5 =	sld [smem:$0x3FAF]  }
0x2b: {  	s6 =	sld [smem:$0x3FB0]  }
0x2c: {  	s7 =	sld [smem:$0x3FB1]  }
0x2d: {  	s3 =	simm.s32 $0x108;
	s8 =	sld [smem:$0x3FB2]  }
0x2e: {  	s3 =	simm.s32 @!p0 $0x1082;
	s9 =	sld [smem:$0x3FB3]  }
0x2f: {  	lr =	sadd.s32 s0, s3;
	s0 =	sld [smem:$0x3FAA]  }
0x30: {  	s3 =	sld [smem:$0x3FAD]  }
0x31: {  	[smem:$0x3FB6] =	sst s10  }
0x32: {  	s10 =	sld [smem:$0x3FB4];
	_ =	sdelay $0x3  }
0x33: {  	p0 =	seq.s32 s10, $0x1;
	s10 =	sld [smem:$0x3FB6];
	_ =	sdelay $0x3  }
0x34: {  	[smem:$0x3FB6] =	sst s10  }
0x35: {  	s10 =	sld [smem:$0x3FB5];
	_ =	sdelay $0x3  }
0x36: {  	p1 =	seq.s32 s10, $0x1;
	s10 =	sld [smem:$0x3FB6];
	_ =	sdelay $0x3  }
0x37: {  	[smem:$0x3FB6] =	sst s10  }
0x38: {  	s10 =	sld [smem:$0x3FB7]  }
0x39: {  	_ = 	snop;
	(pc) =	sbr.ind lr, $3  }
0x3a: {  	_ = 	snop  }
0x3b: {  	_ = 	snop  }
0x3c: {  	p2 =	seq.s32 s10, $0x1;
	s10 =	sld [smem:$0x3FB6]  }
0x3d: {  	_ =	shalt  }
0x3e: {  	_ =	shalt  }
0x3f: {  	_ =	shalt  }
0x40: {  	_ =	shalt  }
0x41: {  	_ =	shalt  }
0x42: {  	_ =	shalt  }
0x43: {  	_ =	shalt  }
0x44: {  	_ =	shalt  }
0x45: {  	_ =	shalt  }
0x46: {  	_ =	shalt  }
0x47: {  	_ =	shalt  }
0x48: {  	_ =	shalt  }
0x49: {  	_ =	shalt  }
0x4a: {  	_ =	shalt  }
0x4b: {  	_ =	shalt  }
0x4c: {  	_ =	shalt  }
0x4d: {  	_ =	shalt  }
0x4e: {  	_ =	shalt  }
0x4f: {  	_ =	shalt  }
0x50: {  	_ =	shalt  }
0x51: {  	_ =	shalt  }
0x52: {  	_ =	shalt  }
0x53: {  	_ =	shalt  }
0x54: {  	_ =	shalt  }
0x55: {  	_ =	shalt  }
0x56: {  	_ =	shalt  }
0x57: {  	_ =	shalt  }
0x58: {  	_ =	shalt  }
0x59: {  	_ =	shalt  }
0x5a: {  	_ =	shalt  }
0x5b: {  	_ =	shalt  }
0x5c: {  	_ =	shalt  }
0x5d: {  	_ =	shalt  }
0x5e: {  	_ =	shalt  }
0x5f: {  	_ =	shalt  }
0x60: {  	_ =	shalt  }
0x61: {  	_ =	shalt  }
0x62: {  	_ =	shalt  }
0x63: {  	_ =	shalt  }
0x64: {  	_ =	shalt  }
0x65: {  	_ =	shalt  }
0x66: {  	_ =	shalt  }
0x67: {  	_ =	shalt  }
0x68: {  	_ =	shalt  }
0x69: {  	_ =	shalt  }
0x6a: {  	_ =	shalt  }
0x6b: {  	_ =	shalt  }
0x6c: {  	_ =	shalt  }
0x6d: {  	_ =	shalt  }
0x6e: {  	_ =	shalt  }
0x6f: {  	_ =	shalt  }
0x70: {  	_ =	shalt  }
0x71: {  	_ =	shalt  }
0x72: {  	_ =	shalt  }
0x73: {  	_ =	shalt  }
0x74: {  	_ =	shalt  }
0x75: {  	_ =	shalt  }
0x76: {  	_ =	shalt  }
0x77: {  	_ =	shalt  }
0x78: {  	_ =	shalt  }
0x79: {  	_ =	shalt  }
0x7a: {  	_ =	shalt  }
0x7b: {  	_ =	shalt  }
0x7c: {  	_ =	shalt  }
0x7d: {  	_ =	shalt  }
0x7e: {  	_ =	shalt  }
0x7f: {  	_ =	shalt  }
0x80: {  	_ =	shalt  }
0x81: {  	_ =	shalt  }
0x82: {  	_ =	shalt  }
0x83: {  	_ =	shalt  }
0x84: {  	_ =	shalt  }
0x85: {  	_ =	shalt  }
0x86: {  	_ =	shalt  }
0x87: {  	_ =	shalt  }
.Lfunc_end0:
.L_simem_size_0:
called_computation_lowered:
.L_overlay_start_0:
0x88: {  	s2 =	sld [smem:$0x3FD9]  }
0x89: {  	s3 =	sld [smem:$0x3FFE];
	_ =	sdelay $0x1  }
0x8a: {  	s1 =	srdreg.scid  }
0x8b: {  	s0 =	sand.u32 $0x1, s1  }
0x8c: {  	s17 =	sshll.u32 s0, $0xA;
	s2 =	sadd.s32 s3, s2  }
0x8d: {  	s2 =	sadd.s32 s2, s17  }
0x8e: {  	[smem:$0x3FC2] =	sst s2  }
0x8f: {  	_ = 	snop  }
0x90: {  	s2 =	sld [smem:$0x3FC9]  }
0x91: {  	s18 =	sld [smem:$0x3FD0];
	(tm) =	ssettm $0x1  }
0x92: {  	s4 =	sld [smem:$0x3FFB];
	_ =	sdelay $0x3  }
0x93: {  	_ =	strace s4  }
0x94: {  	s4 =	sld [smem:$0x3FFC];
	_ =	sdelay $0x3  }
0x95: {  	_ =	strace s4  }
0x96: {  	s4 =	sld [smem:$0x3FFD];
	_ =	sdelay $0x3  }
0x97: {  	_ =	strace s4  }
0x98: {  	_ =	strace $0x8FFFFFFF  }
0x99: {  	s19 =	sld [smem:$0x3FDB];
	_ =	sdelay $0x1  }
0x9a: {  	s5 =	simm.s32 $_scs_section_size  }
0x9b: {  	s6 =	simm.s32 $_size__tile_overlayer_lowered;
	s7 =	simm.s32 $_tile_overlayer_lowered  }
0x9c: {  	s22 =	simm.s32 $0x1BFF;
	s21 =	sshll.u32 s7, $0x1;
	s4 =	sadd.s32 s5, s19  }
0x9d: {  	s8 =	simm.s32 $0x0;
	s20 =	sshll.u32 s6, $0x1;
	s6 =	sadd.s32 s21, s4  }
0x9e: {  	[timem:s8], [sflag:s22] =	dma.local [hbm:s6], s20  }
0x9f: {  	_ =	swait.ge [sflag:s22], s20  }
0xa0: {  	s5 =	ssub.s32 $0x0, s20;
	[sflag:s22] =	ssyncset.done $0x0  }
0xa1: {  	[sflag:s22] =	ssyncadd.s32 s5;
	_ =	sdelay $0x1  }
0xa2: {  	s23 =	simm.s32 $0x1B8B  }
0xa3: {  	_ =	swait.ge [sflag:s23], $0x1  }
0xa4: {  	[sflag:s23] =	ssyncset.done $0x0  }
0xa5: {  	s25 =	simm.s32 $0x1B8E;
	s24 =	sld [smem:$0x3FFE];
	[sflag:s23] =	ssyncadd.s32 $0xFFFFFFFF  }
0xa6: {  	s26 =	simm.s32 $execute0_lowered;
	[smem:$0x3FD2] =	sst s25  }
0xa7: {  	s6 =	sshll.u32 s26, $0x1;
	_ =	strace $0x80000046;
	[dreg:$0x1] =	wrdreg $0xFFFFFFFF  }
0xa8: {  	s28 =	simm.s32 $_size_execute0_lowered;
	s4 =	sadd.s32 s4, s6;
	[dreg:$0x0] =	wrdreg $0x0  }
0xa9: {  	s6 =	sshll.u32 s28, $0x1;
	[dreg:$0x2] =	wrdreg s4  }
0xaa: {  	[dreg:$0x3] =	wrdreg s6  }
0xab: {  	[dreg:$0x4] =	wrdreg $0xC0  }
0xac: {  	_ =	task [dreg:s8], $0x5FFFF  }
0xad: {  	[dreg:$0x1] =	wrdreg $0xFFFFFFFF  }
0xae: {  	[dreg:$0x0] =	wrdreg $0x60  }
0xaf: {  	[dreg:$0x2] =	wrdreg s2  }
0xb0: {  	[dreg:$0x3] =	wrdreg s18  }
0xb1: {  	[dreg:$0x4] =	wrdreg s24  }
0xb2: {  	[dreg:$0x5] =	wrdreg $0x9  }
0xb3: {  	_ =	task.clear_ibuf [dreg:s8], $0x6FFFF;
	_ =	strace $0x90000046  }
0xb4: {  	s29 =	simm.s32 $0x9;
	_ =	strace $0x80000048  }
0xb5: {  	_ =	swait.ge [sflag:s29], $0x1  }
0xb6: {  	[sflag:s29] =	ssyncadd.s32 $0xFFFFFFFF  }
0xb7: {  	_ =	strace $0x90000048  }
0xb8: {  	_ =	sfence  }
0xb9: {  	s30 =	sld [smem:$0x0];
	_ =	sdelay $0x2  }
0xba: {  	s31 =	sshll.u32 s1, $0xD;
	s1 =	sshrl.u32 s1, $0x2  }
0xbb: {  	s3 =	sand.u32 $0x4000, s31;
	s1 =	sadd.s32 s1, s30  }
0xbc: {  	s0 =	sor.u32 s3, s0;
	s1 =	sshll.u32 s1, $0x11  }
0xbd: {  	s0 =	sor.u32 s1, s0  }
0xbe: {  	s0 =	sadd.s32 $0x8F2B, s0  }
0xbf: {  	[sflag:s0] =	ssyncadd.remote.s32 $0x1  }
0xc0: {  	_ =	sfence.sel $0xFFFF  }
0xc1: {  	[dreg:$0x0] =	wrdreg $0xFFFFFFFF;
	(pc) =	sbr.abs _section_cstart, $3  }
0xc2: {  	[dreg:$0x1] =	wrdreg $0xFFFFFFFF  }
0xc3: {  	_ =	task.clear_ibuf [dreg:s8], $0x2FFFF;
	_ =	strace $0x9FFFFFFF  }
0xc4: {  	(tm) =	ssettm $0x7FFFFFFF  }
0xc5: {  	_ =	shalt  }
tec
execute0_lowered:
.L_overlay_start_1:
0x0: {  	(tag) =	ssettag $0x1  }
0x1: {  	s0 =	srdreg.scid;
	s1 =	rddreg [dreg:$0x0]  }
0x2: {  	s2 =	stileid.u32;
	s4 =	rddreg [dreg:$0x1];
	s3 =	simm.s32 $0x0  }
0x3: {  	s0 =	sand.u32 $0x1, s0;
	s2 =	sshll.u32 s2, $0x1;
	[smem:$0x7FF] =	sst s3  }
0x4: {  	s5 =	sor.u32 s0, s2;
	s2 =	rddreg [dreg:$0x2];
	s0 =	ssub.s32 $0x2, s0  }
0x5: {  	_ =	strace $0x80000047;
	s6 =	smul.u32 $0xC80, s5;
	s7 =	sshrl.u32 s0, $0x1  }
0x6: {  	p0 =	seq.s32 s5, $0x1F;
	s5 =	sadd.s32 $0x2E18C, s2;
	s0 =	ssub.s32 s0, s7  }
0x7: {  	[smem:$0x7E5] =	sst s5;
	s6 =	sshrl.u32 s6, $0x3;
	s0 =	smax.u32 s0, $0x1  }
0x8: {  	s22 =	sadd.s32 s1, s6;
	[smem:$0x7D6] =	sst s0  }
0x9: {  	s8 =	sadd.s32 s6, s2;
	s6 =	sadd.s32 s4, s6;
	[dreg:$0x4] =	wrdreg s22  }
0xa: {  	s1 =	sadd.s32 $0x3070, s1;
	[dreg:$0x5] =	wrdreg s6  }
0xb: {  	s23 =	sadd.s32 $0x200, s8;
	[smem:$0x7D4] =	sst s1  }
0xc: {  	s24 =	sadd.s32 $0x3400, s8;
	[dreg:$0x6] =	wrdreg s23  }
0xd: {  	s25 =	sadd.s32 $0x6600, s8;
	[dreg:$0x7] =	wrdreg s24  }
0xe: {  	s26 =	sadd.s32 $0x9800, s8;
	[dreg:$0x8] =	wrdreg s25  }
0xf: {  	s28 =	sadd.s32 $0xC8D4, s8;
	[dreg:$0x9] =	wrdreg s26  }
0x10: {  	s29 =	sadd.s32 $0xF9A8, s8;
	[dreg:$0xa] =	wrdreg s28  }
0x11: {  	s30 =	sadd.s32 $0x12A7C, s8;
	[dreg:$0xb] =	wrdreg s29  }
0x12: {  	s7 =	sadd.s32 $0x15B50, s8;
	[dreg:$0xc] =	wrdreg s30  }
0x13: {  	s9 =	sadd.s32 $0x18C24, s8;
	[dreg:$0xd] =	wrdreg s7  }
0x14: {  	s10 =	sadd.s32 $0x1BCF8, s8;
	[dreg:$0xe] =	wrdreg s9  }
0x15: {  	s11 =	sadd.s32 $0x1EDCC, s8;
	[dreg:$0xf] =	wrdreg s10  }
0x16: {  	s12 =	sadd.s32 $0x21EA0, s8;
	[dreg:$0x10] =	wrdreg s11  }
0x17: {  	s13 =	sadd.s32 $0x24F74, s8;
	[dreg:$0x11] =	wrdreg s12  }
0x18: {  	s14 =	sadd.s32 $0x28048, s8;
	[dreg:$0x12] =	wrdreg s13  }
0x19: {  	s15 =	sadd.s32 $0x2B11C, s8;
	[dreg:$0x13] =	wrdreg s14  }
0x1a: {  	s16 =	sadd.s32 $0x2E1F0, s8;
	[dreg:$0x14] =	wrdreg s15  }
0x1b: {  	s17 =	sadd.s32 $0x312C4, s8;
	[dreg:$0x15] =	wrdreg s16  }
0x1c: {  	s18 =	sadd.s32 $0x34398, s8;
	[dreg:$0x16] =	wrdreg s17  }
0x1d: {  	s19 =	sadd.s32 $0x3746C, s8;
	[dreg:$0x17] =	wrdreg s18  }
0x1e: {  	s20 =	sadd.s32 $0x98C8, s8;
	[dreg:$0x18] =	wrdreg s19  }
0x1f: {  	s21 =	sadd.s32 $0xC99C, s8;
	[dreg:$0x19] =	wrdreg s20  }
0x20: {  	s22 =	sadd.s32 $0xFA70, s8;
	[dreg:$0x1a] =	wrdreg s21  }
0x21: {  	s6 =	sadd.s32 $0x28110, s8;
	[dreg:$0x1b] =	wrdreg s22  }
0x22: {  	s1 =	sadd.s32 $0x27FE4, s2;
	[smem:$0x7CA] =	sst s6  }
0x23: {  	s23 =	sadd.s32 $0x12B44, s8;
	[smem:$0x7E3] =	sst s1  }
0x24: {  	s24 =	sadd.s32 $0x15C18, s8;
	[dreg:$0x1c] =	wrdreg s23  }
0x25: {  	s25 =	sadd.s32 $0x18CEC, s8;
	[dreg:$0x1d] =	wrdreg s24  }
0x26: {  	s26 =	sadd.s32 $0x1BDC0, s8;
	[dreg:$0x1e] =	wrdreg s25  }
0x27: {  	s28 =	sadd.s32 $0x1EE94, s8;
	[dreg:$0x1f] =	wrdreg s26  }
0x28: {  	s29 =	sadd.s32 $0x21F68, s8;
	[smem:$0x7C7] =	sst s28  }
0x29: {  	s30 =	sadd.s32 $0x2503C, s8;
	[smem:$0x7C8] =	sst s29  }
0x2a: {  	s7 =	sadd.s32 $0x2B1E4, s8;
	[smem:$0x7C9] =	sst s30  }
0x2b: {  	s9 =	sadd.s32 $0x2E2B8, s8;
	[smem:$0x7CB] =	sst s7  }
0x2c: {  	s10 =	sadd.s32 $0x3138C, s8;
	[smem:$0x7CC] =	sst s9  }
0x2d: {  	s11 =	sadd.s32 $0x34460, s8;
	[smem:$0x7CD] =	sst s10  }
0x2e: {  	s12 =	sadd.s32 $0x37534, s8;
	[smem:$0x7CE] =	sst s11  }
0x2f: {  	s13 =	sadd.s32 $0x3A540, s8;
	[smem:$0x7CF] =	sst s12  }
0x30: {  	s14 =	sadd.s32 $0x3D614, s8;
	[smem:$0x7D0] =	sst s13  }
0x31: {  	s15 =	sadd.s32 $0x406E8, s8;
	[smem:$0x7D1] =	sst s14  }
0x32: {  	s16 =	sadd.s32 $0x437BC, s8;
	[smem:$0x7D2] =	sst s15  }
0x33: {  	s17 =	sadd.s32 $0x3070, s4;
	[smem:$0x7D3] =	sst s16  }
0x34: {  	s18 =	sadd.s32 $0x3270, s2;
	[smem:$0x7D5] =	sst s17  }
0x35: {  	s19 =	sadd.s32 $0x6470, s2;
	[smem:$0x7D7] =	sst s18  }
0x36: {  	s20 =	sadd.s32 $0x9670, s2;
	[smem:$0x7D8] =	sst s19  }
0x37: {  	s21 =	sadd.s32 $0xC870, s2;
	[smem:$0x7D9] =	sst s20  }
0x38: {  	s22 =	sadd.s32 $0xF944, s2;
	[smem:$0x7DA] =	sst s21  }
0x39: {  	s4 =	sadd.s32 $0x2B0B8, s2;
	[smem:$0x7DB] =	sst s22  }
0x3a: {  	s6 =	sadd.s32 $0x31260, s2;
	[smem:$0x7E4] =	sst s4  }
0x3b: {  	s8 =	sadd.s32 $0x37408, s2;
	[smem:$0x7E6] =	sst s6  }
0x3c: {  	s23 =	sadd.s32 $0x12A18, s2;
	[smem:$0x7E8] =	sst s8  }
0x3d: {  	s24 =	sadd.s32 $0x15AEC, s2;
	[smem:$0x7DC] =	sst s23  }
0x3e: {  	s25 =	sadd.s32 $0x18BC0, s2;
	[smem:$0x7DD] =	sst s24  }
0x3f: {  	s26 =	sadd.s32 $0x1BC94, s2;
	[smem:$0x7DE] =	sst s25  }
0x40: {  	s28 =	sadd.s32 $0x1ED68, s2;
	[smem:$0x7DF] =	sst s26  }
0x41: {  	s29 =	sadd.s32 $0x21E3C, s2;
	[smem:$0x7E0] =	sst s28  }
0x42: {  	s30 =	sadd.s32 $0x24F10, s2;
	[smem:$0x7E1] =	sst s29  }
0x43: {  	s7 =	sadd.s32 $0x34334, s2;
	[smem:$0x7E2] =	sst s30  }
0x44: {  	s9 =	sadd.s32 $0x3A4DC, s2;
	[smem:$0x7E7] =	sst s7  }
0x45: {  	s10 =	sadd.s32 $0xC8A2, s2;
	[smem:$0x7E9] =	sst s9  }
0x46: {  	s11 =	sadd.s32 $0xF976, s2;
	[smem:$0x7EA] =	sst s10  }
0x47: {  	s12 =	sadd.s32 $0x12A4A, s2;
	[smem:$0x7EB] =	sst s11  }
0x48: {  	s13 =	sadd.s32 $0x15B1E, s2;
	[smem:$0x7EC] =	sst s12  }
0x49: {  	s14 =	sadd.s32 $0x18BF2, s2;
	[smem:$0x7ED] =	sst s13  }
0x4a: {  	s15 =	sadd.s32 $0x1BCC6, s2;
	[smem:$0x7EE] =	sst s14  }
0x4b: {  	s16 =	sadd.s32 $0x1ED9A, s2;
	[smem:$0x7EF] =	sst s15  }
0x4c: {  	s31 =	simm.s32 $0xDC80;
	s17 =	sadd.s32 $0x21E6E, s2;
	[smem:$0x7F0] =	sst s16  }
0x4d: {  	s5 =	simm.s32 $0x1;
	s18 =	sadd.s32 $0x24F42, s2;
	[smem:$0x7F1] =	sst s17  }
0x4e: {  	s0 =	simm.s32 $0xF580;
	s19 =	sadd.s32 $0x28016, s2;
	[smem:$0x7F2] =	sst s18  }
0x4f: {  	s1 =	simm.s32 $0xE900;
	s20 =	sadd.s32 $0x2B0EA, s2;
	[smem:$0x7F3] =	sst s19  }
0x50: {  	s21 =	sadd.s32 $0x2E1BE, s2;
	s22 =	sadd.s32 $0x31292, s2;
	[smem:$0x7F4] =	sst s20  }
0x51: {  	s4 =	simm.s32 $0x10200;
	s6 =	simm.s32 $0x80;
	[smem:$0x7F5] =	sst s21  }
0x52: {  	s8 =	simm.s32 $0x180;
	[smem:$0x7F6] =	sst s22;
	s23 =	sadd.s32 $0x34366, s2  }
0x53: {  	s24 =	sadd.s32 $0x3743A, s2;
	s25 =	sadd.s32 $0x3A50E, s2;
	s26 =	sadd.s32 $0x3D5B0, s2  }
0x54: {  	s28 =	sadd.s32 $0x40684, s2;
	s29 =	sadd.s32 $0x43758, s2;
	s30 =	sadd.s32 $0x4682C, s2  }
0x55: {  	s7 =	simm.s32 $0x100;
	s9 =	simm.s32 $0x200;
	s10 =	simm.s32 $0x280  }
0x56: {  	s11 =	simm.s32 $0x300;
	s12 =	simm.s32 $0x380;
	[smem:$0x7F7] =	sst s23  }
0x57: {  	s13 =	simm.s32 $0x400;
	s14 =	simm.s32 $0x480;
	[smem:$0x7F8] =	sst s24  }
.Ltmp0:
0x58: {  	s15 =	simm.s32 $0x500;
	[smem:$0x7F9] =	sst s25;
	(pc) =	sbr.rel .LBB2_1-.Ltmp0, $4  }
0x59: {  	s16 =	simm.s32 $0x580;
	s17 =	simm.s32 $0x600;
	[smem:$0x7FA] =	sst s26  }
0x5a: {  	s19 =	simm.s32 $0x680;
	s20 =	simm.s32 $0x700;
	[smem:$0x7FB] =	sst s28  }
0x5b: {  	s21 =	simm.s32 $0x780;
	s22 =	simm.s32 $0x2;
	[smem:$0x7FC] =	sst s29  }
0x5c: {  	[smem:$0x7FD] =	sst s30;
	s23 =	simm.s32 $0x3;
	s24 =	simm.s32 $0x0  }
.LBB2_11:
0x5d: {  	_ =	sdelay $0x3  }
0x5e: {  	v16 =	vld.idx.msk [tilespmem:v0+s14+$0x0], $0xffff;
	[tilespmem:s25+$0x86A0] =	vst v10  }
0x5f: {  	v58 =	vld.idx.msk [tilespmem:v0+s15+$0x0], $0xffff;
	[tilespmem:s25+$0x9320] =	vst v11  }
0x60: {  	v59 =	vld.idx.msk [tilespmem:v0+s16+$0x0], $0xffff;
	[tilespmem:s25+$0x9FA0] =	vst v12  }
0x61: {  	v60 =	vld.idx.msk [tilespmem:v0+s17+$0x0], $0xffff;
	[tilespmem:s25+$0xAC20] =	vst v13  }
0x62: {  	v61 =	vld.idx.msk [tilespmem:v0+s19+$0x0], $0xffff;
	[tilespmem:s25+$0xB8A0] =	vst v14  }
0x63: {  	v62 =	vld.idx.msk [tilespmem:v0+s20+$0x0], $0xffff;
	[tilespmem:s25+$0xC520] =	vst v15;
	s18 =	sadd.s32 $0x20, s26  }
0x64: {  	v63 =	vld.idx.msk [tilespmem:v0+s21+$0x0], $0xffff;
	[tilespmem:s25+$0x1610] =	vst v6;
	s18 =	sand.u32 $0x3F0, s18  }
0x65: {  	[tilespmem:s18+$0x2100] =	vst v1  }
0x66: {  	[tilespmem:s18+$0x2D80] =	vst v2  }
0x67: {  	[tilespmem:s18+$0x3A00] =	vst v3  }
0x68: {  	[tilespmem:s18+$0x4680] =	vst v4  }
0x69: {  	[tilespmem:s18+$0x5300] =	vst v5  }
0x6a: {  	[tilespmem:s18+$0x5F80] =	vst v7  }
0x6b: {  	[tilespmem:s18+$0x6C00] =	vst v8  }
0x6c: {  	[tilespmem:s18+$0x7880] =	vst v9  }
0x6d: {  	[tilespmem:s18+$0x8500] =	vst v16  }
0x6e: {  	[tilespmem:s18+$0x9180] =	vst v58  }
0x6f: {  	[tilespmem:s18+$0x9E00] =	vst v59  }
0x70: {  	[tilespmem:s18+$0xAA80] =	vst v60  }
0x71: {  	[tilespmem:s18+$0xB700] =	vst v61  }
0x72: {  	[tilespmem:s18+$0xC380] =	vst v62  }
0x73: {  	[tilespmem:s18+$0xD000] =	vst v63  }
0x74: {  	v0 =	vld [tilespmem:$0xB10];
	_ =	sdelay $0x7  }
0x75: {  	v1 =	vld.idx.msk [tilespmem:v0+s3+$0x0], $0xffff  }
0x76: {  	v2 =	vld.idx.msk [tilespmem:v0+s6+$0x0], $0xffff  }
0x77: {  	v3 =	vld.idx.msk [tilespmem:v0+s7+$0x0], $0xffff  }
0x78: {  	v4 =	vld.idx.msk [tilespmem:v0+s8+$0x0], $0xffff  }
0x79: {  	v5 =	vld.idx.msk [tilespmem:v0+s9+$0x0], $0xffff  }
0x7a: {  	v6 =	vld.idx.msk [tilespmem:v0+s10+$0x0], $0xffff  }
0x7b: {  	v7 =	vld.idx.msk [tilespmem:v0+s11+$0x0], $0xffff  }
0x7c: {  	v8 =	vld.idx.msk [tilespmem:v0+s12+$0x0], $0xffff  }
0x7d: {  	v9 =	vld.idx.msk [tilespmem:v0+s13+$0x0], $0xffff  }
0x7e: {  	v10 =	vld.idx.msk [tilespmem:v0+s14+$0x0], $0xffff  }
0x7f: {  	v11 =	vld.idx.msk [tilespmem:v0+s15+$0x0], $0xffff  }
0x80: {  	v12 =	vld.idx.msk [tilespmem:v0+s16+$0x0], $0xffff  }
0x81: {  	v13 =	vld.idx.msk [tilespmem:v0+s17+$0x0], $0xffff  }
0x82: {  	v14 =	vld.idx.msk [tilespmem:v0+s19+$0x0], $0xffff  }
0x83: {  	v15 =	vld.idx.msk [tilespmem:v0+s20+$0x0], $0xffff  }
0x84: {  	v0 =	vld.idx.msk [tilespmem:v0+s21+$0x0], $0xffff;
	[tilespmem:$0x1790] =	vst v1  }
0x85: {  	[tilespmem:$0x2410] =	vst v2  }
0x86: {  	[tilespmem:$0x3090] =	vst v3  }
0x87: {  	[tilespmem:$0x3D10] =	vst v4  }
0x88: {  	[tilespmem:$0x4990] =	vst v5  }
0x89: {  	[tilespmem:$0x5610] =	vst v6  }
0x8a: {  	[tilespmem:$0x6290] =	vst v7  }
0x8b: {  	[tilespmem:$0x6F10] =	vst v8  }
0x8c: {  	[tilespmem:$0x7B90] =	vst v9  }
0x8d: {  	[tilespmem:$0x8810] =	vst v10  }
0x8e: {  	[tilespmem:$0x9490] =	vst v11  }
0x8f: {  	[tilespmem:$0xA110] =	vst v12  }
0x90: {  	[tilespmem:$0xAD90] =	vst v13  }
0x91: {  	s18 =	sld [smem:$0x7EA];
	[tilespmem:$0xBA10] =	vst v14  }
0x92: {  	[tilespmem:$0xC690] =	vst v15  }
0x93: {  	s28 =	simm.s32 $0x1610;
	s29 =	sld [smem:$0x7EB];
	[tilespmem:$0xD310] =	vst v0  }
0x94: {  	[hbm4b:s18+s3] =	stream.linear.scatter [tilespmem:s28], [sflag:$0x3], $0x190, $0x38;
	[tilespmem:$0x10E80] =	vst v63  }
0x95: {  	s30 =	simm.s32 $0x2290;
	s26 =	sld [smem:$0x7EC]  }
0x96: {  	[hbm4b:s29+s3] =	stream.linear.scatter [tilespmem:s30], [sflag:$0x3], $0x190, $0x38;
	[tilespmem:$0x10E80] =	vst v63  }
0x97: {  	s28 =	simm.s32 $0x2F10;
	s29 =	sld [smem:$0x7ED]  }
0x98: {  	[hbm4b:s26+s3] =	stream.linear.scatter [tilespmem:s28], [sflag:$0x3], $0x190, $0x38;
	[tilespmem:$0x10E80] =	vst v63  }
0x99: {  	s30 =	simm.s32 $0x3B90;
	s26 =	sld [smem:$0x7EE]  }
0x9a: {  	[hbm4b:s29+s3] =	stream.linear.scatter [tilespmem:s30], [sflag:$0x3], $0x190, $0x38;
	[tilespmem:$0x10E80] =	vst v63  }
0x9b: {  	s28 =	simm.s32 $0x4810;
	s29 =	sld [smem:$0x7EF]  }
0x9c: {  	[hbm4b:s26+s3] =	stream.linear.scatter [tilespmem:s28], [sflag:$0x3], $0x190, $0x38;
	[tilespmem:$0x10E80] =	vst v63  }
0x9d: {  	s30 =	simm.s32 $0x5490;
	s26 =	sld [smem:$0x7F0]  }
0x9e: {  	[hbm4b:s29+s3] =	stream.linear.scatter [tilespmem:s30], [sflag:$0x3], $0x190, $0x38;
	[tilespmem:$0x10E80] =	vst v63  }
0x9f: {  	s28 =	simm.s32 $0x6110;
	s29 =	sld [smem:$0x7F1]  }
0xa0: {  	[hbm4b:s26+s3] =	stream.linear.scatter [tilespmem:s28], [sflag:$0x3], $0x190, $0x38;
	[tilespmem:$0x10E80] =	vst v63  }
0xa1: {  	s30 =	simm.s32 $0x6D90;
	s26 =	sld [smem:$0x7F2]  }
0xa2: {  	[hbm4b:s29+s3] =	stream.linear.scatter [tilespmem:s30], [sflag:$0x3], $0x190, $0x38;
	[tilespmem:$0x10E80] =	vst v63  }
0xa3: {  	s28 =	simm.s32 $0x7A10;
	s29 =	sld [smem:$0x7F3]  }
0xa4: {  	[hbm4b:s26+s3] =	stream.linear.scatter [tilespmem:s28], [sflag:$0x3], $0x190, $0x38;
	[tilespmem:$0x10E80] =	vst v63  }
0xa5: {  	s30 =	simm.s32 $0x8690;
	s26 =	sld [smem:$0x7F4]  }
0xa6: {  	[hbm4b:s29+s3] =	stream.linear.scatter [tilespmem:s30], [sflag:$0x3], $0x190, $0x38;
	[tilespmem:$0x10E80] =	vst v63  }
0xa7: {  	s28 =	simm.s32 $0x9310;
	s29 =	sld [smem:$0x7F5]  }
0xa8: {  	[hbm4b:s26+s3] =	stream.linear.scatter [tilespmem:s28], [sflag:$0x3], $0x190, $0x38;
	[tilespmem:$0x10E80] =	vst v63  }
0xa9: {  	s30 =	simm.s32 $0x9F90;
	s26 =	sld [smem:$0x7F6]  }
0xaa: {  	[hbm4b:s29+s3] =	stream.linear.scatter [tilespmem:s30], [sflag:$0x3], $0x190, $0x38;
	[tilespmem:$0x10E80] =	vst v63  }
0xab: {  	s28 =	simm.s32 $0xAC10;
	s29 =	sld [smem:$0x7F7]  }
0xac: {  	[hbm4b:s26+s3] =	stream.linear.scatter [tilespmem:s28], [sflag:$0x3], $0x190, $0x38;
	[tilespmem:$0x10E80] =	vst v63  }
0xad: {  	s30 =	simm.s32 $0xB890;
	s26 =	sld [smem:$0x7F8]  }
0xae: {  	[hbm4b:s29+s3] =	stream.linear.scatter [tilespmem:s30], [sflag:$0x3], $0x190, $0x38;
	[tilespmem:$0x10E80] =	vst v63  }
0xaf: {  	s28 =	simm.s32 $0xC510;
	s29 =	sld [smem:$0x7F9]  }
0xb0: {  	[hbm4b:s26+s3] =	stream.linear.scatter [tilespmem:s28], [sflag:$0x3], $0x190, $0x38;
	[tilespmem:$0x10E80] =	vst v63  }
0xb1: {  	s30 =	simm.s32 $0xD190  }
0xb2: {  	[hbm4b:s29+s3] =	stream.linear.scatter [tilespmem:s30], [sflag:$0x3], $0x190, $0x38;
	[tilespmem:$0x10E80] =	vst v63  }
0xb3: {  	_ =	swait.ge [sflag:s22], $0x320  }
0xb4: {  	[sflag:s22] =	ssyncset.done $0x0  }
0xb5: {  	[sflag:s22] =	ssyncadd.s32 $0xFFFFFCE0  }
0xb6: {  	_ =	swait.ge [sflag:s22], $0x320  }
0xb7: {  	[sflag:s22] =	ssyncset.done $0x0  }
0xb8: {  	[sflag:s22] =	ssyncadd.s32 $0xFFFFFCE0  }
0xb9: {  	_ =	swait.ge [sflag:s22], $0x320  }
0xba: {  	[sflag:s22] =	ssyncset.done $0x0  }
0xbb: {  	[sflag:s22] =	ssyncadd.s32 $0xFFFFFCE0  }
0xbc: {  	_ =	swait.ge [sflag:s22], $0x320  }
0xbd: {  	s26 =	sld [smem:$0x7FA]  }
0xbe: {  	[sflag:s22] =	ssyncset.done $0x0  }
0xbf: {  	s28 =	sld [smem:$0x7FB];
	[sflag:s22] =	ssyncadd.s32 $0xFFFFFCE0  }
0xc0: {  	[hbm4b:s26+s3] =	stream.linear.scatter [tilespmem:s31], [sflag:$0x3], $0x320, $0x38;
	[tilespmem:$0x10E80] =	vst v63  }
0xc1: {  	s29 =	sld [smem:$0x7FC]  }
0xc2: {  	[hbm4b:s28+s3] =	stream.linear.scatter [tilespmem:s1], [sflag:$0x3], $0x320, $0x38;
	[tilespmem:$0x10E80] =	vst v63  }
0xc3: {  	s30 =	sld [smem:$0x7FD]  }
0xc4: {  	[hbm4b:s29+s3] =	stream.linear.scatter [tilespmem:s0], [sflag:$0x3], $0x320, $0x38;
	[tilespmem:$0x10E80] =	vst v63  }
0xc5: {  	_ = 	snop  }
0xc6: {  	[hbm4b:s30+s3] =	stream.linear.scatter [tilespmem:s4], [sflag:$0x3], $0x320, $0x38;
	[tilespmem:$0x10E80] =	vst v63  }
0xc7: {  	_ =	swait.ge [sflag:s23], $0x190  }
0xc8: {  	[sflag:s23] =	ssyncset.done $0x0  }
0xc9: {  	[sflag:s23] =	ssyncadd.s32 $0xFFFFFE70  }
0xca: {  	_ =	swait.ge [sflag:s23], $0x190  }
0xcb: {  	[sflag:s23] =	ssyncset.done $0x0  }
0xcc: {  	[sflag:s23] =	ssyncadd.s32 $0xFFFFFE70  }
0xcd: {  	_ =	swait.ge [sflag:s23], $0x190  }
0xce: {  	[sflag:s23] =	ssyncset.done $0x0  }
0xcf: {  	[sflag:s23] =	ssyncadd.s32 $0xFFFFFE70  }
0xd0: {  	_ =	swait.ge [sflag:s23], $0x190  }
0xd1: {  	[sflag:s23] =	ssyncset.done $0x0  }
0xd2: {  	[sflag:s23] =	ssyncadd.s32 $0xFFFFFE70  }
0xd3: {  	_ =	swait.ge [sflag:s23], $0x190  }
0xd4: {  	[sflag:s23] =	ssyncset.done $0x0  }
0xd5: {  	[sflag:s23] =	ssyncadd.s32 $0xFFFFFE70  }
0xd6: {  	_ =	swait.ge [sflag:s23], $0x190  }
0xd7: {  	[sflag:s23] =	ssyncset.done $0x0  }
0xd8: {  	[sflag:s23] =	ssyncadd.s32 $0xFFFFFE70  }
0xd9: {  	_ =	swait.ge [sflag:s23], $0x190  }
0xda: {  	[sflag:s23] =	ssyncset.done $0x0  }
0xdb: {  	[sflag:s23] =	ssyncadd.s32 $0xFFFFFE70  }
0xdc: {  	_ =	swait.ge [sflag:s23], $0x190  }
0xdd: {  	[sflag:s23] =	ssyncset.done $0x0  }
0xde: {  	[sflag:s23] =	ssyncadd.s32 $0xFFFFFE70  }
0xdf: {  	_ =	swait.ge [sflag:s23], $0x190  }
0xe0: {  	[sflag:s23] =	ssyncset.done $0x0  }
0xe1: {  	[sflag:s23] =	ssyncadd.s32 $0xFFFFFE70  }
0xe2: {  	_ =	swait.ge [sflag:s23], $0x190  }
0xe3: {  	[sflag:s23] =	ssyncset.done $0x0  }
0xe4: {  	[sflag:s23] =	ssyncadd.s32 $0xFFFFFE70  }
0xe5: {  	_ =	swait.ge [sflag:s23], $0x190  }
0xe6: {  	[sflag:s23] =	ssyncset.done $0x0  }
0xe7: {  	[sflag:s23] =	ssyncadd.s32 $0xFFFFFE70  }
0xe8: {  	_ =	swait.ge [sflag:s23], $0x190  }
0xe9: {  	[sflag:s23] =	ssyncset.done $0x0  }
0xea: {  	[sflag:s23] =	ssyncadd.s32 $0xFFFFFE70  }
0xeb: {  	_ =	swait.ge [sflag:s23], $0x190  }
0xec: {  	[sflag:s23] =	ssyncset.done $0x0  }
0xed: {  	[sflag:s23] =	ssyncadd.s32 $0xFFFFFE70  }
0xee: {  	_ =	swait.ge [sflag:s23], $0x190  }
0xef: {  	[sflag:s23] =	ssyncset.done $0x0  }
0xf0: {  	[sflag:s23] =	ssyncadd.s32 $0xFFFFFE70  }
0xf1: {  	_ =	swait.ge [sflag:s23], $0x190  }
0xf2: {  	[sflag:s23] =	ssyncset.done $0x0  }
0xf3: {  	[sflag:s23] =	ssyncadd.s32 $0xFFFFFE70  }
0xf4: {  	_ =	swait.ge [sflag:s23], $0x190  }
0xf5: {  	[sflag:s23] =	ssyncset.done $0x0  }
0xf6: {  	[sflag:s23] =	ssyncadd.s32 $0xFFFFFE70  }
0xf7: {  	_ =	swait.ge [sflag:s23], $0x190  }
0xf8: {  	[sflag:s23] =	ssyncset.done $0x0  }
0xf9: {  	[sflag:s23] =	ssyncadd.s32 $0xFFFFFE70  }
0xfa: {  	_ =	swait.ge [sflag:s23], $0x190  }
0xfb: {  	[sflag:s23] =	ssyncset.done $0x0  }
0xfc: {  	[sflag:s23] =	ssyncadd.s32 $0xFFFFFE70  }
0xfd: {  	_ =	swait.ge [sflag:s23], $0x190  }
0xfe: {  	[sflag:s23] =	ssyncset.done $0x0  }
0xff: {  	[sflag:s23] =	ssyncadd.s32 $0xFFFFFE70  }
0x100: {  	_ =	swait.ge [sflag:s23], $0x190  }
0x101: {  	[sflag:s23] =	ssyncset.done $0x0  }
0x102: {  	[sflag:s23] =	ssyncadd.s32 $0xFFFFFE70  }
0x103: {  	_ =	swait.ge [sflag:s23], $0x190  }
0x104: {  	[sflag:s23] =	ssyncset.done $0x0  }
0x105: {  	[sflag:s23] =	ssyncadd.s32 $0xFFFFFE70  }
0x106: {  	_ =	swait.ge [sflag:s23], $0x190  }
0x107: {  	[sflag:s23] =	ssyncset.done $0x0  }
0x108: {  	[sflag:s23] =	ssyncadd.s32 $0xFFFFFE70  }
0x109: {  	_ =	swait.ge [sflag:s23], $0x190  }
0x10a: {  	[sflag:s23] =	ssyncset.done $0x0  }
0x10b: {  	[sflag:s23] =	ssyncadd.s32 $0xFFFFFE70  }
0x10c: {  	_ =	swait.ge [sflag:s23], $0x190  }
0x10d: {  	[sflag:s23] =	ssyncset.done $0x0  }
0x10e: {  	[sflag:s23] =	ssyncadd.s32 $0xFFFFFE70  }
0x10f: {  	_ =	swait.ge [sflag:s23], $0x190  }
0x110: {  	[sflag:s23] =	ssyncset.done $0x0  }
0x111: {  	[sflag:s23] =	ssyncadd.s32 $0xFFFFFE70  }
0x112: {  	_ =	swait.ge [sflag:s23], $0x190  }
0x113: {  	[sflag:s23] =	ssyncset.done $0x0  }
0x114: {  	[sflag:s23] =	ssyncadd.s32 $0xFFFFFE70  }
0x115: {  	_ =	swait.ge [sflag:s23], $0x190  }
0x116: {  	[sflag:s23] =	ssyncset.done $0x0  }
0x117: {  	[sflag:s23] =	ssyncadd.s32 $0xFFFFFE70  }
0x118: {  	_ =	swait.ge [sflag:s23], $0x190  }
0x119: {  	[sflag:s23] =	ssyncset.done $0x0  }
0x11a: {  	[sflag:s23] =	ssyncadd.s32 $0xFFFFFE70  }
0x11b: {  	_ =	swait.ge [sflag:s23], $0x190  }
0x11c: {  	[sflag:s23] =	ssyncset.done $0x0  }
0x11d: {  	[sflag:s23] =	ssyncadd.s32 $0xFFFFFE70  }
0x11e: {  	_ =	swait.ge [sflag:s23], $0x190  }
0x11f: {  	[sflag:s23] =	ssyncset.done $0x0  }
0x120: {  	[sflag:s23] =	ssyncadd.s32 $0xFFFFFE70  }
0x121: {  	_ =	swait.ge [sflag:s23], $0x190  }
0x122: {  	[sflag:s23] =	ssyncset.done $0x0  }
0x123: {  	[sflag:s23] =	ssyncadd.s32 $0xFFFFFE70  }
0x124: {  	_ =	swait.ge [sflag:s23], $0x190  }
0x125: {  	[sflag:s23] =	ssyncset.done $0x0  }
0x126: {  	[sflag:s23] =	ssyncadd.s32 $0xFFFFFE70  }
0x127: {  	_ =	swait.ge [sflag:s23], $0x320  }
0x128: {  	[sflag:s23] =	ssyncset.done $0x0  }
0x129: {  	[sflag:s23] =	ssyncadd.s32 $0xFFFFFCE0  }
0x12a: {  	_ =	swait.ge [sflag:s23], $0x320  }
0x12b: {  	[sflag:s23] =	ssyncset.done $0x0  }
0x12c: {  	[sflag:s23] =	ssyncadd.s32 $0xFFFFFCE0  }
0x12d: {  	_ =	swait.ge [sflag:s23], $0x320  }
0x12e: {  	[sflag:s23] =	ssyncset.done $0x0  }
0x12f: {  	[sflag:s23] =	ssyncadd.s32 $0xFFFFFCE0  }
0x130: {  	_ =	swait.ge [sflag:s23], $0x320  }
0x131: {  	[sflag:s23] =	ssyncset.done $0x0  }
0x132: {  	[sflag:s23] =	ssyncadd.s32 $0xFFFFFCE0  }
.LBB2_12:
0x133: {  	s18 =	sld [smem:$0x7D6];
	_ =	sdelay $0x1  }
0x134: {  	s24 =	sadd.s32 $0x1, s24  }
0x135: {  	p1 =	sne.s32 s24, s18  }
.Ltmp1:
0x136: {  	_ = 	snop;
	(pc) =	sbr.rel @!p1 .LBB2_13-.Ltmp1, $1  }
0x137: {  	_ =	sdelay $0x3  }
.LBB2_1:
.Ltmp2:
0x138: {  	(pc) =	sbr.rel @!p0 .LBB2_2-.Ltmp2, $3  }
0x139: {  	_ =	sdelay $0x1  }
0x13a: {  	[tilespmem:s3], [sflag:$0x1] =	stream.linear.gather [hbm4b:s2+s3], $0x800, $0x38;
	[tilespmem:$0x10E80] =	vst v63  }
0x13b: {  	s25 =	simm.s32 $0x0  }
0x13c: {  	s18 =	sld [smem:$0x7D4];
	_ =	sdelay $0x1  }
0x13d: {  	s26 =	simm.s32 $0x800;
	s30 =	sld [smem:$0x7D5]  }
0x13e: {  	[tilespmem:s26], [sflag:$0x1] =	stream.linear.gather [hbm4b:s18+s25], $0x320, $0x38;
	[tilespmem:$0x10E80] =	vst v63  }
0x13f: {  	s26 =	sld [smem:$0x7D7]  }
0x140: {  	[tilespmem:s31], [sflag:$0x2] =	stream.linear.gather [hbm4b:s30+s25], $0x320, $0x38;
	[tilespmem:$0x10E80] =	vst v63  }
0x141: {  	s30 =	sld [smem:$0x7D8]  }
0x142: {  	[tilespmem:s1], [sflag:$0x2] =	stream.linear.gather [hbm4b:s26+s25], $0x320, $0x38;
	[tilespmem:$0x10E80] =	vst v63  }
0x143: {  	s26 =	sld [smem:$0x7D9]  }
0x144: {  	[tilespmem:s0], [sflag:$0x2] =	stream.linear.gather [hbm4b:s30+s25], $0x320, $0x38;
	[tilespmem:$0x10E80] =	vst v63  }
0x145: {  	_ = 	snop  }
0x146: {  	[tilespmem:s4], [sflag:$0x2] =	stream.linear.gather [hbm4b:s26+s25], $0x320, $0x38;
	[tilespmem:$0x10E80] =	vst v63  }
0x147: {  	_ =	swait.ge [sflag:s5], $0x800  }
0x148: {  	[sflag:s5] =	ssyncset.done $0x0  }
0x149: {  	[sflag:s5] =	ssyncadd.s32 $0xFFFFF800  }
0x14a: {  	_ =	swait.ge [sflag:s5], $0x320  }
0x14b: {  	[sflag:s5] =	ssyncset.done $0x0  }
0x14c: {  	s30 =	simm.s32 $0x0;
	[sflag:s5] =	ssyncadd.s32 $0xFFFFFCE0  }
0x14d: {  	v0 =	vld [tilespmem:s30+$0x810];
	_ =	sdelay $0x6  }
0x14e: {  	v1 =	vld [tilespmem:s30+$0x800]  }
0x14f: {  	v2 =	vld.idx.msk [tilespmem:v0+s3+$0x0], $0xffff  }
0x150: {  	v3 =	vld.idx.msk [tilespmem:v0+s6+$0x0], $0xffff  }
0x151: {  	v4 =	vld.idx.msk [tilespmem:v0+s7+$0x0], $0xffff  }
0x152: {  	v5 =	vld.idx.msk [tilespmem:v0+s8+$0x0], $0xffff  }
0x153: {  	v6 =	vld.idx.msk [tilespmem:v0+s9+$0x0], $0xffff  }
0x154: {  	v7 =	vld.idx.msk [tilespmem:v0+s10+$0x0], $0xffff  }
0x155: {  	v8 =	vld.idx.msk [tilespmem:v0+s11+$0x0], $0xffff  }
0x156: {  	v9 =	vld.idx.msk [tilespmem:v0+s12+$0x0], $0xffff  }
0x157: {  	v10 =	vld.idx.msk [tilespmem:v0+s13+$0x0], $0xffff  }
0x158: {  	v11 =	vld.idx.msk [tilespmem:v0+s21+$0x0], $0xffff  }
0x159: {  	v12 =	vld.idx.msk [tilespmem:v0+s14+$0x0], $0xffff  }
0x15a: {  	v13 =	vld.idx.msk [tilespmem:v0+s15+$0x0], $0xffff  }
0x15b: {  	v14 =	vld.idx.msk [tilespmem:v0+s16+$0x0], $0xffff  }
0x15c: {  	v15 =	vld.idx.msk [tilespmem:v0+s17+$0x0], $0xffff  }
0x15d: {  	v16 =	vld.idx.msk [tilespmem:v0+s19+$0x0], $0xffff  }
0x15e: {  	v17 =	vld.idx.msk [tilespmem:v0+s20+$0x0], $0xffff  }
0x15f: {  	v18 =	vld.idx.msk [tilespmem:v1+s3+$0x0], $0xffff  }
0x160: {  	s26 =	simm.s32 $0x20;
	v19 =	vld.idx.msk [tilespmem:v1+s6+$0x0], $0xffff;
	[tilespmem:s30+$0xD010] =	vst v11  }
0x161: {  	v0 =	vld [tilespmem:s26+$0x800];
	[tilespmem:s30+$0x1490] =	vst v2  }
0x162: {  	v11 =	vld.idx.msk [tilespmem:v1+s7+$0x0], $0xffff;
	[tilespmem:s30+$0x2110] =	vst v3  }
0x163: {  	v2 =	vld.idx.msk [tilespmem:v1+s8+$0x0], $0xffff;
	[tilespmem:s30+$0x2D90] =	vst v4  }
0x164: {  	v3 =	vld.idx.msk [tilespmem:v1+s9+$0x0], $0xffff;
	[tilespmem:s30+$0x3A10] =	vst v5  }
0x165: {  	v4 =	vld.idx.msk [tilespmem:v1+s10+$0x0], $0xffff;
	[tilespmem:s30+$0x4690] =	vst v6  }
0x166: {  	v5 =	vld.idx.msk [tilespmem:v1+s11+$0x0], $0xffff;
	[tilespmem:s30+$0x5310] =	vst v7  }
0x167: {  	v6 =	vld.idx.msk [tilespmem:v1+s12+$0x0], $0xffff;
	[tilespmem:s30+$0x5F90] =	vst v8  }
0x168: {  	v7 =	vld.idx.msk [tilespmem:v1+s13+$0x0], $0xffff;
	[tilespmem:s30+$0x6C10] =	vst v9  }
0x169: {  	v9 =	vld [tilespmem:s26+$0x810];
	[tilespmem:s30+$0x7890] =	vst v10  }
0x16a: {  	v8 =	vld.idx.msk [tilespmem:v1+s14+$0x0], $0xffff;
	[tilespmem:s30+$0x8510] =	vst v12  }
0x16b: {  	v10 =	vld.idx.msk [tilespmem:v1+s15+$0x0], $0xffff;
	[tilespmem:s30+$0x9190] =	vst v13  }
0x16c: {  	v12 =	vld.idx.msk [tilespmem:v1+s16+$0x0], $0xffff;
	[tilespmem:s30+$0x9E10] =	vst v14  }
0x16d: {  	v13 =	vld.idx.msk [tilespmem:v1+s17+$0x0], $0xffff;
	[tilespmem:s30+$0xAA90] =	vst v15  }
0x16e: {  	v14 =	vld.idx.msk [tilespmem:v1+s19+$0x0], $0xffff;
	[tilespmem:s30+$0xB710] =	vst v16  }
0x16f: {  	v15 =	vld.idx.msk [tilespmem:v1+s20+$0x0], $0xffff;
	[tilespmem:s30+$0xC390] =	vst v17  }
0x170: {  	v1 =	vld.idx.msk [tilespmem:v1+s21+$0x0], $0xffff;
	[tilespmem:s30+$0x1480] =	vst v18;
	s30 =	sand.u32 $0x1E0, s25  }
0x171: {  	[tilespmem:s30+$0x2100] =	vst v19;
	v16 =	vld.idx.msk [tilespmem:v9+s3+$0x0], $0xffff  }
0x172: {  	[tilespmem:s30+$0x2D80] =	vst v11;
	v17 =	vld.idx.msk [tilespmem:v9+s6+$0x0], $0xffff  }
0x173: {  	[tilespmem:s30+$0x3A00] =	vst v2;
	v62 =	vld.idx.msk [tilespmem:v9+s7+$0x0], $0xffff  }
0x174: {  	[tilespmem:s30+$0x4680] =	vst v3;
	v63 =	vld.idx.msk [tilespmem:v9+s8+$0x0], $0xffff  }
0x175: {  	[tilespmem:s30+$0x5300] =	vst v4;
	v20 =	vld.idx.msk [tilespmem:v9+s9+$0x0], $0xffff  }
0x176: {  	[tilespmem:s30+$0x5F80] =	vst v5;
	v21 =	vld.idx.msk [tilespmem:v9+s10+$0x0], $0xffff  }
0x177: {  	[tilespmem:s30+$0x6C00] =	vst v6;
	v22 =	vld.idx.msk [tilespmem:v9+s11+$0x0], $0xffff  }
0x178: {  	[tilespmem:s30+$0x7880] =	vst v7;
	v23 =	vld.idx.msk [tilespmem:v9+s12+$0x0], $0xffff  }
0x179: {  	[tilespmem:s30+$0x8500] =	vst v8;
	v24 =	vld.idx.msk [tilespmem:v9+s13+$0x0], $0xffff  }
0x17a: {  	[tilespmem:s30+$0x9180] =	vst v10;
	v2 =	vld.idx.msk [tilespmem:v9+s21+$0x0], $0xffff  }
0x17b: {  	[tilespmem:s30+$0x9E00] =	vst v12;
	v10 =	vld.idx.msk [tilespmem:v9+s14+$0x0], $0xffff  }
0x17c: {  	[tilespmem:s30+$0xAA80] =	vst v13;
	v11 =	vld.idx.msk [tilespmem:v9+s15+$0x0], $0xffff  }
0x17d: {  	[tilespmem:s30+$0xB700] =	vst v14;
	v12 =	vld.idx.msk [tilespmem:v9+s16+$0x0], $0xffff  }
0x17e: {  	[tilespmem:s30+$0xC380] =	vst v15;
	v13 =	vld.idx.msk [tilespmem:v9+s17+$0x0], $0xffff  }
0x17f: {  	[tilespmem:s30+$0xD000] =	vst v1;
	v14 =	vld.idx.msk [tilespmem:v9+s19+$0x0], $0xffff  }
0x180: {  	v15 =	vld.idx.msk [tilespmem:v9+s20+$0x0], $0xffff;
	[tilespmem:s26+$0xD010] =	vst v2  }
0x181: {  	v6 =	vld.idx.msk [tilespmem:v0+s3+$0x0], $0xffff;
	[tilespmem:s26+$0x1490] =	vst v16  }
0x182: {  	v1 =	vld.idx.msk [tilespmem:v0+s6+$0x0], $0xffff;
	[tilespmem:s26+$0x2110] =	vst v17  }
0x183: {  	v3 =	vld.idx.msk [tilespmem:v0+s8+$0x0], $0xffff;
	[tilespmem:s26+$0x2D90] =	vst v62  }
0x184: {  	v4 =	vld.idx.msk [tilespmem:v0+s9+$0x0], $0xffff;
	[tilespmem:s26+$0x3A10] =	vst v63  }
0x185: {  	v5 =	vld.idx.msk [tilespmem:v0+s10+$0x0], $0xffff;
	[tilespmem:s26+$0x4690] =	vst v20  }
0x186: {  	v7 =	vld.idx.msk [tilespmem:v0+s11+$0x0], $0xffff;
	[tilespmem:s26+$0x5310] =	vst v21  }
0x187: {  	v8 =	vld.idx.msk [tilespmem:v0+s12+$0x0], $0xffff;
	[tilespmem:s26+$0x5F90] =	vst v22  }
0x188: {  	v9 =	vld.idx.msk [tilespmem:v0+s13+$0x0], $0xffff;
	[tilespmem:s26+$0x6C10] =	vst v23  }
0x189: {  	s28 =	simm.s32 $0x2;
	s29 =	simm.s32 $0x100;
	v2 =	vld.idx.msk [tilespmem:v0+s7+$0x0], $0xffff;
	[tilespmem:s26+$0x7890] =	vst v24  }
.LBB2_8:
0x18a: {  	s18 =	sshra.s32 s29, $0x2;
	v16 =	vld.idx.msk [tilespmem:v0+s14+$0x0], $0xffff;
	[tilespmem:s26+$0x8510] =	vst v10  }
0x18b: {  	v17 =	vld [tilespmem:s18+$0x810];
	[tilespmem:s26+$0x9190] =	vst v11  }
0x18c: {  	v10 =	vld [tilespmem:s18+$0x800];
	[tilespmem:s26+$0x9E10] =	vst v12  }
0x18d: {  	v11 =	vld.idx.msk [tilespmem:v0+s15+$0x0], $0xffff;
	[tilespmem:s26+$0xAA90] =	vst v13  }
0x18e: {  	v12 =	vld.idx.msk [tilespmem:v0+s16+$0x0], $0xffff;
	[tilespmem:s26+$0xB710] =	vst v14  }
0x18f: {  	v13 =	vld.idx.msk [tilespmem:v0+s17+$0x0], $0xffff;
	[tilespmem:s26+$0xC390] =	vst v15  }
0x190: {  	v14 =	vld.idx.msk [tilespmem:v0+s19+$0x0], $0xffff  }
0x191: {  	s25 =	sadd.s32 $0x20, s25;
	v15 =	vld.idx.msk [tilespmem:v0+s20+$0x0], $0xffff  }
0x192: {  	s30 =	sand.u32 $0x1E0, s25;
	v18 =	vld.idx.msk [tilespmem:v0+s21+$0x0], $0xffff;
	[tilespmem:s26+$0x1480] =	vst v6;
	v0 =	vmov v10;
	s26 =	smov.u32 s18  }
0x193: {  	s28 =	sadd.s32 $0x2, s28;
	v19 =	vld.idx.msk [tilespmem:v17+s3+$0x0], $0xffff;
	[tilespmem:s30+$0x2100] =	vst v1  }
0x194: {  	p1 =	slt.u32 s28, $0x16;
	v20 =	vld.idx.msk [tilespmem:v17+s6+$0x0], $0xffff;
	[tilespmem:s30+$0x2D80] =	vst v2  }
0x195: {  	v21 =	vld.idx.msk [tilespmem:v17+s7+$0x0], $0xffff;
	[tilespmem:s30+$0x3A00] =	vst v3  }
0x196: {  	v22 =	vld.idx.msk [tilespmem:v17+s8+$0x0], $0xffff;
	[tilespmem:s30+$0x4680] =	vst v4  }
0x197: {  	v23 =	vld.idx.msk [tilespmem:v17+s9+$0x0], $0xffff;
	[tilespmem:s30+$0x5300] =	vst v5  }
0x198: {  	v24 =	vld.idx.msk [tilespmem:v17+s10+$0x0], $0xffff;
	[tilespmem:s30+$0x5F80] =	vst v7  }
0x199: {  	v25 =	vld.idx.msk [tilespmem:v17+s11+$0x0], $0xffff;
	[tilespmem:s30+$0x6C00] =	vst v8  }
0x19a: {  	v26 =	vld.idx.msk [tilespmem:v17+s12+$0x0], $0xffff;
	[tilespmem:s30+$0x7880] =	vst v9  }
0x19b: {  	v27 =	vld.idx.msk [tilespmem:v17+s13+$0x0], $0xffff;
	[tilespmem:s30+$0x8500] =	vst v16  }
0x19c: {  	v1 =	vld.idx.msk [tilespmem:v17+s21+$0x0], $0xffff;
	[tilespmem:s30+$0x9180] =	vst v11  }
0x19d: {  	v10 =	vld.idx.msk [tilespmem:v17+s14+$0x0], $0xffff;
	[tilespmem:s30+$0x9E00] =	vst v12  }
0x19e: {  	v11 =	vld.idx.msk [tilespmem:v17+s15+$0x0], $0xffff;
	[tilespmem:s30+$0xAA80] =	vst v13  }
0x19f: {  	v12 =	vld.idx.msk [tilespmem:v17+s16+$0x0], $0xffff;
	[tilespmem:s30+$0xB700] =	vst v14  }
0x1a0: {  	v13 =	vld.idx.msk [tilespmem:v17+s17+$0x0], $0xffff;
	[tilespmem:s30+$0xC380] =	vst v15  }
0x1a1: {  	v14 =	vld.idx.msk [tilespmem:v17+s19+$0x0], $0xffff;
	[tilespmem:s30+$0xD000] =	vst v18  }
0x1a2: {  	v15 =	vld.idx.msk [tilespmem:v17+s20+$0x0], $0xffff;
	[tilespmem:s26+$0xD010] =	vst v1  }
0x1a3: {  	v6 =	vld.idx.msk [tilespmem:v0+s3+$0x0], $0xffff;
	[tilespmem:s26+$0x1490] =	vst v19  }
0x1a4: {  	v1 =	vld.idx.msk [tilespmem:v0+s6+$0x0], $0xffff;
	[tilespmem:s26+$0x2110] =	vst v20  }
0x1a5: {  	v2 =	vld.idx.msk [tilespmem:v0+s7+$0x0], $0xffff;
	[tilespmem:s26+$0x2D90] =	vst v21  }
0x1a6: {  	v3 =	vld.idx.msk [tilespmem:v0+s8+$0x0], $0xffff;
	[tilespmem:s26+$0x3A10] =	vst v22  }
.Ltmp3:
0x1a7: {  	v4 =	vld.idx.msk [tilespmem:v0+s9+$0x0], $0xffff;
	[tilespmem:s26+$0x4690] =	vst v23;
	(pc) =	sbr.rel @p1 .LBB2_8-.Ltmp3, $4  }
0x1a8: {  	v5 =	vld.idx.msk [tilespmem:v0+s10+$0x0], $0xffff;
	[tilespmem:s26+$0x5310] =	vst v24  }
0x1a9: {  	v7 =	vld.idx.msk [tilespmem:v0+s11+$0x0], $0xffff;
	[tilespmem:s26+$0x5F90] =	vst v25  }
0x1aa: {  	v8 =	vld.idx.msk [tilespmem:v0+s12+$0x0], $0xffff;
	[tilespmem:s26+$0x6C10] =	vst v26  }
0x1ab: {  	s29 =	sadd.s32 $0x80, s29;
	v9 =	vld.idx.msk [tilespmem:v0+s13+$0x0], $0xffff;
	[tilespmem:s26+$0x7890] =	vst v27  }
0x1ac: {  	_ =	sdelay $0x3  }
0x1ad: {  	v16 =	vld.idx.msk [tilespmem:v0+s14+$0x0], $0xffff;
	[tilespmem:s26+$0x8510] =	vst v10  }
0x1ae: {  	v10 =	vld.idx.msk [tilespmem:v0+s15+$0x0], $0xffff;
	[tilespmem:s26+$0x9190] =	vst v11  }
0x1af: {  	v11 =	vld.idx.msk [tilespmem:v0+s16+$0x0], $0xffff;
	[tilespmem:s26+$0x9E10] =	vst v12  }
0x1b0: {  	v12 =	vld.idx.msk [tilespmem:v0+s17+$0x0], $0xffff;
	[tilespmem:s26+$0xAA90] =	vst v13  }
0x1b1: {  	v13 =	vld.idx.msk [tilespmem:v0+s19+$0x0], $0xffff;
	[tilespmem:s26+$0xB710] =	vst v14  }
0x1b2: {  	v14 =	vld.idx.msk [tilespmem:v0+s20+$0x0], $0xffff;
	[tilespmem:s26+$0xC390] =	vst v15;
	s18 =	sadd.s32 $0x20, s25  }
0x1b3: {  	v0 =	vld.idx.msk [tilespmem:v0+s21+$0x0], $0xffff;
	[tilespmem:s26+$0x1480] =	vst v6;
	s18 =	sand.u32 $0x1E0, s18  }
0x1b4: {  	[tilespmem:s18+$0x2100] =	vst v1  }
0x1b5: {  	[tilespmem:s18+$0x2D80] =	vst v2  }
0x1b6: {  	[tilespmem:s18+$0x3A00] =	vst v3  }
0x1b7: {  	[tilespmem:s18+$0x4680] =	vst v4  }
0x1b8: {  	[tilespmem:s18+$0x5300] =	vst v5  }
0x1b9: {  	[tilespmem:s18+$0x5F80] =	vst v7  }
0x1ba: {  	[tilespmem:s18+$0x6C00] =	vst v8  }
0x1bb: {  	[tilespmem:s18+$0x7880] =	vst v9  }
0x1bc: {  	[tilespmem:s18+$0x8500] =	vst v16  }
0x1bd: {  	[tilespmem:s18+$0x9180] =	vst v10  }
0x1be: {  	[tilespmem:s18+$0x9E00] =	vst v11  }
0x1bf: {  	[tilespmem:s18+$0xAA80] =	vst v12  }
0x1c0: {  	[tilespmem:s18+$0xB700] =	vst v13  }
0x1c1: {  	[tilespmem:s18+$0xC380] =	vst v14  }
0x1c2: {  	[tilespmem:s18+$0xD000] =	vst v0  }
0x1c3: {  	v0 =	vld [tilespmem:$0x980];
	_ =	sdelay $0x6  }
0x1c4: {  	s18 =	simm.s32 $0x0  }
0x1c5: {  	v1 =	vld.idx.msk [tilespmem:v0+s18+$0x0], $0xffff  }
0x1c6: {  	v2 =	vld.idx.msk [tilespmem:v0+s6+$0x0], $0xffff  }
0x1c7: {  	v3 =	vld.idx.msk [tilespmem:v0+s7+$0x0], $0xffff  }
0x1c8: {  	v4 =	vld.idx.msk [tilespmem:v0+s8+$0x0], $0xffff  }
0x1c9: {  	v5 =	vld.idx.msk [tilespmem:v0+s9+$0x0], $0xffff  }
0x1ca: {  	v6 =	vld.idx.msk [tilespmem:v0+s10+$0x0], $0xffff  }
0x1cb: {  	v7 =	vld.idx.msk [tilespmem:v0+s11+$0x0], $0xffff  }
0x1cc: {  	v8 =	vld.idx.msk [tilespmem:v0+s12+$0x0], $0xffff  }
0x1cd: {  	v9 =	vld.idx.msk [tilespmem:v0+s13+$0x0], $0xffff  }
0x1ce: {  	v10 =	vld.idx.msk [tilespmem:v0+s14+$0x0], $0xffff  }
0x1cf: {  	v11 =	vld.idx.msk [tilespmem:v0+s15+$0x0], $0xffff  }
0x1d0: {  	v12 =	vld.idx.msk [tilespmem:v0+s16+$0x0], $0xffff  }
0x1d1: {  	v13 =	vld.idx.msk [tilespmem:v0+s17+$0x0], $0xffff  }
0x1d2: {  	v14 =	vld.idx.msk [tilespmem:v0+s19+$0x0], $0xffff  }
0x1d3: {  	v15 =	vld.idx.msk [tilespmem:v0+s20+$0x0], $0xffff  }
0x1d4: {  	v0 =	vld.idx.msk [tilespmem:v0+s21+$0x0], $0xffff;
	[tilespmem:$0x1600] =	vst v1  }
0x1d5: {  	[tilespmem:$0x2280] =	vst v2  }
0x1d6: {  	[tilespmem:$0x2F00] =	vst v3  }
0x1d7: {  	[tilespmem:$0x3B80] =	vst v4  }
0x1d8: {  	[tilespmem:$0x4800] =	vst v5  }
0x1d9: {  	[tilespmem:$0x5480] =	vst v6  }
0x1da: {  	[tilespmem:$0x6100] =	vst v7  }
0x1db: {  	[tilespmem:$0x6D80] =	vst v8  }
0x1dc: {  	[tilespmem:$0x7A00] =	vst v9  }
0x1dd: {  	[tilespmem:$0x8680] =	vst v10  }
0x1de: {  	[tilespmem:$0x9300] =	vst v11  }
0x1df: {  	[tilespmem:$0x9F80] =	vst v12  }
0x1e0: {  	[tilespmem:$0xAC00] =	vst v13  }
0x1e1: {  	s26 =	sld [smem:$0x7DA];
	[tilespmem:$0xB880] =	vst v14  }
0x1e2: {  	[tilespmem:$0xC500] =	vst v15  }
0x1e3: {  	s30 =	simm.s32 $0x1480;
	[tilespmem:$0xD180] =	vst v0  }
0x1e4: {  	[hbm4b:s26+s18] =	stream.linear.scatter [tilespmem:s30], [sflag:$0x3], $0x190, $0x38;
	[tilespmem:$0x10E80] =	vst v63  }
0x1e5: {  	s26 =	sld [smem:$0x7DB];
	_ =	sdelay $0x1  }
0x1e6: {  	s30 =	simm.s32 $0x2100  }
0x1e7: {  	[hbm4b:s26+s18] =	stream.linear.scatter [tilespmem:s30], [sflag:$0x3], $0x190, $0x38;
	[tilespmem:$0x10E80] =	vst v63  }
0x1e8: {  	s26 =	sld [smem:$0x7DC];
	_ =	sdelay $0x1  }
0x1e9: {  	s30 =	simm.s32 $0x2D80  }
0x1ea: {  	[hbm4b:s26+s18] =	stream.linear.scatter [tilespmem:s30], [sflag:$0x3], $0x190, $0x38;
	[tilespmem:$0x10E80] =	vst v63  }
0x1eb: {  	s26 =	sld [smem:$0x7DD];
	_ =	sdelay $0x1  }
0x1ec: {  	s30 =	simm.s32 $0x3A00  }
0x1ed: {  	[hbm4b:s26+s18] =	stream.linear.scatter [tilespmem:s30], [sflag:$0x3], $0x190, $0x38;
	[tilespmem:$0x10E80] =	vst v63  }
0x1ee: {  	s26 =	sld [smem:$0x7DE];
	_ =	sdelay $0x1  }
0x1ef: {  	s30 =	simm.s32 $0x4680  }
0x1f0: {  	[hbm4b:s26+s18] =	stream.linear.scatter [tilespmem:s30], [sflag:$0x3], $0x190, $0x38;
	[tilespmem:$0x10E80] =	vst v63  }
0x1f1: {  	s26 =	sld [smem:$0x7DF];
	_ =	sdelay $0x1  }
0x1f2: {  	s30 =	simm.s32 $0x5300  }
0x1f3: {  	[hbm4b:s26+s18] =	stream.linear.scatter [tilespmem:s30], [sflag:$0x3], $0x190, $0x38;
	[tilespmem:$0x10E80] =	vst v63  }
0x1f4: {  	s26 =	sld [smem:$0x7E0];
	_ =	sdelay $0x1  }
0x1f5: {  	s30 =	simm.s32 $0x5F80  }
0x1f6: {  	[hbm4b:s26+s18] =	stream.linear.scatter [tilespmem:s30], [sflag:$0x3], $0x190, $0x38;
	[tilespmem:$0x10E80] =	vst v63  }
0x1f7: {  	s26 =	sld [smem:$0x7E1];
	_ =	sdelay $0x1  }
0x1f8: {  	s30 =	simm.s32 $0x6C00  }
0x1f9: {  	[hbm4b:s26+s18] =	stream.linear.scatter [tilespmem:s30], [sflag:$0x3], $0x190, $0x38;
	[tilespmem:$0x10E80] =	vst v63  }
0x1fa: {  	s26 =	sld [smem:$0x7E2];
	_ =	sdelay $0x1  }
0x1fb: {  	s30 =	simm.s32 $0x7880  }
0x1fc: {  	[hbm4b:s26+s18] =	stream.linear.scatter [tilespmem:s30], [sflag:$0x3], $0x190, $0x38;
	[tilespmem:$0x10E80] =	vst v63  }
0x1fd: {  	s26 =	sld [smem:$0x7E3];
	_ =	sdelay $0x1  }
0x1fe: {  	s30 =	simm.s32 $0x8500  }
0x1ff: {  	[hbm4b:s26+s18] =	stream.linear.scatter [tilespmem:s30], [sflag:$0x3], $0x190, $0x38;
	[tilespmem:$0x10E80] =	vst v63  }
0x200: {  	s26 =	sld [smem:$0x7E4];
	_ =	sdelay $0x1  }
0x201: {  	s30 =	simm.s32 $0x9180  }
0x202: {  	[hbm4b:s26+s18] =	stream.linear.scatter [tilespmem:s30], [sflag:$0x3], $0x190, $0x38;
	[tilespmem:$0x10E80] =	vst v63  }
0x203: {  	s26 =	sld [smem:$0x7E5];
	_ =	sdelay $0x1  }
0x204: {  	s30 =	simm.s32 $0x9E00  }
0x205: {  	[hbm4b:s26+s18] =	stream.linear.scatter [tilespmem:s30], [sflag:$0x3], $0x190, $0x38;
	[tilespmem:$0x10E80] =	vst v63  }
0x206: {  	s26 =	sld [smem:$0x7E6];
	_ =	sdelay $0x1  }
0x207: {  	s30 =	simm.s32 $0xAA80  }
0x208: {  	[hbm4b:s26+s18] =	stream.linear.scatter [tilespmem:s30], [sflag:$0x3], $0x190, $0x38;
	[tilespmem:$0x10E80] =	vst v63  }
0x209: {  	s26 =	sld [smem:$0x7E7];
	_ =	sdelay $0x1  }
0x20a: {  	s30 =	simm.s32 $0xB700  }
0x20b: {  	[hbm4b:s26+s18] =	stream.linear.scatter [tilespmem:s30], [sflag:$0x3], $0x190, $0x38;
	[tilespmem:$0x10E80] =	vst v63  }
0x20c: {  	s26 =	sld [smem:$0x7E8];
	_ =	sdelay $0x1  }
0x20d: {  	s30 =	simm.s32 $0xC380  }
0x20e: {  	[hbm4b:s26+s18] =	stream.linear.scatter [tilespmem:s30], [sflag:$0x3], $0x190, $0x38;
	[tilespmem:$0x10E80] =	vst v63  }
0x20f: {  	s26 =	sld [smem:$0x7E9];
	_ =	sdelay $0x1  }
0x210: {  	s30 =	simm.s32 $0xD000  }
0x211: {  	[hbm4b:s26+s18] =	stream.linear.scatter [tilespmem:s30], [sflag:$0x3], $0x190, $0x38;
	[tilespmem:$0x10E80] =	vst v63  }
0x212: {  	s30 =	simm.s32 $0x0  }
0x213: {  	v0 =	vld [tilespmem:s30+$0x9A0];
	_ =	sdelay $0x6  }
0x214: {  	v1 =	vld [tilespmem:s30+$0x990]  }
0x215: {  	v2 =	vld.idx.msk [tilespmem:v0+s3+$0x0], $0xffff  }
0x216: {  	v3 =	vld.idx.msk [tilespmem:v0+s6+$0x0], $0xffff  }
0x217: {  	v4 =	vld.idx.msk [tilespmem:v0+s7+$0x0], $0xffff  }
0x218: {  	v5 =	vld.idx.msk [tilespmem:v0+s8+$0x0], $0xffff  }
0x219: {  	v6 =	vld.idx.msk [tilespmem:v0+s9+$0x0], $0xffff  }
0x21a: {  	v7 =	vld.idx.msk [tilespmem:v0+s10+$0x0], $0xffff  }
0x21b: {  	v8 =	vld.idx.msk [tilespmem:v0+s11+$0x0], $0xffff  }
0x21c: {  	v9 =	vld.idx.msk [tilespmem:v0+s12+$0x0], $0xffff  }
0x21d: {  	v10 =	vld.idx.msk [tilespmem:v0+s13+$0x0], $0xffff  }
0x21e: {  	v11 =	vld.idx.msk [tilespmem:v0+s21+$0x0], $0xffff  }
0x21f: {  	v12 =	vld.idx.msk [tilespmem:v0+s14+$0x0], $0xffff  }
0x220: {  	v13 =	vld.idx.msk [tilespmem:v0+s15+$0x0], $0xffff  }
0x221: {  	v14 =	vld.idx.msk [tilespmem:v0+s16+$0x0], $0xffff  }
0x222: {  	v15 =	vld.idx.msk [tilespmem:v0+s17+$0x0], $0xffff  }
0x223: {  	v16 =	vld.idx.msk [tilespmem:v0+s19+$0x0], $0xffff  }
0x224: {  	v17 =	vld.idx.msk [tilespmem:v0+s20+$0x0], $0xffff  }
0x225: {  	v18 =	vld.idx.msk [tilespmem:v1+s3+$0x0], $0xffff  }
0x226: {  	s25 =	simm.s32 $0x20;
	v19 =	vld.idx.msk [tilespmem:v1+s6+$0x0], $0xffff;
	[tilespmem:s30+$0xD1A0] =	vst v11  }
0x227: {  	v0 =	vld [tilespmem:s25+$0x990];
	[tilespmem:s30+$0x1620] =	vst v2  }
0x228: {  	v11 =	vld.idx.msk [tilespmem:v1+s7+$0x0], $0xffff;
	[tilespmem:s30+$0x22A0] =	vst v3  }
0x229: {  	v2 =	vld.idx.msk [tilespmem:v1+s8+$0x0], $0xffff;
	[tilespmem:s30+$0x2F20] =	vst v4  }
0x22a: {  	v3 =	vld.idx.msk [tilespmem:v1+s9+$0x0], $0xffff;
	[tilespmem:s30+$0x3BA0] =	vst v5  }
0x22b: {  	v4 =	vld.idx.msk [tilespmem:v1+s10+$0x0], $0xffff;
	[tilespmem:s30+$0x4820] =	vst v6  }
0x22c: {  	v5 =	vld.idx.msk [tilespmem:v1+s11+$0x0], $0xffff;
	[tilespmem:s30+$0x54A0] =	vst v7  }
0x22d: {  	v6 =	vld.idx.msk [tilespmem:v1+s12+$0x0], $0xffff;
	[tilespmem:s30+$0x6120] =	vst v8  }
0x22e: {  	v7 =	vld.idx.msk [tilespmem:v1+s13+$0x0], $0xffff;
	[tilespmem:s30+$0x6DA0] =	vst v9  }
0x22f: {  	v9 =	vld [tilespmem:s25+$0x9A0];
	[tilespmem:s30+$0x7A20] =	vst v10  }
0x230: {  	v8 =	vld.idx.msk [tilespmem:v1+s14+$0x0], $0xffff;
	[tilespmem:s30+$0x86A0] =	vst v12  }
0x231: {  	v10 =	vld.idx.msk [tilespmem:v1+s15+$0x0], $0xffff;
	[tilespmem:s30+$0x9320] =	vst v13  }
0x232: {  	v12 =	vld.idx.msk [tilespmem:v1+s16+$0x0], $0xffff;
	[tilespmem:s30+$0x9FA0] =	vst v14  }
0x233: {  	v13 =	vld.idx.msk [tilespmem:v1+s17+$0x0], $0xffff;
	[tilespmem:s30+$0xAC20] =	vst v15  }
0x234: {  	v14 =	vld.idx.msk [tilespmem:v1+s19+$0x0], $0xffff;
	[tilespmem:s30+$0xB8A0] =	vst v16  }
0x235: {  	s26 =	simm.s32 $0x190;
	v15 =	vld.idx.msk [tilespmem:v1+s20+$0x0], $0xffff;
	[tilespmem:s30+$0xC520] =	vst v17  }
0x236: {  	v1 =	vld.idx.msk [tilespmem:v1+s21+$0x0], $0xffff;
	[tilespmem:s30+$0x1610] =	vst v18;
	s30 =	sand.u32 $0x3F0, s26  }
0x237: {  	[tilespmem:s30+$0x2100] =	vst v19;
	v16 =	vld.idx.msk [tilespmem:v9+s3+$0x0], $0xffff  }
0x238: {  	[tilespmem:s30+$0x2D80] =	vst v11;
	v17 =	vld.idx.msk [tilespmem:v9+s6+$0x0], $0xffff  }
0x239: {  	[tilespmem:s30+$0x3A00] =	vst v2;
	v62 =	vld.idx.msk [tilespmem:v9+s7+$0x0], $0xffff  }
0x23a: {  	[tilespmem:s30+$0x4680] =	vst v3;
	v63 =	vld.idx.msk [tilespmem:v9+s8+$0x0], $0xffff  }
0x23b: {  	[tilespmem:s30+$0x5300] =	vst v4;
	v20 =	vld.idx.msk [tilespmem:v9+s9+$0x0], $0xffff  }
0x23c: {  	[tilespmem:s30+$0x5F80] =	vst v5;
	v21 =	vld.idx.msk [tilespmem:v9+s10+$0x0], $0xffff  }
0x23d: {  	[tilespmem:s30+$0x6C00] =	vst v6;
	v22 =	vld.idx.msk [tilespmem:v9+s11+$0x0], $0xffff  }
0x23e: {  	[tilespmem:s30+$0x7880] =	vst v7;
	v23 =	vld.idx.msk [tilespmem:v9+s12+$0x0], $0xffff  }
0x23f: {  	[tilespmem:s30+$0x8500] =	vst v8;
	v24 =	vld.idx.msk [tilespmem:v9+s13+$0x0], $0xffff  }
0x240: {  	[tilespmem:s30+$0x9180] =	vst v10;
	v2 =	vld.idx.msk [tilespmem:v9+s21+$0x0], $0xffff  }
0x241: {  	[tilespmem:s30+$0x9E00] =	vst v12;
	v10 =	vld.idx.msk [tilespmem:v9+s14+$0x0], $0xffff  }
0x242: {  	[tilespmem:s30+$0xAA80] =	vst v13;
	v11 =	vld.idx.msk [tilespmem:v9+s15+$0x0], $0xffff  }
0x243: {  	[tilespmem:s30+$0xB700] =	vst v14;
	v12 =	vld.idx.msk [tilespmem:v9+s16+$0x0], $0xffff  }
0x244: {  	[tilespmem:s30+$0xC380] =	vst v15;
	v13 =	vld.idx.msk [tilespmem:v9+s17+$0x0], $0xffff  }
0x245: {  	[tilespmem:s30+$0xD000] =	vst v1;
	v14 =	vld.idx.msk [tilespmem:v9+s19+$0x0], $0xffff  }
0x246: {  	v15 =	vld.idx.msk [tilespmem:v9+s20+$0x0], $0xffff;
	[tilespmem:s25+$0xD1A0] =	vst v2  }
0x247: {  	v6 =	vld.idx.msk [tilespmem:v0+s3+$0x0], $0xffff;
	[tilespmem:s25+$0x1620] =	vst v16  }
0x248: {  	v1 =	vld.idx.msk [tilespmem:v0+s6+$0x0], $0xffff;
	[tilespmem:s25+$0x22A0] =	vst v17  }
0x249: {  	v3 =	vld.idx.msk [tilespmem:v0+s8+$0x0], $0xffff;
	[tilespmem:s25+$0x2F20] =	vst v62  }
0x24a: {  	v4 =	vld.idx.msk [tilespmem:v0+s9+$0x0], $0xffff;
	[tilespmem:s25+$0x3BA0] =	vst v63  }
0x24b: {  	v5 =	vld.idx.msk [tilespmem:v0+s10+$0x0], $0xffff;
	[tilespmem:s25+$0x4820] =	vst v20  }
0x24c: {  	v7 =	vld.idx.msk [tilespmem:v0+s11+$0x0], $0xffff;
	[tilespmem:s25+$0x54A0] =	vst v21  }
0x24d: {  	v8 =	vld.idx.msk [tilespmem:v0+s12+$0x0], $0xffff;
	[tilespmem:s25+$0x6120] =	vst v22  }
0x24e: {  	v9 =	vld.idx.msk [tilespmem:v0+s13+$0x0], $0xffff;
	[tilespmem:s25+$0x6DA0] =	vst v23  }
0x24f: {  	s28 =	simm.s32 $0x1B;
	s29 =	simm.s32 $0x100;
	v2 =	vld.idx.msk [tilespmem:v0+s7+$0x0], $0xffff;
	[tilespmem:s25+$0x7A20] =	vst v24  }
.LBB2_10:
0x250: {  	s18 =	sshra.s32 s29, $0x2;
	v16 =	vld.idx.msk [tilespmem:v0+s14+$0x0], $0xffff;
	[tilespmem:s25+$0x86A0] =	vst v10  }
0x251: {  	v17 =	vld [tilespmem:s18+$0x9A0];
	[tilespmem:s25+$0x9320] =	vst v11  }
0x252: {  	v10 =	vld [tilespmem:s18+$0x990];
	[tilespmem:s25+$0x9FA0] =	vst v12  }
0x253: {  	v11 =	vld.idx.msk [tilespmem:v0+s15+$0x0], $0xffff;
	[tilespmem:s25+$0xAC20] =	vst v13  }
0x254: {  	v12 =	vld.idx.msk [tilespmem:v0+s16+$0x0], $0xffff;
	[tilespmem:s25+$0xB8A0] =	vst v14  }
0x255: {  	v13 =	vld.idx.msk [tilespmem:v0+s17+$0x0], $0xffff;
	[tilespmem:s25+$0xC520] =	vst v15  }
0x256: {  	v14 =	vld.idx.msk [tilespmem:v0+s19+$0x0], $0xffff  }
0x257: {  	s26 =	sadd.s32 $0x20, s26;
	v15 =	vld.idx.msk [tilespmem:v0+s20+$0x0], $0xffff  }
0x258: {  	s30 =	sand.u32 $0x3F0, s26;
	v18 =	vld.idx.msk [tilespmem:v0+s21+$0x0], $0xffff;
	[tilespmem:s25+$0x1610] =	vst v6;
	v0 =	vmov v10;
	s25 =	smov.u32 s18  }
0x259: {  	s28 =	sadd.s32 $0x2, s28;
	v19 =	vld.idx.msk [tilespmem:v17+s3+$0x0], $0xffff;
	[tilespmem:s30+$0x2100] =	vst v1  }
0x25a: {  	p1 =	slt.u32 s28, $0x2F;
	v20 =	vld.idx.msk [tilespmem:v17+s6+$0x0], $0xffff;
	[tilespmem:s30+$0x2D80] =	vst v2  }
0x25b: {  	v21 =	vld.idx.msk [tilespmem:v17+s7+$0x0], $0xffff;
	[tilespmem:s30+$0x3A00] =	vst v3  }
0x25c: {  	v22 =	vld.idx.msk [tilespmem:v17+s8+$0x0], $0xffff;
	[tilespmem:s30+$0x4680] =	vst v4  }
0x25d: {  	v23 =	vld.idx.msk [tilespmem:v17+s9+$0x0], $0xffff;
	[tilespmem:s30+$0x5300] =	vst v5  }
0x25e: {  	v24 =	vld.idx.msk [tilespmem:v17+s10+$0x0], $0xffff;
	[tilespmem:s30+$0x5F80] =	vst v7  }
0x25f: {  	v25 =	vld.idx.msk [tilespmem:v17+s11+$0x0], $0xffff;
	[tilespmem:s30+$0x6C00] =	vst v8  }
0x260: {  	v26 =	vld.idx.msk [tilespmem:v17+s12+$0x0], $0xffff;
	[tilespmem:s30+$0x7880] =	vst v9  }
0x261: {  	v27 =	vld.idx.msk [tilespmem:v17+s13+$0x0], $0xffff;
	[tilespmem:s30+$0x8500] =	vst v16  }
0x262: {  	v1 =	vld.idx.msk [tilespmem:v17+s21+$0x0], $0xffff;
	[tilespmem:s30+$0x9180] =	vst v11  }
0x263: {  	v10 =	vld.idx.msk [tilespmem:v17+s14+$0x0], $0xffff;
	[tilespmem:s30+$0x9E00] =	vst v12  }
0x264: {  	v11 =	vld.idx.msk [tilespmem:v17+s15+$0x0], $0xffff;
	[tilespmem:s30+$0xAA80] =	vst v13  }
0x265: {  	v12 =	vld.idx.msk [tilespmem:v17+s16+$0x0], $0xffff;
	[tilespmem:s30+$0xB700] =	vst v14  }
0x266: {  	v13 =	vld.idx.msk [tilespmem:v17+s17+$0x0], $0xffff;
	[tilespmem:s30+$0xC380] =	vst v15  }
0x267: {  	v14 =	vld.idx.msk [tilespmem:v17+s19+$0x0], $0xffff;
	[tilespmem:s30+$0xD000] =	vst v18  }
0x268: {  	v15 =	vld.idx.msk [tilespmem:v17+s20+$0x0], $0xffff;
	[tilespmem:s25+$0xD1A0] =	vst v1  }
0x269: {  	v6 =	vld.idx.msk [tilespmem:v0+s3+$0x0], $0xffff;
	[tilespmem:s25+$0x1620] =	vst v19  }
0x26a: {  	v1 =	vld.idx.msk [tilespmem:v0+s6+$0x0], $0xffff;
	[tilespmem:s25+$0x22A0] =	vst v20  }
0x26b: {  	v2 =	vld.idx.msk [tilespmem:v0+s7+$0x0], $0xffff;
	[tilespmem:s25+$0x2F20] =	vst v21  }
0x26c: {  	v3 =	vld.idx.msk [tilespmem:v0+s8+$0x0], $0xffff;
	[tilespmem:s25+$0x3BA0] =	vst v22  }
.Ltmp4:
0x26d: {  	v4 =	vld.idx.msk [tilespmem:v0+s9+$0x0], $0xffff;
	[tilespmem:s25+$0x4820] =	vst v23;
	(pc) =	sbr.rel @p1 .LBB2_10-.Ltmp4, $4  }
0x26e: {  	v5 =	vld.idx.msk [tilespmem:v0+s10+$0x0], $0xffff;
	[tilespmem:s25+$0x54A0] =	vst v24  }
0x26f: {  	v7 =	vld.idx.msk [tilespmem:v0+s11+$0x0], $0xffff;
	[tilespmem:s25+$0x6120] =	vst v25  }
0x270: {  	v8 =	vld.idx.msk [tilespmem:v0+s12+$0x0], $0xffff;
	[tilespmem:s25+$0x6DA0] =	vst v26  }
0x271: {  	s29 =	sadd.s32 $0x80, s29;
	v9 =	vld.idx.msk [tilespmem:v0+s13+$0x0], $0xffff;
	[tilespmem:s25+$0x7A20] =	vst v27  }
.Ltmp5:
0x272: {  	_ = 	snop;
	(pc) =	sbr.rel .LBB2_11-.Ltmp5, $1  }
0x273: {  	_ =	sdelay $0x3  }
.LBB2_2:
0x274: {  	s18 =	rddreg [dreg:$0x4];
	s26 =	simm.s32 $0x800  }
0x275: {  	[tilespmem:s26], [sflag:$0x1] =	stream.linear.gather [hbm4b:s18+s25], $0xC80, $0x38;
	[tilespmem:$0x10E80] =	vst v63  }
0x276: {  	s26 =	rddreg [dreg:$0x5]  }
0x277: {  	[tilespmem:s31], [sflag:$0x2] =	stream.linear.gather [hbm4b:s26+s25], $0xC80, $0x38;
	[tilespmem:$0x10E80] =	vst v63  }
0x278: {  	s30 =	rddreg [dreg:$0x6]  }
0x279: {  	[tilespmem:s1], [sflag:$0x2] =	stream.linear.gather [hbm4b:s30+s25], $0xC80, $0x38;
	[tilespmem:$0x10E80] =	vst v63  }
0x27a: {  	s26 =	rddreg [dreg:$0x7]  }
0x27b: {  	[tilespmem:s0], [sflag:$0x2] =	stream.linear.gather [hbm4b:s26+s25], $0xC80, $0x38;
	[tilespmem:$0x10E80] =	vst v63  }
0x27c: {  	s30 =	rddreg [dreg:$0x8]  }
0x27d: {  	[tilespmem:s4], [sflag:$0x2] =	stream.linear.gather [hbm4b:s30+s25], $0xC80, $0x38;
	[tilespmem:$0x10E80] =	vst v63  }
0x27e: {  	_ =	swait.ge [sflag:s5], $0x800  }
0x27f: {  	[sflag:s5] =	ssyncset.done $0x0  }
0x280: {  	[sflag:s5] =	ssyncadd.s32 $0xFFFFF800  }
0x281: {  	_ =	swait.ge [sflag:s5], $0xC80  }
0x282: {  	[sflag:s5] =	ssyncset.done $0x0  }
0x283: {  	s28 =	simm.s32 $0x0;
	[sflag:s5] =	ssyncadd.s32 $0xFFFFF380  }
0x284: {  	v0 =	vld [tilespmem:s28+$0x810];
	_ =	sdelay $0x6  }
0x285: {  	v1 =	vld [tilespmem:s28+$0x800]  }
0x286: {  	v2 =	vld.idx.msk [tilespmem:v0+s3+$0x0], $0xffff  }
0x287: {  	v3 =	vld.idx.msk [tilespmem:v0+s6+$0x0], $0xffff  }
0x288: {  	v4 =	vld.idx.msk [tilespmem:v0+s7+$0x0], $0xffff  }
0x289: {  	v5 =	vld.idx.msk [tilespmem:v0+s8+$0x0], $0xffff  }
0x28a: {  	v6 =	vld.idx.msk [tilespmem:v0+s9+$0x0], $0xffff  }
0x28b: {  	v7 =	vld.idx.msk [tilespmem:v0+s10+$0x0], $0xffff  }
0x28c: {  	v8 =	vld.idx.msk [tilespmem:v0+s11+$0x0], $0xffff  }
0x28d: {  	v9 =	vld.idx.msk [tilespmem:v0+s12+$0x0], $0xffff  }
0x28e: {  	v10 =	vld.idx.msk [tilespmem:v0+s13+$0x0], $0xffff  }
0x28f: {  	v11 =	vld.idx.msk [tilespmem:v0+s21+$0x0], $0xffff  }
0x290: {  	v12 =	vld.idx.msk [tilespmem:v0+s14+$0x0], $0xffff  }
0x291: {  	v13 =	vld.idx.msk [tilespmem:v0+s15+$0x0], $0xffff  }
0x292: {  	v14 =	vld.idx.msk [tilespmem:v0+s16+$0x0], $0xffff  }
0x293: {  	v15 =	vld.idx.msk [tilespmem:v0+s17+$0x0], $0xffff  }
0x294: {  	v16 =	vld.idx.msk [tilespmem:v0+s19+$0x0], $0xffff  }
0x295: {  	v17 =	vld.idx.msk [tilespmem:v0+s20+$0x0], $0xffff  }
0x296: {  	v18 =	vld.idx.msk [tilespmem:v1+s3+$0x0], $0xffff  }
0x297: {  	s26 =	simm.s32 $0x20;
	v19 =	vld.idx.msk [tilespmem:v1+s6+$0x0], $0xffff;
	[tilespmem:s28+$0xD010] =	vst v11  }
0x298: {  	v0 =	vld [tilespmem:s26+$0x800];
	[tilespmem:s28+$0x1490] =	vst v2  }
0x299: {  	v11 =	vld.idx.msk [tilespmem:v1+s7+$0x0], $0xffff;
	[tilespmem:s28+$0x2110] =	vst v3  }
0x29a: {  	v2 =	vld.idx.msk [tilespmem:v1+s8+$0x0], $0xffff;
	[tilespmem:s28+$0x2D90] =	vst v4  }
0x29b: {  	v3 =	vld.idx.msk [tilespmem:v1+s9+$0x0], $0xffff;
	[tilespmem:s28+$0x3A10] =	vst v5  }
0x29c: {  	v4 =	vld.idx.msk [tilespmem:v1+s10+$0x0], $0xffff;
	[tilespmem:s28+$0x4690] =	vst v6  }
0x29d: {  	v5 =	vld.idx.msk [tilespmem:v1+s11+$0x0], $0xffff;
	[tilespmem:s28+$0x5310] =	vst v7  }
0x29e: {  	v6 =	vld.idx.msk [tilespmem:v1+s12+$0x0], $0xffff;
	[tilespmem:s28+$0x5F90] =	vst v8  }
0x29f: {  	v7 =	vld.idx.msk [tilespmem:v1+s13+$0x0], $0xffff;
	[tilespmem:s28+$0x6C10] =	vst v9  }
0x2a0: {  	v9 =	vld [tilespmem:s26+$0x810];
	[tilespmem:s28+$0x7890] =	vst v10  }
0x2a1: {  	v8 =	vld.idx.msk [tilespmem:v1+s14+$0x0], $0xffff;
	[tilespmem:s28+$0x8510] =	vst v12  }
0x2a2: {  	v10 =	vld.idx.msk [tilespmem:v1+s15+$0x0], $0xffff;
	[tilespmem:s28+$0x9190] =	vst v13  }
0x2a3: {  	v12 =	vld.idx.msk [tilespmem:v1+s16+$0x0], $0xffff;
	[tilespmem:s28+$0x9E10] =	vst v14  }
0x2a4: {  	v13 =	vld.idx.msk [tilespmem:v1+s17+$0x0], $0xffff;
	[tilespmem:s28+$0xAA90] =	vst v15  }
0x2a5: {  	v14 =	vld.idx.msk [tilespmem:v1+s19+$0x0], $0xffff;
	[tilespmem:s28+$0xB710] =	vst v16  }
0x2a6: {  	v15 =	vld.idx.msk [tilespmem:v1+s20+$0x0], $0xffff;
	[tilespmem:s28+$0xC390] =	vst v17  }
0x2a7: {  	v1 =	vld.idx.msk [tilespmem:v1+s21+$0x0], $0xffff;
	[tilespmem:s28+$0x1480] =	vst v18;
	s28 =	sand.u32 $0x7E0, s25  }
0x2a8: {  	[tilespmem:s28+$0x2100] =	vst v19;
	v16 =	vld.idx.msk [tilespmem:v9+s3+$0x0], $0xffff  }
0x2a9: {  	[tilespmem:s28+$0x2D80] =	vst v11;
	v17 =	vld.idx.msk [tilespmem:v9+s6+$0x0], $0xffff  }
0x2aa: {  	[tilespmem:s28+$0x3A00] =	vst v2;
	v62 =	vld.idx.msk [tilespmem:v9+s7+$0x0], $0xffff  }
0x2ab: {  	[tilespmem:s28+$0x4680] =	vst v3;
	v63 =	vld.idx.msk [tilespmem:v9+s8+$0x0], $0xffff  }
0x2ac: {  	[tilespmem:s28+$0x5300] =	vst v4;
	v20 =	vld.idx.msk [tilespmem:v9+s9+$0x0], $0xffff  }
0x2ad: {  	[tilespmem:s28+$0x5F80] =	vst v5;
	v21 =	vld.idx.msk [tilespmem:v9+s10+$0x0], $0xffff  }
0x2ae: {  	[tilespmem:s28+$0x6C00] =	vst v6;
	v22 =	vld.idx.msk [tilespmem:v9+s11+$0x0], $0xffff  }
0x2af: {  	[tilespmem:s28+$0x7880] =	vst v7;
	v23 =	vld.idx.msk [tilespmem:v9+s12+$0x0], $0xffff  }
0x2b0: {  	[tilespmem:s28+$0x8500] =	vst v8;
	v24 =	vld.idx.msk [tilespmem:v9+s13+$0x0], $0xffff  }
0x2b1: {  	[tilespmem:s28+$0x9180] =	vst v10;
	v2 =	vld.idx.msk [tilespmem:v9+s21+$0x0], $0xffff  }
0x2b2: {  	[tilespmem:s28+$0x9E00] =	vst v12;
	v10 =	vld.idx.msk [tilespmem:v9+s14+$0x0], $0xffff  }
0x2b3: {  	[tilespmem:s28+$0xAA80] =	vst v13;
	v11 =	vld.idx.msk [tilespmem:v9+s15+$0x0], $0xffff  }
0x2b4: {  	[tilespmem:s28+$0xB700] =	vst v14;
	v12 =	vld.idx.msk [tilespmem:v9+s16+$0x0], $0xffff  }
0x2b5: {  	[tilespmem:s28+$0xC380] =	vst v15;
	v13 =	vld.idx.msk [tilespmem:v9+s17+$0x0], $0xffff  }
0x2b6: {  	[tilespmem:s28+$0xD000] =	vst v1;
	v14 =	vld.idx.msk [tilespmem:v9+s19+$0x0], $0xffff  }
0x2b7: {  	v15 =	vld.idx.msk [tilespmem:v9+s20+$0x0], $0xffff;
	[tilespmem:s26+$0xD010] =	vst v2  }
0x2b8: {  	v6 =	vld.idx.msk [tilespmem:v0+s3+$0x0], $0xffff;
	[tilespmem:s26+$0x1490] =	vst v16  }
0x2b9: {  	v1 =	vld.idx.msk [tilespmem:v0+s6+$0x0], $0xffff;
	[tilespmem:s26+$0x2110] =	vst v17  }
0x2ba: {  	v3 =	vld.idx.msk [tilespmem:v0+s8+$0x0], $0xffff;
	[tilespmem:s26+$0x2D90] =	vst v62  }
0x2bb: {  	v4 =	vld.idx.msk [tilespmem:v0+s9+$0x0], $0xffff;
	[tilespmem:s26+$0x3A10] =	vst v63  }
0x2bc: {  	v5 =	vld.idx.msk [tilespmem:v0+s10+$0x0], $0xffff;
	[tilespmem:s26+$0x4690] =	vst v20  }
0x2bd: {  	v7 =	vld.idx.msk [tilespmem:v0+s11+$0x0], $0xffff;
	[tilespmem:s26+$0x5310] =	vst v21  }
0x2be: {  	v8 =	vld.idx.msk [tilespmem:v0+s12+$0x0], $0xffff;
	[tilespmem:s26+$0x5F90] =	vst v22  }
0x2bf: {  	v9 =	vld.idx.msk [tilespmem:v0+s13+$0x0], $0xffff;
	[tilespmem:s26+$0x6C10] =	vst v23  }
0x2c0: {  	s29 =	simm.s32 $0x100;
	s28 =	simm.s32 $0x2;
	v2 =	vld.idx.msk [tilespmem:v0+s7+$0x0], $0xffff;
	[tilespmem:s26+$0x7890] =	vst v24  }
.LBB2_3:
0x2c1: {  	s30 =	sshra.s32 s29, $0x2;
	v16 =	vld.idx.msk [tilespmem:v0+s14+$0x0], $0xffff;
	[tilespmem:s26+$0x8510] =	vst v10  }
0x2c2: {  	v17 =	vld [tilespmem:s30+$0x810];
	[tilespmem:s26+$0x9190] =	vst v11  }
0x2c3: {  	v10 =	vld [tilespmem:s30+$0x800];
	[tilespmem:s26+$0x9E10] =	vst v12  }
0x2c4: {  	v11 =	vld.idx.msk [tilespmem:v0+s15+$0x0], $0xffff;
	[tilespmem:s26+$0xAA90] =	vst v13  }
0x2c5: {  	v12 =	vld.idx.msk [tilespmem:v0+s16+$0x0], $0xffff;
	[tilespmem:s26+$0xB710] =	vst v14  }
0x2c6: {  	v13 =	vld.idx.msk [tilespmem:v0+s17+$0x0], $0xffff;
	[tilespmem:s26+$0xC390] =	vst v15  }
0x2c7: {  	v14 =	vld.idx.msk [tilespmem:v0+s19+$0x0], $0xffff  }
0x2c8: {  	s25 =	sadd.s32 $0x20, s25;
	v15 =	vld.idx.msk [tilespmem:v0+s20+$0x0], $0xffff  }
0x2c9: {  	s18 =	sand.u32 $0x7E0, s25;
	v18 =	vld.idx.msk [tilespmem:v0+s21+$0x0], $0xffff;
	[tilespmem:s26+$0x1480] =	vst v6;
	v0 =	vmov v10;
	s26 =	smov.u32 s30  }
0x2ca: {  	s28 =	sadd.s32 $0x2, s28;
	v19 =	vld.idx.msk [tilespmem:v17+s3+$0x0], $0xffff;
	[tilespmem:s18+$0x2100] =	vst v1  }
0x2cb: {  	p1 =	slt.u32 s28, $0x62;
	v20 =	vld.idx.msk [tilespmem:v17+s6+$0x0], $0xffff;
	[tilespmem:s18+$0x2D80] =	vst v2  }
0x2cc: {  	v21 =	vld.idx.msk [tilespmem:v17+s7+$0x0], $0xffff;
	[tilespmem:s18+$0x3A00] =	vst v3  }
0x2cd: {  	v22 =	vld.idx.msk [tilespmem:v17+s8+$0x0], $0xffff;
	[tilespmem:s18+$0x4680] =	vst v4  }
0x2ce: {  	v23 =	vld.idx.msk [tilespmem:v17+s9+$0x0], $0xffff;
	[tilespmem:s18+$0x5300] =	vst v5  }
0x2cf: {  	v24 =	vld.idx.msk [tilespmem:v17+s10+$0x0], $0xffff;
	[tilespmem:s18+$0x5F80] =	vst v7  }
0x2d0: {  	v25 =	vld.idx.msk [tilespmem:v17+s11+$0x0], $0xffff;
	[tilespmem:s18+$0x6C00] =	vst v8  }
0x2d1: {  	v26 =	vld.idx.msk [tilespmem:v17+s12+$0x0], $0xffff;
	[tilespmem:s18+$0x7880] =	vst v9  }
0x2d2: {  	v27 =	vld.idx.msk [tilespmem:v17+s13+$0x0], $0xffff;
	[tilespmem:s18+$0x8500] =	vst v16  }
0x2d3: {  	v1 =	vld.idx.msk [tilespmem:v17+s21+$0x0], $0xffff;
	[tilespmem:s18+$0x9180] =	vst v11  }
0x2d4: {  	v10 =	vld.idx.msk [tilespmem:v17+s14+$0x0], $0xffff;
	[tilespmem:s18+$0x9E00] =	vst v12  }
0x2d5: {  	v11 =	vld.idx.msk [tilespmem:v17+s15+$0x0], $0xffff;
	[tilespmem:s18+$0xAA80] =	vst v13  }
0x2d6: {  	v12 =	vld.idx.msk [tilespmem:v17+s16+$0x0], $0xffff;
	[tilespmem:s18+$0xB700] =	vst v14  }
0x2d7: {  	v13 =	vld.idx.msk [tilespmem:v17+s17+$0x0], $0xffff;
	[tilespmem:s18+$0xC380] =	vst v15  }
0x2d8: {  	v14 =	vld.idx.msk [tilespmem:v17+s19+$0x0], $0xffff;
	[tilespmem:s18+$0xD000] =	vst v18  }
0x2d9: {  	v15 =	vld.idx.msk [tilespmem:v17+s20+$0x0], $0xffff;
	[tilespmem:s26+$0xD010] =	vst v1  }
0x2da: {  	v6 =	vld.idx.msk [tilespmem:v0+s3+$0x0], $0xffff;
	[tilespmem:s26+$0x1490] =	vst v19  }
0x2db: {  	v1 =	vld.idx.msk [tilespmem:v0+s6+$0x0], $0xffff;
	[tilespmem:s26+$0x2110] =	vst v20  }
0x2dc: {  	v2 =	vld.idx.msk [tilespmem:v0+s7+$0x0], $0xffff;
	[tilespmem:s26+$0x2D90] =	vst v21  }
0x2dd: {  	v3 =	vld.idx.msk [tilespmem:v0+s8+$0x0], $0xffff;
	[tilespmem:s26+$0x3A10] =	vst v22  }
.Ltmp6:
0x2de: {  	v4 =	vld.idx.msk [tilespmem:v0+s9+$0x0], $0xffff;
	[tilespmem:s26+$0x4690] =	vst v23;
	(pc) =	sbr.rel @p1 .LBB2_3-.Ltmp6, $4  }
0x2df: {  	v5 =	vld.idx.msk [tilespmem:v0+s10+$0x0], $0xffff;
	[tilespmem:s26+$0x5310] =	vst v24  }
0x2e0: {  	v7 =	vld.idx.msk [tilespmem:v0+s11+$0x0], $0xffff;
	[tilespmem:s26+$0x5F90] =	vst v25  }
0x2e1: {  	v8 =	vld.idx.msk [tilespmem:v0+s12+$0x0], $0xffff;
	[tilespmem:s26+$0x6C10] =	vst v26  }
0x2e2: {  	s29 =	sadd.s32 $0x80, s29;
	v9 =	vld.idx.msk [tilespmem:v0+s13+$0x0], $0xffff;
	[tilespmem:s26+$0x7890] =	vst v27  }
0x2e3: {  	_ =	sdelay $0x3  }
0x2e4: {  	v16 =	vld.idx.msk [tilespmem:v0+s14+$0x0], $0xffff;
	[tilespmem:s26+$0x8510] =	vst v10  }
0x2e5: {  	v10 =	vld.idx.msk [tilespmem:v0+s15+$0x0], $0xffff;
	[tilespmem:s26+$0x9190] =	vst v11  }
0x2e6: {  	v11 =	vld.idx.msk [tilespmem:v0+s16+$0x0], $0xffff;
	[tilespmem:s26+$0x9E10] =	vst v12  }
0x2e7: {  	v12 =	vld.idx.msk [tilespmem:v0+s17+$0x0], $0xffff;
	[tilespmem:s26+$0xAA90] =	vst v13  }
0x2e8: {  	v13 =	vld.idx.msk [tilespmem:v0+s19+$0x0], $0xffff;
	[tilespmem:s26+$0xB710] =	vst v14  }
0x2e9: {  	v14 =	vld.idx.msk [tilespmem:v0+s20+$0x0], $0xffff;
	[tilespmem:s26+$0xC390] =	vst v15;
	s18 =	sadd.s32 $0x20, s25  }
0x2ea: {  	v0 =	vld.idx.msk [tilespmem:v0+s21+$0x0], $0xffff;
	[tilespmem:s26+$0x1480] =	vst v6;
	s18 =	sand.u32 $0x7E0, s18  }
0x2eb: {  	[tilespmem:s18+$0x2100] =	vst v1  }
0x2ec: {  	[tilespmem:s18+$0x2D80] =	vst v2  }
0x2ed: {  	[tilespmem:s18+$0x3A00] =	vst v3  }
0x2ee: {  	[tilespmem:s18+$0x4680] =	vst v4  }
0x2ef: {  	[tilespmem:s18+$0x5300] =	vst v5  }
0x2f0: {  	[tilespmem:s18+$0x5F80] =	vst v7  }
0x2f1: {  	[tilespmem:s18+$0x6C00] =	vst v8  }
0x2f2: {  	[tilespmem:s18+$0x7880] =	vst v9  }
0x2f3: {  	[tilespmem:s18+$0x8500] =	vst v16  }
0x2f4: {  	[tilespmem:s18+$0x9180] =	vst v10  }
0x2f5: {  	[tilespmem:s18+$0x9E00] =	vst v11  }
0x2f6: {  	[tilespmem:s18+$0xAA80] =	vst v12  }
0x2f7: {  	[tilespmem:s18+$0xB700] =	vst v13  }
0x2f8: {  	[tilespmem:s18+$0xC380] =	vst v14  }
0x2f9: {  	[tilespmem:s18+$0xD000] =	vst v0  }
0x2fa: {  	s30 =	simm.s32 $0x1480;
	s18 =	simm.s32 $0x0;
	s26 =	rddreg [dreg:$0x9]  }
0x2fb: {  	[hbm4b:s26+s18] =	stream.linear.scatter [tilespmem:s30], [sflag:$0x3], $0x640, $0x38;
	[tilespmem:$0x10E80] =	vst v63  }
0x2fc: {  	s26 =	rddreg [dreg:$0xa];
	s30 =	simm.s32 $0x2100  }
0x2fd: {  	[hbm4b:s26+s18] =	stream.linear.scatter [tilespmem:s30], [sflag:$0x3], $0x640, $0x38;
	[tilespmem:$0x10E80] =	vst v63  }
0x2fe: {  	s26 =	rddreg [dreg:$0xb];
	s30 =	simm.s32 $0x2D80  }
0x2ff: {  	[hbm4b:s26+s18] =	stream.linear.scatter [tilespmem:s30], [sflag:$0x3], $0x640, $0x38;
	[tilespmem:$0x10E80] =	vst v63  }
0x300: {  	s26 =	rddreg [dreg:$0xc];
	s30 =	simm.s32 $0x3A00  }
0x301: {  	[hbm4b:s26+s18] =	stream.linear.scatter [tilespmem:s30], [sflag:$0x3], $0x640, $0x38;
	[tilespmem:$0x10E80] =	vst v63  }
0x302: {  	s26 =	rddreg [dreg:$0xd];
	s30 =	simm.s32 $0x4680  }
0x303: {  	[hbm4b:s26+s18] =	stream.linear.scatter [tilespmem:s30], [sflag:$0x3], $0x640, $0x38;
	[tilespmem:$0x10E80] =	vst v63  }
0x304: {  	s26 =	rddreg [dreg:$0xe];
	s30 =	simm.s32 $0x5300  }
0x305: {  	[hbm4b:s26+s18] =	stream.linear.scatter [tilespmem:s30], [sflag:$0x3], $0x640, $0x38;
	[tilespmem:$0x10E80] =	vst v63  }
0x306: {  	s26 =	rddreg [dreg:$0xf];
	s30 =	simm.s32 $0x5F80  }
0x307: {  	[hbm4b:s26+s18] =	stream.linear.scatter [tilespmem:s30], [sflag:$0x3], $0x640, $0x38;
	[tilespmem:$0x10E80] =	vst v63  }
0x308: {  	s26 =	rddreg [dreg:$0x10];
	s30 =	simm.s32 $0x6C00  }
0x309: {  	[hbm4b:s26+s18] =	stream.linear.scatter [tilespmem:s30], [sflag:$0x3], $0x640, $0x38;
	[tilespmem:$0x10E80] =	vst v63  }
0x30a: {  	s26 =	rddreg [dreg:$0x11];
	s30 =	simm.s32 $0x7880  }
0x30b: {  	[hbm4b:s26+s18] =	stream.linear.scatter [tilespmem:s30], [sflag:$0x3], $0x640, $0x38;
	[tilespmem:$0x10E80] =	vst v63  }
0x30c: {  	s26 =	rddreg [dreg:$0x12];
	s30 =	simm.s32 $0x8500  }
0x30d: {  	[hbm4b:s26+s18] =	stream.linear.scatter [tilespmem:s30], [sflag:$0x3], $0x640, $0x38;
	[tilespmem:$0x10E80] =	vst v63  }
0x30e: {  	s26 =	rddreg [dreg:$0x13];
	s30 =	simm.s32 $0x9180  }
0x30f: {  	[hbm4b:s26+s18] =	stream.linear.scatter [tilespmem:s30], [sflag:$0x3], $0x640, $0x38;
	[tilespmem:$0x10E80] =	vst v63  }
0x310: {  	s26 =	rddreg [dreg:$0x14];
	s30 =	simm.s32 $0x9E00  }
0x311: {  	[hbm4b:s26+s18] =	stream.linear.scatter [tilespmem:s30], [sflag:$0x3], $0x640, $0x38;
	[tilespmem:$0x10E80] =	vst v63  }
0x312: {  	s26 =	rddreg [dreg:$0x15];
	s30 =	simm.s32 $0xAA80  }
0x313: {  	[hbm4b:s26+s18] =	stream.linear.scatter [tilespmem:s30], [sflag:$0x3], $0x640, $0x38;
	[tilespmem:$0x10E80] =	vst v63  }
0x314: {  	s26 =	rddreg [dreg:$0x16];
	s30 =	simm.s32 $0xB700  }
0x315: {  	[hbm4b:s26+s18] =	stream.linear.scatter [tilespmem:s30], [sflag:$0x3], $0x640, $0x38;
	[tilespmem:$0x10E80] =	vst v63  }
0x316: {  	s26 =	rddreg [dreg:$0x17];
	s30 =	simm.s32 $0xC380  }
0x317: {  	[hbm4b:s26+s18] =	stream.linear.scatter [tilespmem:s30], [sflag:$0x3], $0x640, $0x38;
	[tilespmem:$0x10E80] =	vst v63  }
0x318: {  	s26 =	rddreg [dreg:$0x18];
	s30 =	simm.s32 $0xD000  }
0x319: {  	[hbm4b:s26+s18] =	stream.linear.scatter [tilespmem:s30], [sflag:$0x3], $0x640, $0x38;
	[tilespmem:$0x10E80] =	vst v63  }
0x31a: {  	s30 =	simm.s32 $0x0  }
0x31b: {  	v0 =	vld [tilespmem:s30+$0xE50];
	_ =	sdelay $0x6  }
0x31c: {  	v1 =	vld [tilespmem:s30+$0xE40]  }
0x31d: {  	v2 =	vld.idx.msk [tilespmem:v0+s3+$0x0], $0xffff  }
0x31e: {  	v3 =	vld.idx.msk [tilespmem:v0+s6+$0x0], $0xffff  }
0x31f: {  	v4 =	vld.idx.msk [tilespmem:v0+s7+$0x0], $0xffff  }
0x320: {  	v5 =	vld.idx.msk [tilespmem:v0+s8+$0x0], $0xffff  }
0x321: {  	v6 =	vld.idx.msk [tilespmem:v0+s9+$0x0], $0xffff  }
0x322: {  	v7 =	vld.idx.msk [tilespmem:v0+s10+$0x0], $0xffff  }
0x323: {  	v8 =	vld.idx.msk [tilespmem:v0+s11+$0x0], $0xffff  }
0x324: {  	v9 =	vld.idx.msk [tilespmem:v0+s12+$0x0], $0xffff  }
0x325: {  	v10 =	vld.idx.msk [tilespmem:v0+s13+$0x0], $0xffff  }
0x326: {  	v11 =	vld.idx.msk [tilespmem:v0+s21+$0x0], $0xffff  }
0x327: {  	v12 =	vld.idx.msk [tilespmem:v0+s14+$0x0], $0xffff  }
0x328: {  	v13 =	vld.idx.msk [tilespmem:v0+s15+$0x0], $0xffff  }
0x329: {  	v14 =	vld.idx.msk [tilespmem:v0+s16+$0x0], $0xffff  }
0x32a: {  	v15 =	vld.idx.msk [tilespmem:v0+s17+$0x0], $0xffff  }
0x32b: {  	v16 =	vld.idx.msk [tilespmem:v0+s19+$0x0], $0xffff  }
0x32c: {  	v17 =	vld.idx.msk [tilespmem:v0+s20+$0x0], $0xffff  }
0x32d: {  	v18 =	vld.idx.msk [tilespmem:v1+s3+$0x0], $0xffff  }
0x32e: {  	s25 =	simm.s32 $0x20;
	v19 =	vld.idx.msk [tilespmem:v1+s6+$0x0], $0xffff;
	[tilespmem:s30+$0xD650] =	vst v11  }
0x32f: {  	v0 =	vld [tilespmem:s25+$0xE40];
	[tilespmem:s30+$0x1AD0] =	vst v2  }
0x330: {  	v11 =	vld.idx.msk [tilespmem:v1+s7+$0x0], $0xffff;
	[tilespmem:s30+$0x2750] =	vst v3  }
0x331: {  	v2 =	vld.idx.msk [tilespmem:v1+s8+$0x0], $0xffff;
	[tilespmem:s30+$0x33D0] =	vst v4  }
0x332: {  	v3 =	vld.idx.msk [tilespmem:v1+s9+$0x0], $0xffff;
	[tilespmem:s30+$0x4050] =	vst v5  }
0x333: {  	v4 =	vld.idx.msk [tilespmem:v1+s10+$0x0], $0xffff;
	[tilespmem:s30+$0x4CD0] =	vst v6  }
0x334: {  	v5 =	vld.idx.msk [tilespmem:v1+s11+$0x0], $0xffff;
	[tilespmem:s30+$0x5950] =	vst v7  }
0x335: {  	v6 =	vld.idx.msk [tilespmem:v1+s12+$0x0], $0xffff;
	[tilespmem:s30+$0x65D0] =	vst v8  }
0x336: {  	v7 =	vld.idx.msk [tilespmem:v1+s13+$0x0], $0xffff;
	[tilespmem:s30+$0x7250] =	vst v9  }
0x337: {  	v9 =	vld [tilespmem:s25+$0xE50];
	[tilespmem:s30+$0x7ED0] =	vst v10  }
0x338: {  	v8 =	vld.idx.msk [tilespmem:v1+s14+$0x0], $0xffff;
	[tilespmem:s30+$0x8B50] =	vst v12  }
0x339: {  	v10 =	vld.idx.msk [tilespmem:v1+s15+$0x0], $0xffff;
	[tilespmem:s30+$0x97D0] =	vst v13  }
0x33a: {  	v12 =	vld.idx.msk [tilespmem:v1+s16+$0x0], $0xffff;
	[tilespmem:s30+$0xA450] =	vst v14  }
0x33b: {  	v13 =	vld.idx.msk [tilespmem:v1+s17+$0x0], $0xffff;
	[tilespmem:s30+$0xB0D0] =	vst v15  }
0x33c: {  	v14 =	vld.idx.msk [tilespmem:v1+s19+$0x0], $0xffff;
	[tilespmem:s30+$0xBD50] =	vst v16  }
0x33d: {  	s26 =	simm.s32 $0x640;
	v15 =	vld.idx.msk [tilespmem:v1+s20+$0x0], $0xffff;
	[tilespmem:s30+$0xC9D0] =	vst v17  }
0x33e: {  	v1 =	vld.idx.msk [tilespmem:v1+s21+$0x0], $0xffff;
	[tilespmem:s30+$0x1AC0] =	vst v18;
	s30 =	sand.u32 $0xFE0, s26  }
0x33f: {  	[tilespmem:s30+$0x2100] =	vst v19;
	v16 =	vld.idx.msk [tilespmem:v9+s3+$0x0], $0xffff  }
0x340: {  	[tilespmem:s30+$0x2D80] =	vst v11;
	v17 =	vld.idx.msk [tilespmem:v9+s6+$0x0], $0xffff  }
0x341: {  	[tilespmem:s30+$0x3A00] =	vst v2;
	v62 =	vld.idx.msk [tilespmem:v9+s7+$0x0], $0xffff  }
0x342: {  	[tilespmem:s30+$0x4680] =	vst v3;
	v63 =	vld.idx.msk [tilespmem:v9+s8+$0x0], $0xffff  }
0x343: {  	[tilespmem:s30+$0x5300] =	vst v4;
	v20 =	vld.idx.msk [tilespmem:v9+s9+$0x0], $0xffff  }
0x344: {  	[tilespmem:s30+$0x5F80] =	vst v5;
	v21 =	vld.idx.msk [tilespmem:v9+s10+$0x0], $0xffff  }
0x345: {  	[tilespmem:s30+$0x6C00] =	vst v6;
	v22 =	vld.idx.msk [tilespmem:v9+s11+$0x0], $0xffff  }
0x346: {  	[tilespmem:s30+$0x7880] =	vst v7;
	v23 =	vld.idx.msk [tilespmem:v9+s12+$0x0], $0xffff  }
0x347: {  	[tilespmem:s30+$0x8500] =	vst v8;
	v24 =	vld.idx.msk [tilespmem:v9+s13+$0x0], $0xffff  }
0x348: {  	[tilespmem:s30+$0x9180] =	vst v10;
	v2 =	vld.idx.msk [tilespmem:v9+s21+$0x0], $0xffff  }
0x349: {  	[tilespmem:s30+$0x9E00] =	vst v12;
	v10 =	vld.idx.msk [tilespmem:v9+s14+$0x0], $0xffff  }
0x34a: {  	[tilespmem:s30+$0xAA80] =	vst v13;
	v11 =	vld.idx.msk [tilespmem:v9+s15+$0x0], $0xffff  }
0x34b: {  	[tilespmem:s30+$0xB700] =	vst v14;
	v12 =	vld.idx.msk [tilespmem:v9+s16+$0x0], $0xffff  }
0x34c: {  	[tilespmem:s30+$0xC380] =	vst v15;
	v13 =	vld.idx.msk [tilespmem:v9+s17+$0x0], $0xffff  }
0x34d: {  	[tilespmem:s30+$0xD000] =	vst v1;
	v14 =	vld.idx.msk [tilespmem:v9+s19+$0x0], $0xffff  }
0x34e: {  	v15 =	vld.idx.msk [tilespmem:v9+s20+$0x0], $0xffff;
	[tilespmem:s25+$0xD650] =	vst v2  }
0x34f: {  	v6 =	vld.idx.msk [tilespmem:v0+s3+$0x0], $0xffff;
	[tilespmem:s25+$0x1AD0] =	vst v16  }
0x350: {  	v1 =	vld.idx.msk [tilespmem:v0+s6+$0x0], $0xffff;
	[tilespmem:s25+$0x2750] =	vst v17  }
0x351: {  	v3 =	vld.idx.msk [tilespmem:v0+s8+$0x0], $0xffff;
	[tilespmem:s25+$0x33D0] =	vst v62  }
0x352: {  	v4 =	vld.idx.msk [tilespmem:v0+s9+$0x0], $0xffff;
	[tilespmem:s25+$0x4050] =	vst v63  }
0x353: {  	v5 =	vld.idx.msk [tilespmem:v0+s10+$0x0], $0xffff;
	[tilespmem:s25+$0x4CD0] =	vst v20  }
0x354: {  	v7 =	vld.idx.msk [tilespmem:v0+s11+$0x0], $0xffff;
	[tilespmem:s25+$0x5950] =	vst v21  }
0x355: {  	v8 =	vld.idx.msk [tilespmem:v0+s12+$0x0], $0xffff;
	[tilespmem:s25+$0x65D0] =	vst v22  }
0x356: {  	v9 =	vld.idx.msk [tilespmem:v0+s13+$0x0], $0xffff;
	[tilespmem:s25+$0x7250] =	vst v23  }
0x357: {  	s28 =	simm.s32 $0x66;
	s29 =	simm.s32 $0x100;
	v2 =	vld.idx.msk [tilespmem:v0+s7+$0x0], $0xffff;
	[tilespmem:s25+$0x7ED0] =	vst v24  }
.LBB2_5:
0x358: {  	s18 =	sshra.s32 s29, $0x2;
	v16 =	vld.idx.msk [tilespmem:v0+s14+$0x0], $0xffff;
	[tilespmem:s25+$0x8B50] =	vst v10  }
0x359: {  	v17 =	vld [tilespmem:s18+$0xE50];
	[tilespmem:s25+$0x97D0] =	vst v11  }
0x35a: {  	v10 =	vld [tilespmem:s18+$0xE40];
	[tilespmem:s25+$0xA450] =	vst v12  }
0x35b: {  	v11 =	vld.idx.msk [tilespmem:v0+s15+$0x0], $0xffff;
	[tilespmem:s25+$0xB0D0] =	vst v13  }
0x35c: {  	v12 =	vld.idx.msk [tilespmem:v0+s16+$0x0], $0xffff;
	[tilespmem:s25+$0xBD50] =	vst v14  }
0x35d: {  	v13 =	vld.idx.msk [tilespmem:v0+s17+$0x0], $0xffff;
	[tilespmem:s25+$0xC9D0] =	vst v15  }
0x35e: {  	v14 =	vld.idx.msk [tilespmem:v0+s19+$0x0], $0xffff  }
0x35f: {  	s26 =	sadd.s32 $0x20, s26;
	v15 =	vld.idx.msk [tilespmem:v0+s20+$0x0], $0xffff  }
0x360: {  	s30 =	sand.u32 $0xFE0, s26;
	v18 =	vld.idx.msk [tilespmem:v0+s21+$0x0], $0xffff;
	[tilespmem:s25+$0x1AC0] =	vst v6;
	v0 =	vmov v10;
	s25 =	smov.u32 s18  }
0x361: {  	s28 =	sadd.s32 $0x2, s28;
	v19 =	vld.idx.msk [tilespmem:v17+s3+$0x0], $0xffff;
	[tilespmem:s30+$0x2100] =	vst v1  }
0x362: {  	p1 =	slt.u32 s28, $0xC6;
	v20 =	vld.idx.msk [tilespmem:v17+s6+$0x0], $0xffff;
	[tilespmem:s30+$0x2D80] =	vst v2  }
0x363: {  	v21 =	vld.idx.msk [tilespmem:v17+s7+$0x0], $0xffff;
	[tilespmem:s30+$0x3A00] =	vst v3  }
0x364: {  	v22 =	vld.idx.msk [tilespmem:v17+s8+$0x0], $0xffff;
	[tilespmem:s30+$0x4680] =	vst v4  }
0x365: {  	v23 =	vld.idx.msk [tilespmem:v17+s9+$0x0], $0xffff;
	[tilespmem:s30+$0x5300] =	vst v5  }
0x366: {  	v24 =	vld.idx.msk [tilespmem:v17+s10+$0x0], $0xffff;
	[tilespmem:s30+$0x5F80] =	vst v7  }
0x367: {  	v25 =	vld.idx.msk [tilespmem:v17+s11+$0x0], $0xffff;
	[tilespmem:s30+$0x6C00] =	vst v8  }
0x368: {  	v26 =	vld.idx.msk [tilespmem:v17+s12+$0x0], $0xffff;
	[tilespmem:s30+$0x7880] =	vst v9  }
0x369: {  	v27 =	vld.idx.msk [tilespmem:v17+s13+$0x0], $0xffff;
	[tilespmem:s30+$0x8500] =	vst v16  }
0x36a: {  	v1 =	vld.idx.msk [tilespmem:v17+s21+$0x0], $0xffff;
	[tilespmem:s30+$0x9180] =	vst v11  }
0x36b: {  	v10 =	vld.idx.msk [tilespmem:v17+s14+$0x0], $0xffff;
	[tilespmem:s30+$0x9E00] =	vst v12  }
0x36c: {  	v11 =	vld.idx.msk [tilespmem:v17+s15+$0x0], $0xffff;
	[tilespmem:s30+$0xAA80] =	vst v13  }
0x36d: {  	v12 =	vld.idx.msk [tilespmem:v17+s16+$0x0], $0xffff;
	[tilespmem:s30+$0xB700] =	vst v14  }
0x36e: {  	v13 =	vld.idx.msk [tilespmem:v17+s17+$0x0], $0xffff;
	[tilespmem:s30+$0xC380] =	vst v15  }
0x36f: {  	v14 =	vld.idx.msk [tilespmem:v17+s19+$0x0], $0xffff;
	[tilespmem:s30+$0xD000] =	vst v18  }
0x370: {  	v15 =	vld.idx.msk [tilespmem:v17+s20+$0x0], $0xffff;
	[tilespmem:s25+$0xD650] =	vst v1  }
0x371: {  	v6 =	vld.idx.msk [tilespmem:v0+s3+$0x0], $0xffff;
	[tilespmem:s25+$0x1AD0] =	vst v19  }
0x372: {  	v1 =	vld.idx.msk [tilespmem:v0+s6+$0x0], $0xffff;
	[tilespmem:s25+$0x2750] =	vst v20  }
0x373: {  	v2 =	vld.idx.msk [tilespmem:v0+s7+$0x0], $0xffff;
	[tilespmem:s25+$0x33D0] =	vst v21  }
0x374: {  	v3 =	vld.idx.msk [tilespmem:v0+s8+$0x0], $0xffff;
	[tilespmem:s25+$0x4050] =	vst v22  }
.Ltmp7:
0x375: {  	v4 =	vld.idx.msk [tilespmem:v0+s9+$0x0], $0xffff;
	[tilespmem:s25+$0x4CD0] =	vst v23;
	(pc) =	sbr.rel @p1 .LBB2_5-.Ltmp7, $4  }
0x376: {  	v5 =	vld.idx.msk [tilespmem:v0+s10+$0x0], $0xffff;
	[tilespmem:s25+$0x5950] =	vst v24  }
0x377: {  	v7 =	vld.idx.msk [tilespmem:v0+s11+$0x0], $0xffff;
	[tilespmem:s25+$0x65D0] =	vst v25  }
0x378: {  	v8 =	vld.idx.msk [tilespmem:v0+s12+$0x0], $0xffff;
	[tilespmem:s25+$0x7250] =	vst v26  }
0x379: {  	s29 =	sadd.s32 $0x80, s29;
	v9 =	vld.idx.msk [tilespmem:v0+s13+$0x0], $0xffff;
	[tilespmem:s25+$0x7ED0] =	vst v27  }
0x37a: {  	_ =	sdelay $0x3  }
0x37b: {  	v16 =	vld.idx.msk [tilespmem:v0+s14+$0x0], $0xffff;
	[tilespmem:s25+$0x8B50] =	vst v10  }
0x37c: {  	v58 =	vld.idx.msk [tilespmem:v0+s15+$0x0], $0xffff;
	[tilespmem:s25+$0x97D0] =	vst v11  }
0x37d: {  	v59 =	vld.idx.msk [tilespmem:v0+s16+$0x0], $0xffff;
	[tilespmem:s25+$0xA450] =	vst v12  }
0x37e: {  	v60 =	vld.idx.msk [tilespmem:v0+s17+$0x0], $0xffff;
	[tilespmem:s25+$0xB0D0] =	vst v13  }
0x37f: {  	v61 =	vld.idx.msk [tilespmem:v0+s19+$0x0], $0xffff;
	[tilespmem:s25+$0xBD50] =	vst v14  }
0x380: {  	v62 =	vld.idx.msk [tilespmem:v0+s20+$0x0], $0xffff;
	[tilespmem:s25+$0xC9D0] =	vst v15;
	s18 =	sadd.s32 $0x20, s26  }
0x381: {  	v63 =	vld.idx.msk [tilespmem:v0+s21+$0x0], $0xffff;
	[tilespmem:s25+$0x1AC0] =	vst v6;
	s18 =	sand.u32 $0xFE0, s18  }
0x382: {  	[tilespmem:s18+$0x2100] =	vst v1  }
0x383: {  	[tilespmem:s18+$0x2D80] =	vst v2  }
0x384: {  	[tilespmem:s18+$0x3A00] =	vst v3  }
0x385: {  	[tilespmem:s18+$0x4680] =	vst v4  }
0x386: {  	[tilespmem:s18+$0x5300] =	vst v5  }
0x387: {  	[tilespmem:s18+$0x5F80] =	vst v7  }
0x388: {  	[tilespmem:s18+$0x6C00] =	vst v8  }
0x389: {  	[tilespmem:s18+$0x7880] =	vst v9  }
0x38a: {  	[tilespmem:s18+$0x8500] =	vst v16  }
0x38b: {  	[tilespmem:s18+$0x9180] =	vst v58  }
0x38c: {  	[tilespmem:s18+$0x9E00] =	vst v59  }
0x38d: {  	[tilespmem:s18+$0xAA80] =	vst v60  }
0x38e: {  	[tilespmem:s18+$0xB700] =	vst v61  }
0x38f: {  	[tilespmem:s18+$0xC380] =	vst v62  }
0x390: {  	[tilespmem:s18+$0xD000] =	vst v63  }
0x391: {  	s18 =	rddreg [dreg:$0x19]  }
0x392: {  	s28 =	simm.s32 $0x1AC0;
	s29 =	rddreg [dreg:$0x1a]  }
0x393: {  	[hbm4b:s18+s3] =	stream.linear.scatter [tilespmem:s28], [sflag:$0x3], $0x640, $0x38;
	[tilespmem:$0x10E80] =	vst v63  }
0x394: {  	s30 =	simm.s32 $0x2740;
	s26 =	rddreg [dreg:$0x1b]  }
0x395: {  	[hbm4b:s29+s3] =	stream.linear.scatter [tilespmem:s30], [sflag:$0x3], $0x640, $0x38;
	[tilespmem:$0x10E80] =	vst v63  }
0x396: {  	s28 =	simm.s32 $0x33C0;
	s29 =	rddreg [dreg:$0x1c]  }
0x397: {  	[hbm4b:s26+s3] =	stream.linear.scatter [tilespmem:s28], [sflag:$0x3], $0x640, $0x38;
	[tilespmem:$0x10E80] =	vst v63  }
0x398: {  	s30 =	simm.s32 $0x4040;
	s26 =	rddreg [dreg:$0x1d]  }
0x399: {  	[hbm4b:s29+s3] =	stream.linear.scatter [tilespmem:s30], [sflag:$0x3], $0x640, $0x38;
	[tilespmem:$0x10E80] =	vst v63  }
0x39a: {  	s28 =	simm.s32 $0x4CC0;
	s29 =	rddreg [dreg:$0x1e]  }
0x39b: {  	[hbm4b:s26+s3] =	stream.linear.scatter [tilespmem:s28], [sflag:$0x3], $0x640, $0x38;
	[tilespmem:$0x10E80] =	vst v63  }
0x39c: {  	s30 =	simm.s32 $0x5940;
	s26 =	rddreg [dreg:$0x1f]  }
0x39d: {  	[hbm4b:s29+s3] =	stream.linear.scatter [tilespmem:s30], [sflag:$0x3], $0x640, $0x38;
	[tilespmem:$0x10E80] =	vst v63  }
0x39e: {  	s28 =	simm.s32 $0x65C0;
	s29 =	sld [smem:$0x7C7]  }
0x39f: {  	[hbm4b:s26+s3] =	stream.linear.scatter [tilespmem:s28], [sflag:$0x3], $0x640, $0x38;
	[tilespmem:$0x10E80] =	vst v63  }
0x3a0: {  	s30 =	simm.s32 $0x7240;
	s26 =	sld [smem:$0x7C8]  }
0x3a1: {  	[hbm4b:s29+s3] =	stream.linear.scatter [tilespmem:s30], [sflag:$0x3], $0x640, $0x38;
	[tilespmem:$0x10E80] =	vst v63  }
0x3a2: {  	s28 =	simm.s32 $0x7EC0;
	s29 =	sld [smem:$0x7C9]  }
0x3a3: {  	[hbm4b:s26+s3] =	stream.linear.scatter [tilespmem:s28], [sflag:$0x3], $0x640, $0x38;
	[tilespmem:$0x10E80] =	vst v63  }
0x3a4: {  	s30 =	simm.s32 $0x8B40;
	s26 =	sld [smem:$0x7CA]  }
0x3a5: {  	[hbm4b:s29+s3] =	stream.linear.scatter [tilespmem:s30], [sflag:$0x3], $0x640, $0x38;
	[tilespmem:$0x10E80] =	vst v63  }
0x3a6: {  	s28 =	simm.s32 $0x97C0;
	s29 =	sld [smem:$0x7CB]  }
0x3a7: {  	[hbm4b:s26+s3] =	stream.linear.scatter [tilespmem:s28], [sflag:$0x3], $0x640, $0x38;
	[tilespmem:$0x10E80] =	vst v63  }
0x3a8: {  	s30 =	simm.s32 $0xA440;
	s26 =	sld [smem:$0x7CC]  }
0x3a9: {  	[hbm4b:s29+s3] =	stream.linear.scatter [tilespmem:s30], [sflag:$0x3], $0x640, $0x38;
	[tilespmem:$0x10E80] =	vst v63  }
0x3aa: {  	s28 =	simm.s32 $0xB0C0;
	s29 =	sld [smem:$0x7CD]  }
0x3ab: {  	[hbm4b:s26+s3] =	stream.linear.scatter [tilespmem:s28], [sflag:$0x3], $0x640, $0x38;
	[tilespmem:$0x10E80] =	vst v63  }
0x3ac: {  	s30 =	simm.s32 $0xBD40;
	s26 =	sld [smem:$0x7CE]  }
0x3ad: {  	[hbm4b:s29+s3] =	stream.linear.scatter [tilespmem:s30], [sflag:$0x3], $0x640, $0x38;
	[tilespmem:$0x10E80] =	vst v63  }
0x3ae: {  	s28 =	simm.s32 $0xC9C0;
	s29 =	sld [smem:$0x7CF]  }
0x3af: {  	[hbm4b:s26+s3] =	stream.linear.scatter [tilespmem:s28], [sflag:$0x3], $0x640, $0x38;
	[tilespmem:$0x10E80] =	vst v63  }
0x3b0: {  	s30 =	simm.s32 $0xD640  }
0x3b1: {  	[hbm4b:s29+s3] =	stream.linear.scatter [tilespmem:s30], [sflag:$0x3], $0x640, $0x38;
	[tilespmem:$0x10E80] =	vst v63  }
0x3b2: {  	_ =	swait.ge [sflag:s22], $0xC80  }
0x3b3: {  	[sflag:s22] =	ssyncset.done $0x0  }
0x3b4: {  	[sflag:s22] =	ssyncadd.s32 $0xFFFFF380  }
0x3b5: {  	_ =	swait.ge [sflag:s22], $0xC80  }
0x3b6: {  	[sflag:s22] =	ssyncset.done $0x0  }
0x3b7: {  	[sflag:s22] =	ssyncadd.s32 $0xFFFFF380  }
0x3b8: {  	_ =	swait.ge [sflag:s22], $0xC80  }
0x3b9: {  	[sflag:s22] =	ssyncset.done $0x0  }
0x3ba: {  	[sflag:s22] =	ssyncadd.s32 $0xFFFFF380  }
0x3bb: {  	_ =	swait.ge [sflag:s22], $0xC80  }
0x3bc: {  	s26 =	sld [smem:$0x7D0]  }
0x3bd: {  	[sflag:s22] =	ssyncset.done $0x0  }
0x3be: {  	s28 =	sld [smem:$0x7D1];
	[sflag:s22] =	ssyncadd.s32 $0xFFFFF380  }
0x3bf: {  	[hbm4b:s26+s3] =	stream.linear.scatter [tilespmem:s31], [sflag:$0x3], $0xC80, $0x38;
	[tilespmem:$0x10E80] =	vst v63  }
0x3c0: {  	s29 =	sld [smem:$0x7D2]  }
0x3c1: {  	[hbm4b:s28+s3] =	stream.linear.scatter [tilespmem:s1], [sflag:$0x3], $0xC80, $0x38;
	[tilespmem:$0x10E80] =	vst v63  }
0x3c2: {  	s30 =	sld [smem:$0x7D3]  }
0x3c3: {  	[hbm4b:s29+s3] =	stream.linear.scatter [tilespmem:s0], [sflag:$0x3], $0xC80, $0x38;
	[tilespmem:$0x10E80] =	vst v63  }
0x3c4: {  	_ = 	snop  }
0x3c5: {  	[hbm4b:s30+s3] =	stream.linear.scatter [tilespmem:s4], [sflag:$0x3], $0xC80, $0x38;
	[tilespmem:$0x10E80] =	vst v63  }
0x3c6: {  	_ =	swait.ge [sflag:s23], $0x640  }
0x3c7: {  	[sflag:s23] =	ssyncset.done $0x0  }
0x3c8: {  	[sflag:s23] =	ssyncadd.s32 $0xFFFFF9C0  }
0x3c9: {  	_ =	swait.ge [sflag:s23], $0x640  }
0x3ca: {  	[sflag:s23] =	ssyncset.done $0x0  }
0x3cb: {  	[sflag:s23] =	ssyncadd.s32 $0xFFFFF9C0  }
0x3cc: {  	_ =	swait.ge [sflag:s23], $0x640  }
0x3cd: {  	[sflag:s23] =	ssyncset.done $0x0  }
0x3ce: {  	[sflag:s23] =	ssyncadd.s32 $0xFFFFF9C0  }
0x3cf: {  	_ =	swait.ge [sflag:s23], $0x640  }
0x3d0: {  	[sflag:s23] =	ssyncset.done $0x0  }
0x3d1: {  	[sflag:s23] =	ssyncadd.s32 $0xFFFFF9C0  }
0x3d2: {  	_ =	swait.ge [sflag:s23], $0x640  }
0x3d3: {  	[sflag:s23] =	ssyncset.done $0x0  }
0x3d4: {  	[sflag:s23] =	ssyncadd.s32 $0xFFFFF9C0  }
0x3d5: {  	_ =	swait.ge [sflag:s23], $0x640  }
0x3d6: {  	[sflag:s23] =	ssyncset.done $0x0  }
0x3d7: {  	[sflag:s23] =	ssyncadd.s32 $0xFFFFF9C0  }
0x3d8: {  	_ =	swait.ge [sflag:s23], $0x640  }
0x3d9: {  	[sflag:s23] =	ssyncset.done $0x0  }
0x3da: {  	[sflag:s23] =	ssyncadd.s32 $0xFFFFF9C0  }
0x3db: {  	_ =	swait.ge [sflag:s23], $0x640  }
0x3dc: {  	[sflag:s23] =	ssyncset.done $0x0  }
0x3dd: {  	[sflag:s23] =	ssyncadd.s32 $0xFFFFF9C0  }
0x3de: {  	_ =	swait.ge [sflag:s23], $0x640  }
0x3df: {  	[sflag:s23] =	ssyncset.done $0x0  }
0x3e0: {  	[sflag:s23] =	ssyncadd.s32 $0xFFFFF9C0  }
0x3e1: {  	_ =	swait.ge [sflag:s23], $0x640  }
0x3e2: {  	[sflag:s23] =	ssyncset.done $0x0  }
0x3e3: {  	[sflag:s23] =	ssyncadd.s32 $0xFFFFF9C0  }
0x3e4: {  	_ =	swait.ge [sflag:s23], $0x640  }
0x3e5: {  	[sflag:s23] =	ssyncset.done $0x0  }
0x3e6: {  	[sflag:s23] =	ssyncadd.s32 $0xFFFFF9C0  }
0x3e7: {  	_ =	swait.ge [sflag:s23], $0x640  }
0x3e8: {  	[sflag:s23] =	ssyncset.done $0x0  }
0x3e9: {  	[sflag:s23] =	ssyncadd.s32 $0xFFFFF9C0  }
0x3ea: {  	_ =	swait.ge [sflag:s23], $0x640  }
0x3eb: {  	[sflag:s23] =	ssyncset.done $0x0  }
0x3ec: {  	[sflag:s23] =	ssyncadd.s32 $0xFFFFF9C0  }
0x3ed: {  	_ =	swait.ge [sflag:s23], $0x640  }
0x3ee: {  	[sflag:s23] =	ssyncset.done $0x0  }
0x3ef: {  	[sflag:s23] =	ssyncadd.s32 $0xFFFFF9C0  }
0x3f0: {  	_ =	swait.ge [sflag:s23], $0x640  }
0x3f1: {  	[sflag:s23] =	ssyncset.done $0x0  }
0x3f2: {  	[sflag:s23] =	ssyncadd.s32 $0xFFFFF9C0  }
0x3f3: {  	_ =	swait.ge [sflag:s23], $0x640  }
0x3f4: {  	[sflag:s23] =	ssyncset.done $0x0  }
0x3f5: {  	[sflag:s23] =	ssyncadd.s32 $0xFFFFF9C0  }
0x3f6: {  	_ =	swait.ge [sflag:s23], $0x640  }
0x3f7: {  	[sflag:s23] =	ssyncset.done $0x0  }
0x3f8: {  	[sflag:s23] =	ssyncadd.s32 $0xFFFFF9C0  }
0x3f9: {  	_ =	swait.ge [sflag:s23], $0x640  }
0x3fa: {  	[sflag:s23] =	ssyncset.done $0x0  }
0x3fb: {  	[sflag:s23] =	ssyncadd.s32 $0xFFFFF9C0  }
0x3fc: {  	_ =	swait.ge [sflag:s23], $0x640  }
0x3fd: {  	[sflag:s23] =	ssyncset.done $0x0  }
0x3fe: {  	[sflag:s23] =	ssyncadd.s32 $0xFFFFF9C0  }
0x3ff: {  	_ =	swait.ge [sflag:s23], $0x640  }
0x400: {  	[sflag:s23] =	ssyncset.done $0x0  }
0x401: {  	[sflag:s23] =	ssyncadd.s32 $0xFFFFF9C0  }
0x402: {  	_ =	swait.ge [sflag:s23], $0x640  }
0x403: {  	[sflag:s23] =	ssyncset.done $0x0  }
0x404: {  	[sflag:s23] =	ssyncadd.s32 $0xFFFFF9C0  }
0x405: {  	_ =	swait.ge [sflag:s23], $0x640  }
0x406: {  	[sflag:s23] =	ssyncset.done $0x0  }
0x407: {  	[sflag:s23] =	ssyncadd.s32 $0xFFFFF9C0  }
0x408: {  	_ =	swait.ge [sflag:s23], $0x640  }
0x409: {  	[sflag:s23] =	ssyncset.done $0x0  }
0x40a: {  	[sflag:s23] =	ssyncadd.s32 $0xFFFFF9C0  }
0x40b: {  	_ =	swait.ge [sflag:s23], $0x640  }
0x40c: {  	[sflag:s23] =	ssyncset.done $0x0  }
0x40d: {  	[sflag:s23] =	ssyncadd.s32 $0xFFFFF9C0  }
0x40e: {  	_ =	swait.ge [sflag:s23], $0x640  }
0x40f: {  	[sflag:s23] =	ssyncset.done $0x0  }
0x410: {  	[sflag:s23] =	ssyncadd.s32 $0xFFFFF9C0  }
0x411: {  	_ =	swait.ge [sflag:s23], $0x640  }
0x412: {  	[sflag:s23] =	ssyncset.done $0x0  }
0x413: {  	[sflag:s23] =	ssyncadd.s32 $0xFFFFF9C0  }
0x414: {  	_ =	swait.ge [sflag:s23], $0x640  }
0x415: {  	[sflag:s23] =	ssyncset.done $0x0  }
0x416: {  	[sflag:s23] =	ssyncadd.s32 $0xFFFFF9C0  }
0x417: {  	_ =	swait.ge [sflag:s23], $0x640  }
0x418: {  	[sflag:s23] =	ssyncset.done $0x0  }
0x419: {  	[sflag:s23] =	ssyncadd.s32 $0xFFFFF9C0  }
0x41a: {  	_ =	swait.ge [sflag:s23], $0x640  }
0x41b: {  	[sflag:s23] =	ssyncset.done $0x0  }
0x41c: {  	[sflag:s23] =	ssyncadd.s32 $0xFFFFF9C0  }
0x41d: {  	_ =	swait.ge [sflag:s23], $0x640  }
0x41e: {  	[sflag:s23] =	ssyncset.done $0x0  }
0x41f: {  	[sflag:s23] =	ssyncadd.s32 $0xFFFFF9C0  }
0x420: {  	_ =	swait.ge [sflag:s23], $0x640  }
0x421: {  	[sflag:s23] =	ssyncset.done $0x0  }
0x422: {  	[sflag:s23] =	ssyncadd.s32 $0xFFFFF9C0  }
0x423: {  	_ =	swait.ge [sflag:s23], $0x640  }
0x424: {  	[sflag:s23] =	ssyncset.done $0x0  }
0x425: {  	[sflag:s23] =	ssyncadd.s32 $0xFFFFF9C0  }
0x426: {  	_ =	swait.ge [sflag:s23], $0xC80  }
0x427: {  	[sflag:s23] =	ssyncset.done $0x0  }
0x428: {  	[sflag:s23] =	ssyncadd.s32 $0xFFFFF380  }
0x429: {  	_ =	swait.ge [sflag:s23], $0xC80  }
0x42a: {  	[sflag:s23] =	ssyncset.done $0x0  }
0x42b: {  	[sflag:s23] =	ssyncadd.s32 $0xFFFFF380  }
0x42c: {  	_ =	swait.ge [sflag:s23], $0xC80  }
.Ltmp8:
0x42d: {  	[sflag:s23] =	ssyncset.done $0x0;
	(pc) =	sbr.rel .LBB2_12-.Ltmp8, $4  }
0x42e: {  	[sflag:s23] =	ssyncadd.s32 $0xFFFFF380  }
0x42f: {  	_ =	swait.ge [sflag:s23], $0xC80  }
0x430: {  	[sflag:s23] =	ssyncset.done $0x0  }
0x431: {  	[sflag:s23] =	ssyncadd.s32 $0xFFFFF380  }
.LBB2_13:
0x432: {  	_ =	sfence.sel $0x180000  }
0x433: {  	[bflag:$0x0] =	sbarrier.arrive $0xFFFF  }
0x434: {  	_ =	strace $0x90000047  }
0x435: {  	s0 =	stileid.u32;
	[bflag:$0x2] =	sbarrier.arrive $0xFFFF  }
0x436: {  	p0 =	sne.s32 s0, $0x0;
	s0 =	rddreg [dreg:$0x3]  }
0x437: {  	s0 =	sadd.s32 @!p0 $0x100000, s0  }
0x438: {  	[sflag:s0] =	ssyncadd.tile.s32 @!p0 $0x1;
	_ =	shalt  }
.Lfunc_end2:
_tile_overlayer_lowered:
.L_overlay_start_2:
0x439: {  	(tag) =	ssettag $0x2  }
0x43a: {  	s0 =	rddreg [dreg:$0x0];
	s2 =	stileid.u32  }
0x43b: {  	s1 =	rddreg [dreg:$0x1];
	p0 =	sne.s32 s2, $0x0  }
0x43c: {  	s3 =	rddreg [dreg:$0x2];
	[bflag:$0x3] =	sbarrier.arrive $0xFFFF;
	s2 =	simm.s32 @!p0 $0x1C04  }
0x43d: {  	[timem:s3], [sflag:s2] =	dma.local @!p0 [hbm:s0], s1  }
0x43e: {  	s0 =	simm.s32 @!p0 $0x4  }
0x43f: {  	_ =	swait.ge @!p0 [sflag:s0], s1  }
0x440: {  	s1 =	ssub.s32 @!p0 $0x0, s1;
	[sflag:s0] =	ssyncset.done @!p0 $0x0  }
0x441: {  	[sflag:s0] =	ssyncadd.s32 @!p0 s1  }
0x442: {  	[bflag:$0x3] =	sbarrier.arrive $0xFFFF  }
0x443: {  	_ =	shalt  }

</sc_bundles>
